<compile_context>
chip_gen: v7x
topology: tpu7x:2x2x1
jax: 0.10.2.dev20260603
libtpu: 0.0.44.dev20260713+nightly
codegen_flags: <defaults>
</compile_context>

<pallas_src>
import functools

import jax
import jax.numpy as jnp
from jax import lax
from jax.experimental import pallas as pl
from jax.experimental.pallas import tpu as pltpu
from jax.experimental.pallas import tpu_sc as plsc

VOCAB = 100000
BATCH = 1024
SEQ = 200
NTOK = BATCH * SEQ
N_WORKERS = 32
STRIPE = 3128
CHUNK_ROWS = 32
CHUNK_WORDS = CHUNK_ROWS * BATCH
TAIL_ROWS = 24
NBINS = 98
CAP = 16
NHALF = 2
LANES = 16
SLAB = 4096
N_SLABS = NTOK // SLAB
GROUPS_PER_SLAB = SLAB // LANES


def _sc_body(tok_hbm, out_hbm, slab_v, buf_v, list_v, cnt_v, dma_sem, slab_sem):
    w = lax.axis_index("s") * 2 + lax.axis_index("c")
    base = w * STRIPE
    size = jnp.minimum(STRIPE, VOCAB - base)
    base_code = base * BATCH
    lo = jnp.maximum(base_code, BATCH)
    hi = base_code + size * BATCH

    lane = lax.iota(jnp.int32, LANES)
    lane_eq = [lane == j for j in range(LANES)]
    zero_i = jnp.zeros((LANES,), jnp.int32)
    zero_f = jnp.zeros((LANES,), jnp.float32)
    one_i = jnp.ones((LANES,), jnp.int32)

    def zbuf(i, c):
        buf_v[i >> 11, (i >> 6) & 31, pl.ds((i & 63) * LANES, LANES)] = zero_f
        return c

    lax.fori_loop(0, 2 * CHUNK_WORDS // LANES, zbuf, 0)

    def zcnt(i, c):
        cnt_v[pl.ds(i * LANES, LANES)] = zero_i
        return c

    lax.fori_loop(0, NHALF * NBINS, zcnt, 0)

    def bin_one(sp, g, h):
        tok = slab_v[sp, pl.ds(g * LANES, LANES)]
        b = (g * LANES + lane) & (BATCH - 1)
        enc = (tok << 10) | b
        m = (enc >= lo) & (enc < hi)
        el = enc - base_code
        bin_ = el >> 15
        cidx = (h * NBINS + bin_) * LANES + lane
        pos = plsc.load_gather(cnt_v, [cidx], mask=m)
        inb = pos < CAP
        sm = m & inb
        plsc.store_scatter(
            list_v,
            [(h * NBINS + bin_) * (CAP * LANES) + pos * LANES + lane],
            el,
            mask=sm,
        )
        plsc.addupdate_scatter(cnt_v, [cidx], one_i, mask=sm)
        return m & ~inb

    def start_slab(s, sp):
        pltpu.async_copy(tok_hbm.at[pl.ds(s * SLAB, SLAB)], slab_v.at[sp], slab_sem)

    def wait_slab(s, sp):
        pltpu.make_async_copy(
            tok_hbm.at[pl.ds(s * SLAB, SLAB)], slab_v.at[sp], slab_sem
        ).wait()

    def scan_slab(s, ovf):
        sp = s & 1
        wait_slab(s, sp)

        @pl.when(s + 1 < N_SLABS)
        def _():
            start_slab(s + 1, 1 - sp)

        def scan_group(g, o):
            return o | bin_one(sp, 2 * g, 0) | bin_one(sp, 2 * g + 1, 1)

        return lax.fori_loop(0, GROUPS_PER_SLAB // 2, scan_group, ovf)

    start_slab(0, 0)
    ovf = lax.fori_loop(0, N_SLABS, scan_slab, lane < 0)
    any_ovf = jnp.max(ovf.astype(jnp.int32))

    n_full = size >> 5

    def scatter_chunk(c, p, value):
        val = jnp.full((LANES,), value, jnp.float32)
        pv = jnp.full((LANES,), 0, jnp.int32) + p
        chunk_code = c * CHUNK_WORDS

        for h in range(NHALF):
            cntc = cnt_v[pl.ds((h * NBINS + c) * LANES, LANES)]
            mx = jnp.max(cntc)

            def row_body(q, carry):
                row = list_v[
                    pl.ds((h * NBINS + c) * (CAP * LANES) + q * LANES, LANES)
                ]
                valid = q < cntc
                loc = row - chunk_code
                iv = loc >> 10
                ib = loc & (BATCH - 1)
                for j in range(LANES):
                    plsc.addupdate_scatter(
                        buf_v, [pv, iv, ib], val, mask=valid & lane_eq[j]
                    )
                return carry

            lax.fori_loop(0, mx, row_body, 0)

    def start_dma(c, p):
        pltpu.async_copy(
            buf_v.at[p],
            out_hbm.at[pl.ds(base + c * CHUNK_ROWS, CHUNK_ROWS)],
            dma_sem,
        )

    def wait_dma(c, p):
        pltpu.make_async_copy(
            buf_v.at[p],
            out_hbm.at[pl.ds(base + c * CHUNK_ROWS, CHUNK_ROWS)],
            dma_sem,
        ).wait()

    def tail_chunk(p):
        c = n_full
        scatter_chunk(c, p, 1.0)
        pltpu.sync_copy(
            buf_v.at[p, pl.ds(0, TAIL_ROWS)],
            out_hbm.at[pl.ds(base + c * CHUNK_ROWS, TAIL_ROWS)],
        )
        scatter_chunk(c, p, -1.0)

    @pl.when(any_ovf == 0)
    def _fast():
        def body(c, carry):
            p = c & 1

            @pl.when(c >= 2)
            def _():
                wait_dma(c - 2, p)
                scatter_chunk(c - 2, p, -1.0)

            scatter_chunk(c, p, 1.0)
            start_dma(c, p)
            return carry

        lax.fori_loop(0, n_full, body, 0)
        wait_dma(n_full - 2, n_full & 1)
        scatter_chunk(n_full - 2, n_full & 1, -1.0)
        wait_dma(n_full - 1, 1 - (n_full & 1))
        scatter_chunk(n_full - 1, 1 - (n_full & 1), -1.0)
        tail_chunk(0)

    def slow_chunk(c, rows):
        chunk_lo = jnp.maximum(base_code + c * CHUNK_WORDS, BATCH)
        chunk_hi = base_code + c * CHUNK_WORDS + rows * BATCH
        onef = jnp.full((LANES,), 1.0, jnp.float32)

        def sg(g, carry):
            tok = slab_v[0, pl.ds(g * LANES, LANES)]
            b = (g * LANES + lane) & (BATCH - 1)
            enc = (tok << 10) | b
            m = (enc >= chunk_lo) & (enc < chunk_hi)
            loc = enc - (base_code + c * CHUNK_WORDS)
            iv = jnp.where(m, loc >> 10, 0)
            ib = loc & (BATCH - 1)
            for j in range(LANES):
                plsc.addupdate_scatter(
                    buf_v, [zero_i, iv, ib], onef, mask=m & lane_eq[j]
                )
            return carry

        def ss(s, carry):
            pltpu.sync_copy(tok_hbm.at[pl.ds(s * SLAB, SLAB)], slab_v.at[0])
            return lax.fori_loop(0, GROUPS_PER_SLAB, sg, carry)

        lax.fori_loop(0, N_SLABS, ss, 0)
        pltpu.sync_copy(
            buf_v.at[0, pl.ds(0, rows)],
            out_hbm.at[pl.ds(base + c * CHUNK_ROWS, rows)],
        )

        def zb(i, carry):
            buf_v[0, i >> 6, pl.ds((i & 63) * LANES, LANES)] = zero_f
            return carry

        lax.fori_loop(0, rows * BATCH // LANES, zb, 0)

    @pl.when(any_ovf != 0)
    def _slow():
        def body(c, carry):
            slow_chunk(c, CHUNK_ROWS)
            return carry

        lax.fori_loop(0, n_full, body, 0)
        slow_chunk(n_full, TAIL_ROWS)


@jax.jit
def _encode(tokens):
    tok_flat = tokens.T.reshape(-1)
    mesh = plsc.VectorSubcoreMesh(core_axis_name="c", subcore_axis_name="s")
    out_t = pl.kernel(
        _sc_body,
        out_type=jax.ShapeDtypeStruct((VOCAB, BATCH), jnp.float32),
        mesh=mesh,
        compiler_params=pltpu.CompilerParams(needs_layout_passes=False),
        scratch_types=[
            pltpu.VMEM((2, SLAB), jnp.int32),
            pltpu.VMEM((2, CHUNK_ROWS, BATCH), jnp.float32),
            pltpu.VMEM((NHALF * NBINS * CAP * LANES,), jnp.int32),
            pltpu.VMEM((NHALF * NBINS * LANES,), jnp.int32),
            pltpu.SemaphoreType.DMA,
            pltpu.SemaphoreType.DMA,
        ],
    )(tok_flat)
    return out_t.T


def kernel(tokens, lengths):
    del lengths
    return _encode(tokens)

# --- scband reference (transcript-rebuilt; emitter-appended) ---
"""Pipeline reference for scband-one-hot-encoder-43052752175267 (READ-ONLY COPY).

The authoritative reference and input builder live on the scoring server;
editing this copy changes nothing except your own understanding.
"""

import jax, jax.numpy as jnp
import numpy as np

VOCAB_SIZE = 100000
PAD_IDX = 0
BATCH = 1024
SEQ = 200


def setup_inputs(seed: int = 0) -> dict:
    key = jax.random.key(seed)
    k1, k2 = jax.random.split(key)
    tokens = jax.random.randint(k1, (BATCH, SEQ), 0, VOCAB_SIZE, dtype=jnp.int32)
    lengths = jax.random.randint(k2, (BATCH,), 0, SEQ, dtype=jnp.int32)
    return {"tokens": tokens, "lengths": lengths}


def reference(tokens, lengths):
    # Faithful translation of OneHotEncoder.forward:
    #   onehot[b, l, :] = one_hot(tokens[b, l], vocab); pad_idx column zeroed;
    #   then summed over the length dim -> per-batch token counts [B, vocab].
    # The torch code materializes [B, L, V]; mathematically the result is a
    # scatter-add of 1.0 per (b, l) at column tokens[b, l], with the pad_idx
    # column forced to zero. Note: torch forward computes `outhot` (clamped)
    # but RETURNS `onehot` (raw counts), so we return the raw counts.
    B, L = tokens.shape
    counts = jnp.zeros((B, VOCAB_SIZE), dtype=jnp.float32)
    batch_idx = jnp.arange(B, dtype=tokens.dtype)[:, None]  # [B, 1] broadcast over L
    counts = counts.at[batch_idx, tokens].add(1.0)
    counts = counts.at[:, PAD_IDX].set(0.0)
    return counts

if __name__ == "__main__":
    import jax
    _d = setup_inputs()
    print(jax.jit(kernel)(*tuple(_d.values())))

</pallas_src>

<mosaic_0001>
#map = affine_map<(d0, d1) -> (0)>
#map1 = affine_map<(d0, d1) -> (0, 0)>
module attributes {stable_mosaic.version = 14 : i64} {
  func.func @_sc_body(%arg0: i32, %arg1: i32, %arg2: memref<204800xi32, #tpu.memory_space<hbm>>, %arg3: memref<100000x1024xf32, #tpu.memory_space<hbm>>, %arg4: memref<2x4096xi32, #tpu.memory_space<vmem>>, %arg5: memref<2x32x1024xf32, #tpu.memory_space<vmem>>, %arg6: memref<50176xi32, #tpu.memory_space<vmem>>, %arg7: memref<3136xi32, #tpu.memory_space<vmem>>, %arg8: memref<!tpu.dma_semaphore, #tpu.memory_space<semaphore_mem>>, %arg9: memref<!tpu.dma_semaphore, #tpu.memory_space<semaphore_mem>>) attributes {dimension_semantics = [#tpu.dimension_semantics<core_parallel>, #tpu.dimension_semantics<subcore_parallel>], iteration_bounds = array<i64: 2, 16>, scalar_prefetch = 0 : i64, scratch_operands = 6 : i64, tpu.core_type = #tpu.core_type<sc_vector_subcore>, window_params = [{transform_indices = #map}, {transform_indices = #map1}]} {
    %mul3A = arith.constant 2 : i32
    %mul3A_0 = arith.muli %arg1, %mul3A : i32
    %add3A = arith.addi %mul3A_0, %arg0 : i32
    %mul3A_1 = arith.constant 3128 : i32
    %mul3A_2 = arith.muli %add3A, %mul3A_1 : i32
    %sub3A = arith.constant 100000 : i32
    %sub3A_3 = arith.subi %sub3A, %mul3A_2 : i32
    %min3A = arith.constant 3128 : i32
    %min3A_4 = arith.minsi %min3A, %sub3A_3 : i32
    %mul3A_5 = arith.constant 1024 : i32
    %mul3A_6 = arith.muli %mul3A_2, %mul3A_5 : i32
    %max3A = arith.constant 1024 : i32
    %max3A_7 = arith.maxsi %mul3A_6, %max3A : i32
    %mul3A_8 = arith.constant 1024 : i32
    %mul3A_9 = arith.muli %min3A_4, %mul3A_8 : i32
    %add3A_10 = arith.addi %mul3A_6, %mul3A_9 : i32
    %iota3A = tpu.iota {dimensions = array<i32: 0>} : vector<16xi32>
    %eq3A = arith.constant 0 : i32
    %eq3A_11 = vector.broadcast %eq3A : i32 to vector<16xi32>
    %eq3A_12 = arith.cmpi eq, %iota3A, %eq3A_11 : vector<16xi32>
    %eq3A_13 = arith.constant 1 : i32
    %eq3A_14 = vector.broadcast %eq3A_13 : i32 to vector<16xi32>
    %eq3A_15 = arith.cmpi eq, %iota3A, %eq3A_14 : vector<16xi32>
    %eq3A_16 = arith.constant 2 : i32
    %eq3A_17 = vector.broadcast %eq3A_16 : i32 to vector<16xi32>
    %eq3A_18 = arith.cmpi eq, %iota3A, %eq3A_17 : vector<16xi32>
    %eq3A_19 = arith.constant 3 : i32
    %eq3A_20 = vector.broadcast %eq3A_19 : i32 to vector<16xi32>
    %eq3A_21 = arith.cmpi eq, %iota3A, %eq3A_20 : vector<16xi32>
    %eq3A_22 = arith.constant 4 : i32
    %eq3A_23 = vector.broadcast %eq3A_22 : i32 to vector<16xi32>
    %eq3A_24 = arith.cmpi eq, %iota3A, %eq3A_23 : vector<16xi32>
    %eq3A_25 = arith.constant 5 : i32
    %eq3A_26 = vector.broadcast %eq3A_25 : i32 to vector<16xi32>
    %eq3A_27 = arith.cmpi eq, %iota3A, %eq3A_26 : vector<16xi32>
    %eq3A_28 = arith.constant 6 : i32
    %eq3A_29 = vector.broadcast %eq3A_28 : i32 to vector<16xi32>
    %eq3A_30 = arith.cmpi eq, %iota3A, %eq3A_29 : vector<16xi32>
    %eq3A_31 = arith.constant 7 : i32
    %eq3A_32 = vector.broadcast %eq3A_31 : i32 to vector<16xi32>
    %eq3A_33 = arith.cmpi eq, %iota3A, %eq3A_32 : vector<16xi32>
    %eq3A_34 = arith.constant 8 : i32
    %eq3A_35 = vector.broadcast %eq3A_34 : i32 to vector<16xi32>
    %eq3A_36 = arith.cmpi eq, %iota3A, %eq3A_35 : vector<16xi32>
    %eq3A_37 = arith.constant 9 : i32
    %eq3A_38 = vector.broadcast %eq3A_37 : i32 to vector<16xi32>
    %eq3A_39 = arith.cmpi eq, %iota3A, %eq3A_38 : vector<16xi32>
    %eq3A_40 = arith.constant 10 : i32
    %eq3A_41 = vector.broadcast %eq3A_40 : i32 to vector<16xi32>
    %eq3A_42 = arith.cmpi eq, %iota3A, %eq3A_41 : vector<16xi32>
    %eq3A_43 = arith.constant 11 : i32
    %eq3A_44 = vector.broadcast %eq3A_43 : i32 to vector<16xi32>
    %eq3A_45 = arith.cmpi eq, %iota3A, %eq3A_44 : vector<16xi32>
    %eq3A_46 = arith.constant 12 : i32
    %eq3A_47 = vector.broadcast %eq3A_46 : i32 to vector<16xi32>
    %eq3A_48 = arith.cmpi eq, %iota3A, %eq3A_47 : vector<16xi32>
    %eq3A_49 = arith.constant 13 : i32
    %eq3A_50 = vector.broadcast %eq3A_49 : i32 to vector<16xi32>
    %eq3A_51 = arith.cmpi eq, %iota3A, %eq3A_50 : vector<16xi32>
    %eq3A_52 = arith.constant 14 : i32
    %eq3A_53 = vector.broadcast %eq3A_52 : i32 to vector<16xi32>
    %eq3A_54 = arith.cmpi eq, %iota3A, %eq3A_53 : vector<16xi32>
    %eq3A_55 = arith.constant 15 : i32
    %eq3A_56 = vector.broadcast %eq3A_55 : i32 to vector<16xi32>
    %eq3A_57 = arith.cmpi eq, %iota3A, %eq3A_56 : vector<16xi32>
    %broadcast_in_dim3A = arith.constant 0 : i32
    %broadcast_in_dim3A_58 = vector.broadcast %broadcast_in_dim3A : i32 to vector<16xi32>
    %broadcast_in_dim3A_59 = arith.constant 0.000000e+00 : f32
    %broadcast_in_dim3A_60 = vector.broadcast %broadcast_in_dim3A_59 : f32 to vector<16xf32>
    %broadcast_in_dim3A_61 = arith.constant 1 : i32
    %broadcast_in_dim3A_62 = vector.broadcast %broadcast_in_dim3A_61 : i32 to vector<16xi32>
    %scan3A = arith.constant 0 : i32
    %scan3A_63 = arith.constant 0 : i32
    %scan3A_64 = arith.constant 4096 : i32
    %scan3A_65 = arith.addi %scan3A_63, %scan3A_64 : i32
    %scan3A_66 = arith.constant 1 : i32
    scf.for %scan3A_108 = %scan3A_63 to %scan3A_65 step %scan3A_66  : i32 {
      %shift_right_arithmetic3A_109 = arith.constant 11 : i32
      %shift_right_arithmetic3A_110 = arith.shrsi %scan3A_108, %shift_right_arithmetic3A_109 : i32
      %shift_right_arithmetic3A_111 = arith.constant 6 : i32
      %shift_right_arithmetic3A_112 = arith.shrsi %scan3A_108, %shift_right_arithmetic3A_111 : i32
      %and3A = arith.constant 31 : i32
      %and3A_113 = arith.andi %shift_right_arithmetic3A_112, %and3A : i32
      %and3A_114 = arith.constant 63 : i32
      %and3A_115 = arith.andi %scan3A_108, %and3A_114 : i32
      %mul3A_116 = arith.constant 16 : i32
      %mul3A_117 = arith.muli %and3A_115, %mul3A_116 : i32
      %swap3A = arith.index_cast %shift_right_arithmetic3A_110 : i32 to index
      %swap3A_118 = arith.index_cast %and3A_113 : i32 to index
      %swap3A_119 = arith.index_cast %mul3A_117 : i32 to index
      %swap3A_120 = tpu.vector_load %arg5[%swap3A, %swap3A_118, %swap3A_119] {strides = array<i32>} : memref<2x32x1024xf32, #tpu.memory_space<vmem>>, vector<16xf32>,
      tpu.vector_store %arg5[%swap3A, %swap3A_118, %swap3A_119], %broadcast_in_dim3A_60 {strides = array<i32>} : memref<2x32x1024xf32, #tpu.memory_space<vmem>>, vector<16xf32>,
    }
    %scan3A_67 = arith.constant 4096 : i32
    %scan3A_68 = arith.constant 0 : i32
    %scan3A_69 = arith.constant 0 : i32
    %scan3A_70 = arith.constant 196 : i32
    %scan3A_71 = arith.addi %scan3A_69, %scan3A_70 : i32
    %scan3A_72 = arith.constant 1 : i32
    scf.for %scan3A_108 = %scan3A_69 to %scan3A_71 step %scan3A_72  : i32 {
      %mul3A_109 = arith.constant 16 : i32
      %mul3A_110 = arith.muli %scan3A_108, %mul3A_109 : i32
      %swap3A = arith.index_cast %mul3A_110 : i32 to index
      %swap3A_111 = tpu.vector_load %arg7[%swap3A] {strides = array<i32>} : memref<3136xi32, #tpu.memory_space<vmem>>, vector<16xi32>,
      tpu.vector_store %arg7[%swap3A], %broadcast_in_dim3A_58 {strides = array<i32>} : memref<3136xi32, #tpu.memory_space<vmem>>, vector<16xi32>,
    }
    %scan3A_73 = arith.constant 196 : i32
    %dma_start3A = arith.constant 0 : i32
    %dma_start3A_74 = arith.constant 0 : i32
    %dma_start3A_75 = tpu.memref_slice %arg4[%dma_start3A, %dma_start3A_74] : memref<2x4096xi32, #tpu.memory_space<vmem>> -> memref<1x4096xi32, #tpu.memory_space<vmem>>
    %dma_start3A_76 = tpu.memref_squeeze %dma_start3A_75 : memref<1x4096xi32, #tpu.memory_space<vmem>> -> memref<4096xi32, #tpu.memory_space<vmem>>
    %dma_start3A_77 = arith.constant 0 : i32
    %dma_start3A_78 = tpu.memref_slice %arg2[%dma_start3A_77] : memref<204800xi32, #tpu.memory_space<hbm>> -> memref<4096xi32, #tpu.memory_space<hbm>>
    %dma_start3A_79 = arith.constant 0 : i32
    %dma_start3A_80 = tpu.memref_slice %arg4[%dma_start3A, %dma_start3A_79] : memref<2x4096xi32, #tpu.memory_space<vmem>> -> memref<1x4096xi32, #tpu.memory_space<vmem>>
    %dma_start3A_81 = tpu.memref_squeeze %dma_start3A_80 : memref<1x4096xi32, #tpu.memory_space<vmem>> -> memref<4096xi32, #tpu.memory_space<vmem>>
    %dma_start3A_82 = arith.constant 0 : i32
    %dma_start3A_83 = tpu.memref_slice %arg2[%dma_start3A_82] : memref<204800xi32, #tpu.memory_space<hbm>> -> memref<4096xi32, #tpu.memory_space<hbm>>
    tpu.enqueue_dma source(%dma_start3A_83 : memref<4096xi32, #tpu.memory_space<hbm>>) target(%dma_start3A_81 : memref<4096xi32, #tpu.memory_space<vmem>>) target_semaphore(%arg9 : memref<!tpu.dma_semaphore, #tpu.memory_space<semaphore_mem>>)
    %lt3A = arith.constant 0 : i32
    %lt3A_84 = vector.broadcast %lt3A : i32 to vector<16xi32>
    %lt3A_85 = arith.cmpi slt, %iota3A, %lt3A_84 : vector<16xi32>
    %scan3A_86 = arith.constant 0 : i32
    %scan3A_87 = arith.constant 50 : i32
    %scan3A_88 = arith.addi %scan3A_86, %scan3A_87 : i32
    %scan3A_89 = arith.constant 1 : i32
    %scan3A_90 = scf.for %scan3A_108 = %scan3A_86 to %scan3A_88 step %scan3A_89 iter_args(%scan3A_109 = %lt3A_85) -> (vector<16xi1>)  : i32 {
      %and3A = arith.constant 1 : i32
      %and3A_110 = arith.andi %scan3A_108, %and3A : i32
      %mul3A_111 = arith.constant 4096 : i32
      %mul3A_112 = arith.muli %scan3A_108, %mul3A_111 : i32
      %dma_wait3A = arith.constant 0 : i32
      %dma_wait3A_113 = tpu.memref_slice %arg4[%and3A_110, %dma_wait3A] : memref<2x4096xi32, #tpu.memory_space<vmem>> -> memref<1x4096xi32, #tpu.memory_space<vmem>>
      %dma_wait3A_114 = tpu.memref_squeeze %dma_wait3A_113 : memref<1x4096xi32, #tpu.memory_space<vmem>> -> memref<4096xi32, #tpu.memory_space<vmem>>
      %dma_wait3A_115 = tpu.memref_slice %arg2[%mul3A_112] : memref<204800xi32, #tpu.memory_space<hbm>> -> memref<4096xi32, #tpu.memory_space<hbm>>
      %dma_wait3A_116 = arith.constant 0 : i32
      %dma_wait3A_117 = tpu.memref_slice %arg4[%and3A_110, %dma_wait3A_116] : memref<2x4096xi32, #tpu.memory_space<vmem>> -> memref<1x4096xi32, #tpu.memory_space<vmem>>
      %dma_wait3A_118 = tpu.memref_squeeze %dma_wait3A_117 : memref<1x4096xi32, #tpu.memory_space<vmem>> -> memref<4096xi32, #tpu.memory_space<vmem>>
      %dma_wait3A_119 = tpu.memref_slice %arg2[%mul3A_112] : memref<204800xi32, #tpu.memory_space<hbm>> -> memref<4096xi32, #tpu.memory_space<hbm>>
      tpu.wait_dma2 semaphore(%arg9 : memref<!tpu.dma_semaphore, #tpu.memory_space<semaphore_mem>>) src(%dma_wait3A_119 : memref<4096xi32, #tpu.memory_space<hbm>>) dst(%dma_wait3A_118 : memref<4096xi32, #tpu.memory_space<vmem>>)
      %add3A_120 = arith.constant 1 : i32
      %add3A_121 = arith.addi %scan3A_108, %add3A_120 : i32
      %lt3A_122 = arith.constant 50 : i32
      %lt3A_123 = arith.cmpi slt, %add3A_121, %lt3A_122 : i32
      %convert_element_type3A_124 = arith.extui %lt3A_123 : i1 to i32
      %cond3A_125 = arith.constant 0 : i32
      %cond3A_126 = arith.cmpi ne, %convert_element_type3A_124, %cond3A_125 : i32
      scf.if %cond3A_126 {
        %add3A_133 = arith.constant 1 : i32
        %add3A_134 = arith.addi %scan3A_108, %add3A_133 : i32
        %sub3A_135 = arith.constant 1 : i32
        %sub3A_136 = arith.subi %sub3A_135, %and3A_110 : i32
        %mul3A_137 = arith.constant 4096 : i32
        %mul3A_138 = arith.muli %add3A_134, %mul3A_137 : i32
        %dma_start3A_139 = arith.constant 0 : i32
        %dma_start3A_140 = tpu.memref_slice %arg4[%sub3A_136, %dma_start3A_139] : memref<2x4096xi32, #tpu.memory_space<vmem>> -> memref<1x4096xi32, #tpu.memory_space<vmem>>
        %dma_start3A_141 = tpu.memref_squeeze %dma_start3A_140 : memref<1x4096xi32, #tpu.memory_space<vmem>> -> memref<4096xi32, #tpu.memory_space<vmem>>
        %dma_start3A_142 = tpu.memref_slice %arg2[%mul3A_138] : memref<204800xi32, #tpu.memory_space<hbm>> -> memref<4096xi32, #tpu.memory_space<hbm>>
        %dma_start3A_143 = arith.constant 0 : i32
        %dma_start3A_144 = tpu.memref_slice %arg4[%sub3A_136, %dma_start3A_143] : memref<2x4096xi32, #tpu.memory_space<vmem>> -> memref<1x4096xi32, #tpu.memory_space<vmem>>
        %dma_start3A_145 = tpu.memref_squeeze %dma_start3A_144 : memref<1x4096xi32, #tpu.memory_space<vmem>> -> memref<4096xi32, #tpu.memory_space<vmem>>
        %dma_start3A_146 = tpu.memref_slice %arg2[%mul3A_138] : memref<204800xi32, #tpu.memory_space<hbm>> -> memref<4096xi32, #tpu.memory_space<hbm>>
        tpu.enqueue_dma source(%dma_start3A_146 : memref<4096xi32, #tpu.memory_space<hbm>>) target(%dma_start3A_145 : memref<4096xi32, #tpu.memory_space<vmem>>) target_semaphore(%arg9 : memref<!tpu.dma_semaphore, #tpu.memory_space<semaphore_mem>>)
      } else {
      }
      %scan3A_127 = arith.constant 0 : i32
      %scan3A_128 = arith.constant 128 : i32
      %scan3A_129 = arith.addi %scan3A_127, %scan3A_128 : i32
      %scan3A_130 = arith.constant 1 : i32
      %scan3A_131 = scf.for %scan3A_133 = %scan3A_127 to %scan3A_129 step %scan3A_130 iter_args(%scan3A_134 = %scan3A_109) -> (vector<16xi1>)  : i32 {
        %mul3A_135 = arith.constant 2 : i32
        %mul3A_136 = arith.muli %mul3A_135, %scan3A_133 : i32
        %mul3A_137 = arith.constant 16 : i32
        %mul3A_138 = arith.muli %mul3A_136, %mul3A_137 : i32
        %get3A = arith.index_cast %and3A_110 : i32 to index
        %get3A_139 = arith.index_cast %mul3A_138 : i32 to index
        %get3A_140 = tpu.vector_load %arg4[%get3A, %get3A_139] {strides = array<i32>} : memref<2x4096xi32, #tpu.memory_space<vmem>>, vector<16xi32>,
        %mul3A_141 = arith.constant 16 : i32
        %mul3A_142 = arith.muli %mul3A_136, %mul3A_141 : i32
        %add3A_143 = vector.broadcast %mul3A_142 : i32 to vector<16xi32>
        %add3A_144 = arith.addi %add3A_143, %iota3A : vector<16xi32>
        %and3A_145 = arith.constant 1023 : i32
        %and3A_146 = vector.broadcast %and3A_145 : i32 to vector<16xi32>
        %and3A_147 = arith.andi %add3A_144, %and3A_146 : vector<16xi32>
        %shift_left3A = arith.constant 10 : i32
        %shift_left3A_148 = vector.broadcast %shift_left3A : i32 to vector<16xi32>
        %shift_left3A_149 = arith.shli %get3A_140, %shift_left3A_148 : vector<16xi32>
        %or3A = arith.ori %shift_left3A_149, %and3A_147 : vector<16xi32>
        %ge3A = vector.broadcast %max3A_7 : i32 to vector<16xi32>
        %ge3A_150 = arith.cmpi sge, %or3A, %ge3A : vector<16xi32>
        %lt3A_151 = vector.broadcast %add3A_10 : i32 to vector<16xi32>
        %lt3A_152 = arith.cmpi slt, %or3A, %lt3A_151 : vector<16xi32>
        %and3A_153 = arith.andi %ge3A_150, %lt3A_152 : vector<16xi1>
        %sub3A_154 = vector.broadcast %mul3A_6 : i32 to vector<16xi32>
        %sub3A_155 = arith.subi %or3A, %sub3A_154 : vector<16xi32>
        %shift_right_arithmetic3A_156 = arith.constant 15 : i32
        %shift_right_arithmetic3A_157 = vector.broadcast %shift_right_arithmetic3A_156 : i32 to vector<16xi32>
        %shift_right_arithmetic3A_158 = arith.shrsi %sub3A_155, %shift_right_arithmetic3A_157 : vector<16xi32>
        %add3A_159 = arith.constant 0 : i32
        %add3A_160 = vector.broadcast %add3A_159 : i32 to vector<16xi32>
        %add3A_161 = arith.addi %add3A_160, %shift_right_arithmetic3A_158 : vector<16xi32>
        %mul3A_162 = arith.constant 16 : i32
        %mul3A_163 = vector.broadcast %mul3A_162 : i32 to vector<16xi32>
        %mul3A_164 = arith.muli %add3A_161, %mul3A_163 : vector<16xi32>
        %add3A_165 = arith.addi %mul3A_164, %iota3A : vector<16xi32>
        %gather3A = tpu.vector_load_idx %arg7[%add3A_165] masked %and3A_153 : memref<3136xi32, #tpu.memory_space<vmem>>[vector<16xi32>], vector<16xi32>, vector<16xi1>
        %lt3A_166 = arith.constant 16 : i32
        %lt3A_167 = vector.broadcast %lt3A_166 : i32 to vector<16xi32>
        %lt3A_168 = arith.cmpi slt, %gather3A, %lt3A_167 : vector<16xi32>
        %and3A_169 = arith.andi %and3A_153, %lt3A_168 : vector<16xi1>
        %add3A_170 = arith.constant 0 : i32
        %add3A_171 = vector.broadcast %add3A_170 : i32 to vector<16xi32>
        %add3A_172 = arith.addi %add3A_171, %shift_right_arithmetic3A_158 : vector<16xi32>
        %mul3A_173 = arith.constant 256 : i32
        %mul3A_174 = vector.broadcast %mul3A_173 : i32 to vector<16xi32>
        %mul3A_175 = arith.muli %add3A_172, %mul3A_174 : vector<16xi32>
        %mul3A_176 = arith.constant 16 : i32
        %mul3A_177 = vector.broadcast %mul3A_176 : i32 to vector<16xi32>
        %mul3A_178 = arith.muli %gather3A, %mul3A_177 : vector<16xi32>
        %add3A_179 = arith.addi %mul3A_175, %mul3A_178 : vector<16xi32>
        %add3A_180 = arith.addi %add3A_179, %iota3A : vector<16xi32>
        tpu.vector_store_idx %arg6[%add3A_180], %sub3A_155 masked %and3A_169 : memref<50176xi32, #tpu.memory_space<vmem>>[vector<16xi32>], vector<16xi32>, vector<16xi1>
        tpu.vector_store_idx %arg7[%add3A_165], %broadcast_in_dim3A_62 masked %and3A_169 {add = true} : memref<3136xi32, #tpu.memory_space<vmem>>[vector<16xi32>], vector<16xi32>, vector<16xi1>
        %not3A = arith.constant dense<true> : vector<16xi1>
        %not3A_181 = arith.xori %lt3A_168, %not3A : vector<16xi1>
        %and3A_182 = arith.andi %and3A_153, %not3A_181 : vector<16xi1>
        %or3A_183 = arith.ori %scan3A_134, %and3A_182 : vector<16xi1>
        %mul3A_184 = arith.constant 2 : i32
        %mul3A_185 = arith.muli %mul3A_184, %scan3A_133 : i32
        %add3A_186 = arith.constant 1 : i32
        %add3A_187 = arith.addi %mul3A_185, %add3A_186 : i32
        %mul3A_188 = arith.constant 16 : i32
        %mul3A_189 = arith.muli %add3A_187, %mul3A_188 : i32
        %get3A_190 = arith.index_cast %and3A_110 : i32 to index
        %get3A_191 = arith.index_cast %mul3A_189 : i32 to index
        %get3A_192 = tpu.vector_load %arg4[%get3A_190, %get3A_191] {strides = array<i32>} : memref<2x4096xi32, #tpu.memory_space<vmem>>, vector<16xi32>,
        %mul3A_193 = arith.constant 16 : i32
        %mul3A_194 = arith.muli %add3A_187, %mul3A_193 : i32
        %add3A_195 = vector.broadcast %mul3A_194 : i32 to vector<16xi32>
        %add3A_196 = arith.addi %add3A_195, %iota3A : vector<16xi32>
        %and3A_197 = arith.constant 1023 : i32
        %and3A_198 = vector.broadcast %and3A_197 : i32 to vector<16xi32>
        %and3A_199 = arith.andi %add3A_196, %and3A_198 : vector<16xi32>
        %shift_left3A_200 = arith.constant 10 : i32
        %shift_left3A_201 = vector.broadcast %shift_left3A_200 : i32 to vector<16xi32>
        %shift_left3A_202 = arith.shli %get3A_192, %shift_left3A_201 : vector<16xi32>
        %or3A_203 = arith.ori %shift_left3A_202, %and3A_199 : vector<16xi32>
        %ge3A_204 = vector.broadcast %max3A_7 : i32 to vector<16xi32>
        %ge3A_205 = arith.cmpi sge, %or3A_203, %ge3A_204 : vector<16xi32>
        %lt3A_206 = vector.broadcast %add3A_10 : i32 to vector<16xi32>
        %lt3A_207 = arith.cmpi slt, %or3A_203, %lt3A_206 : vector<16xi32>
        %and3A_208 = arith.andi %ge3A_205, %lt3A_207 : vector<16xi1>
        %sub3A_209 = vector.broadcast %mul3A_6 : i32 to vector<16xi32>
        %sub3A_210 = arith.subi %or3A_203, %sub3A_209 : vector<16xi32>
        %shift_right_arithmetic3A_211 = arith.constant 15 : i32
        %shift_right_arithmetic3A_212 = vector.broadcast %shift_right_arithmetic3A_211 : i32 to vector<16xi32>
        %shift_right_arithmetic3A_213 = arith.shrsi %sub3A_210, %shift_right_arithmetic3A_212 : vector<16xi32>
        %add3A_214 = arith.constant 98 : i32
        %add3A_215 = vector.broadcast %add3A_214 : i32 to vector<16xi32>
        %add3A_216 = arith.addi %add3A_215, %shift_right_arithmetic3A_213 : vector<16xi32>
        %mul3A_217 = arith.constant 16 : i32
        %mul3A_218 = vector.broadcast %mul3A_217 : i32 to vector<16xi32>
        %mul3A_219 = arith.muli %add3A_216, %mul3A_218 : vector<16xi32>
        %add3A_220 = arith.addi %mul3A_219, %iota3A : vector<16xi32>
        %gather3A_221 = tpu.vector_load_idx %arg7[%add3A_220] masked %and3A_208 : memref<3136xi32, #tpu.memory_space<vmem>>[vector<16xi32>], vector<16xi32>, vector<16xi1>
        %lt3A_222 = arith.constant 16 : i32
        %lt3A_223 = vector.broadcast %lt3A_222 : i32 to vector<16xi32>
        %lt3A_224 = arith.cmpi slt, %gather3A_221, %lt3A_223 : vector<16xi32>
        %and3A_225 = arith.andi %and3A_208, %lt3A_224 : vector<16xi1>
        %add3A_226 = arith.constant 98 : i32
        %add3A_227 = vector.broadcast %add3A_226 : i32 to vector<16xi32>
        %add3A_228 = arith.addi %add3A_227, %shift_right_arithmetic3A_213 : vector<16xi32>
        %mul3A_229 = arith.constant 256 : i32
        %mul3A_230 = vector.broadcast %mul3A_229 : i32 to vector<16xi32>
        %mul3A_231 = arith.muli %add3A_228, %mul3A_230 : vector<16xi32>
        %mul3A_232 = arith.constant 16 : i32
        %mul3A_233 = vector.broadcast %mul3A_232 : i32 to vector<16xi32>
        %mul3A_234 = arith.muli %gather3A_221, %mul3A_233 : vector<16xi32>
        %add3A_235 = arith.addi %mul3A_231, %mul3A_234 : vector<16xi32>
        %add3A_236 = arith.addi %add3A_235, %iota3A : vector<16xi32>
        tpu.vector_store_idx %arg6[%add3A_236], %sub3A_210 masked %and3A_225 : memref<50176xi32, #tpu.memory_space<vmem>>[vector<16xi32>], vector<16xi32>, vector<16xi1>
        tpu.vector_store_idx %arg7[%add3A_220], %broadcast_in_dim3A_62 masked %and3A_225 {add = true} : memref<3136xi32, #tpu.memory_space<vmem>>[vector<16xi32>], vector<16xi32>, vector<16xi1>
        %not3A_237 = arith.constant dense<true> : vector<16xi1>
        %not3A_238 = arith.xori %lt3A_224, %not3A_237 : vector<16xi1>
        %and3A_239 = arith.andi %and3A_208, %not3A_238 : vector<16xi1>
        %or3A_240 = arith.ori %or3A_183, %and3A_239 : vector<16xi1>
        scf.yield %or3A_240 : vector<16xi1>
      }
      %scan3A_132 = arith.constant 128 : i32
      scf.yield %scan3A_131 : vector<16xi1>
    }
    %scan3A_91 = arith.constant 50 : i32
    %convert_element_type3A = arith.extui %scan3A_90 : vector<16xi1> to vector<16xi32>
    %reduce_max3A = arith.constant true
    %reduce_max3A_92 = vector.broadcast %reduce_max3A : i1 to vector<16xi1>
    %reduce_max3A_93 = arith.constant -2147483648 : i32
    %reduce_max3A_94 = vector.broadcast %reduce_max3A_93 : i32 to vector<16xi32>
    %reduce_max3A_95 = arith.xori %convert_element_type3A, %reduce_max3A_94 : vector<16xi32>
    %reduce_max3A_96 = tpu.scan <max>, %reduce_max3A_95 masked %reduce_max3A_92 : vector<16xi32>, vector<16xi1> -> vector<16xi32>
    %reduce_max3A_97 = arith.xori %reduce_max3A_96, %reduce_max3A_94 : vector<16xi32>
    %reduce_max3A_98 = vector.extract %reduce_max3A_97[15] : i32 from vector<16xi32>
    %shift_right_arithmetic3A = arith.constant 5 : i32
    %shift_right_arithmetic3A_99 = arith.shrsi %min3A_4, %shift_right_arithmetic3A : i32
    %eq3A_100 = arith.constant 0 : i32
    %eq3A_101 = arith.cmpi eq, %reduce_max3A_98, %eq3A_100 : i32
    %convert_element_type3A_102 = arith.extui %eq3A_101 : i1 to i32
    %cond3A = arith.constant 0 : i32
    %cond3A_103 = arith.cmpi ne, %convert_element_type3A_102, %cond3A : i32
    scf.if %cond3A_103 {
      %while3A = arith.constant 0 : i32
      %while3A_108 = arith.constant 0 : i32
      %while3A_109 = arith.subi %shift_right_arithmetic3A_99, %while3A_108 : i32
      %while3A_110 = arith.addi %while3A_108, %while3A_109 : i32
      %while3A_111 = arith.constant 1 : i32
      %while3A_112 = arith.divsi %while3A_109, %while3A_111 : i32
      %while3A_113 = arith.muli %while3A_112, %while3A_111 : i32
      %while3A_114 = arith.addi %while3A_108, %while3A_113 : i32
      %while3A_115 = arith.constant 1 : i32
      scf.for %while3A_393 = %while3A_108 to %while3A_114 step %while3A_115  : i32 {
        %and3A_394 = arith.constant 1 : i32
        %and3A_395 = arith.andi %while3A_393, %and3A_394 : i32
        %ge3A = arith.constant 2 : i32
        %ge3A_396 = arith.cmpi sge, %while3A_393, %ge3A : i32
        %convert_element_type3A_397 = arith.extui %ge3A_396 : i1 to i32
        %cond3A_398 = arith.constant 0 : i32
        %cond3A_399 = arith.cmpi ne, %convert_element_type3A_397, %cond3A_398 : i32
        scf.if %cond3A_399 {
          %sub3A_471 = arith.constant 2 : i32
          %sub3A_472 = arith.subi %while3A_393, %sub3A_471 : i32
          %mul3A_473 = arith.constant 32 : i32
          %mul3A_474 = arith.muli %sub3A_472, %mul3A_473 : i32
          %add3A_475 = arith.addi %mul3A_2, %mul3A_474 : i32
          %dma_wait3A_476 = arith.constant 0 : i32
          %dma_wait3A_477 = arith.constant 0 : i32
          %dma_wait3A_478 = tpu.memref_slice %arg5[%and3A_395, %dma_wait3A_476, %dma_wait3A_477] : memref<2x32x1024xf32, #tpu.memory_space<vmem>> -> memref<1x32x1024xf32, #tpu.memory_space<vmem>>
          %dma_wait3A_479 = tpu.memref_squeeze %dma_wait3A_478 : memref<1x32x1024xf32, #tpu.memory_space<vmem>> -> memref<32x1024xf32, #tpu.memory_space<vmem>>
          %dma_wait3A_480 = arith.constant 0 : i32
          %dma_wait3A_481 = tpu.memref_slice %arg3[%add3A_475, %dma_wait3A_480] : memref<100000x1024xf32, #tpu.memory_space<hbm>> -> memref<32x1024xf32, #tpu.memory_space<hbm>>
          %dma_wait3A_482 = arith.constant 0 : i32
          %dma_wait3A_483 = tpu.memref_slice %arg3[%add3A_475, %dma_wait3A_482] : memref<100000x1024xf32, #tpu.memory_space<hbm>> -> memref<32x1024xf32, #tpu.memory_space<hbm>>
          %dma_wait3A_484 = arith.constant 0 : i32
          %dma_wait3A_485 = arith.constant 0 : i32
          %dma_wait3A_486 = tpu.memref_slice %arg5[%and3A_395, %dma_wait3A_484, %dma_wait3A_485] : memref<2x32x1024xf32, #tpu.memory_space<vmem>> -> memref<1x32x1024xf32, #tpu.memory_space<vmem>>
          %dma_wait3A_487 = tpu.memref_squeeze %dma_wait3A_486 : memref<1x32x1024xf32, #tpu.memory_space<vmem>> -> memref<32x1024xf32, #tpu.memory_space<vmem>>
          tpu.wait_dma2 semaphore(%arg8 : memref<!tpu.dma_semaphore, #tpu.memory_space<semaphore_mem>>) src(%dma_wait3A_487 : memref<32x1024xf32, #tpu.memory_space<vmem>>) dst(%dma_wait3A_483 : memref<32x1024xf32, #tpu.memory_space<hbm>>)
          %sub3A_488 = arith.constant 2 : i32
          %sub3A_489 = arith.subi %while3A_393, %sub3A_488 : i32
          %broadcast_in_dim3A_490 = arith.constant -1.000000e+00 : f32
          %broadcast_in_dim3A_491 = vector.broadcast %broadcast_in_dim3A_490 : f32 to vector<16xf32>
          %broadcast_in_dim3A_492 = arith.constant 0 : i32
          %broadcast_in_dim3A_493 = vector.broadcast %broadcast_in_dim3A_492 : i32 to vector<16xi32>
          %add3A_494 = vector.broadcast %and3A_395 : i32 to vector<16xi32>
          %add3A_495 = arith.addi %broadcast_in_dim3A_493, %add3A_494 : vector<16xi32>
          %mul3A_496 = arith.constant 32768 : i32
          %mul3A_497 = arith.muli %sub3A_489, %mul3A_496 : i32
          %add3A_498 = arith.constant 0 : i32
          %add3A_499 = arith.addi %add3A_498, %sub3A_489 : i32
          %mul3A_500 = arith.constant 16 : i32
          %mul3A_501 = arith.muli %add3A_499, %mul3A_500 : i32
          %get3A_502 = arith.index_cast %mul3A_501 : i32 to index
          %get3A_503 = tpu.vector_load %arg7[%get3A_502] {strides = array<i32>} : memref<3136xi32, #tpu.memory_space<vmem>>, vector<16xi32>,
          %reduce_max3A_504 = arith.constant true
          %reduce_max3A_505 = vector.broadcast %reduce_max3A_504 : i1 to vector<16xi1>
          %reduce_max3A_506 = arith.constant -2147483648 : i32
          %reduce_max3A_507 = vector.broadcast %reduce_max3A_506 : i32 to vector<16xi32>
          %reduce_max3A_508 = arith.xori %get3A_503, %reduce_max3A_507 : vector<16xi32>
          %reduce_max3A_509 = tpu.scan <max>, %reduce_max3A_508 masked %reduce_max3A_505 : vector<16xi32>, vector<16xi1> -> vector<16xi32>
          %reduce_max3A_510 = arith.xori %reduce_max3A_509, %reduce_max3A_507 : vector<16xi32>
          %reduce_max3A_511 = vector.extract %reduce_max3A_510[15] : i32 from vector<16xi32>
          %while3A_512 = arith.constant 0 : i32
          %while3A_513 = arith.constant 0 : i32
          %while3A_514 = arith.subi %reduce_max3A_511, %while3A_513 : i32
          %while3A_515 = arith.addi %while3A_513, %while3A_514 : i32
          %while3A_516 = arith.constant 1 : i32
          %while3A_517 = arith.divsi %while3A_514, %while3A_516 : i32
          %while3A_518 = arith.muli %while3A_517, %while3A_516 : i32
          %while3A_519 = arith.addi %while3A_513, %while3A_518 : i32
          %while3A_520 = arith.constant 1 : i32
          scf.for %while3A_546 = %while3A_513 to %while3A_519 step %while3A_520  : i32 {
            %add3A_547 = arith.constant 0 : i32
            %add3A_548 = arith.addi %add3A_547, %sub3A_489 : i32
            %mul3A_549 = arith.constant 256 : i32
            %mul3A_550 = arith.muli %add3A_548, %mul3A_549 : i32
            %mul3A_551 = arith.constant 16 : i32
            %mul3A_552 = arith.muli %while3A_546, %mul3A_551 : i32
            %add3A_553 = arith.addi %mul3A_550, %mul3A_552 : i32
            %get3A_554 = arith.index_cast %add3A_553 : i32 to index
            %get3A_555 = tpu.vector_load %arg6[%get3A_554] {strides = array<i32>} : memref<50176xi32, #tpu.memory_space<vmem>>, vector<16xi32>,
            %lt3A_556 = vector.broadcast %while3A_546 : i32 to vector<16xi32>
            %lt3A_557 = arith.cmpi slt, %lt3A_556, %get3A_503 : vector<16xi32>
            %sub3A_558 = vector.broadcast %mul3A_497 : i32 to vector<16xi32>
            %sub3A_559 = arith.subi %get3A_555, %sub3A_558 : vector<16xi32>
            %shift_right_arithmetic3A_560 = arith.constant 10 : i32
            %shift_right_arithmetic3A_561 = vector.broadcast %shift_right_arithmetic3A_560 : i32 to vector<16xi32>
            %shift_right_arithmetic3A_562 = arith.shrsi %sub3A_559, %shift_right_arithmetic3A_561 : vector<16xi32>
            %and3A_563 = arith.constant 1023 : i32
            %and3A_564 = vector.broadcast %and3A_563 : i32 to vector<16xi32>
            %and3A_565 = arith.andi %sub3A_559, %and3A_564 : vector<16xi32>
            %and3A_566 = arith.andi %lt3A_557, %eq3A_12 : vector<16xi1>
            tpu.vector_store_idx %arg5[%add3A_495, %shift_right_arithmetic3A_562, %and3A_565], %broadcast_in_dim3A_491 masked %and3A_566 {add = true} : memref<2x32x1024xf32, #tpu.memory_space<vmem>>[vector<16xi32>, vector<16xi32>, vector<16xi32>], vector<16xf32>, vector<16xi1>
            %and3A_567 = arith.andi %lt3A_557, %eq3A_15 : vector<16xi1>
            tpu.vector_store_idx %arg5[%add3A_495, %shift_right_arithmetic3A_562, %and3A_565], %broadcast_in_dim3A_491 masked %and3A_567 {add = true} : memref<2x32x1024xf32, #tpu.memory_space<vmem>>[vector<16xi32>, vector<16xi32>, vector<16xi32>], vector<16xf32>, vector<16xi1>
            %and3A_568 = arith.andi %lt3A_557, %eq3A_18 : vector<16xi1>
            tpu.vector_store_idx %arg5[%add3A_495, %shift_right_arithmetic3A_562, %and3A_565], %broadcast_in_dim3A_491 masked %and3A_568 {add = true} : memref<2x32x1024xf32, #tpu.memory_space<vmem>>[vector<16xi32>, vector<16xi32>, vector<16xi32>], vector<16xf32>, vector<16xi1>
            %and3A_569 = arith.andi %lt3A_557, %eq3A_21 : vector<16xi1>
            tpu.vector_store_idx %arg5[%add3A_495, %shift_right_arithmetic3A_562, %and3A_565], %broadcast_in_dim3A_491 masked %and3A_569 {add = true} : memref<2x32x1024xf32, #tpu.memory_space<vmem>>[vector<16xi32>, vector<16xi32>, vector<16xi32>], vector<16xf32>, vector<16xi1>
            %and3A_570 = arith.andi %lt3A_557, %eq3A_24 : vector<16xi1>
            tpu.vector_store_idx %arg5[%add3A_495, %shift_right_arithmetic3A_562, %and3A_565], %broadcast_in_dim3A_491 masked %and3A_570 {add = true} : memref<2x32x1024xf32, #tpu.memory_space<vmem>>[vector<16xi32>, vector<16xi32>, vector<16xi32>], vector<16xf32>, vector<16xi1>
            %and3A_571 = arith.andi %lt3A_557, %eq3A_27 : vector<16xi1>
            tpu.vector_store_idx %arg5[%add3A_495, %shift_right_arithmetic3A_562, %and3A_565], %broadcast_in_dim3A_491 masked %and3A_571 {add = true} : memref<2x32x1024xf32, #tpu.memory_space<vmem>>[vector<16xi32>, vector<16xi32>, vector<16xi32>], vector<16xf32>, vector<16xi1>
            %and3A_572 = arith.andi %lt3A_557, %eq3A_30 : vector<16xi1>
            tpu.vector_store_idx %arg5[%add3A_495, %shift_right_arithmetic3A_562, %and3A_565], %broadcast_in_dim3A_491 masked %and3A_572 {add = true} : memref<2x32x1024xf32, #tpu.memory_space<vmem>>[vector<16xi32>, vector<16xi32>, vector<16xi32>], vector<16xf32>, vector<16xi1>
            %and3A_573 = arith.andi %lt3A_557, %eq3A_33 : vector<16xi1>
            tpu.vector_store_idx %arg5[%add3A_495, %shift_right_arithmetic3A_562, %and3A_565], %broadcast_in_dim3A_491 masked %and3A_573 {add = true} : memref<2x32x1024xf32, #tpu.memory_space<vmem>>[vector<16xi32>, vector<16xi32>, vector<16xi32>], vector<16xf32>, vector<16xi1>
            %and3A_574 = arith.andi %lt3A_557, %eq3A_36 : vector<16xi1>
            tpu.vector_store_idx %arg5[%add3A_495, %shift_right_arithmetic3A_562, %and3A_565], %broadcast_in_dim3A_491 masked %and3A_574 {add = true} : memref<2x32x1024xf32, #tpu.memory_space<vmem>>[vector<16xi32>, vector<16xi32>, vector<16xi32>], vector<16xf32>, vector<16xi1>
            %and3A_575 = arith.andi %lt3A_557, %eq3A_39 : vector<16xi1>
            tpu.vector_store_idx %arg5[%add3A_495, %shift_right_arithmetic3A_562, %and3A_565], %broadcast_in_dim3A_491 masked %and3A_575 {add = true} : memref<2x32x1024xf32, #tpu.memory_space<vmem>>[vector<16xi32>, vector<16xi32>, vector<16xi32>], vector<16xf32>, vector<16xi1>
            %and3A_576 = arith.andi %lt3A_557, %eq3A_42 : vector<16xi1>
            tpu.vector_store_idx %arg5[%add3A_495, %shift_right_arithmetic3A_562, %and3A_565], %broadcast_in_dim3A_491 masked %and3A_576 {add = true} : memref<2x32x1024xf32, #tpu.memory_space<vmem>>[vector<16xi32>, vector<16xi32>, vector<16xi32>], vector<16xf32>, vector<16xi1>
            %and3A_577 = arith.andi %lt3A_557, %eq3A_45 : vector<16xi1>
            tpu.vector_store_idx %arg5[%add3A_495, %shift_right_arithmetic3A_562, %and3A_565], %broadcast_in_dim3A_491 masked %and3A_577 {add = true} : memref<2x32x1024xf32, #tpu.memory_space<vmem>>[vector<16xi32>, vector<16xi32>, vector<16xi32>], vector<16xf32>, vector<16xi1>
            %and3A_578 = arith.andi %lt3A_557, %eq3A_48 : vector<16xi1>
            tpu.vector_store_idx %arg5[%add3A_495, %shift_right_arithmetic3A_562, %and3A_565], %broadcast_in_dim3A_491 masked %and3A_578 {add = true} : memref<2x32x1024xf32, #tpu.memory_space<vmem>>[vector<16xi32>, vector<16xi32>, vector<16xi32>], vector<16xf32>, vector<16xi1>
            %and3A_579 = arith.andi %lt3A_557, %eq3A_51 : vector<16xi1>
            tpu.vector_store_idx %arg5[%add3A_495, %shift_right_arithmetic3A_562, %and3A_565], %broadcast_in_dim3A_491 masked %and3A_579 {add = true} : memref<2x32x1024xf32, #tpu.memory_space<vmem>>[vector<16xi32>, vector<16xi32>, vector<16xi32>], vector<16xf32>, vector<16xi1>
            %and3A_580 = arith.andi %lt3A_557, %eq3A_54 : vector<16xi1>
            tpu.vector_store_idx %arg5[%add3A_495, %shift_right_arithmetic3A_562, %and3A_565], %broadcast_in_dim3A_491 masked %and3A_580 {add = true} : memref<2x32x1024xf32, #tpu.memory_space<vmem>>[vector<16xi32>, vector<16xi32>, vector<16xi32>], vector<16xf32>, vector<16xi1>
            %and3A_581 = arith.andi %lt3A_557, %eq3A_57 : vector<16xi1>
            tpu.vector_store_idx %arg5[%add3A_495, %shift_right_arithmetic3A_562, %and3A_565], %broadcast_in_dim3A_491 masked %and3A_581 {add = true} : memref<2x32x1024xf32, #tpu.memory_space<vmem>>[vector<16xi32>, vector<16xi32>, vector<16xi32>], vector<16xf32>, vector<16xi1>
          }
          %while3A_521 = arith.constant 1 : i32
          scf.for %while3A_546 = %while3A_519 to %while3A_515 step %while3A_521  : i32 {
            %add3A_547 = arith.constant 0 : i32
            %add3A_548 = arith.addi %add3A_547, %sub3A_489 : i32
            %mul3A_549 = arith.constant 256 : i32
            %mul3A_550 = arith.muli %add3A_548, %mul3A_549 : i32
            %mul3A_551 = arith.constant 16 : i32
            %mul3A_552 = arith.muli %while3A_546, %mul3A_551 : i32
            %add3A_553 = arith.addi %mul3A_550, %mul3A_552 : i32
            %get3A_554 = arith.index_cast %add3A_553 : i32 to index
            %get3A_555 = tpu.vector_load %arg6[%get3A_554] {strides = array<i32>} : memref<50176xi32, #tpu.memory_space<vmem>>, vector<16xi32>,
            %lt3A_556 = vector.broadcast %while3A_546 : i32 to vector<16xi32>
            %lt3A_557 = arith.cmpi slt, %lt3A_556, %get3A_503 : vector<16xi32>
            %sub3A_558 = vector.broadcast %mul3A_497 : i32 to vector<16xi32>
            %sub3A_559 = arith.subi %get3A_555, %sub3A_558 : vector<16xi32>
            %shift_right_arithmetic3A_560 = arith.constant 10 : i32
            %shift_right_arithmetic3A_561 = vector.broadcast %shift_right_arithmetic3A_560 : i32 to vector<16xi32>
            %shift_right_arithmetic3A_562 = arith.shrsi %sub3A_559, %shift_right_arithmetic3A_561 : vector<16xi32>
            %and3A_563 = arith.constant 1023 : i32
            %and3A_564 = vector.broadcast %and3A_563 : i32 to vector<16xi32>
            %and3A_565 = arith.andi %sub3A_559, %and3A_564 : vector<16xi32>
            %and3A_566 = arith.andi %lt3A_557, %eq3A_12 : vector<16xi1>
            tpu.vector_store_idx %arg5[%add3A_495, %shift_right_arithmetic3A_562, %and3A_565], %broadcast_in_dim3A_491 masked %and3A_566 {add = true} : memref<2x32x1024xf32, #tpu.memory_space<vmem>>[vector<16xi32>, vector<16xi32>, vector<16xi32>], vector<16xf32>, vector<16xi1>
            %and3A_567 = arith.andi %lt3A_557, %eq3A_15 : vector<16xi1>
            tpu.vector_store_idx %arg5[%add3A_495, %shift_right_arithmetic3A_562, %and3A_565], %broadcast_in_dim3A_491 masked %and3A_567 {add = true} : memref<2x32x1024xf32, #tpu.memory_space<vmem>>[vector<16xi32>, vector<16xi32>, vector<16xi32>], vector<16xf32>, vector<16xi1>
            %and3A_568 = arith.andi %lt3A_557, %eq3A_18 : vector<16xi1>
            tpu.vector_store_idx %arg5[%add3A_495, %shift_right_arithmetic3A_562, %and3A_565], %broadcast_in_dim3A_491 masked %and3A_568 {add = true} : memref<2x32x1024xf32, #tpu.memory_space<vmem>>[vector<16xi32>, vector<16xi32>, vector<16xi32>], vector<16xf32>, vector<16xi1>
            %and3A_569 = arith.andi %lt3A_557, %eq3A_21 : vector<16xi1>
            tpu.vector_store_idx %arg5[%add3A_495, %shift_right_arithmetic3A_562, %and3A_565], %broadcast_in_dim3A_491 masked %and3A_569 {add = true} : memref<2x32x1024xf32, #tpu.memory_space<vmem>>[vector<16xi32>, vector<16xi32>, vector<16xi32>], vector<16xf32>, vector<16xi1>
            %and3A_570 = arith.andi %lt3A_557, %eq3A_24 : vector<16xi1>
            tpu.vector_store_idx %arg5[%add3A_495, %shift_right_arithmetic3A_562, %and3A_565], %broadcast_in_dim3A_491 masked %and3A_570 {add = true} : memref<2x32x1024xf32, #tpu.memory_space<vmem>>[vector<16xi32>, vector<16xi32>, vector<16xi32>], vector<16xf32>, vector<16xi1>
            %and3A_571 = arith.andi %lt3A_557, %eq3A_27 : vector<16xi1>
            tpu.vector_store_idx %arg5[%add3A_495, %shift_right_arithmetic3A_562, %and3A_565], %broadcast_in_dim3A_491 masked %and3A_571 {add = true} : memref<2x32x1024xf32, #tpu.memory_space<vmem>>[vector<16xi32>, vector<16xi32>, vector<16xi32>], vector<16xf32>, vector<16xi1>
            %and3A_572 = arith.andi %lt3A_557, %eq3A_30 : vector<16xi1>
            tpu.vector_store_idx %arg5[%add3A_495, %shift_right_arithmetic3A_562, %and3A_565], %broadcast_in_dim3A_491 masked %and3A_572 {add = true} : memref<2x32x1024xf32, #tpu.memory_space<vmem>>[vector<16xi32>, vector<16xi32>, vector<16xi32>], vector<16xf32>, vector<16xi1>
            %and3A_573 = arith.andi %lt3A_557, %eq3A_33 : vector<16xi1>
            tpu.vector_store_idx %arg5[%add3A_495, %shift_right_arithmetic3A_562, %and3A_565], %broadcast_in_dim3A_491 masked %and3A_573 {add = true} : memref<2x32x1024xf32, #tpu.memory_space<vmem>>[vector<16xi32>, vector<16xi32>, vector<16xi32>], vector<16xf32>, vector<16xi1>
            %and3A_574 = arith.andi %lt3A_557, %eq3A_36 : vector<16xi1>
            tpu.vector_store_idx %arg5[%add3A_495, %shift_right_arithmetic3A_562, %and3A_565], %broadcast_in_dim3A_491 masked %and3A_574 {add = true} : memref<2x32x1024xf32, #tpu.memory_space<vmem>>[vector<16xi32>, vector<16xi32>, vector<16xi32>], vector<16xf32>, vector<16xi1>
            %and3A_575 = arith.andi %lt3A_557, %eq3A_39 : vector<16xi1>
            tpu.vector_store_idx %arg5[%add3A_495, %shift_right_arithmetic3A_562, %and3A_565], %broadcast_in_dim3A_491 masked %and3A_575 {add = true} : memref<2x32x1024xf32, #tpu.memory_space<vmem>>[vector<16xi32>, vector<16xi32>, vector<16xi32>], vector<16xf32>, vector<16xi1>
            %and3A_576 = arith.andi %lt3A_557, %eq3A_42 : vector<16xi1>
            tpu.vector_store_idx %arg5[%add3A_495, %shift_right_arithmetic3A_562, %and3A_565], %broadcast_in_dim3A_491 masked %and3A_576 {add = true} : memref<2x32x1024xf32, #tpu.memory_space<vmem>>[vector<16xi32>, vector<16xi32>, vector<16xi32>], vector<16xf32>, vector<16xi1>
            %and3A_577 = arith.andi %lt3A_557, %eq3A_45 : vector<16xi1>
            tpu.vector_store_idx %arg5[%add3A_495, %shift_right_arithmetic3A_562, %and3A_565], %broadcast_in_dim3A_491 masked %and3A_577 {add = true} : memref<2x32x1024xf32, #tpu.memory_space<vmem>>[vector<16xi32>, vector<16xi32>, vector<16xi32>], vector<16xf32>, vector<16xi1>
            %and3A_578 = arith.andi %lt3A_557, %eq3A_48 : vector<16xi1>
            tpu.vector_store_idx %arg5[%add3A_495, %shift_right_arithmetic3A_562, %and3A_565], %broadcast_in_dim3A_491 masked %and3A_578 {add = true} : memref<2x32x1024xf32, #tpu.memory_space<vmem>>[vector<16xi32>, vector<16xi32>, vector<16xi32>], vector<16xf32>, vector<16xi1>
            %and3A_579 = arith.andi %lt3A_557, %eq3A_51 : vector<16xi1>
            tpu.vector_store_idx %arg5[%add3A_495, %shift_right_arithmetic3A_562, %and3A_565], %broadcast_in_dim3A_491 masked %and3A_579 {add = true} : memref<2x32x1024xf32, #tpu.memory_space<vmem>>[vector<16xi32>, vector<16xi32>, vector<16xi32>], vector<16xf32>, vector<16xi1>
            %and3A_580 = arith.andi %lt3A_557, %eq3A_54 : vector<16xi1>
            tpu.vector_store_idx %arg5[%add3A_495, %shift_right_arithmetic3A_562, %and3A_565], %broadcast_in_dim3A_491 masked %and3A_580 {add = true} : memref<2x32x1024xf32, #tpu.memory_space<vmem>>[vector<16xi32>, vector<16xi32>, vector<16xi32>], vector<16xf32>, vector<16xi1>
            %and3A_581 = arith.andi %lt3A_557, %eq3A_57 : vector<16xi1>
            tpu.vector_store_idx %arg5[%add3A_495, %shift_right_arithmetic3A_562, %and3A_565], %broadcast_in_dim3A_491 masked %and3A_581 {add = true} : memref<2x32x1024xf32, #tpu.memory_space<vmem>>[vector<16xi32>, vector<16xi32>, vector<16xi32>], vector<16xf32>, vector<16xi1>
          }
          %add3A_522 = arith.constant 98 : i32
          %add3A_523 = arith.addi %add3A_522, %sub3A_489 : i32
          %mul3A_524 = arith.constant 16 : i32
          %mul3A_525 = arith.muli %add3A_523, %mul3A_524 : i32
          %get3A_526 = arith.index_cast %mul3A_525 : i32 to index
          %get3A_527 = tpu.vector_load %arg7[%get3A_526] {strides = array<i32>} : memref<3136xi32, #tpu.memory_space<vmem>>, vector<16xi32>,
          %reduce_max3A_528 = arith.constant true
          %reduce_max3A_529 = vector.broadcast %reduce_max3A_528 : i1 to vector<16xi1>
          %reduce_max3A_530 = arith.constant -2147483648 : i32
          %reduce_max3A_531 = vector.broadcast %reduce_max3A_530 : i32 to vector<16xi32>
          %reduce_max3A_532 = arith.xori %get3A_527, %reduce_max3A_531 : vector<16xi32>
          %reduce_max3A_533 = tpu.scan <max>, %reduce_max3A_532 masked %reduce_max3A_529 : vector<16xi32>, vector<16xi1> -> vector<16xi32>
          %reduce_max3A_534 = arith.xori %reduce_max3A_533, %reduce_max3A_531 : vector<16xi32>
          %reduce_max3A_535 = vector.extract %reduce_max3A_534[15] : i32 from vector<16xi32>
          %while3A_536 = arith.constant 0 : i32
          %while3A_537 = arith.constant 0 : i32
          %while3A_538 = arith.subi %reduce_max3A_535, %while3A_537 : i32
          %while3A_539 = arith.addi %while3A_537, %while3A_538 : i32
          %while3A_540 = arith.constant 1 : i32
          %while3A_541 = arith.divsi %while3A_538, %while3A_540 : i32
          %while3A_542 = arith.muli %while3A_541, %while3A_540 : i32
          %while3A_543 = arith.addi %while3A_537, %while3A_542 : i32
          %while3A_544 = arith.constant 1 : i32
          scf.for %while3A_546 = %while3A_537 to %while3A_543 step %while3A_544  : i32 {
            %add3A_547 = arith.constant 98 : i32
            %add3A_548 = arith.addi %add3A_547, %sub3A_489 : i32
            %mul3A_549 = arith.constant 256 : i32
            %mul3A_550 = arith.muli %add3A_548, %mul3A_549 : i32
            %mul3A_551 = arith.constant 16 : i32
            %mul3A_552 = arith.muli %while3A_546, %mul3A_551 : i32
            %add3A_553 = arith.addi %mul3A_550, %mul3A_552 : i32
            %get3A_554 = arith.index_cast %add3A_553 : i32 to index
            %get3A_555 = tpu.vector_load %arg6[%get3A_554] {strides = array<i32>} : memref<50176xi32, #tpu.memory_space<vmem>>, vector<16xi32>,
            %lt3A_556 = vector.broadcast %while3A_546 : i32 to vector<16xi32>
            %lt3A_557 = arith.cmpi slt, %lt3A_556, %get3A_527 : vector<16xi32>
            %sub3A_558 = vector.broadcast %mul3A_497 : i32 to vector<16xi32>
            %sub3A_559 = arith.subi %get3A_555, %sub3A_558 : vector<16xi32>
            %shift_right_arithmetic3A_560 = arith.constant 10 : i32
            %shift_right_arithmetic3A_561 = vector.broadcast %shift_right_arithmetic3A_560 : i32 to vector<16xi32>
            %shift_right_arithmetic3A_562 = arith.shrsi %sub3A_559, %shift_right_arithmetic3A_561 : vector<16xi32>
            %and3A_563 = arith.constant 1023 : i32
            %and3A_564 = vector.broadcast %and3A_563 : i32 to vector<16xi32>
            %and3A_565 = arith.andi %sub3A_559, %and3A_564 : vector<16xi32>
            %and3A_566 = arith.andi %lt3A_557, %eq3A_12 : vector<16xi1>
            tpu.vector_store_idx %arg5[%add3A_495, %shift_right_arithmetic3A_562, %and3A_565], %broadcast_in_dim3A_491 masked %and3A_566 {add = true} : memref<2x32x1024xf32, #tpu.memory_space<vmem>>[vector<16xi32>, vector<16xi32>, vector<16xi32>], vector<16xf32>, vector<16xi1>
            %and3A_567 = arith.andi %lt3A_557, %eq3A_15 : vector<16xi1>
            tpu.vector_store_idx %arg5[%add3A_495, %shift_right_arithmetic3A_562, %and3A_565], %broadcast_in_dim3A_491 masked %and3A_567 {add = true} : memref<2x32x1024xf32, #tpu.memory_space<vmem>>[vector<16xi32>, vector<16xi32>, vector<16xi32>], vector<16xf32>, vector<16xi1>
            %and3A_568 = arith.andi %lt3A_557, %eq3A_18 : vector<16xi1>
            tpu.vector_store_idx %arg5[%add3A_495, %shift_right_arithmetic3A_562, %and3A_565], %broadcast_in_dim3A_491 masked %and3A_568 {add = true} : memref<2x32x1024xf32, #tpu.memory_space<vmem>>[vector<16xi32>, vector<16xi32>, vector<16xi32>], vector<16xf32>, vector<16xi1>
            %and3A_569 = arith.andi %lt3A_557, %eq3A_21 : vector<16xi1>
            tpu.vector_store_idx %arg5[%add3A_495, %shift_right_arithmetic3A_562, %and3A_565], %broadcast_in_dim3A_491 masked %and3A_569 {add = true} : memref<2x32x1024xf32, #tpu.memory_space<vmem>>[vector<16xi32>, vector<16xi32>, vector<16xi32>], vector<16xf32>, vector<16xi1>
            %and3A_570 = arith.andi %lt3A_557, %eq3A_24 : vector<16xi1>
            tpu.vector_store_idx %arg5[%add3A_495, %shift_right_arithmetic3A_562, %and3A_565], %broadcast_in_dim3A_491 masked %and3A_570 {add = true} : memref<2x32x1024xf32, #tpu.memory_space<vmem>>[vector<16xi32>, vector<16xi32>, vector<16xi32>], vector<16xf32>, vector<16xi1>
            %and3A_571 = arith.andi %lt3A_557, %eq3A_27 : vector<16xi1>
            tpu.vector_store_idx %arg5[%add3A_495, %shift_right_arithmetic3A_562, %and3A_565], %broadcast_in_dim3A_491 masked %and3A_571 {add = true} : memref<2x32x1024xf32, #tpu.memory_space<vmem>>[vector<16xi32>, vector<16xi32>, vector<16xi32>], vector<16xf32>, vector<16xi1>
            %and3A_572 = arith.andi %lt3A_557, %eq3A_30 : vector<16xi1>
            tpu.vector_store_idx %arg5[%add3A_495, %shift_right_arithmetic3A_562, %and3A_565], %broadcast_in_dim3A_491 masked %and3A_572 {add = true} : memref<2x32x1024xf32, #tpu.memory_space<vmem>>[vector<16xi32>, vector<16xi32>, vector<16xi32>], vector<16xf32>, vector<16xi1>
            %and3A_573 = arith.andi %lt3A_557, %eq3A_33 : vector<16xi1>
            tpu.vector_store_idx %arg5[%add3A_495, %shift_right_arithmetic3A_562, %and3A_565], %broadcast_in_dim3A_491 masked %and3A_573 {add = true} : memref<2x32x1024xf32, #tpu.memory_space<vmem>>[vector<16xi32>, vector<16xi32>, vector<16xi32>], vector<16xf32>, vector<16xi1>
            %and3A_574 = arith.andi %lt3A_557, %eq3A_36 : vector<16xi1>
            tpu.vector_store_idx %arg5[%add3A_495, %shift_right_arithmetic3A_562, %and3A_565], %broadcast_in_dim3A_491 masked %and3A_574 {add = true} : memref<2x32x1024xf32, #tpu.memory_space<vmem>>[vector<16xi32>, vector<16xi32>, vector<16xi32>], vector<16xf32>, vector<16xi1>
            %and3A_575 = arith.andi %lt3A_557, %eq3A_39 : vector<16xi1>
            tpu.vector_store_idx %arg5[%add3A_495, %shift_right_arithmetic3A_562, %and3A_565], %broadcast_in_dim3A_491 masked %and3A_575 {add = true} : memref<2x32x1024xf32, #tpu.memory_space<vmem>>[vector<16xi32>, vector<16xi32>, vector<16xi32>], vector<16xf32>, vector<16xi1>
            %and3A_576 = arith.andi %lt3A_557, %eq3A_42 : vector<16xi1>
            tpu.vector_store_idx %arg5[%add3A_495, %shift_right_arithmetic3A_562, %and3A_565], %broadcast_in_dim3A_491 masked %and3A_576 {add = true} : memref<2x32x1024xf32, #tpu.memory_space<vmem>>[vector<16xi32>, vector<16xi32>, vector<16xi32>], vector<16xf32>, vector<16xi1>
            %and3A_577 = arith.andi %lt3A_557, %eq3A_45 : vector<16xi1>
            tpu.vector_store_idx %arg5[%add3A_495, %shift_right_arithmetic3A_562, %and3A_565], %broadcast_in_dim3A_491 masked %and3A_577 {add = true} : memref<2x32x1024xf32, #tpu.memory_space<vmem>>[vector<16xi32>, vector<16xi32>, vector<16xi32>], vector<16xf32>, vector<16xi1>
            %and3A_578 = arith.andi %lt3A_557, %eq3A_48 : vector<16xi1>
            tpu.vector_store_idx %arg5[%add3A_495, %shift_right_arithmetic3A_562, %and3A_565], %broadcast_in_dim3A_491 masked %and3A_578 {add = true} : memref<2x32x1024xf32, #tpu.memory_space<vmem>>[vector<16xi32>, vector<16xi32>, vector<16xi32>], vector<16xf32>, vector<16xi1>
            %and3A_579 = arith.andi %lt3A_557, %eq3A_51 : vector<16xi1>
            tpu.vector_store_idx %arg5[%add3A_495, %shift_right_arithmetic3A_562, %and3A_565], %broadcast_in_dim3A_491 masked %and3A_579 {add = true} : memref<2x32x1024xf32, #tpu.memory_space<vmem>>[vector<16xi32>, vector<16xi32>, vector<16xi32>], vector<16xf32>, vector<16xi1>
            %and3A_580 = arith.andi %lt3A_557, %eq3A_54 : vector<16xi1>
            tpu.vector_store_idx %arg5[%add3A_495, %shift_right_arithmetic3A_562, %and3A_565], %broadcast_in_dim3A_491 masked %and3A_580 {add = true} : memref<2x32x1024xf32, #tpu.memory_space<vmem>>[vector<16xi32>, vector<16xi32>, vector<16xi32>], vector<16xf32>, vector<16xi1>
            %and3A_581 = arith.andi %lt3A_557, %eq3A_57 : vector<16xi1>
            tpu.vector_store_idx %arg5[%add3A_495, %shift_right_arithmetic3A_562, %and3A_565], %broadcast_in_dim3A_491 masked %and3A_581 {add = true} : memref<2x32x1024xf32, #tpu.memory_space<vmem>>[vector<16xi32>, vector<16xi32>, vector<16xi32>], vector<16xf32>, vector<16xi1>
          }
          %while3A_545 = arith.constant 1 : i32
          scf.for %while3A_546 = %while3A_543 to %while3A_539 step %while3A_545  : i32 {
            %add3A_547 = arith.constant 98 : i32
            %add3A_548 = arith.addi %add3A_547, %sub3A_489 : i32
            %mul3A_549 = arith.constant 256 : i32
            %mul3A_550 = arith.muli %add3A_548, %mul3A_549 : i32
            %mul3A_551 = arith.constant 16 : i32
            %mul3A_552 = arith.muli %while3A_546, %mul3A_551 : i32
            %add3A_553 = arith.addi %mul3A_550, %mul3A_552 : i32
            %get3A_554 = arith.index_cast %add3A_553 : i32 to index
            %get3A_555 = tpu.vector_load %arg6[%get3A_554] {strides = array<i32>} : memref<50176xi32, #tpu.memory_space<vmem>>, vector<16xi32>,
            %lt3A_556 = vector.broadcast %while3A_546 : i32 to vector<16xi32>
            %lt3A_557 = arith.cmpi slt, %lt3A_556, %get3A_527 : vector<16xi32>
            %sub3A_558 = vector.broadcast %mul3A_497 : i32 to vector<16xi32>
            %sub3A_559 = arith.subi %get3A_555, %sub3A_558 : vector<16xi32>
            %shift_right_arithmetic3A_560 = arith.constant 10 : i32
            %shift_right_arithmetic3A_561 = vector.broadcast %shift_right_arithmetic3A_560 : i32 to vector<16xi32>
            %shift_right_arithmetic3A_562 = arith.shrsi %sub3A_559, %shift_right_arithmetic3A_561 : vector<16xi32>
            %and3A_563 = arith.constant 1023 : i32
            %and3A_564 = vector.broadcast %and3A_563 : i32 to vector<16xi32>
            %and3A_565 = arith.andi %sub3A_559, %and3A_564 : vector<16xi32>
            %and3A_566 = arith.andi %lt3A_557, %eq3A_12 : vector<16xi1>
            tpu.vector_store_idx %arg5[%add3A_495, %shift_right_arithmetic3A_562, %and3A_565], %broadcast_in_dim3A_491 masked %and3A_566 {add = true} : memref<2x32x1024xf32, #tpu.memory_space<vmem>>[vector<16xi32>, vector<16xi32>, vector<16xi32>], vector<16xf32>, vector<16xi1>
            %and3A_567 = arith.andi %lt3A_557, %eq3A_15 : vector<16xi1>
            tpu.vector_store_idx %arg5[%add3A_495, %shift_right_arithmetic3A_562, %and3A_565], %broadcast_in_dim3A_491 masked %and3A_567 {add = true} : memref<2x32x1024xf32, #tpu.memory_space<vmem>>[vector<16xi32>, vector<16xi32>, vector<16xi32>], vector<16xf32>, vector<16xi1>
            %and3A_568 = arith.andi %lt3A_557, %eq3A_18 : vector<16xi1>
            tpu.vector_store_idx %arg5[%add3A_495, %shift_right_arithmetic3A_562, %and3A_565], %broadcast_in_dim3A_491 masked %and3A_568 {add = true} : memref<2x32x1024xf32, #tpu.memory_space<vmem>>[vector<16xi32>, vector<16xi32>, vector<16xi32>], vector<16xf32>, vector<16xi1>
            %and3A_569 = arith.andi %lt3A_557, %eq3A_21 : vector<16xi1>
            tpu.vector_store_idx %arg5[%add3A_495, %shift_right_arithmetic3A_562, %and3A_565], %broadcast_in_dim3A_491 masked %and3A_569 {add = true} : memref<2x32x1024xf32, #tpu.memory_space<vmem>>[vector<16xi32>, vector<16xi32>, vector<16xi32>], vector<16xf32>, vector<16xi1>
            %and3A_570 = arith.andi %lt3A_557, %eq3A_24 : vector<16xi1>
            tpu.vector_store_idx %arg5[%add3A_495, %shift_right_arithmetic3A_562, %and3A_565], %broadcast_in_dim3A_491 masked %and3A_570 {add = true} : memref<2x32x1024xf32, #tpu.memory_space<vmem>>[vector<16xi32>, vector<16xi32>, vector<16xi32>], vector<16xf32>, vector<16xi1>
            %and3A_571 = arith.andi %lt3A_557, %eq3A_27 : vector<16xi1>
            tpu.vector_store_idx %arg5[%add3A_495, %shift_right_arithmetic3A_562, %and3A_565], %broadcast_in_dim3A_491 masked %and3A_571 {add = true} : memref<2x32x1024xf32, #tpu.memory_space<vmem>>[vector<16xi32>, vector<16xi32>, vector<16xi32>], vector<16xf32>, vector<16xi1>
            %and3A_572 = arith.andi %lt3A_557, %eq3A_30 : vector<16xi1>
            tpu.vector_store_idx %arg5[%add3A_495, %shift_right_arithmetic3A_562, %and3A_565], %broadcast_in_dim3A_491 masked %and3A_572 {add = true} : memref<2x32x1024xf32, #tpu.memory_space<vmem>>[vector<16xi32>, vector<16xi32>, vector<16xi32>], vector<16xf32>, vector<16xi1>
            %and3A_573 = arith.andi %lt3A_557, %eq3A_33 : vector<16xi1>
            tpu.vector_store_idx %arg5[%add3A_495, %shift_right_arithmetic3A_562, %and3A_565], %broadcast_in_dim3A_491 masked %and3A_573 {add = true} : memref<2x32x1024xf32, #tpu.memory_space<vmem>>[vector<16xi32>, vector<16xi32>, vector<16xi32>], vector<16xf32>, vector<16xi1>
            %and3A_574 = arith.andi %lt3A_557, %eq3A_36 : vector<16xi1>
            tpu.vector_store_idx %arg5[%add3A_495, %shift_right_arithmetic3A_562, %and3A_565], %broadcast_in_dim3A_491 masked %and3A_574 {add = true} : memref<2x32x1024xf32, #tpu.memory_space<vmem>>[vector<16xi32>, vector<16xi32>, vector<16xi32>], vector<16xf32>, vector<16xi1>
            %and3A_575 = arith.andi %lt3A_557, %eq3A_39 : vector<16xi1>
            tpu.vector_store_idx %arg5[%add3A_495, %shift_right_arithmetic3A_562, %and3A_565], %broadcast_in_dim3A_491 masked %and3A_575 {add = true} : memref<2x32x1024xf32, #tpu.memory_space<vmem>>[vector<16xi32>, vector<16xi32>, vector<16xi32>], vector<16xf32>, vector<16xi1>
            %and3A_576 = arith.andi %lt3A_557, %eq3A_42 : vector<16xi1>
            tpu.vector_store_idx %arg5[%add3A_495, %shift_right_arithmetic3A_562, %and3A_565], %broadcast_in_dim3A_491 masked %and3A_576 {add = true} : memref<2x32x1024xf32, #tpu.memory_space<vmem>>[vector<16xi32>, vector<16xi32>, vector<16xi32>], vector<16xf32>, vector<16xi1>
            %and3A_577 = arith.andi %lt3A_557, %eq3A_45 : vector<16xi1>
            tpu.vector_store_idx %arg5[%add3A_495, %shift_right_arithmetic3A_562, %and3A_565], %broadcast_in_dim3A_491 masked %and3A_577 {add = true} : memref<2x32x1024xf32, #tpu.memory_space<vmem>>[vector<16xi32>, vector<16xi32>, vector<16xi32>], vector<16xf32>, vector<16xi1>
            %and3A_578 = arith.andi %lt3A_557, %eq3A_48 : vector<16xi1>
            tpu.vector_store_idx %arg5[%add3A_495, %shift_right_arithmetic3A_562, %and3A_565], %broadcast_in_dim3A_491 masked %and3A_578 {add = true} : memref<2x32x1024xf32, #tpu.memory_space<vmem>>[vector<16xi32>, vector<16xi32>, vector<16xi32>], vector<16xf32>, vector<16xi1>
            %and3A_579 = arith.andi %lt3A_557, %eq3A_51 : vector<16xi1>
            tpu.vector_store_idx %arg5[%add3A_495, %shift_right_arithmetic3A_562, %and3A_565], %broadcast_in_dim3A_491 masked %and3A_579 {add = true} : memref<2x32x1024xf32, #tpu.memory_space<vmem>>[vector<16xi32>, vector<16xi32>, vector<16xi32>], vector<16xf32>, vector<16xi1>
            %and3A_580 = arith.andi %lt3A_557, %eq3A_54 : vector<16xi1>
            tpu.vector_store_idx %arg5[%add3A_495, %shift_right_arithmetic3A_562, %and3A_565], %broadcast_in_dim3A_491 masked %and3A_580 {add = true} : memref<2x32x1024xf32, #tpu.memory_space<vmem>>[vector<16xi32>, vector<16xi32>, vector<16xi32>], vector<16xf32>, vector<16xi1>
            %and3A_581 = arith.andi %lt3A_557, %eq3A_57 : vector<16xi1>
            tpu.vector_store_idx %arg5[%add3A_495, %shift_right_arithmetic3A_562, %and3A_565], %broadcast_in_dim3A_491 masked %and3A_581 {add = true} : memref<2x32x1024xf32, #tpu.memory_space<vmem>>[vector<16xi32>, vector<16xi32>, vector<16xi32>], vector<16xf32>, vector<16xi1>
          }
        } else {
        }
        %broadcast_in_dim3A_400 = arith.constant 1.000000e+00 : f32
        %broadcast_in_dim3A_401 = vector.broadcast %broadcast_in_dim3A_400 : f32 to vector<16xf32>
        %broadcast_in_dim3A_402 = arith.constant 0 : i32
        %broadcast_in_dim3A_403 = vector.broadcast %broadcast_in_dim3A_402 : i32 to vector<16xi32>
        %add3A_404 = vector.broadcast %and3A_395 : i32 to vector<16xi32>
        %add3A_405 = arith.addi %broadcast_in_dim3A_403, %add3A_404 : vector<16xi32>
        %mul3A_406 = arith.constant 32768 : i32
        %mul3A_407 = arith.muli %while3A_393, %mul3A_406 : i32
        %add3A_408 = arith.constant 0 : i32
        %add3A_409 = arith.addi %add3A_408, %while3A_393 : i32
        %mul3A_410 = arith.constant 16 : i32
        %mul3A_411 = arith.muli %add3A_409, %mul3A_410 : i32
        %get3A_412 = arith.index_cast %mul3A_411 : i32 to index
        %get3A_413 = tpu.vector_load %arg7[%get3A_412] {strides = array<i32>} : memref<3136xi32, #tpu.memory_space<vmem>>, vector<16xi32>,
        %reduce_max3A_414 = arith.constant true
        %reduce_max3A_415 = vector.broadcast %reduce_max3A_414 : i1 to vector<16xi1>
        %reduce_max3A_416 = arith.constant -2147483648 : i32
        %reduce_max3A_417 = vector.broadcast %reduce_max3A_416 : i32 to vector<16xi32>
        %reduce_max3A_418 = arith.xori %get3A_413, %reduce_max3A_417 : vector<16xi32>
        %reduce_max3A_419 = tpu.scan <max>, %reduce_max3A_418 masked %reduce_max3A_415 : vector<16xi32>, vector<16xi1> -> vector<16xi32>
        %reduce_max3A_420 = arith.xori %reduce_max3A_419, %reduce_max3A_417 : vector<16xi32>
        %reduce_max3A_421 = vector.extract %reduce_max3A_420[15] : i32 from vector<16xi32>
        %while3A_422 = arith.constant 0 : i32
        %while3A_423 = arith.constant 0 : i32
        %while3A_424 = arith.subi %reduce_max3A_421, %while3A_423 : i32
        %while3A_425 = arith.addi %while3A_423, %while3A_424 : i32
        %while3A_426 = arith.constant 1 : i32
        %while3A_427 = arith.divsi %while3A_424, %while3A_426 : i32
        %while3A_428 = arith.muli %while3A_427, %while3A_426 : i32
        %while3A_429 = arith.addi %while3A_423, %while3A_428 : i32
        %while3A_430 = arith.constant 1 : i32
        scf.for %while3A_471 = %while3A_423 to %while3A_429 step %while3A_430  : i32 {
          %add3A_472 = arith.constant 0 : i32
          %add3A_473 = arith.addi %add3A_472, %while3A_393 : i32
          %mul3A_474 = arith.constant 256 : i32
          %mul3A_475 = arith.muli %add3A_473, %mul3A_474 : i32
          %mul3A_476 = arith.constant 16 : i32
          %mul3A_477 = arith.muli %while3A_471, %mul3A_476 : i32
          %add3A_478 = arith.addi %mul3A_475, %mul3A_477 : i32
          %get3A_479 = arith.index_cast %add3A_478 : i32 to index
          %get3A_480 = tpu.vector_load %arg6[%get3A_479] {strides = array<i32>} : memref<50176xi32, #tpu.memory_space<vmem>>, vector<16xi32>,
          %lt3A_481 = vector.broadcast %while3A_471 : i32 to vector<16xi32>
          %lt3A_482 = arith.cmpi slt, %lt3A_481, %get3A_413 : vector<16xi32>
          %sub3A_483 = vector.broadcast %mul3A_407 : i32 to vector<16xi32>
          %sub3A_484 = arith.subi %get3A_480, %sub3A_483 : vector<16xi32>
          %shift_right_arithmetic3A_485 = arith.constant 10 : i32
          %shift_right_arithmetic3A_486 = vector.broadcast %shift_right_arithmetic3A_485 : i32 to vector<16xi32>
          %shift_right_arithmetic3A_487 = arith.shrsi %sub3A_484, %shift_right_arithmetic3A_486 : vector<16xi32>
          %and3A_488 = arith.constant 1023 : i32
          %and3A_489 = vector.broadcast %and3A_488 : i32 to vector<16xi32>
          %and3A_490 = arith.andi %sub3A_484, %and3A_489 : vector<16xi32>
          %and3A_491 = arith.andi %lt3A_482, %eq3A_12 : vector<16xi1>
          tpu.vector_store_idx %arg5[%add3A_405, %shift_right_arithmetic3A_487, %and3A_490], %broadcast_in_dim3A_401 masked %and3A_491 {add = true} : memref<2x32x1024xf32, #tpu.memory_space<vmem>>[vector<16xi32>, vector<16xi32>, vector<16xi32>], vector<16xf32>, vector<16xi1>
          %and3A_492 = arith.andi %lt3A_482, %eq3A_15 : vector<16xi1>
          tpu.vector_store_idx %arg5[%add3A_405, %shift_right_arithmetic3A_487, %and3A_490], %broadcast_in_dim3A_401 masked %and3A_492 {add = true} : memref<2x32x1024xf32, #tpu.memory_space<vmem>>[vector<16xi32>, vector<16xi32>, vector<16xi32>], vector<16xf32>, vector<16xi1>
          %and3A_493 = arith.andi %lt3A_482, %eq3A_18 : vector<16xi1>
          tpu.vector_store_idx %arg5[%add3A_405, %shift_right_arithmetic3A_487, %and3A_490], %broadcast_in_dim3A_401 masked %and3A_493 {add = true} : memref<2x32x1024xf32, #tpu.memory_space<vmem>>[vector<16xi32>, vector<16xi32>, vector<16xi32>], vector<16xf32>, vector<16xi1>
          %and3A_494 = arith.andi %lt3A_482, %eq3A_21 : vector<16xi1>
          tpu.vector_store_idx %arg5[%add3A_405, %shift_right_arithmetic3A_487, %and3A_490], %broadcast_in_dim3A_401 masked %and3A_494 {add = true} : memref<2x32x1024xf32, #tpu.memory_space<vmem>>[vector<16xi32>, vector<16xi32>, vector<16xi32>], vector<16xf32>, vector<16xi1>
          %and3A_495 = arith.andi %lt3A_482, %eq3A_24 : vector<16xi1>
          tpu.vector_store_idx %arg5[%add3A_405, %shift_right_arithmetic3A_487, %and3A_490], %broadcast_in_dim3A_401 masked %and3A_495 {add = true} : memref<2x32x1024xf32, #tpu.memory_space<vmem>>[vector<16xi32>, vector<16xi32>, vector<16xi32>], vector<16xf32>, vector<16xi1>
          %and3A_496 = arith.andi %lt3A_482, %eq3A_27 : vector<16xi1>
          tpu.vector_store_idx %arg5[%add3A_405, %shift_right_arithmetic3A_487, %and3A_490], %broadcast_in_dim3A_401 masked %and3A_496 {add = true} : memref<2x32x1024xf32, #tpu.memory_space<vmem>>[vector<16xi32>, vector<16xi32>, vector<16xi32>], vector<16xf32>, vector<16xi1>
          %and3A_497 = arith.andi %lt3A_482, %eq3A_30 : vector<16xi1>
          tpu.vector_store_idx %arg5[%add3A_405, %shift_right_arithmetic3A_487, %and3A_490], %broadcast_in_dim3A_401 masked %and3A_497 {add = true} : memref<2x32x1024xf32, #tpu.memory_space<vmem>>[vector<16xi32>, vector<16xi32>, vector<16xi32>], vector<16xf32>, vector<16xi1>
          %and3A_498 = arith.andi %lt3A_482, %eq3A_33 : vector<16xi1>
          tpu.vector_store_idx %arg5[%add3A_405, %shift_right_arithmetic3A_487, %and3A_490], %broadcast_in_dim3A_401 masked %and3A_498 {add = true} : memref<2x32x1024xf32, #tpu.memory_space<vmem>>[vector<16xi32>, vector<16xi32>, vector<16xi32>], vector<16xf32>, vector<16xi1>
          %and3A_499 = arith.andi %lt3A_482, %eq3A_36 : vector<16xi1>
          tpu.vector_store_idx %arg5[%add3A_405, %shift_right_arithmetic3A_487, %and3A_490], %broadcast_in_dim3A_401 masked %and3A_499 {add = true} : memref<2x32x1024xf32, #tpu.memory_space<vmem>>[vector<16xi32>, vector<16xi32>, vector<16xi32>], vector<16xf32>, vector<16xi1>
          %and3A_500 = arith.andi %lt3A_482, %eq3A_39 : vector<16xi1>
          tpu.vector_store_idx %arg5[%add3A_405, %shift_right_arithmetic3A_487, %and3A_490], %broadcast_in_dim3A_401 masked %and3A_500 {add = true} : memref<2x32x1024xf32, #tpu.memory_space<vmem>>[vector<16xi32>, vector<16xi32>, vector<16xi32>], vector<16xf32>, vector<16xi1>
          %and3A_501 = arith.andi %lt3A_482, %eq3A_42 : vector<16xi1>
          tpu.vector_store_idx %arg5[%add3A_405, %shift_right_arithmetic3A_487, %and3A_490], %broadcast_in_dim3A_401 masked %and3A_501 {add = true} : memref<2x32x1024xf32, #tpu.memory_space<vmem>>[vector<16xi32>, vector<16xi32>, vector<16xi32>], vector<16xf32>, vector<16xi1>
          %and3A_502 = arith.andi %lt3A_482, %eq3A_45 : vector<16xi1>
          tpu.vector_store_idx %arg5[%add3A_405, %shift_right_arithmetic3A_487, %and3A_490], %broadcast_in_dim3A_401 masked %and3A_502 {add = true} : memref<2x32x1024xf32, #tpu.memory_space<vmem>>[vector<16xi32>, vector<16xi32>, vector<16xi32>], vector<16xf32>, vector<16xi1>
          %and3A_503 = arith.andi %lt3A_482, %eq3A_48 : vector<16xi1>
          tpu.vector_store_idx %arg5[%add3A_405, %shift_right_arithmetic3A_487, %and3A_490], %broadcast_in_dim3A_401 masked %and3A_503 {add = true} : memref<2x32x1024xf32, #tpu.memory_space<vmem>>[vector<16xi32>, vector<16xi32>, vector<16xi32>], vector<16xf32>, vector<16xi1>
          %and3A_504 = arith.andi %lt3A_482, %eq3A_51 : vector<16xi1>
          tpu.vector_store_idx %arg5[%add3A_405, %shift_right_arithmetic3A_487, %and3A_490], %broadcast_in_dim3A_401 masked %and3A_504 {add = true} : memref<2x32x1024xf32, #tpu.memory_space<vmem>>[vector<16xi32>, vector<16xi32>, vector<16xi32>], vector<16xf32>, vector<16xi1>
          %and3A_505 = arith.andi %lt3A_482, %eq3A_54 : vector<16xi1>
          tpu.vector_store_idx %arg5[%add3A_405, %shift_right_arithmetic3A_487, %and3A_490], %broadcast_in_dim3A_401 masked %and3A_505 {add = true} : memref<2x32x1024xf32, #tpu.memory_space<vmem>>[vector<16xi32>, vector<16xi32>, vector<16xi32>], vector<16xf32>, vector<16xi1>
          %and3A_506 = arith.andi %lt3A_482, %eq3A_57 : vector<16xi1>
          tpu.vector_store_idx %arg5[%add3A_405, %shift_right_arithmetic3A_487, %and3A_490], %broadcast_in_dim3A_401 masked %and3A_506 {add = true} : memref<2x32x1024xf32, #tpu.memory_space<vmem>>[vector<16xi32>, vector<16xi32>, vector<16xi32>], vector<16xf32>, vector<16xi1>
        }
        %while3A_431 = arith.constant 1 : i32
        scf.for %while3A_471 = %while3A_429 to %while3A_425 step %while3A_431  : i32 {
          %add3A_472 = arith.constant 0 : i32
          %add3A_473 = arith.addi %add3A_472, %while3A_393 : i32
          %mul3A_474 = arith.constant 256 : i32
          %mul3A_475 = arith.muli %add3A_473, %mul3A_474 : i32
          %mul3A_476 = arith.constant 16 : i32
          %mul3A_477 = arith.muli %while3A_471, %mul3A_476 : i32
          %add3A_478 = arith.addi %mul3A_475, %mul3A_477 : i32
          %get3A_479 = arith.index_cast %add3A_478 : i32 to index
          %get3A_480 = tpu.vector_load %arg6[%get3A_479] {strides = array<i32>} : memref<50176xi32, #tpu.memory_space<vmem>>, vector<16xi32>,
          %lt3A_481 = vector.broadcast %while3A_471 : i32 to vector<16xi32>
          %lt3A_482 = arith.cmpi slt, %lt3A_481, %get3A_413 : vector<16xi32>
          %sub3A_483 = vector.broadcast %mul3A_407 : i32 to vector<16xi32>
          %sub3A_484 = arith.subi %get3A_480, %sub3A_483 : vector<16xi32>
          %shift_right_arithmetic3A_485 = arith.constant 10 : i32
          %shift_right_arithmetic3A_486 = vector.broadcast %shift_right_arithmetic3A_485 : i32 to vector<16xi32>
          %shift_right_arithmetic3A_487 = arith.shrsi %sub3A_484, %shift_right_arithmetic3A_486 : vector<16xi32>
          %and3A_488 = arith.constant 1023 : i32
          %and3A_489 = vector.broadcast %and3A_488 : i32 to vector<16xi32>
          %and3A_490 = arith.andi %sub3A_484, %and3A_489 : vector<16xi32>
          %and3A_491 = arith.andi %lt3A_482, %eq3A_12 : vector<16xi1>
          tpu.vector_store_idx %arg5[%add3A_405, %shift_right_arithmetic3A_487, %and3A_490], %broadcast_in_dim3A_401 masked %and3A_491 {add = true} : memref<2x32x1024xf32, #tpu.memory_space<vmem>>[vector<16xi32>, vector<16xi32>, vector<16xi32>], vector<16xf32>, vector<16xi1>
          %and3A_492 = arith.andi %lt3A_482, %eq3A_15 : vector<16xi1>
          tpu.vector_store_idx %arg5[%add3A_405, %shift_right_arithmetic3A_487, %and3A_490], %broadcast_in_dim3A_401 masked %and3A_492 {add = true} : memref<2x32x1024xf32, #tpu.memory_space<vmem>>[vector<16xi32>, vector<16xi32>, vector<16xi32>], vector<16xf32>, vector<16xi1>
          %and3A_493 = arith.andi %lt3A_482, %eq3A_18 : vector<16xi1>
          tpu.vector_store_idx %arg5[%add3A_405, %shift_right_arithmetic3A_487, %and3A_490], %broadcast_in_dim3A_401 masked %and3A_493 {add = true} : memref<2x32x1024xf32, #tpu.memory_space<vmem>>[vector<16xi32>, vector<16xi32>, vector<16xi32>], vector<16xf32>, vector<16xi1>
          %and3A_494 = arith.andi %lt3A_482, %eq3A_21 : vector<16xi1>
          tpu.vector_store_idx %arg5[%add3A_405, %shift_right_arithmetic3A_487, %and3A_490], %broadcast_in_dim3A_401 masked %and3A_494 {add = true} : memref<2x32x1024xf32, #tpu.memory_space<vmem>>[vector<16xi32>, vector<16xi32>, vector<16xi32>], vector<16xf32>, vector<16xi1>
          %and3A_495 = arith.andi %lt3A_482, %eq3A_24 : vector<16xi1>
          tpu.vector_store_idx %arg5[%add3A_405, %shift_right_arithmetic3A_487, %and3A_490], %broadcast_in_dim3A_401 masked %and3A_495 {add = true} : memref<2x32x1024xf32, #tpu.memory_space<vmem>>[vector<16xi32>, vector<16xi32>, vector<16xi32>], vector<16xf32>, vector<16xi1>
          %and3A_496 = arith.andi %lt3A_482, %eq3A_27 : vector<16xi1>
          tpu.vector_store_idx %arg5[%add3A_405, %shift_right_arithmetic3A_487, %and3A_490], %broadcast_in_dim3A_401 masked %and3A_496 {add = true} : memref<2x32x1024xf32, #tpu.memory_space<vmem>>[vector<16xi32>, vector<16xi32>, vector<16xi32>], vector<16xf32>, vector<16xi1>
          %and3A_497 = arith.andi %lt3A_482, %eq3A_30 : vector<16xi1>
          tpu.vector_store_idx %arg5[%add3A_405, %shift_right_arithmetic3A_487, %and3A_490], %broadcast_in_dim3A_401 masked %and3A_497 {add = true} : memref<2x32x1024xf32, #tpu.memory_space<vmem>>[vector<16xi32>, vector<16xi32>, vector<16xi32>], vector<16xf32>, vector<16xi1>
          %and3A_498 = arith.andi %lt3A_482, %eq3A_33 : vector<16xi1>
          tpu.vector_store_idx %arg5[%add3A_405, %shift_right_arithmetic3A_487, %and3A_490], %broadcast_in_dim3A_401 masked %and3A_498 {add = true} : memref<2x32x1024xf32, #tpu.memory_space<vmem>>[vector<16xi32>, vector<16xi32>, vector<16xi32>], vector<16xf32>, vector<16xi1>
          %and3A_499 = arith.andi %lt3A_482, %eq3A_36 : vector<16xi1>
          tpu.vector_store_idx %arg5[%add3A_405, %shift_right_arithmetic3A_487, %and3A_490], %broadcast_in_dim3A_401 masked %and3A_499 {add = true} : memref<2x32x1024xf32, #tpu.memory_space<vmem>>[vector<16xi32>, vector<16xi32>, vector<16xi32>], vector<16xf32>, vector<16xi1>
          %and3A_500 = arith.andi %lt3A_482, %eq3A_39 : vector<16xi1>
          tpu.vector_store_idx %arg5[%add3A_405, %shift_right_arithmetic3A_487, %and3A_490], %broadcast_in_dim3A_401 masked %and3A_500 {add = true} : memref<2x32x1024xf32, #tpu.memory_space<vmem>>[vector<16xi32>, vector<16xi32>, vector<16xi32>], vector<16xf32>, vector<16xi1>
          %and3A_501 = arith.andi %lt3A_482, %eq3A_42 : vector<16xi1>
          tpu.vector_store_idx %arg5[%add3A_405, %shift_right_arithmetic3A_487, %and3A_490], %broadcast_in_dim3A_401 masked %and3A_501 {add = true} : memref<2x32x1024xf32, #tpu.memory_space<vmem>>[vector<16xi32>, vector<16xi32>, vector<16xi32>], vector<16xf32>, vector<16xi1>
          %and3A_502 = arith.andi %lt3A_482, %eq3A_45 : vector<16xi1>
          tpu.vector_store_idx %arg5[%add3A_405, %shift_right_arithmetic3A_487, %and3A_490], %broadcast_in_dim3A_401 masked %and3A_502 {add = true} : memref<2x32x1024xf32, #tpu.memory_space<vmem>>[vector<16xi32>, vector<16xi32>, vector<16xi32>], vector<16xf32>, vector<16xi1>
          %and3A_503 = arith.andi %lt3A_482, %eq3A_48 : vector<16xi1>
          tpu.vector_store_idx %arg5[%add3A_405, %shift_right_arithmetic3A_487, %and3A_490], %broadcast_in_dim3A_401 masked %and3A_503 {add = true} : memref<2x32x1024xf32, #tpu.memory_space<vmem>>[vector<16xi32>, vector<16xi32>, vector<16xi32>], vector<16xf32>, vector<16xi1>
          %and3A_504 = arith.andi %lt3A_482, %eq3A_51 : vector<16xi1>
          tpu.vector_store_idx %arg5[%add3A_405, %shift_right_arithmetic3A_487, %and3A_490], %broadcast_in_dim3A_401 masked %and3A_504 {add = true} : memref<2x32x1024xf32, #tpu.memory_space<vmem>>[vector<16xi32>, vector<16xi32>, vector<16xi32>], vector<16xf32>, vector<16xi1>
          %and3A_505 = arith.andi %lt3A_482, %eq3A_54 : vector<16xi1>
          tpu.vector_store_idx %arg5[%add3A_405, %shift_right_arithmetic3A_487, %and3A_490], %broadcast_in_dim3A_401 masked %and3A_505 {add = true} : memref<2x32x1024xf32, #tpu.memory_space<vmem>>[vector<16xi32>, vector<16xi32>, vector<16xi32>], vector<16xf32>, vector<16xi1>
          %and3A_506 = arith.andi %lt3A_482, %eq3A_57 : vector<16xi1>
          tpu.vector_store_idx %arg5[%add3A_405, %shift_right_arithmetic3A_487, %and3A_490], %broadcast_in_dim3A_401 masked %and3A_506 {add = true} : memref<2x32x1024xf32, #tpu.memory_space<vmem>>[vector<16xi32>, vector<16xi32>, vector<16xi32>], vector<16xf32>, vector<16xi1>
        }
        %add3A_432 = arith.constant 98 : i32
        %add3A_433 = arith.addi %add3A_432, %while3A_393 : i32
        %mul3A_434 = arith.constant 16 : i32
        %mul3A_435 = arith.muli %add3A_433, %mul3A_434 : i32
        %get3A_436 = arith.index_cast %mul3A_435 : i32 to index
        %get3A_437 = tpu.vector_load %arg7[%get3A_436] {strides = array<i32>} : memref<3136xi32, #tpu.memory_space<vmem>>, vector<16xi32>,
        %reduce_max3A_438 = arith.constant true
        %reduce_max3A_439 = vector.broadcast %reduce_max3A_438 : i1 to vector<16xi1>
        %reduce_max3A_440 = arith.constant -2147483648 : i32
        %reduce_max3A_441 = vector.broadcast %reduce_max3A_440 : i32 to vector<16xi32>
        %reduce_max3A_442 = arith.xori %get3A_437, %reduce_max3A_441 : vector<16xi32>
        %reduce_max3A_443 = tpu.scan <max>, %reduce_max3A_442 masked %reduce_max3A_439 : vector<16xi32>, vector<16xi1> -> vector<16xi32>
        %reduce_max3A_444 = arith.xori %reduce_max3A_443, %reduce_max3A_441 : vector<16xi32>
        %reduce_max3A_445 = vector.extract %reduce_max3A_444[15] : i32 from vector<16xi32>
        %while3A_446 = arith.constant 0 : i32
        %while3A_447 = arith.constant 0 : i32
        %while3A_448 = arith.subi %reduce_max3A_445, %while3A_447 : i32
        %while3A_449 = arith.addi %while3A_447, %while3A_448 : i32
        %while3A_450 = arith.constant 1 : i32
        %while3A_451 = arith.divsi %while3A_448, %while3A_450 : i32
        %while3A_452 = arith.muli %while3A_451, %while3A_450 : i32
        %while3A_453 = arith.addi %while3A_447, %while3A_452 : i32
        %while3A_454 = arith.constant 1 : i32
        scf.for %while3A_471 = %while3A_447 to %while3A_453 step %while3A_454  : i32 {
          %add3A_472 = arith.constant 98 : i32
          %add3A_473 = arith.addi %add3A_472, %while3A_393 : i32
          %mul3A_474 = arith.constant 256 : i32
          %mul3A_475 = arith.muli %add3A_473, %mul3A_474 : i32
          %mul3A_476 = arith.constant 16 : i32
          %mul3A_477 = arith.muli %while3A_471, %mul3A_476 : i32
          %add3A_478 = arith.addi %mul3A_475, %mul3A_477 : i32
          %get3A_479 = arith.index_cast %add3A_478 : i32 to index
          %get3A_480 = tpu.vector_load %arg6[%get3A_479] {strides = array<i32>} : memref<50176xi32, #tpu.memory_space<vmem>>, vector<16xi32>,
          %lt3A_481 = vector.broadcast %while3A_471 : i32 to vector<16xi32>
          %lt3A_482 = arith.cmpi slt, %lt3A_481, %get3A_437 : vector<16xi32>
          %sub3A_483 = vector.broadcast %mul3A_407 : i32 to vector<16xi32>
          %sub3A_484 = arith.subi %get3A_480, %sub3A_483 : vector<16xi32>
          %shift_right_arithmetic3A_485 = arith.constant 10 : i32
          %shift_right_arithmetic3A_486 = vector.broadcast %shift_right_arithmetic3A_485 : i32 to vector<16xi32>
          %shift_right_arithmetic3A_487 = arith.shrsi %sub3A_484, %shift_right_arithmetic3A_486 : vector<16xi32>
          %and3A_488 = arith.constant 1023 : i32
          %and3A_489 = vector.broadcast %and3A_488 : i32 to vector<16xi32>
          %and3A_490 = arith.andi %sub3A_484, %and3A_489 : vector<16xi32>
          %and3A_491 = arith.andi %lt3A_482, %eq3A_12 : vector<16xi1>
          tpu.vector_store_idx %arg5[%add3A_405, %shift_right_arithmetic3A_487, %and3A_490], %broadcast_in_dim3A_401 masked %and3A_491 {add = true} : memref<2x32x1024xf32, #tpu.memory_space<vmem>>[vector<16xi32>, vector<16xi32>, vector<16xi32>], vector<16xf32>, vector<16xi1>
          %and3A_492 = arith.andi %lt3A_482, %eq3A_15 : vector<16xi1>
          tpu.vector_store_idx %arg5[%add3A_405, %shift_right_arithmetic3A_487, %and3A_490], %broadcast_in_dim3A_401 masked %and3A_492 {add = true} : memref<2x32x1024xf32, #tpu.memory_space<vmem>>[vector<16xi32>, vector<16xi32>, vector<16xi32>], vector<16xf32>, vector<16xi1>
          %and3A_493 = arith.andi %lt3A_482, %eq3A_18 : vector<16xi1>
          tpu.vector_store_idx %arg5[%add3A_405, %shift_right_arithmetic3A_487, %and3A_490], %broadcast_in_dim3A_401 masked %and3A_493 {add = true} : memref<2x32x1024xf32, #tpu.memory_space<vmem>>[vector<16xi32>, vector<16xi32>, vector<16xi32>], vector<16xf32>, vector<16xi1>
          %and3A_494 = arith.andi %lt3A_482, %eq3A_21 : vector<16xi1>
          tpu.vector_store_idx %arg5[%add3A_405, %shift_right_arithmetic3A_487, %and3A_490], %broadcast_in_dim3A_401 masked %and3A_494 {add = true} : memref<2x32x1024xf32, #tpu.memory_space<vmem>>[vector<16xi32>, vector<16xi32>, vector<16xi32>], vector<16xf32>, vector<16xi1>
          %and3A_495 = arith.andi %lt3A_482, %eq3A_24 : vector<16xi1>
          tpu.vector_store_idx %arg5[%add3A_405, %shift_right_arithmetic3A_487, %and3A_490], %broadcast_in_dim3A_401 masked %and3A_495 {add = true} : memref<2x32x1024xf32, #tpu.memory_space<vmem>>[vector<16xi32>, vector<16xi32>, vector<16xi32>], vector<16xf32>, vector<16xi1>
          %and3A_496 = arith.andi %lt3A_482, %eq3A_27 : vector<16xi1>
          tpu.vector_store_idx %arg5[%add3A_405, %shift_right_arithmetic3A_487, %and3A_490], %broadcast_in_dim3A_401 masked %and3A_496 {add = true} : memref<2x32x1024xf32, #tpu.memory_space<vmem>>[vector<16xi32>, vector<16xi32>, vector<16xi32>], vector<16xf32>, vector<16xi1>
          %and3A_497 = arith.andi %lt3A_482, %eq3A_30 : vector<16xi1>
          tpu.vector_store_idx %arg5[%add3A_405, %shift_right_arithmetic3A_487, %and3A_490], %broadcast_in_dim3A_401 masked %and3A_497 {add = true} : memref<2x32x1024xf32, #tpu.memory_space<vmem>>[vector<16xi32>, vector<16xi32>, vector<16xi32>], vector<16xf32>, vector<16xi1>
          %and3A_498 = arith.andi %lt3A_482, %eq3A_33 : vector<16xi1>
          tpu.vector_store_idx %arg5[%add3A_405, %shift_right_arithmetic3A_487, %and3A_490], %broadcast_in_dim3A_401 masked %and3A_498 {add = true} : memref<2x32x1024xf32, #tpu.memory_space<vmem>>[vector<16xi32>, vector<16xi32>, vector<16xi32>], vector<16xf32>, vector<16xi1>
          %and3A_499 = arith.andi %lt3A_482, %eq3A_36 : vector<16xi1>
          tpu.vector_store_idx %arg5[%add3A_405, %shift_right_arithmetic3A_487, %and3A_490], %broadcast_in_dim3A_401 masked %and3A_499 {add = true} : memref<2x32x1024xf32, #tpu.memory_space<vmem>>[vector<16xi32>, vector<16xi32>, vector<16xi32>], vector<16xf32>, vector<16xi1>
          %and3A_500 = arith.andi %lt3A_482, %eq3A_39 : vector<16xi1>
          tpu.vector_store_idx %arg5[%add3A_405, %shift_right_arithmetic3A_487, %and3A_490], %broadcast_in_dim3A_401 masked %and3A_500 {add = true} : memref<2x32x1024xf32, #tpu.memory_space<vmem>>[vector<16xi32>, vector<16xi32>, vector<16xi32>], vector<16xf32>, vector<16xi1>
          %and3A_501 = arith.andi %lt3A_482, %eq3A_42 : vector<16xi1>
          tpu.vector_store_idx %arg5[%add3A_405, %shift_right_arithmetic3A_487, %and3A_490], %broadcast_in_dim3A_401 masked %and3A_501 {add = true} : memref<2x32x1024xf32, #tpu.memory_space<vmem>>[vector<16xi32>, vector<16xi32>, vector<16xi32>], vector<16xf32>, vector<16xi1>
          %and3A_502 = arith.andi %lt3A_482, %eq3A_45 : vector<16xi1>
          tpu.vector_store_idx %arg5[%add3A_405, %shift_right_arithmetic3A_487, %and3A_490], %broadcast_in_dim3A_401 masked %and3A_502 {add = true} : memref<2x32x1024xf32, #tpu.memory_space<vmem>>[vector<16xi32>, vector<16xi32>, vector<16xi32>], vector<16xf32>, vector<16xi1>
          %and3A_503 = arith.andi %lt3A_482, %eq3A_48 : vector<16xi1>
          tpu.vector_store_idx %arg5[%add3A_405, %shift_right_arithmetic3A_487, %and3A_490], %broadcast_in_dim3A_401 masked %and3A_503 {add = true} : memref<2x32x1024xf32, #tpu.memory_space<vmem>>[vector<16xi32>, vector<16xi32>, vector<16xi32>], vector<16xf32>, vector<16xi1>
          %and3A_504 = arith.andi %lt3A_482, %eq3A_51 : vector<16xi1>
          tpu.vector_store_idx %arg5[%add3A_405, %shift_right_arithmetic3A_487, %and3A_490], %broadcast_in_dim3A_401 masked %and3A_504 {add = true} : memref<2x32x1024xf32, #tpu.memory_space<vmem>>[vector<16xi32>, vector<16xi32>, vector<16xi32>], vector<16xf32>, vector<16xi1>
          %and3A_505 = arith.andi %lt3A_482, %eq3A_54 : vector<16xi1>
          tpu.vector_store_idx %arg5[%add3A_405, %shift_right_arithmetic3A_487, %and3A_490], %broadcast_in_dim3A_401 masked %and3A_505 {add = true} : memref<2x32x1024xf32, #tpu.memory_space<vmem>>[vector<16xi32>, vector<16xi32>, vector<16xi32>], vector<16xf32>, vector<16xi1>
          %and3A_506 = arith.andi %lt3A_482, %eq3A_57 : vector<16xi1>
          tpu.vector_store_idx %arg5[%add3A_405, %shift_right_arithmetic3A_487, %and3A_490], %broadcast_in_dim3A_401 masked %and3A_506 {add = true} : memref<2x32x1024xf32, #tpu.memory_space<vmem>>[vector<16xi32>, vector<16xi32>, vector<16xi32>], vector<16xf32>, vector<16xi1>
        }
        %while3A_455 = arith.constant 1 : i32
        scf.for %while3A_471 = %while3A_453 to %while3A_449 step %while3A_455  : i32 {
          %add3A_472 = arith.constant 98 : i32
          %add3A_473 = arith.addi %add3A_472, %while3A_393 : i32
          %mul3A_474 = arith.constant 256 : i32
          %mul3A_475 = arith.muli %add3A_473, %mul3A_474 : i32
          %mul3A_476 = arith.constant 16 : i32
          %mul3A_477 = arith.muli %while3A_471, %mul3A_476 : i32
          %add3A_478 = arith.addi %mul3A_475, %mul3A_477 : i32
          %get3A_479 = arith.index_cast %add3A_478 : i32 to index
          %get3A_480 = tpu.vector_load %arg6[%get3A_479] {strides = array<i32>} : memref<50176xi32, #tpu.memory_space<vmem>>, vector<16xi32>,
          %lt3A_481 = vector.broadcast %while3A_471 : i32 to vector<16xi32>
          %lt3A_482 = arith.cmpi slt, %lt3A_481, %get3A_437 : vector<16xi32>
          %sub3A_483 = vector.broadcast %mul3A_407 : i32 to vector<16xi32>
          %sub3A_484 = arith.subi %get3A_480, %sub3A_483 : vector<16xi32>
          %shift_right_arithmetic3A_485 = arith.constant 10 : i32
          %shift_right_arithmetic3A_486 = vector.broadcast %shift_right_arithmetic3A_485 : i32 to vector<16xi32>
          %shift_right_arithmetic3A_487 = arith.shrsi %sub3A_484, %shift_right_arithmetic3A_486 : vector<16xi32>
          %and3A_488 = arith.constant 1023 : i32
          %and3A_489 = vector.broadcast %and3A_488 : i32 to vector<16xi32>
          %and3A_490 = arith.andi %sub3A_484, %and3A_489 : vector<16xi32>
          %and3A_491 = arith.andi %lt3A_482, %eq3A_12 : vector<16xi1>
          tpu.vector_store_idx %arg5[%add3A_405, %shift_right_arithmetic3A_487, %and3A_490], %broadcast_in_dim3A_401 masked %and3A_491 {add = true} : memref<2x32x1024xf32, #tpu.memory_space<vmem>>[vector<16xi32>, vector<16xi32>, vector<16xi32>], vector<16xf32>, vector<16xi1>
          %and3A_492 = arith.andi %lt3A_482, %eq3A_15 : vector<16xi1>
          tpu.vector_store_idx %arg5[%add3A_405, %shift_right_arithmetic3A_487, %and3A_490], %broadcast_in_dim3A_401 masked %and3A_492 {add = true} : memref<2x32x1024xf32, #tpu.memory_space<vmem>>[vector<16xi32>, vector<16xi32>, vector<16xi32>], vector<16xf32>, vector<16xi1>
          %and3A_493 = arith.andi %lt3A_482, %eq3A_18 : vector<16xi1>
          tpu.vector_store_idx %arg5[%add3A_405, %shift_right_arithmetic3A_487, %and3A_490], %broadcast_in_dim3A_401 masked %and3A_493 {add = true} : memref<2x32x1024xf32, #tpu.memory_space<vmem>>[vector<16xi32>, vector<16xi32>, vector<16xi32>], vector<16xf32>, vector<16xi1>
          %and3A_494 = arith.andi %lt3A_482, %eq3A_21 : vector<16xi1>
          tpu.vector_store_idx %arg5[%add3A_405, %shift_right_arithmetic3A_487, %and3A_490], %broadcast_in_dim3A_401 masked %and3A_494 {add = true} : memref<2x32x1024xf32, #tpu.memory_space<vmem>>[vector<16xi32>, vector<16xi32>, vector<16xi32>], vector<16xf32>, vector<16xi1>
          %and3A_495 = arith.andi %lt3A_482, %eq3A_24 : vector<16xi1>
          tpu.vector_store_idx %arg5[%add3A_405, %shift_right_arithmetic3A_487, %and3A_490], %broadcast_in_dim3A_401 masked %and3A_495 {add = true} : memref<2x32x1024xf32, #tpu.memory_space<vmem>>[vector<16xi32>, vector<16xi32>, vector<16xi32>], vector<16xf32>, vector<16xi1>
          %and3A_496 = arith.andi %lt3A_482, %eq3A_27 : vector<16xi1>
          tpu.vector_store_idx %arg5[%add3A_405, %shift_right_arithmetic3A_487, %and3A_490], %broadcast_in_dim3A_401 masked %and3A_496 {add = true} : memref<2x32x1024xf32, #tpu.memory_space<vmem>>[vector<16xi32>, vector<16xi32>, vector<16xi32>], vector<16xf32>, vector<16xi1>
          %and3A_497 = arith.andi %lt3A_482, %eq3A_30 : vector<16xi1>
          tpu.vector_store_idx %arg5[%add3A_405, %shift_right_arithmetic3A_487, %and3A_490], %broadcast_in_dim3A_401 masked %and3A_497 {add = true} : memref<2x32x1024xf32, #tpu.memory_space<vmem>>[vector<16xi32>, vector<16xi32>, vector<16xi32>], vector<16xf32>, vector<16xi1>
          %and3A_498 = arith.andi %lt3A_482, %eq3A_33 : vector<16xi1>
          tpu.vector_store_idx %arg5[%add3A_405, %shift_right_arithmetic3A_487, %and3A_490], %broadcast_in_dim3A_401 masked %and3A_498 {add = true} : memref<2x32x1024xf32, #tpu.memory_space<vmem>>[vector<16xi32>, vector<16xi32>, vector<16xi32>], vector<16xf32>, vector<16xi1>
          %and3A_499 = arith.andi %lt3A_482, %eq3A_36 : vector<16xi1>
          tpu.vector_store_idx %arg5[%add3A_405, %shift_right_arithmetic3A_487, %and3A_490], %broadcast_in_dim3A_401 masked %and3A_499 {add = true} : memref<2x32x1024xf32, #tpu.memory_space<vmem>>[vector<16xi32>, vector<16xi32>, vector<16xi32>], vector<16xf32>, vector<16xi1>
          %and3A_500 = arith.andi %lt3A_482, %eq3A_39 : vector<16xi1>
          tpu.vector_store_idx %arg5[%add3A_405, %shift_right_arithmetic3A_487, %and3A_490], %broadcast_in_dim3A_401 masked %and3A_500 {add = true} : memref<2x32x1024xf32, #tpu.memory_space<vmem>>[vector<16xi32>, vector<16xi32>, vector<16xi32>], vector<16xf32>, vector<16xi1>
          %and3A_501 = arith.andi %lt3A_482, %eq3A_42 : vector<16xi1>
          tpu.vector_store_idx %arg5[%add3A_405, %shift_right_arithmetic3A_487, %and3A_490], %broadcast_in_dim3A_401 masked %and3A_501 {add = true} : memref<2x32x1024xf32, #tpu.memory_space<vmem>>[vector<16xi32>, vector<16xi32>, vector<16xi32>], vector<16xf32>, vector<16xi1>
          %and3A_502 = arith.andi %lt3A_482, %eq3A_45 : vector<16xi1>
          tpu.vector_store_idx %arg5[%add3A_405, %shift_right_arithmetic3A_487, %and3A_490], %broadcast_in_dim3A_401 masked %and3A_502 {add = true} : memref<2x32x1024xf32, #tpu.memory_space<vmem>>[vector<16xi32>, vector<16xi32>, vector<16xi32>], vector<16xf32>, vector<16xi1>
          %and3A_503 = arith.andi %lt3A_482, %eq3A_48 : vector<16xi1>
          tpu.vector_store_idx %arg5[%add3A_405, %shift_right_arithmetic3A_487, %and3A_490], %broadcast_in_dim3A_401 masked %and3A_503 {add = true} : memref<2x32x1024xf32, #tpu.memory_space<vmem>>[vector<16xi32>, vector<16xi32>, vector<16xi32>], vector<16xf32>, vector<16xi1>
          %and3A_504 = arith.andi %lt3A_482, %eq3A_51 : vector<16xi1>
          tpu.vector_store_idx %arg5[%add3A_405, %shift_right_arithmetic3A_487, %and3A_490], %broadcast_in_dim3A_401 masked %and3A_504 {add = true} : memref<2x32x1024xf32, #tpu.memory_space<vmem>>[vector<16xi32>, vector<16xi32>, vector<16xi32>], vector<16xf32>, vector<16xi1>
          %and3A_505 = arith.andi %lt3A_482, %eq3A_54 : vector<16xi1>
          tpu.vector_store_idx %arg5[%add3A_405, %shift_right_arithmetic3A_487, %and3A_490], %broadcast_in_dim3A_401 masked %and3A_505 {add = true} : memref<2x32x1024xf32, #tpu.memory_space<vmem>>[vector<16xi32>, vector<16xi32>, vector<16xi32>], vector<16xf32>, vector<16xi1>
          %and3A_506 = arith.andi %lt3A_482, %eq3A_57 : vector<16xi1>
          tpu.vector_store_idx %arg5[%add3A_405, %shift_right_arithmetic3A_487, %and3A_490], %broadcast_in_dim3A_401 masked %and3A_506 {add = true} : memref<2x32x1024xf32, #tpu.memory_space<vmem>>[vector<16xi32>, vector<16xi32>, vector<16xi32>], vector<16xf32>, vector<16xi1>
        }
        %mul3A_456 = arith.constant 32 : i32
        %mul3A_457 = arith.muli %while3A_393, %mul3A_456 : i32
        %add3A_458 = arith.addi %mul3A_2, %mul3A_457 : i32
        %dma_start3A_459 = arith.constant 0 : i32
        %dma_start3A_460 = arith.constant 0 : i32
        %dma_start3A_461 = tpu.memref_slice %arg5[%and3A_395, %dma_start3A_459, %dma_start3A_460] : memref<2x32x1024xf32, #tpu.memory_space<vmem>> -> memref<1x32x1024xf32, #tpu.memory_space<vmem>>
        %dma_start3A_462 = tpu.memref_squeeze %dma_start3A_461 : memref<1x32x1024xf32, #tpu.memory_space<vmem>> -> memref<32x1024xf32, #tpu.memory_space<vmem>>
        %dma_start3A_463 = arith.constant 0 : i32
        %dma_start3A_464 = tpu.memref_slice %arg3[%add3A_458, %dma_start3A_463] : memref<100000x1024xf32, #tpu.memory_space<hbm>> -> memref<32x1024xf32, #tpu.memory_space<hbm>>
        %dma_start3A_465 = arith.constant 0 : i32
        %dma_start3A_466 = tpu.memref_slice %arg3[%add3A_458, %dma_start3A_465] : memref<100000x1024xf32, #tpu.memory_space<hbm>> -> memref<32x1024xf32, #tpu.memory_space<hbm>>
        %dma_start3A_467 = arith.constant 0 : i32
        %dma_start3A_468 = arith.constant 0 : i32
        %dma_start3A_469 = tpu.memref_slice %arg5[%and3A_395, %dma_start3A_467, %dma_start3A_468] : memref<2x32x1024xf32, #tpu.memory_space<vmem>> -> memref<1x32x1024xf32, #tpu.memory_space<vmem>>
        %dma_start3A_470 = tpu.memref_squeeze %dma_start3A_469 : memref<1x32x1024xf32, #tpu.memory_space<vmem>> -> memref<32x1024xf32, #tpu.memory_space<vmem>>
        tpu.enqueue_dma source(%dma_start3A_470 : memref<32x1024xf32, #tpu.memory_space<vmem>>) target(%dma_start3A_466 : memref<32x1024xf32, #tpu.memory_space<hbm>>) target_semaphore(%arg8 : memref<!tpu.dma_semaphore, #tpu.memory_space<semaphore_mem>>)
      }
      %while3A_116 = arith.constant 1 : i32
      scf.for %while3A_393 = %while3A_114 to %while3A_110 step %while3A_116  : i32 {
        %and3A_394 = arith.constant 1 : i32
        %and3A_395 = arith.andi %while3A_393, %and3A_394 : i32
        %ge3A = arith.constant 2 : i32
        %ge3A_396 = arith.cmpi sge, %while3A_393, %ge3A : i32
        %convert_element_type3A_397 = arith.extui %ge3A_396 : i1 to i32
        %cond3A_398 = arith.constant 0 : i32
        %cond3A_399 = arith.cmpi ne, %convert_element_type3A_397, %cond3A_398 : i32
        scf.if %cond3A_399 {
          %sub3A_471 = arith.constant 2 : i32
          %sub3A_472 = arith.subi %while3A_393, %sub3A_471 : i32
          %mul3A_473 = arith.constant 32 : i32
          %mul3A_474 = arith.muli %sub3A_472, %mul3A_473 : i32
          %add3A_475 = arith.addi %mul3A_2, %mul3A_474 : i32
          %dma_wait3A_476 = arith.constant 0 : i32
          %dma_wait3A_477 = arith.constant 0 : i32
          %dma_wait3A_478 = tpu.memref_slice %arg5[%and3A_395, %dma_wait3A_476, %dma_wait3A_477] : memref<2x32x1024xf32, #tpu.memory_space<vmem>> -> memref<1x32x1024xf32, #tpu.memory_space<vmem>>
          %dma_wait3A_479 = tpu.memref_squeeze %dma_wait3A_478 : memref<1x32x1024xf32, #tpu.memory_space<vmem>> -> memref<32x1024xf32, #tpu.memory_space<vmem>>
          %dma_wait3A_480 = arith.constant 0 : i32
          %dma_wait3A_481 = tpu.memref_slice %arg3[%add3A_475, %dma_wait3A_480] : memref<100000x1024xf32, #tpu.memory_space<hbm>> -> memref<32x1024xf32, #tpu.memory_space<hbm>>
          %dma_wait3A_482 = arith.constant 0 : i32
          %dma_wait3A_483 = tpu.memref_slice %arg3[%add3A_475, %dma_wait3A_482] : memref<100000x1024xf32, #tpu.memory_space<hbm>> -> memref<32x1024xf32, #tpu.memory_space<hbm>>
          %dma_wait3A_484 = arith.constant 0 : i32
          %dma_wait3A_485 = arith.constant 0 : i32
          %dma_wait3A_486 = tpu.memref_slice %arg5[%and3A_395, %dma_wait3A_484, %dma_wait3A_485] : memref<2x32x1024xf32, #tpu.memory_space<vmem>> -> memref<1x32x1024xf32, #tpu.memory_space<vmem>>
          %dma_wait3A_487 = tpu.memref_squeeze %dma_wait3A_486 : memref<1x32x1024xf32, #tpu.memory_space<vmem>> -> memref<32x1024xf32, #tpu.memory_space<vmem>>
          tpu.wait_dma2 semaphore(%arg8 : memref<!tpu.dma_semaphore, #tpu.memory_space<semaphore_mem>>) src(%dma_wait3A_487 : memref<32x1024xf32, #tpu.memory_space<vmem>>) dst(%dma_wait3A_483 : memref<32x1024xf32, #tpu.memory_space<hbm>>)
          %sub3A_488 = arith.constant 2 : i32
          %sub3A_489 = arith.subi %while3A_393, %sub3A_488 : i32
          %broadcast_in_dim3A_490 = arith.constant -1.000000e+00 : f32
          %broadcast_in_dim3A_491 = vector.broadcast %broadcast_in_dim3A_490 : f32 to vector<16xf32>
          %broadcast_in_dim3A_492 = arith.constant 0 : i32
          %broadcast_in_dim3A_493 = vector.broadcast %broadcast_in_dim3A_492 : i32 to vector<16xi32>
          %add3A_494 = vector.broadcast %and3A_395 : i32 to vector<16xi32>
          %add3A_495 = arith.addi %broadcast_in_dim3A_493, %add3A_494 : vector<16xi32>
          %mul3A_496 = arith.constant 32768 : i32
          %mul3A_497 = arith.muli %sub3A_489, %mul3A_496 : i32
          %add3A_498 = arith.constant 0 : i32
          %add3A_499 = arith.addi %add3A_498, %sub3A_489 : i32
          %mul3A_500 = arith.constant 16 : i32
          %mul3A_501 = arith.muli %add3A_499, %mul3A_500 : i32
          %get3A_502 = arith.index_cast %mul3A_501 : i32 to index
          %get3A_503 = tpu.vector_load %arg7[%get3A_502] {strides = array<i32>} : memref<3136xi32, #tpu.memory_space<vmem>>, vector<16xi32>,
          %reduce_max3A_504 = arith.constant true
          %reduce_max3A_505 = vector.broadcast %reduce_max3A_504 : i1 to vector<16xi1>
          %reduce_max3A_506 = arith.constant -2147483648 : i32
          %reduce_max3A_507 = vector.broadcast %reduce_max3A_506 : i32 to vector<16xi32>
          %reduce_max3A_508 = arith.xori %get3A_503, %reduce_max3A_507 : vector<16xi32>
          %reduce_max3A_509 = tpu.scan <max>, %reduce_max3A_508 masked %reduce_max3A_505 : vector<16xi32>, vector<16xi1> -> vector<16xi32>
          %reduce_max3A_510 = arith.xori %reduce_max3A_509, %reduce_max3A_507 : vector<16xi32>
          %reduce_max3A_511 = vector.extract %reduce_max3A_510[15] : i32 from vector<16xi32>
          %while3A_512 = arith.constant 0 : i32
          %while3A_513 = arith.constant 0 : i32
          %while3A_514 = arith.subi %reduce_max3A_511, %while3A_513 : i32
          %while3A_515 = arith.addi %while3A_513, %while3A_514 : i32
          %while3A_516 = arith.constant 1 : i32
          %while3A_517 = arith.divsi %while3A_514, %while3A_516 : i32
          %while3A_518 = arith.muli %while3A_517, %while3A_516 : i32
          %while3A_519 = arith.addi %while3A_513, %while3A_518 : i32
          %while3A_520 = arith.constant 1 : i32
          scf.for %while3A_546 = %while3A_513 to %while3A_519 step %while3A_520  : i32 {
            %add3A_547 = arith.constant 0 : i32
            %add3A_548 = arith.addi %add3A_547, %sub3A_489 : i32
            %mul3A_549 = arith.constant 256 : i32
            %mul3A_550 = arith.muli %add3A_548, %mul3A_549 : i32
            %mul3A_551 = arith.constant 16 : i32
            %mul3A_552 = arith.muli %while3A_546, %mul3A_551 : i32
            %add3A_553 = arith.addi %mul3A_550, %mul3A_552 : i32
            %get3A_554 = arith.index_cast %add3A_553 : i32 to index
            %get3A_555 = tpu.vector_load %arg6[%get3A_554] {strides = array<i32>} : memref<50176xi32, #tpu.memory_space<vmem>>, vector<16xi32>,
            %lt3A_556 = vector.broadcast %while3A_546 : i32 to vector<16xi32>
            %lt3A_557 = arith.cmpi slt, %lt3A_556, %get3A_503 : vector<16xi32>
            %sub3A_558 = vector.broadcast %mul3A_497 : i32 to vector<16xi32>
            %sub3A_559 = arith.subi %get3A_555, %sub3A_558 : vector<16xi32>
            %shift_right_arithmetic3A_560 = arith.constant 10 : i32
            %shift_right_arithmetic3A_561 = vector.broadcast %shift_right_arithmetic3A_560 : i32 to vector<16xi32>
            %shift_right_arithmetic3A_562 = arith.shrsi %sub3A_559, %shift_right_arithmetic3A_561 : vector<16xi32>
            %and3A_563 = arith.constant 1023 : i32
            %and3A_564 = vector.broadcast %and3A_563 : i32 to vector<16xi32>
            %and3A_565 = arith.andi %sub3A_559, %and3A_564 : vector<16xi32>
            %and3A_566 = arith.andi %lt3A_557, %eq3A_12 : vector<16xi1>
            tpu.vector_store_idx %arg5[%add3A_495, %shift_right_arithmetic3A_562, %and3A_565], %broadcast_in_dim3A_491 masked %and3A_566 {add = true} : memref<2x32x1024xf32, #tpu.memory_space<vmem>>[vector<16xi32>, vector<16xi32>, vector<16xi32>], vector<16xf32>, vector<16xi1>
            %and3A_567 = arith.andi %lt3A_557, %eq3A_15 : vector<16xi1>
            tpu.vector_store_idx %arg5[%add3A_495, %shift_right_arithmetic3A_562, %and3A_565], %broadcast_in_dim3A_491 masked %and3A_567 {add = true} : memref<2x32x1024xf32, #tpu.memory_space<vmem>>[vector<16xi32>, vector<16xi32>, vector<16xi32>], vector<16xf32>, vector<16xi1>
            %and3A_568 = arith.andi %lt3A_557, %eq3A_18 : vector<16xi1>
            tpu.vector_store_idx %arg5[%add3A_495, %shift_right_arithmetic3A_562, %and3A_565], %broadcast_in_dim3A_491 masked %and3A_568 {add = true} : memref<2x32x1024xf32, #tpu.memory_space<vmem>>[vector<16xi32>, vector<16xi32>, vector<16xi32>], vector<16xf32>, vector<16xi1>
            %and3A_569 = arith.andi %lt3A_557, %eq3A_21 : vector<16xi1>
            tpu.vector_store_idx %arg5[%add3A_495, %shift_right_arithmetic3A_562, %and3A_565], %broadcast_in_dim3A_491 masked %and3A_569 {add = true} : memref<2x32x1024xf32, #tpu.memory_space<vmem>>[vector<16xi32>, vector<16xi32>, vector<16xi32>], vector<16xf32>, vector<16xi1>
            %and3A_570 = arith.andi %lt3A_557, %eq3A_24 : vector<16xi1>
            tpu.vector_store_idx %arg5[%add3A_495, %shift_right_arithmetic3A_562, %and3A_565], %broadcast_in_dim3A_491 masked %and3A_570 {add = true} : memref<2x32x1024xf32, #tpu.memory_space<vmem>>[vector<16xi32>, vector<16xi32>, vector<16xi32>], vector<16xf32>, vector<16xi1>
            %and3A_571 = arith.andi %lt3A_557, %eq3A_27 : vector<16xi1>
            tpu.vector_store_idx %arg5[%add3A_495, %shift_right_arithmetic3A_562, %and3A_565], %broadcast_in_dim3A_491 masked %and3A_571 {add = true} : memref<2x32x1024xf32, #tpu.memory_space<vmem>>[vector<16xi32>, vector<16xi32>, vector<16xi32>], vector<16xf32>, vector<16xi1>
            %and3A_572 = arith.andi %lt3A_557, %eq3A_30 : vector<16xi1>
            tpu.vector_store_idx %arg5[%add3A_495, %shift_right_arithmetic3A_562, %and3A_565], %broadcast_in_dim3A_491 masked %and3A_572 {add = true} : memref<2x32x1024xf32, #tpu.memory_space<vmem>>[vector<16xi32>, vector<16xi32>, vector<16xi32>], vector<16xf32>, vector<16xi1>
            %and3A_573 = arith.andi %lt3A_557, %eq3A_33 : vector<16xi1>
            tpu.vector_store_idx %arg5[%add3A_495, %shift_right_arithmetic3A_562, %and3A_565], %broadcast_in_dim3A_491 masked %and3A_573 {add = true} : memref<2x32x1024xf32, #tpu.memory_space<vmem>>[vector<16xi32>, vector<16xi32>, vector<16xi32>], vector<16xf32>, vector<16xi1>
            %and3A_574 = arith.andi %lt3A_557, %eq3A_36 : vector<16xi1>
            tpu.vector_store_idx %arg5[%add3A_495, %shift_right_arithmetic3A_562, %and3A_565], %broadcast_in_dim3A_491 masked %and3A_574 {add = true} : memref<2x32x1024xf32, #tpu.memory_space<vmem>>[vector<16xi32>, vector<16xi32>, vector<16xi32>], vector<16xf32>, vector<16xi1>
            %and3A_575 = arith.andi %lt3A_557, %eq3A_39 : vector<16xi1>
            tpu.vector_store_idx %arg5[%add3A_495, %shift_right_arithmetic3A_562, %and3A_565], %broadcast_in_dim3A_491 masked %and3A_575 {add = true} : memref<2x32x1024xf32, #tpu.memory_space<vmem>>[vector<16xi32>, vector<16xi32>, vector<16xi32>], vector<16xf32>, vector<16xi1>
            %and3A_576 = arith.andi %lt3A_557, %eq3A_42 : vector<16xi1>
            tpu.vector_store_idx %arg5[%add3A_495, %shift_right_arithmetic3A_562, %and3A_565], %broadcast_in_dim3A_491 masked %and3A_576 {add = true} : memref<2x32x1024xf32, #tpu.memory_space<vmem>>[vector<16xi32>, vector<16xi32>, vector<16xi32>], vector<16xf32>, vector<16xi1>
            %and3A_577 = arith.andi %lt3A_557, %eq3A_45 : vector<16xi1>
            tpu.vector_store_idx %arg5[%add3A_495, %shift_right_arithmetic3A_562, %and3A_565], %broadcast_in_dim3A_491 masked %and3A_577 {add = true} : memref<2x32x1024xf32, #tpu.memory_space<vmem>>[vector<16xi32>, vector<16xi32>, vector<16xi32>], vector<16xf32>, vector<16xi1>
            %and3A_578 = arith.andi %lt3A_557, %eq3A_48 : vector<16xi1>
            tpu.vector_store_idx %arg5[%add3A_495, %shift_right_arithmetic3A_562, %and3A_565], %broadcast_in_dim3A_491 masked %and3A_578 {add = true} : memref<2x32x1024xf32, #tpu.memory_space<vmem>>[vector<16xi32>, vector<16xi32>, vector<16xi32>], vector<16xf32>, vector<16xi1>
            %and3A_579 = arith.andi %lt3A_557, %eq3A_51 : vector<16xi1>
            tpu.vector_store_idx %arg5[%add3A_495, %shift_right_arithmetic3A_562, %and3A_565], %broadcast_in_dim3A_491 masked %and3A_579 {add = true} : memref<2x32x1024xf32, #tpu.memory_space<vmem>>[vector<16xi32>, vector<16xi32>, vector<16xi32>], vector<16xf32>, vector<16xi1>
            %and3A_580 = arith.andi %lt3A_557, %eq3A_54 : vector<16xi1>
            tpu.vector_store_idx %arg5[%add3A_495, %shift_right_arithmetic3A_562, %and3A_565], %broadcast_in_dim3A_491 masked %and3A_580 {add = true} : memref<2x32x1024xf32, #tpu.memory_space<vmem>>[vector<16xi32>, vector<16xi32>, vector<16xi32>], vector<16xf32>, vector<16xi1>
            %and3A_581 = arith.andi %lt3A_557, %eq3A_57 : vector<16xi1>
            tpu.vector_store_idx %arg5[%add3A_495, %shift_right_arithmetic3A_562, %and3A_565], %broadcast_in_dim3A_491 masked %and3A_581 {add = true} : memref<2x32x1024xf32, #tpu.memory_space<vmem>>[vector<16xi32>, vector<16xi32>, vector<16xi32>], vector<16xf32>, vector<16xi1>
          }
          %while3A_521 = arith.constant 1 : i32
          scf.for %while3A_546 = %while3A_519 to %while3A_515 step %while3A_521  : i32 {
            %add3A_547 = arith.constant 0 : i32
            %add3A_548 = arith.addi %add3A_547, %sub3A_489 : i32
            %mul3A_549 = arith.constant 256 : i32
            %mul3A_550 = arith.muli %add3A_548, %mul3A_549 : i32
            %mul3A_551 = arith.constant 16 : i32
            %mul3A_552 = arith.muli %while3A_546, %mul3A_551 : i32
            %add3A_553 = arith.addi %mul3A_550, %mul3A_552 : i32
            %get3A_554 = arith.index_cast %add3A_553 : i32 to index
            %get3A_555 = tpu.vector_load %arg6[%get3A_554] {strides = array<i32>} : memref<50176xi32, #tpu.memory_space<vmem>>, vector<16xi32>,
            %lt3A_556 = vector.broadcast %while3A_546 : i32 to vector<16xi32>
            %lt3A_557 = arith.cmpi slt, %lt3A_556, %get3A_503 : vector<16xi32>
            %sub3A_558 = vector.broadcast %mul3A_497 : i32 to vector<16xi32>
            %sub3A_559 = arith.subi %get3A_555, %sub3A_558 : vector<16xi32>
            %shift_right_arithmetic3A_560 = arith.constant 10 : i32
            %shift_right_arithmetic3A_561 = vector.broadcast %shift_right_arithmetic3A_560 : i32 to vector<16xi32>
            %shift_right_arithmetic3A_562 = arith.shrsi %sub3A_559, %shift_right_arithmetic3A_561 : vector<16xi32>
            %and3A_563 = arith.constant 1023 : i32
            %and3A_564 = vector.broadcast %and3A_563 : i32 to vector<16xi32>
            %and3A_565 = arith.andi %sub3A_559, %and3A_564 : vector<16xi32>
            %and3A_566 = arith.andi %lt3A_557, %eq3A_12 : vector<16xi1>
            tpu.vector_store_idx %arg5[%add3A_495, %shift_right_arithmetic3A_562, %and3A_565], %broadcast_in_dim3A_491 masked %and3A_566 {add = true} : memref<2x32x1024xf32, #tpu.memory_space<vmem>>[vector<16xi32>, vector<16xi32>, vector<16xi32>], vector<16xf32>, vector<16xi1>
            %and3A_567 = arith.andi %lt3A_557, %eq3A_15 : vector<16xi1>
            tpu.vector_store_idx %arg5[%add3A_495, %shift_right_arithmetic3A_562, %and3A_565], %broadcast_in_dim3A_491 masked %and3A_567 {add = true} : memref<2x32x1024xf32, #tpu.memory_space<vmem>>[vector<16xi32>, vector<16xi32>, vector<16xi32>], vector<16xf32>, vector<16xi1>
            %and3A_568 = arith.andi %lt3A_557, %eq3A_18 : vector<16xi1>
            tpu.vector_store_idx %arg5[%add3A_495, %shift_right_arithmetic3A_562, %and3A_565], %broadcast_in_dim3A_491 masked %and3A_568 {add = true} : memref<2x32x1024xf32, #tpu.memory_space<vmem>>[vector<16xi32>, vector<16xi32>, vector<16xi32>], vector<16xf32>, vector<16xi1>
            %and3A_569 = arith.andi %lt3A_557, %eq3A_21 : vector<16xi1>
            tpu.vector_store_idx %arg5[%add3A_495, %shift_right_arithmetic3A_562, %and3A_565], %broadcast_in_dim3A_491 masked %and3A_569 {add = true} : memref<2x32x1024xf32, #tpu.memory_space<vmem>>[vector<16xi32>, vector<16xi32>, vector<16xi32>], vector<16xf32>, vector<16xi1>
            %and3A_570 = arith.andi %lt3A_557, %eq3A_24 : vector<16xi1>
            tpu.vector_store_idx %arg5[%add3A_495, %shift_right_arithmetic3A_562, %and3A_565], %broadcast_in_dim3A_491 masked %and3A_570 {add = true} : memref<2x32x1024xf32, #tpu.memory_space<vmem>>[vector<16xi32>, vector<16xi32>, vector<16xi32>], vector<16xf32>, vector<16xi1>
            %and3A_571 = arith.andi %lt3A_557, %eq3A_27 : vector<16xi1>
            tpu.vector_store_idx %arg5[%add3A_495, %shift_right_arithmetic3A_562, %and3A_565], %broadcast_in_dim3A_491 masked %and3A_571 {add = true} : memref<2x32x1024xf32, #tpu.memory_space<vmem>>[vector<16xi32>, vector<16xi32>, vector<16xi32>], vector<16xf32>, vector<16xi1>
            %and3A_572 = arith.andi %lt3A_557, %eq3A_30 : vector<16xi1>
            tpu.vector_store_idx %arg5[%add3A_495, %shift_right_arithmetic3A_562, %and3A_565], %broadcast_in_dim3A_491 masked %and3A_572 {add = true} : memref<2x32x1024xf32, #tpu.memory_space<vmem>>[vector<16xi32>, vector<16xi32>, vector<16xi32>], vector<16xf32>, vector<16xi1>
            %and3A_573 = arith.andi %lt3A_557, %eq3A_33 : vector<16xi1>
            tpu.vector_store_idx %arg5[%add3A_495, %shift_right_arithmetic3A_562, %and3A_565], %broadcast_in_dim3A_491 masked %and3A_573 {add = true} : memref<2x32x1024xf32, #tpu.memory_space<vmem>>[vector<16xi32>, vector<16xi32>, vector<16xi32>], vector<16xf32>, vector<16xi1>
            %and3A_574 = arith.andi %lt3A_557, %eq3A_36 : vector<16xi1>
            tpu.vector_store_idx %arg5[%add3A_495, %shift_right_arithmetic3A_562, %and3A_565], %broadcast_in_dim3A_491 masked %and3A_574 {add = true} : memref<2x32x1024xf32, #tpu.memory_space<vmem>>[vector<16xi32>, vector<16xi32>, vector<16xi32>], vector<16xf32>, vector<16xi1>
            %and3A_575 = arith.andi %lt3A_557, %eq3A_39 : vector<16xi1>
            tpu.vector_store_idx %arg5[%add3A_495, %shift_right_arithmetic3A_562, %and3A_565], %broadcast_in_dim3A_491 masked %and3A_575 {add = true} : memref<2x32x1024xf32, #tpu.memory_space<vmem>>[vector<16xi32>, vector<16xi32>, vector<16xi32>], vector<16xf32>, vector<16xi1>
            %and3A_576 = arith.andi %lt3A_557, %eq3A_42 : vector<16xi1>
            tpu.vector_store_idx %arg5[%add3A_495, %shift_right_arithmetic3A_562, %and3A_565], %broadcast_in_dim3A_491 masked %and3A_576 {add = true} : memref<2x32x1024xf32, #tpu.memory_space<vmem>>[vector<16xi32>, vector<16xi32>, vector<16xi32>], vector<16xf32>, vector<16xi1>
            %and3A_577 = arith.andi %lt3A_557, %eq3A_45 : vector<16xi1>
            tpu.vector_store_idx %arg5[%add3A_495, %shift_right_arithmetic3A_562, %and3A_565], %broadcast_in_dim3A_491 masked %and3A_577 {add = true} : memref<2x32x1024xf32, #tpu.memory_space<vmem>>[vector<16xi32>, vector<16xi32>, vector<16xi32>], vector<16xf32>, vector<16xi1>
            %and3A_578 = arith.andi %lt3A_557, %eq3A_48 : vector<16xi1>
            tpu.vector_store_idx %arg5[%add3A_495, %shift_right_arithmetic3A_562, %and3A_565], %broadcast_in_dim3A_491 masked %and3A_578 {add = true} : memref<2x32x1024xf32, #tpu.memory_space<vmem>>[vector<16xi32>, vector<16xi32>, vector<16xi32>], vector<16xf32>, vector<16xi1>
            %and3A_579 = arith.andi %lt3A_557, %eq3A_51 : vector<16xi1>
            tpu.vector_store_idx %arg5[%add3A_495, %shift_right_arithmetic3A_562, %and3A_565], %broadcast_in_dim3A_491 masked %and3A_579 {add = true} : memref<2x32x1024xf32, #tpu.memory_space<vmem>>[vector<16xi32>, vector<16xi32>, vector<16xi32>], vector<16xf32>, vector<16xi1>
            %and3A_580 = arith.andi %lt3A_557, %eq3A_54 : vector<16xi1>
            tpu.vector_store_idx %arg5[%add3A_495, %shift_right_arithmetic3A_562, %and3A_565], %broadcast_in_dim3A_491 masked %and3A_580 {add = true} : memref<2x32x1024xf32, #tpu.memory_space<vmem>>[vector<16xi32>, vector<16xi32>, vector<16xi32>], vector<16xf32>, vector<16xi1>
            %and3A_581 = arith.andi %lt3A_557, %eq3A_57 : vector<16xi1>
            tpu.vector_store_idx %arg5[%add3A_495, %shift_right_arithmetic3A_562, %and3A_565], %broadcast_in_dim3A_491 masked %and3A_581 {add = true} : memref<2x32x1024xf32, #tpu.memory_space<vmem>>[vector<16xi32>, vector<16xi32>, vector<16xi32>], vector<16xf32>, vector<16xi1>
          }
          %add3A_522 = arith.constant 98 : i32
          %add3A_523 = arith.addi %add3A_522, %sub3A_489 : i32
          %mul3A_524 = arith.constant 16 : i32
          %mul3A_525 = arith.muli %add3A_523, %mul3A_524 : i32
          %get3A_526 = arith.index_cast %mul3A_525 : i32 to index
          %get3A_527 = tpu.vector_load %arg7[%get3A_526] {strides = array<i32>} : memref<3136xi32, #tpu.memory_space<vmem>>, vector<16xi32>,
          %reduce_max3A_528 = arith.constant true
          %reduce_max3A_529 = vector.broadcast %reduce_max3A_528 : i1 to vector<16xi1>
          %reduce_max3A_530 = arith.constant -2147483648 : i32
          %reduce_max3A_531 = vector.broadcast %reduce_max3A_530 : i32 to vector<16xi32>
          %reduce_max3A_532 = arith.xori %get3A_527, %reduce_max3A_531 : vector<16xi32>
          %reduce_max3A_533 = tpu.scan <max>, %reduce_max3A_532 masked %reduce_max3A_529 : vector<16xi32>, vector<16xi1> -> vector<16xi32>
          %reduce_max3A_534 = arith.xori %reduce_max3A_533, %reduce_max3A_531 : vector<16xi32>
          %reduce_max3A_535 = vector.extract %reduce_max3A_534[15] : i32 from vector<16xi32>
          %while3A_536 = arith.constant 0 : i32
          %while3A_537 = arith.constant 0 : i32
          %while3A_538 = arith.subi %reduce_max3A_535, %while3A_537 : i32
          %while3A_539 = arith.addi %while3A_537, %while3A_538 : i32
          %while3A_540 = arith.constant 1 : i32
          %while3A_541 = arith.divsi %while3A_538, %while3A_540 : i32
          %while3A_542 = arith.muli %while3A_541, %while3A_540 : i32
          %while3A_543 = arith.addi %while3A_537, %while3A_542 : i32
          %while3A_544 = arith.constant 1 : i32
          scf.for %while3A_546 = %while3A_537 to %while3A_543 step %while3A_544  : i32 {
            %add3A_547 = arith.constant 98 : i32
            %add3A_548 = arith.addi %add3A_547, %sub3A_489 : i32
            %mul3A_549 = arith.constant 256 : i32
            %mul3A_550 = arith.muli %add3A_548, %mul3A_549 : i32
            %mul3A_551 = arith.constant 16 : i32
            %mul3A_552 = arith.muli %while3A_546, %mul3A_551 : i32
            %add3A_553 = arith.addi %mul3A_550, %mul3A_552 : i32
            %get3A_554 = arith.index_cast %add3A_553 : i32 to index
            %get3A_555 = tpu.vector_load %arg6[%get3A_554] {strides = array<i32>} : memref<50176xi32, #tpu.memory_space<vmem>>, vector<16xi32>,
            %lt3A_556 = vector.broadcast %while3A_546 : i32 to vector<16xi32>
            %lt3A_557 = arith.cmpi slt, %lt3A_556, %get3A_527 : vector<16xi32>
            %sub3A_558 = vector.broadcast %mul3A_497 : i32 to vector<16xi32>
            %sub3A_559 = arith.subi %get3A_555, %sub3A_558 : vector<16xi32>
            %shift_right_arithmetic3A_560 = arith.constant 10 : i32
            %shift_right_arithmetic3A_561 = vector.broadcast %shift_right_arithmetic3A_560 : i32 to vector<16xi32>
            %shift_right_arithmetic3A_562 = arith.shrsi %sub3A_559, %shift_right_arithmetic3A_561 : vector<16xi32>
            %and3A_563 = arith.constant 1023 : i32
            %and3A_564 = vector.broadcast %and3A_563 : i32 to vector<16xi32>
            %and3A_565 = arith.andi %sub3A_559, %and3A_564 : vector<16xi32>
            %and3A_566 = arith.andi %lt3A_557, %eq3A_12 : vector<16xi1>
            tpu.vector_store_idx %arg5[%add3A_495, %shift_right_arithmetic3A_562, %and3A_565], %broadcast_in_dim3A_491 masked %and3A_566 {add = true} : memref<2x32x1024xf32, #tpu.memory_space<vmem>>[vector<16xi32>, vector<16xi32>, vector<16xi32>], vector<16xf32>, vector<16xi1>
            %and3A_567 = arith.andi %lt3A_557, %eq3A_15 : vector<16xi1>
            tpu.vector_store_idx %arg5[%add3A_495, %shift_right_arithmetic3A_562, %and3A_565], %broadcast_in_dim3A_491 masked %and3A_567 {add = true} : memref<2x32x1024xf32, #tpu.memory_space<vmem>>[vector<16xi32>, vector<16xi32>, vector<16xi32>], vector<16xf32>, vector<16xi1>
            %and3A_568 = arith.andi %lt3A_557, %eq3A_18 : vector<16xi1>
            tpu.vector_store_idx %arg5[%add3A_495, %shift_right_arithmetic3A_562, %and3A_565], %broadcast_in_dim3A_491 masked %and3A_568 {add = true} : memref<2x32x1024xf32, #tpu.memory_space<vmem>>[vector<16xi32>, vector<16xi32>, vector<16xi32>], vector<16xf32>, vector<16xi1>
            %and3A_569 = arith.andi %lt3A_557, %eq3A_21 : vector<16xi1>
            tpu.vector_store_idx %arg5[%add3A_495, %shift_right_arithmetic3A_562, %and3A_565], %broadcast_in_dim3A_491 masked %and3A_569 {add = true} : memref<2x32x1024xf32, #tpu.memory_space<vmem>>[vector<16xi32>, vector<16xi32>, vector<16xi32>], vector<16xf32>, vector<16xi1>
            %and3A_570 = arith.andi %lt3A_557, %eq3A_24 : vector<16xi1>
            tpu.vector_store_idx %arg5[%add3A_495, %shift_right_arithmetic3A_562, %and3A_565], %broadcast_in_dim3A_491 masked %and3A_570 {add = true} : memref<2x32x1024xf32, #tpu.memory_space<vmem>>[vector<16xi32>, vector<16xi32>, vector<16xi32>], vector<16xf32>, vector<16xi1>
            %and3A_571 = arith.andi %lt3A_557, %eq3A_27 : vector<16xi1>
            tpu.vector_store_idx %arg5[%add3A_495, %shift_right_arithmetic3A_562, %and3A_565], %broadcast_in_dim3A_491 masked %and3A_571 {add = true} : memref<2x32x1024xf32, #tpu.memory_space<vmem>>[vector<16xi32>, vector<16xi32>, vector<16xi32>], vector<16xf32>, vector<16xi1>
            %and3A_572 = arith.andi %lt3A_557, %eq3A_30 : vector<16xi1>
            tpu.vector_store_idx %arg5[%add3A_495, %shift_right_arithmetic3A_562, %and3A_565], %broadcast_in_dim3A_491 masked %and3A_572 {add = true} : memref<2x32x1024xf32, #tpu.memory_space<vmem>>[vector<16xi32>, vector<16xi32>, vector<16xi32>], vector<16xf32>, vector<16xi1>
            %and3A_573 = arith.andi %lt3A_557, %eq3A_33 : vector<16xi1>
            tpu.vector_store_idx %arg5[%add3A_495, %shift_right_arithmetic3A_562, %and3A_565], %broadcast_in_dim3A_491 masked %and3A_573 {add = true} : memref<2x32x1024xf32, #tpu.memory_space<vmem>>[vector<16xi32>, vector<16xi32>, vector<16xi32>], vector<16xf32>, vector<16xi1>
            %and3A_574 = arith.andi %lt3A_557, %eq3A_36 : vector<16xi1>
            tpu.vector_store_idx %arg5[%add3A_495, %shift_right_arithmetic3A_562, %and3A_565], %broadcast_in_dim3A_491 masked %and3A_574 {add = true} : memref<2x32x1024xf32, #tpu.memory_space<vmem>>[vector<16xi32>, vector<16xi32>, vector<16xi32>], vector<16xf32>, vector<16xi1>
            %and3A_575 = arith.andi %lt3A_557, %eq3A_39 : vector<16xi1>
            tpu.vector_store_idx %arg5[%add3A_495, %shift_right_arithmetic3A_562, %and3A_565], %broadcast_in_dim3A_491 masked %and3A_575 {add = true} : memref<2x32x1024xf32, #tpu.memory_space<vmem>>[vector<16xi32>, vector<16xi32>, vector<16xi32>], vector<16xf32>, vector<16xi1>
            %and3A_576 = arith.andi %lt3A_557, %eq3A_42 : vector<16xi1>
            tpu.vector_store_idx %arg5[%add3A_495, %shift_right_arithmetic3A_562, %and3A_565], %broadcast_in_dim3A_491 masked %and3A_576 {add = true} : memref<2x32x1024xf32, #tpu.memory_space<vmem>>[vector<16xi32>, vector<16xi32>, vector<16xi32>], vector<16xf32>, vector<16xi1>
            %and3A_577 = arith.andi %lt3A_557, %eq3A_45 : vector<16xi1>
            tpu.vector_store_idx %arg5[%add3A_495, %shift_right_arithmetic3A_562, %and3A_565], %broadcast_in_dim3A_491 masked %and3A_577 {add = true} : memref<2x32x1024xf32, #tpu.memory_space<vmem>>[vector<16xi32>, vector<16xi32>, vector<16xi32>], vector<16xf32>, vector<16xi1>
            %and3A_578 = arith.andi %lt3A_557, %eq3A_48 : vector<16xi1>
            tpu.vector_store_idx %arg5[%add3A_495, %shift_right_arithmetic3A_562, %and3A_565], %broadcast_in_dim3A_491 masked %and3A_578 {add = true} : memref<2x32x1024xf32, #tpu.memory_space<vmem>>[vector<16xi32>, vector<16xi32>, vector<16xi32>], vector<16xf32>, vector<16xi1>
            %and3A_579 = arith.andi %lt3A_557, %eq3A_51 : vector<16xi1>
            tpu.vector_store_idx %arg5[%add3A_495, %shift_right_arithmetic3A_562, %and3A_565], %broadcast_in_dim3A_491 masked %and3A_579 {add = true} : memref<2x32x1024xf32, #tpu.memory_space<vmem>>[vector<16xi32>, vector<16xi32>, vector<16xi32>], vector<16xf32>, vector<16xi1>
            %and3A_580 = arith.andi %lt3A_557, %eq3A_54 : vector<16xi1>
            tpu.vector_store_idx %arg5[%add3A_495, %shift_right_arithmetic3A_562, %and3A_565], %broadcast_in_dim3A_491 masked %and3A_580 {add = true} : memref<2x32x1024xf32, #tpu.memory_space<vmem>>[vector<16xi32>, vector<16xi32>, vector<16xi32>], vector<16xf32>, vector<16xi1>
            %and3A_581 = arith.andi %lt3A_557, %eq3A_57 : vector<16xi1>
            tpu.vector_store_idx %arg5[%add3A_495, %shift_right_arithmetic3A_562, %and3A_565], %broadcast_in_dim3A_491 masked %and3A_581 {add = true} : memref<2x32x1024xf32, #tpu.memory_space<vmem>>[vector<16xi32>, vector<16xi32>, vector<16xi32>], vector<16xf32>, vector<16xi1>
          }
          %while3A_545 = arith.constant 1 : i32
          scf.for %while3A_546 = %while3A_543 to %while3A_539 step %while3A_545  : i32 {
            %add3A_547 = arith.constant 98 : i32
            %add3A_548 = arith.addi %add3A_547, %sub3A_489 : i32
            %mul3A_549 = arith.constant 256 : i32
            %mul3A_550 = arith.muli %add3A_548, %mul3A_549 : i32
            %mul3A_551 = arith.constant 16 : i32
            %mul3A_552 = arith.muli %while3A_546, %mul3A_551 : i32
            %add3A_553 = arith.addi %mul3A_550, %mul3A_552 : i32
            %get3A_554 = arith.index_cast %add3A_553 : i32 to index
            %get3A_555 = tpu.vector_load %arg6[%get3A_554] {strides = array<i32>} : memref<50176xi32, #tpu.memory_space<vmem>>, vector<16xi32>,
            %lt3A_556 = vector.broadcast %while3A_546 : i32 to vector<16xi32>
            %lt3A_557 = arith.cmpi slt, %lt3A_556, %get3A_527 : vector<16xi32>
            %sub3A_558 = vector.broadcast %mul3A_497 : i32 to vector<16xi32>
            %sub3A_559 = arith.subi %get3A_555, %sub3A_558 : vector<16xi32>
            %shift_right_arithmetic3A_560 = arith.constant 10 : i32
            %shift_right_arithmetic3A_561 = vector.broadcast %shift_right_arithmetic3A_560 : i32 to vector<16xi32>
            %shift_right_arithmetic3A_562 = arith.shrsi %sub3A_559, %shift_right_arithmetic3A_561 : vector<16xi32>
            %and3A_563 = arith.constant 1023 : i32
            %and3A_564 = vector.broadcast %and3A_563 : i32 to vector<16xi32>
            %and3A_565 = arith.andi %sub3A_559, %and3A_564 : vector<16xi32>
            %and3A_566 = arith.andi %lt3A_557, %eq3A_12 : vector<16xi1>
            tpu.vector_store_idx %arg5[%add3A_495, %shift_right_arithmetic3A_562, %and3A_565], %broadcast_in_dim3A_491 masked %and3A_566 {add = true} : memref<2x32x1024xf32, #tpu.memory_space<vmem>>[vector<16xi32>, vector<16xi32>, vector<16xi32>], vector<16xf32>, vector<16xi1>
            %and3A_567 = arith.andi %lt3A_557, %eq3A_15 : vector<16xi1>
            tpu.vector_store_idx %arg5[%add3A_495, %shift_right_arithmetic3A_562, %and3A_565], %broadcast_in_dim3A_491 masked %and3A_567 {add = true} : memref<2x32x1024xf32, #tpu.memory_space<vmem>>[vector<16xi32>, vector<16xi32>, vector<16xi32>], vector<16xf32>, vector<16xi1>
            %and3A_568 = arith.andi %lt3A_557, %eq3A_18 : vector<16xi1>
            tpu.vector_store_idx %arg5[%add3A_495, %shift_right_arithmetic3A_562, %and3A_565], %broadcast_in_dim3A_491 masked %and3A_568 {add = true} : memref<2x32x1024xf32, #tpu.memory_space<vmem>>[vector<16xi32>, vector<16xi32>, vector<16xi32>], vector<16xf32>, vector<16xi1>
            %and3A_569 = arith.andi %lt3A_557, %eq3A_21 : vector<16xi1>
            tpu.vector_store_idx %arg5[%add3A_495, %shift_right_arithmetic3A_562, %and3A_565], %broadcast_in_dim3A_491 masked %and3A_569 {add = true} : memref<2x32x1024xf32, #tpu.memory_space<vmem>>[vector<16xi32>, vector<16xi32>, vector<16xi32>], vector<16xf32>, vector<16xi1>
            %and3A_570 = arith.andi %lt3A_557, %eq3A_24 : vector<16xi1>
            tpu.vector_store_idx %arg5[%add3A_495, %shift_right_arithmetic3A_562, %and3A_565], %broadcast_in_dim3A_491 masked %and3A_570 {add = true} : memref<2x32x1024xf32, #tpu.memory_space<vmem>>[vector<16xi32>, vector<16xi32>, vector<16xi32>], vector<16xf32>, vector<16xi1>
            %and3A_571 = arith.andi %lt3A_557, %eq3A_27 : vector<16xi1>
            tpu.vector_store_idx %arg5[%add3A_495, %shift_right_arithmetic3A_562, %and3A_565], %broadcast_in_dim3A_491 masked %and3A_571 {add = true} : memref<2x32x1024xf32, #tpu.memory_space<vmem>>[vector<16xi32>, vector<16xi32>, vector<16xi32>], vector<16xf32>, vector<16xi1>
            %and3A_572 = arith.andi %lt3A_557, %eq3A_30 : vector<16xi1>
            tpu.vector_store_idx %arg5[%add3A_495, %shift_right_arithmetic3A_562, %and3A_565], %broadcast_in_dim3A_491 masked %and3A_572 {add = true} : memref<2x32x1024xf32, #tpu.memory_space<vmem>>[vector<16xi32>, vector<16xi32>, vector<16xi32>], vector<16xf32>, vector<16xi1>
            %and3A_573 = arith.andi %lt3A_557, %eq3A_33 : vector<16xi1>
            tpu.vector_store_idx %arg5[%add3A_495, %shift_right_arithmetic3A_562, %and3A_565], %broadcast_in_dim3A_491 masked %and3A_573 {add = true} : memref<2x32x1024xf32, #tpu.memory_space<vmem>>[vector<16xi32>, vector<16xi32>, vector<16xi32>], vector<16xf32>, vector<16xi1>
            %and3A_574 = arith.andi %lt3A_557, %eq3A_36 : vector<16xi1>
            tpu.vector_store_idx %arg5[%add3A_495, %shift_right_arithmetic3A_562, %and3A_565], %broadcast_in_dim3A_491 masked %and3A_574 {add = true} : memref<2x32x1024xf32, #tpu.memory_space<vmem>>[vector<16xi32>, vector<16xi32>, vector<16xi32>], vector<16xf32>, vector<16xi1>
            %and3A_575 = arith.andi %lt3A_557, %eq3A_39 : vector<16xi1>
            tpu.vector_store_idx %arg5[%add3A_495, %shift_right_arithmetic3A_562, %and3A_565], %broadcast_in_dim3A_491 masked %and3A_575 {add = true} : memref<2x32x1024xf32, #tpu.memory_space<vmem>>[vector<16xi32>, vector<16xi32>, vector<16xi32>], vector<16xf32>, vector<16xi1>
            %and3A_576 = arith.andi %lt3A_557, %eq3A_42 : vector<16xi1>
            tpu.vector_store_idx %arg5[%add3A_495, %shift_right_arithmetic3A_562, %and3A_565], %broadcast_in_dim3A_491 masked %and3A_576 {add = true} : memref<2x32x1024xf32, #tpu.memory_space<vmem>>[vector<16xi32>, vector<16xi32>, vector<16xi32>], vector<16xf32>, vector<16xi1>
            %and3A_577 = arith.andi %lt3A_557, %eq3A_45 : vector<16xi1>
            tpu.vector_store_idx %arg5[%add3A_495, %shift_right_arithmetic3A_562, %and3A_565], %broadcast_in_dim3A_491 masked %and3A_577 {add = true} : memref<2x32x1024xf32, #tpu.memory_space<vmem>>[vector<16xi32>, vector<16xi32>, vector<16xi32>], vector<16xf32>, vector<16xi1>
            %and3A_578 = arith.andi %lt3A_557, %eq3A_48 : vector<16xi1>
            tpu.vector_store_idx %arg5[%add3A_495, %shift_right_arithmetic3A_562, %and3A_565], %broadcast_in_dim3A_491 masked %and3A_578 {add = true} : memref<2x32x1024xf32, #tpu.memory_space<vmem>>[vector<16xi32>, vector<16xi32>, vector<16xi32>], vector<16xf32>, vector<16xi1>
            %and3A_579 = arith.andi %lt3A_557, %eq3A_51 : vector<16xi1>
            tpu.vector_store_idx %arg5[%add3A_495, %shift_right_arithmetic3A_562, %and3A_565], %broadcast_in_dim3A_491 masked %and3A_579 {add = true} : memref<2x32x1024xf32, #tpu.memory_space<vmem>>[vector<16xi32>, vector<16xi32>, vector<16xi32>], vector<16xf32>, vector<16xi1>
            %and3A_580 = arith.andi %lt3A_557, %eq3A_54 : vector<16xi1>
            tpu.vector_store_idx %arg5[%add3A_495, %shift_right_arithmetic3A_562, %and3A_565], %broadcast_in_dim3A_491 masked %and3A_580 {add = true} : memref<2x32x1024xf32, #tpu.memory_space<vmem>>[vector<16xi32>, vector<16xi32>, vector<16xi32>], vector<16xf32>, vector<16xi1>
            %and3A_581 = arith.andi %lt3A_557, %eq3A_57 : vector<16xi1>
            tpu.vector_store_idx %arg5[%add3A_495, %shift_right_arithmetic3A_562, %and3A_565], %broadcast_in_dim3A_491 masked %and3A_581 {add = true} : memref<2x32x1024xf32, #tpu.memory_space<vmem>>[vector<16xi32>, vector<16xi32>, vector<16xi32>], vector<16xf32>, vector<16xi1>
          }
        } else {
        }
        %broadcast_in_dim3A_400 = arith.constant 1.000000e+00 : f32
        %broadcast_in_dim3A_401 = vector.broadcast %broadcast_in_dim3A_400 : f32 to vector<16xf32>
        %broadcast_in_dim3A_402 = arith.constant 0 : i32
        %broadcast_in_dim3A_403 = vector.broadcast %broadcast_in_dim3A_402 : i32 to vector<16xi32>
        %add3A_404 = vector.broadcast %and3A_395 : i32 to vector<16xi32>
        %add3A_405 = arith.addi %broadcast_in_dim3A_403, %add3A_404 : vector<16xi32>
        %mul3A_406 = arith.constant 32768 : i32
        %mul3A_407 = arith.muli %while3A_393, %mul3A_406 : i32
        %add3A_408 = arith.constant 0 : i32
        %add3A_409 = arith.addi %add3A_408, %while3A_393 : i32
        %mul3A_410 = arith.constant 16 : i32
        %mul3A_411 = arith.muli %add3A_409, %mul3A_410 : i32
        %get3A_412 = arith.index_cast %mul3A_411 : i32 to index
        %get3A_413 = tpu.vector_load %arg7[%get3A_412] {strides = array<i32>} : memref<3136xi32, #tpu.memory_space<vmem>>, vector<16xi32>,
        %reduce_max3A_414 = arith.constant true
        %reduce_max3A_415 = vector.broadcast %reduce_max3A_414 : i1 to vector<16xi1>
        %reduce_max3A_416 = arith.constant -2147483648 : i32
        %reduce_max3A_417 = vector.broadcast %reduce_max3A_416 : i32 to vector<16xi32>
        %reduce_max3A_418 = arith.xori %get3A_413, %reduce_max3A_417 : vector<16xi32>
        %reduce_max3A_419 = tpu.scan <max>, %reduce_max3A_418 masked %reduce_max3A_415 : vector<16xi32>, vector<16xi1> -> vector<16xi32>
        %reduce_max3A_420 = arith.xori %reduce_max3A_419, %reduce_max3A_417 : vector<16xi32>
        %reduce_max3A_421 = vector.extract %reduce_max3A_420[15] : i32 from vector<16xi32>
        %while3A_422 = arith.constant 0 : i32
        %while3A_423 = arith.constant 0 : i32
        %while3A_424 = arith.subi %reduce_max3A_421, %while3A_423 : i32
        %while3A_425 = arith.addi %while3A_423, %while3A_424 : i32
        %while3A_426 = arith.constant 1 : i32
        %while3A_427 = arith.divsi %while3A_424, %while3A_426 : i32
        %while3A_428 = arith.muli %while3A_427, %while3A_426 : i32
        %while3A_429 = arith.addi %while3A_423, %while3A_428 : i32
        %while3A_430 = arith.constant 1 : i32
        scf.for %while3A_471 = %while3A_423 to %while3A_429 step %while3A_430  : i32 {
          %add3A_472 = arith.constant 0 : i32
          %add3A_473 = arith.addi %add3A_472, %while3A_393 : i32
          %mul3A_474 = arith.constant 256 : i32
          %mul3A_475 = arith.muli %add3A_473, %mul3A_474 : i32
          %mul3A_476 = arith.constant 16 : i32
          %mul3A_477 = arith.muli %while3A_471, %mul3A_476 : i32
          %add3A_478 = arith.addi %mul3A_475, %mul3A_477 : i32
          %get3A_479 = arith.index_cast %add3A_478 : i32 to index
          %get3A_480 = tpu.vector_load %arg6[%get3A_479] {strides = array<i32>} : memref<50176xi32, #tpu.memory_space<vmem>>, vector<16xi32>,
          %lt3A_481 = vector.broadcast %while3A_471 : i32 to vector<16xi32>
          %lt3A_482 = arith.cmpi slt, %lt3A_481, %get3A_413 : vector<16xi32>
          %sub3A_483 = vector.broadcast %mul3A_407 : i32 to vector<16xi32>
          %sub3A_484 = arith.subi %get3A_480, %sub3A_483 : vector<16xi32>
          %shift_right_arithmetic3A_485 = arith.constant 10 : i32
          %shift_right_arithmetic3A_486 = vector.broadcast %shift_right_arithmetic3A_485 : i32 to vector<16xi32>
          %shift_right_arithmetic3A_487 = arith.shrsi %sub3A_484, %shift_right_arithmetic3A_486 : vector<16xi32>
          %and3A_488 = arith.constant 1023 : i32
          %and3A_489 = vector.broadcast %and3A_488 : i32 to vector<16xi32>
          %and3A_490 = arith.andi %sub3A_484, %and3A_489 : vector<16xi32>
          %and3A_491 = arith.andi %lt3A_482, %eq3A_12 : vector<16xi1>
          tpu.vector_store_idx %arg5[%add3A_405, %shift_right_arithmetic3A_487, %and3A_490], %broadcast_in_dim3A_401 masked %and3A_491 {add = true} : memref<2x32x1024xf32, #tpu.memory_space<vmem>>[vector<16xi32>, vector<16xi32>, vector<16xi32>], vector<16xf32>, vector<16xi1>
          %and3A_492 = arith.andi %lt3A_482, %eq3A_15 : vector<16xi1>
          tpu.vector_store_idx %arg5[%add3A_405, %shift_right_arithmetic3A_487, %and3A_490], %broadcast_in_dim3A_401 masked %and3A_492 {add = true} : memref<2x32x1024xf32, #tpu.memory_space<vmem>>[vector<16xi32>, vector<16xi32>, vector<16xi32>], vector<16xf32>, vector<16xi1>
          %and3A_493 = arith.andi %lt3A_482, %eq3A_18 : vector<16xi1>
          tpu.vector_store_idx %arg5[%add3A_405, %shift_right_arithmetic3A_487, %and3A_490], %broadcast_in_dim3A_401 masked %and3A_493 {add = true} : memref<2x32x1024xf32, #tpu.memory_space<vmem>>[vector<16xi32>, vector<16xi32>, vector<16xi32>], vector<16xf32>, vector<16xi1>
          %and3A_494 = arith.andi %lt3A_482, %eq3A_21 : vector<16xi1>
          tpu.vector_store_idx %arg5[%add3A_405, %shift_right_arithmetic3A_487, %and3A_490], %broadcast_in_dim3A_401 masked %and3A_494 {add = true} : memref<2x32x1024xf32, #tpu.memory_space<vmem>>[vector<16xi32>, vector<16xi32>, vector<16xi32>], vector<16xf32>, vector<16xi1>
          %and3A_495 = arith.andi %lt3A_482, %eq3A_24 : vector<16xi1>
          tpu.vector_store_idx %arg5[%add3A_405, %shift_right_arithmetic3A_487, %and3A_490], %broadcast_in_dim3A_401 masked %and3A_495 {add = true} : memref<2x32x1024xf32, #tpu.memory_space<vmem>>[vector<16xi32>, vector<16xi32>, vector<16xi32>], vector<16xf32>, vector<16xi1>
          %and3A_496 = arith.andi %lt3A_482, %eq3A_27 : vector<16xi1>
          tpu.vector_store_idx %arg5[%add3A_405, %shift_right_arithmetic3A_487, %and3A_490], %broadcast_in_dim3A_401 masked %and3A_496 {add = true} : memref<2x32x1024xf32, #tpu.memory_space<vmem>>[vector<16xi32>, vector<16xi32>, vector<16xi32>], vector<16xf32>, vector<16xi1>
          %and3A_497 = arith.andi %lt3A_482, %eq3A_30 : vector<16xi1>
          tpu.vector_store_idx %arg5[%add3A_405, %shift_right_arithmetic3A_487, %and3A_490], %broadcast_in_dim3A_401 masked %and3A_497 {add = true} : memref<2x32x1024xf32, #tpu.memory_space<vmem>>[vector<16xi32>, vector<16xi32>, vector<16xi32>], vector<16xf32>, vector<16xi1>
          %and3A_498 = arith.andi %lt3A_482, %eq3A_33 : vector<16xi1>
          tpu.vector_store_idx %arg5[%add3A_405, %shift_right_arithmetic3A_487, %and3A_490], %broadcast_in_dim3A_401 masked %and3A_498 {add = true} : memref<2x32x1024xf32, #tpu.memory_space<vmem>>[vector<16xi32>, vector<16xi32>, vector<16xi32>], vector<16xf32>, vector<16xi1>
          %and3A_499 = arith.andi %lt3A_482, %eq3A_36 : vector<16xi1>
          tpu.vector_store_idx %arg5[%add3A_405, %shift_right_arithmetic3A_487, %and3A_490], %broadcast_in_dim3A_401 masked %and3A_499 {add = true} : memref<2x32x1024xf32, #tpu.memory_space<vmem>>[vector<16xi32>, vector<16xi32>, vector<16xi32>], vector<16xf32>, vector<16xi1>
          %and3A_500 = arith.andi %lt3A_482, %eq3A_39 : vector<16xi1>
          tpu.vector_store_idx %arg5[%add3A_405, %shift_right_arithmetic3A_487, %and3A_490], %broadcast_in_dim3A_401 masked %and3A_500 {add = true} : memref<2x32x1024xf32, #tpu.memory_space<vmem>>[vector<16xi32>, vector<16xi32>, vector<16xi32>], vector<16xf32>, vector<16xi1>
          %and3A_501 = arith.andi %lt3A_482, %eq3A_42 : vector<16xi1>
          tpu.vector_store_idx %arg5[%add3A_405, %shift_right_arithmetic3A_487, %and3A_490], %broadcast_in_dim3A_401 masked %and3A_501 {add = true} : memref<2x32x1024xf32, #tpu.memory_space<vmem>>[vector<16xi32>, vector<16xi32>, vector<16xi32>], vector<16xf32>, vector<16xi1>
          %and3A_502 = arith.andi %lt3A_482, %eq3A_45 : vector<16xi1>
          tpu.vector_store_idx %arg5[%add3A_405, %shift_right_arithmetic3A_487, %and3A_490], %broadcast_in_dim3A_401 masked %and3A_502 {add = true} : memref<2x32x1024xf32, #tpu.memory_space<vmem>>[vector<16xi32>, vector<16xi32>, vector<16xi32>], vector<16xf32>, vector<16xi1>
          %and3A_503 = arith.andi %lt3A_482, %eq3A_48 : vector<16xi1>
          tpu.vector_store_idx %arg5[%add3A_405, %shift_right_arithmetic3A_487, %and3A_490], %broadcast_in_dim3A_401 masked %and3A_503 {add = true} : memref<2x32x1024xf32, #tpu.memory_space<vmem>>[vector<16xi32>, vector<16xi32>, vector<16xi32>], vector<16xf32>, vector<16xi1>
          %and3A_504 = arith.andi %lt3A_482, %eq3A_51 : vector<16xi1>
          tpu.vector_store_idx %arg5[%add3A_405, %shift_right_arithmetic3A_487, %and3A_490], %broadcast_in_dim3A_401 masked %and3A_504 {add = true} : memref<2x32x1024xf32, #tpu.memory_space<vmem>>[vector<16xi32>, vector<16xi32>, vector<16xi32>], vector<16xf32>, vector<16xi1>
          %and3A_505 = arith.andi %lt3A_482, %eq3A_54 : vector<16xi1>
          tpu.vector_store_idx %arg5[%add3A_405, %shift_right_arithmetic3A_487, %and3A_490], %broadcast_in_dim3A_401 masked %and3A_505 {add = true} : memref<2x32x1024xf32, #tpu.memory_space<vmem>>[vector<16xi32>, vector<16xi32>, vector<16xi32>], vector<16xf32>, vector<16xi1>
          %and3A_506 = arith.andi %lt3A_482, %eq3A_57 : vector<16xi1>
          tpu.vector_store_idx %arg5[%add3A_405, %shift_right_arithmetic3A_487, %and3A_490], %broadcast_in_dim3A_401 masked %and3A_506 {add = true} : memref<2x32x1024xf32, #tpu.memory_space<vmem>>[vector<16xi32>, vector<16xi32>, vector<16xi32>], vector<16xf32>, vector<16xi1>
        }
        %while3A_431 = arith.constant 1 : i32
        scf.for %while3A_471 = %while3A_429 to %while3A_425 step %while3A_431  : i32 {
          %add3A_472 = arith.constant 0 : i32
          %add3A_473 = arith.addi %add3A_472, %while3A_393 : i32
          %mul3A_474 = arith.constant 256 : i32
          %mul3A_475 = arith.muli %add3A_473, %mul3A_474 : i32
          %mul3A_476 = arith.constant 16 : i32
          %mul3A_477 = arith.muli %while3A_471, %mul3A_476 : i32
          %add3A_478 = arith.addi %mul3A_475, %mul3A_477 : i32
          %get3A_479 = arith.index_cast %add3A_478 : i32 to index
          %get3A_480 = tpu.vector_load %arg6[%get3A_479] {strides = array<i32>} : memref<50176xi32, #tpu.memory_space<vmem>>, vector<16xi32>,
          %lt3A_481 = vector.broadcast %while3A_471 : i32 to vector<16xi32>
          %lt3A_482 = arith.cmpi slt, %lt3A_481, %get3A_413 : vector<16xi32>
          %sub3A_483 = vector.broadcast %mul3A_407 : i32 to vector<16xi32>
          %sub3A_484 = arith.subi %get3A_480, %sub3A_483 : vector<16xi32>
          %shift_right_arithmetic3A_485 = arith.constant 10 : i32
          %shift_right_arithmetic3A_486 = vector.broadcast %shift_right_arithmetic3A_485 : i32 to vector<16xi32>
          %shift_right_arithmetic3A_487 = arith.shrsi %sub3A_484, %shift_right_arithmetic3A_486 : vector<16xi32>
          %and3A_488 = arith.constant 1023 : i32
          %and3A_489 = vector.broadcast %and3A_488 : i32 to vector<16xi32>
          %and3A_490 = arith.andi %sub3A_484, %and3A_489 : vector<16xi32>
          %and3A_491 = arith.andi %lt3A_482, %eq3A_12 : vector<16xi1>
          tpu.vector_store_idx %arg5[%add3A_405, %shift_right_arithmetic3A_487, %and3A_490], %broadcast_in_dim3A_401 masked %and3A_491 {add = true} : memref<2x32x1024xf32, #tpu.memory_space<vmem>>[vector<16xi32>, vector<16xi32>, vector<16xi32>], vector<16xf32>, vector<16xi1>
          %and3A_492 = arith.andi %lt3A_482, %eq3A_15 : vector<16xi1>
          tpu.vector_store_idx %arg5[%add3A_405, %shift_right_arithmetic3A_487, %and3A_490], %broadcast_in_dim3A_401 masked %and3A_492 {add = true} : memref<2x32x1024xf32, #tpu.memory_space<vmem>>[vector<16xi32>, vector<16xi32>, vector<16xi32>], vector<16xf32>, vector<16xi1>
          %and3A_493 = arith.andi %lt3A_482, %eq3A_18 : vector<16xi1>
          tpu.vector_store_idx %arg5[%add3A_405, %shift_right_arithmetic3A_487, %and3A_490], %broadcast_in_dim3A_401 masked %and3A_493 {add = true} : memref<2x32x1024xf32, #tpu.memory_space<vmem>>[vector<16xi32>, vector<16xi32>, vector<16xi32>], vector<16xf32>, vector<16xi1>
          %and3A_494 = arith.andi %lt3A_482, %eq3A_21 : vector<16xi1>
          tpu.vector_store_idx %arg5[%add3A_405, %shift_right_arithmetic3A_487, %and3A_490], %broadcast_in_dim3A_401 masked %and3A_494 {add = true} : memref<2x32x1024xf32, #tpu.memory_space<vmem>>[vector<16xi32>, vector<16xi32>, vector<16xi32>], vector<16xf32>, vector<16xi1>
          %and3A_495 = arith.andi %lt3A_482, %eq3A_24 : vector<16xi1>
          tpu.vector_store_idx %arg5[%add3A_405, %shift_right_arithmetic3A_487, %and3A_490], %broadcast_in_dim3A_401 masked %and3A_495 {add = true} : memref<2x32x1024xf32, #tpu.memory_space<vmem>>[vector<16xi32>, vector<16xi32>, vector<16xi32>], vector<16xf32>, vector<16xi1>
          %and3A_496 = arith.andi %lt3A_482, %eq3A_27 : vector<16xi1>
          tpu.vector_store_idx %arg5[%add3A_405, %shift_right_arithmetic3A_487, %and3A_490], %broadcast_in_dim3A_401 masked %and3A_496 {add = true} : memref<2x32x1024xf32, #tpu.memory_space<vmem>>[vector<16xi32>, vector<16xi32>, vector<16xi32>], vector<16xf32>, vector<16xi1>
          %and3A_497 = arith.andi %lt3A_482, %eq3A_30 : vector<16xi1>
          tpu.vector_store_idx %arg5[%add3A_405, %shift_right_arithmetic3A_487, %and3A_490], %broadcast_in_dim3A_401 masked %and3A_497 {add = true} : memref<2x32x1024xf32, #tpu.memory_space<vmem>>[vector<16xi32>, vector<16xi32>, vector<16xi32>], vector<16xf32>, vector<16xi1>
          %and3A_498 = arith.andi %lt3A_482, %eq3A_33 : vector<16xi1>
          tpu.vector_store_idx %arg5[%add3A_405, %shift_right_arithmetic3A_487, %and3A_490], %broadcast_in_dim3A_401 masked %and3A_498 {add = true} : memref<2x32x1024xf32, #tpu.memory_space<vmem>>[vector<16xi32>, vector<16xi32>, vector<16xi32>], vector<16xf32>, vector<16xi1>
          %and3A_499 = arith.andi %lt3A_482, %eq3A_36 : vector<16xi1>
          tpu.vector_store_idx %arg5[%add3A_405, %shift_right_arithmetic3A_487, %and3A_490], %broadcast_in_dim3A_401 masked %and3A_499 {add = true} : memref<2x32x1024xf32, #tpu.memory_space<vmem>>[vector<16xi32>, vector<16xi32>, vector<16xi32>], vector<16xf32>, vector<16xi1>
          %and3A_500 = arith.andi %lt3A_482, %eq3A_39 : vector<16xi1>
          tpu.vector_store_idx %arg5[%add3A_405, %shift_right_arithmetic3A_487, %and3A_490], %broadcast_in_dim3A_401 masked %and3A_500 {add = true} : memref<2x32x1024xf32, #tpu.memory_space<vmem>>[vector<16xi32>, vector<16xi32>, vector<16xi32>], vector<16xf32>, vector<16xi1>
          %and3A_501 = arith.andi %lt3A_482, %eq3A_42 : vector<16xi1>
          tpu.vector_store_idx %arg5[%add3A_405, %shift_right_arithmetic3A_487, %and3A_490], %broadcast_in_dim3A_401 masked %and3A_501 {add = true} : memref<2x32x1024xf32, #tpu.memory_space<vmem>>[vector<16xi32>, vector<16xi32>, vector<16xi32>], vector<16xf32>, vector<16xi1>
          %and3A_502 = arith.andi %lt3A_482, %eq3A_45 : vector<16xi1>
          tpu.vector_store_idx %arg5[%add3A_405, %shift_right_arithmetic3A_487, %and3A_490], %broadcast_in_dim3A_401 masked %and3A_502 {add = true} : memref<2x32x1024xf32, #tpu.memory_space<vmem>>[vector<16xi32>, vector<16xi32>, vector<16xi32>], vector<16xf32>, vector<16xi1>
          %and3A_503 = arith.andi %lt3A_482, %eq3A_48 : vector<16xi1>
          tpu.vector_store_idx %arg5[%add3A_405, %shift_right_arithmetic3A_487, %and3A_490], %broadcast_in_dim3A_401 masked %and3A_503 {add = true} : memref<2x32x1024xf32, #tpu.memory_space<vmem>>[vector<16xi32>, vector<16xi32>, vector<16xi32>], vector<16xf32>, vector<16xi1>
          %and3A_504 = arith.andi %lt3A_482, %eq3A_51 : vector<16xi1>
          tpu.vector_store_idx %arg5[%add3A_405, %shift_right_arithmetic3A_487, %and3A_490], %broadcast_in_dim3A_401 masked %and3A_504 {add = true} : memref<2x32x1024xf32, #tpu.memory_space<vmem>>[vector<16xi32>, vector<16xi32>, vector<16xi32>], vector<16xf32>, vector<16xi1>
          %and3A_505 = arith.andi %lt3A_482, %eq3A_54 : vector<16xi1>
          tpu.vector_store_idx %arg5[%add3A_405, %shift_right_arithmetic3A_487, %and3A_490], %broadcast_in_dim3A_401 masked %and3A_505 {add = true} : memref<2x32x1024xf32, #tpu.memory_space<vmem>>[vector<16xi32>, vector<16xi32>, vector<16xi32>], vector<16xf32>, vector<16xi1>
          %and3A_506 = arith.andi %lt3A_482, %eq3A_57 : vector<16xi1>
          tpu.vector_store_idx %arg5[%add3A_405, %shift_right_arithmetic3A_487, %and3A_490], %broadcast_in_dim3A_401 masked %and3A_506 {add = true} : memref<2x32x1024xf32, #tpu.memory_space<vmem>>[vector<16xi32>, vector<16xi32>, vector<16xi32>], vector<16xf32>, vector<16xi1>
        }
        %add3A_432 = arith.constant 98 : i32
        %add3A_433 = arith.addi %add3A_432, %while3A_393 : i32
        %mul3A_434 = arith.constant 16 : i32
        %mul3A_435 = arith.muli %add3A_433, %mul3A_434 : i32
        %get3A_436 = arith.index_cast %mul3A_435 : i32 to index
        %get3A_437 = tpu.vector_load %arg7[%get3A_436] {strides = array<i32>} : memref<3136xi32, #tpu.memory_space<vmem>>, vector<16xi32>,
        %reduce_max3A_438 = arith.constant true
        %reduce_max3A_439 = vector.broadcast %reduce_max3A_438 : i1 to vector<16xi1>
        %reduce_max3A_440 = arith.constant -2147483648 : i32
        %reduce_max3A_441 = vector.broadcast %reduce_max3A_440 : i32 to vector<16xi32>
        %reduce_max3A_442 = arith.xori %get3A_437, %reduce_max3A_441 : vector<16xi32>
        %reduce_max3A_443 = tpu.scan <max>, %reduce_max3A_442 masked %reduce_max3A_439 : vector<16xi32>, vector<16xi1> -> vector<16xi32>
        %reduce_max3A_444 = arith.xori %reduce_max3A_443, %reduce_max3A_441 : vector<16xi32>
        %reduce_max3A_445 = vector.extract %reduce_max3A_444[15] : i32 from vector<16xi32>
        %while3A_446 = arith.constant 0 : i32
        %while3A_447 = arith.constant 0 : i32
        %while3A_448 = arith.subi %reduce_max3A_445, %while3A_447 : i32
        %while3A_449 = arith.addi %while3A_447, %while3A_448 : i32
        %while3A_450 = arith.constant 1 : i32
        %while3A_451 = arith.divsi %while3A_448, %while3A_450 : i32
        %while3A_452 = arith.muli %while3A_451, %while3A_450 : i32
        %while3A_453 = arith.addi %while3A_447, %while3A_452 : i32
        %while3A_454 = arith.constant 1 : i32
        scf.for %while3A_471 = %while3A_447 to %while3A_453 step %while3A_454  : i32 {
          %add3A_472 = arith.constant 98 : i32
          %add3A_473 = arith.addi %add3A_472, %while3A_393 : i32
          %mul3A_474 = arith.constant 256 : i32
          %mul3A_475 = arith.muli %add3A_473, %mul3A_474 : i32
          %mul3A_476 = arith.constant 16 : i32
          %mul3A_477 = arith.muli %while3A_471, %mul3A_476 : i32
          %add3A_478 = arith.addi %mul3A_475, %mul3A_477 : i32
          %get3A_479 = arith.index_cast %add3A_478 : i32 to index
          %get3A_480 = tpu.vector_load %arg6[%get3A_479] {strides = array<i32>} : memref<50176xi32, #tpu.memory_space<vmem>>, vector<16xi32>,
          %lt3A_481 = vector.broadcast %while3A_471 : i32 to vector<16xi32>
          %lt3A_482 = arith.cmpi slt, %lt3A_481, %get3A_437 : vector<16xi32>
          %sub3A_483 = vector.broadcast %mul3A_407 : i32 to vector<16xi32>
          %sub3A_484 = arith.subi %get3A_480, %sub3A_483 : vector<16xi32>
          %shift_right_arithmetic3A_485 = arith.constant 10 : i32
          %shift_right_arithmetic3A_486 = vector.broadcast %shift_right_arithmetic3A_485 : i32 to vector<16xi32>
          %shift_right_arithmetic3A_487 = arith.shrsi %sub3A_484, %shift_right_arithmetic3A_486 : vector<16xi32>
          %and3A_488 = arith.constant 1023 : i32
          %and3A_489 = vector.broadcast %and3A_488 : i32 to vector<16xi32>
          %and3A_490 = arith.andi %sub3A_484, %and3A_489 : vector<16xi32>
          %and3A_491 = arith.andi %lt3A_482, %eq3A_12 : vector<16xi1>
          tpu.vector_store_idx %arg5[%add3A_405, %shift_right_arithmetic3A_487, %and3A_490], %broadcast_in_dim3A_401 masked %and3A_491 {add = true} : memref<2x32x1024xf32, #tpu.memory_space<vmem>>[vector<16xi32>, vector<16xi32>, vector<16xi32>], vector<16xf32>, vector<16xi1>
          %and3A_492 = arith.andi %lt3A_482, %eq3A_15 : vector<16xi1>
          tpu.vector_store_idx %arg5[%add3A_405, %shift_right_arithmetic3A_487, %and3A_490], %broadcast_in_dim3A_401 masked %and3A_492 {add = true} : memref<2x32x1024xf32, #tpu.memory_space<vmem>>[vector<16xi32>, vector<16xi32>, vector<16xi32>], vector<16xf32>, vector<16xi1>
          %and3A_493 = arith.andi %lt3A_482, %eq3A_18 : vector<16xi1>
          tpu.vector_store_idx %arg5[%add3A_405, %shift_right_arithmetic3A_487, %and3A_490], %broadcast_in_dim3A_401 masked %and3A_493 {add = true} : memref<2x32x1024xf32, #tpu.memory_space<vmem>>[vector<16xi32>, vector<16xi32>, vector<16xi32>], vector<16xf32>, vector<16xi1>
          %and3A_494 = arith.andi %lt3A_482, %eq3A_21 : vector<16xi1>
          tpu.vector_store_idx %arg5[%add3A_405, %shift_right_arithmetic3A_487, %and3A_490], %broadcast_in_dim3A_401 masked %and3A_494 {add = true} : memref<2x32x1024xf32, #tpu.memory_space<vmem>>[vector<16xi32>, vector<16xi32>, vector<16xi32>], vector<16xf32>, vector<16xi1>
          %and3A_495 = arith.andi %lt3A_482, %eq3A_24 : vector<16xi1>
          tpu.vector_store_idx %arg5[%add3A_405, %shift_right_arithmetic3A_487, %and3A_490], %broadcast_in_dim3A_401 masked %and3A_495 {add = true} : memref<2x32x1024xf32, #tpu.memory_space<vmem>>[vector<16xi32>, vector<16xi32>, vector<16xi32>], vector<16xf32>, vector<16xi1>
          %and3A_496 = arith.andi %lt3A_482, %eq3A_27 : vector<16xi1>
          tpu.vector_store_idx %arg5[%add3A_405, %shift_right_arithmetic3A_487, %and3A_490], %broadcast_in_dim3A_401 masked %and3A_496 {add = true} : memref<2x32x1024xf32, #tpu.memory_space<vmem>>[vector<16xi32>, vector<16xi32>, vector<16xi32>], vector<16xf32>, vector<16xi1>
          %and3A_497 = arith.andi %lt3A_482, %eq3A_30 : vector<16xi1>
          tpu.vector_store_idx %arg5[%add3A_405, %shift_right_arithmetic3A_487, %and3A_490], %broadcast_in_dim3A_401 masked %and3A_497 {add = true} : memref<2x32x1024xf32, #tpu.memory_space<vmem>>[vector<16xi32>, vector<16xi32>, vector<16xi32>], vector<16xf32>, vector<16xi1>
          %and3A_498 = arith.andi %lt3A_482, %eq3A_33 : vector<16xi1>
          tpu.vector_store_idx %arg5[%add3A_405, %shift_right_arithmetic3A_487, %and3A_490], %broadcast_in_dim3A_401 masked %and3A_498 {add = true} : memref<2x32x1024xf32, #tpu.memory_space<vmem>>[vector<16xi32>, vector<16xi32>, vector<16xi32>], vector<16xf32>, vector<16xi1>
          %and3A_499 = arith.andi %lt3A_482, %eq3A_36 : vector<16xi1>
          tpu.vector_store_idx %arg5[%add3A_405, %shift_right_arithmetic3A_487, %and3A_490], %broadcast_in_dim3A_401 masked %and3A_499 {add = true} : memref<2x32x1024xf32, #tpu.memory_space<vmem>>[vector<16xi32>, vector<16xi32>, vector<16xi32>], vector<16xf32>, vector<16xi1>
          %and3A_500 = arith.andi %lt3A_482, %eq3A_39 : vector<16xi1>
          tpu.vector_store_idx %arg5[%add3A_405, %shift_right_arithmetic3A_487, %and3A_490], %broadcast_in_dim3A_401 masked %and3A_500 {add = true} : memref<2x32x1024xf32, #tpu.memory_space<vmem>>[vector<16xi32>, vector<16xi32>, vector<16xi32>], vector<16xf32>, vector<16xi1>
          %and3A_501 = arith.andi %lt3A_482, %eq3A_42 : vector<16xi1>
          tpu.vector_store_idx %arg5[%add3A_405, %shift_right_arithmetic3A_487, %and3A_490], %broadcast_in_dim3A_401 masked %and3A_501 {add = true} : memref<2x32x1024xf32, #tpu.memory_space<vmem>>[vector<16xi32>, vector<16xi32>, vector<16xi32>], vector<16xf32>, vector<16xi1>
          %and3A_502 = arith.andi %lt3A_482, %eq3A_45 : vector<16xi1>
          tpu.vector_store_idx %arg5[%add3A_405, %shift_right_arithmetic3A_487, %and3A_490], %broadcast_in_dim3A_401 masked %and3A_502 {add = true} : memref<2x32x1024xf32, #tpu.memory_space<vmem>>[vector<16xi32>, vector<16xi32>, vector<16xi32>], vector<16xf32>, vector<16xi1>
          %and3A_503 = arith.andi %lt3A_482, %eq3A_48 : vector<16xi1>
          tpu.vector_store_idx %arg5[%add3A_405, %shift_right_arithmetic3A_487, %and3A_490], %broadcast_in_dim3A_401 masked %and3A_503 {add = true} : memref<2x32x1024xf32, #tpu.memory_space<vmem>>[vector<16xi32>, vector<16xi32>, vector<16xi32>], vector<16xf32>, vector<16xi1>
          %and3A_504 = arith.andi %lt3A_482, %eq3A_51 : vector<16xi1>
          tpu.vector_store_idx %arg5[%add3A_405, %shift_right_arithmetic3A_487, %and3A_490], %broadcast_in_dim3A_401 masked %and3A_504 {add = true} : memref<2x32x1024xf32, #tpu.memory_space<vmem>>[vector<16xi32>, vector<16xi32>, vector<16xi32>], vector<16xf32>, vector<16xi1>
          %and3A_505 = arith.andi %lt3A_482, %eq3A_54 : vector<16xi1>
          tpu.vector_store_idx %arg5[%add3A_405, %shift_right_arithmetic3A_487, %and3A_490], %broadcast_in_dim3A_401 masked %and3A_505 {add = true} : memref<2x32x1024xf32, #tpu.memory_space<vmem>>[vector<16xi32>, vector<16xi32>, vector<16xi32>], vector<16xf32>, vector<16xi1>
          %and3A_506 = arith.andi %lt3A_482, %eq3A_57 : vector<16xi1>
          tpu.vector_store_idx %arg5[%add3A_405, %shift_right_arithmetic3A_487, %and3A_490], %broadcast_in_dim3A_401 masked %and3A_506 {add = true} : memref<2x32x1024xf32, #tpu.memory_space<vmem>>[vector<16xi32>, vector<16xi32>, vector<16xi32>], vector<16xf32>, vector<16xi1>
        }
        %while3A_455 = arith.constant 1 : i32
        scf.for %while3A_471 = %while3A_453 to %while3A_449 step %while3A_455  : i32 {
          %add3A_472 = arith.constant 98 : i32
          %add3A_473 = arith.addi %add3A_472, %while3A_393 : i32
          %mul3A_474 = arith.constant 256 : i32
          %mul3A_475 = arith.muli %add3A_473, %mul3A_474 : i32
          %mul3A_476 = arith.constant 16 : i32
          %mul3A_477 = arith.muli %while3A_471, %mul3A_476 : i32
          %add3A_478 = arith.addi %mul3A_475, %mul3A_477 : i32
          %get3A_479 = arith.index_cast %add3A_478 : i32 to index
          %get3A_480 = tpu.vector_load %arg6[%get3A_479] {strides = array<i32>} : memref<50176xi32, #tpu.memory_space<vmem>>, vector<16xi32>,
          %lt3A_481 = vector.broadcast %while3A_471 : i32 to vector<16xi32>
          %lt3A_482 = arith.cmpi slt, %lt3A_481, %get3A_437 : vector<16xi32>
          %sub3A_483 = vector.broadcast %mul3A_407 : i32 to vector<16xi32>
          %sub3A_484 = arith.subi %get3A_480, %sub3A_483 : vector<16xi32>
          %shift_right_arithmetic3A_485 = arith.constant 10 : i32
          %shift_right_arithmetic3A_486 = vector.broadcast %shift_right_arithmetic3A_485 : i32 to vector<16xi32>
          %shift_right_arithmetic3A_487 = arith.shrsi %sub3A_484, %shift_right_arithmetic3A_486 : vector<16xi32>
          %and3A_488 = arith.constant 1023 : i32
          %and3A_489 = vector.broadcast %and3A_488 : i32 to vector<16xi32>
          %and3A_490 = arith.andi %sub3A_484, %and3A_489 : vector<16xi32>
          %and3A_491 = arith.andi %lt3A_482, %eq3A_12 : vector<16xi1>
          tpu.vector_store_idx %arg5[%add3A_405, %shift_right_arithmetic3A_487, %and3A_490], %broadcast_in_dim3A_401 masked %and3A_491 {add = true} : memref<2x32x1024xf32, #tpu.memory_space<vmem>>[vector<16xi32>, vector<16xi32>, vector<16xi32>], vector<16xf32>, vector<16xi1>
          %and3A_492 = arith.andi %lt3A_482, %eq3A_15 : vector<16xi1>
          tpu.vector_store_idx %arg5[%add3A_405, %shift_right_arithmetic3A_487, %and3A_490], %broadcast_in_dim3A_401 masked %and3A_492 {add = true} : memref<2x32x1024xf32, #tpu.memory_space<vmem>>[vector<16xi32>, vector<16xi32>, vector<16xi32>], vector<16xf32>, vector<16xi1>
          %and3A_493 = arith.andi %lt3A_482, %eq3A_18 : vector<16xi1>
          tpu.vector_store_idx %arg5[%add3A_405, %shift_right_arithmetic3A_487, %and3A_490], %broadcast_in_dim3A_401 masked %and3A_493 {add = true} : memref<2x32x1024xf32, #tpu.memory_space<vmem>>[vector<16xi32>, vector<16xi32>, vector<16xi32>], vector<16xf32>, vector<16xi1>
          %and3A_494 = arith.andi %lt3A_482, %eq3A_21 : vector<16xi1>
          tpu.vector_store_idx %arg5[%add3A_405, %shift_right_arithmetic3A_487, %and3A_490], %broadcast_in_dim3A_401 masked %and3A_494 {add = true} : memref<2x32x1024xf32, #tpu.memory_space<vmem>>[vector<16xi32>, vector<16xi32>, vector<16xi32>], vector<16xf32>, vector<16xi1>
          %and3A_495 = arith.andi %lt3A_482, %eq3A_24 : vector<16xi1>
          tpu.vector_store_idx %arg5[%add3A_405, %shift_right_arithmetic3A_487, %and3A_490], %broadcast_in_dim3A_401 masked %and3A_495 {add = true} : memref<2x32x1024xf32, #tpu.memory_space<vmem>>[vector<16xi32>, vector<16xi32>, vector<16xi32>], vector<16xf32>, vector<16xi1>
          %and3A_496 = arith.andi %lt3A_482, %eq3A_27 : vector<16xi1>
          tpu.vector_store_idx %arg5[%add3A_405, %shift_right_arithmetic3A_487, %and3A_490], %broadcast_in_dim3A_401 masked %and3A_496 {add = true} : memref<2x32x1024xf32, #tpu.memory_space<vmem>>[vector<16xi32>, vector<16xi32>, vector<16xi32>], vector<16xf32>, vector<16xi1>
          %and3A_497 = arith.andi %lt3A_482, %eq3A_30 : vector<16xi1>
          tpu.vector_store_idx %arg5[%add3A_405, %shift_right_arithmetic3A_487, %and3A_490], %broadcast_in_dim3A_401 masked %and3A_497 {add = true} : memref<2x32x1024xf32, #tpu.memory_space<vmem>>[vector<16xi32>, vector<16xi32>, vector<16xi32>], vector<16xf32>, vector<16xi1>
          %and3A_498 = arith.andi %lt3A_482, %eq3A_33 : vector<16xi1>
          tpu.vector_store_idx %arg5[%add3A_405, %shift_right_arithmetic3A_487, %and3A_490], %broadcast_in_dim3A_401 masked %and3A_498 {add = true} : memref<2x32x1024xf32, #tpu.memory_space<vmem>>[vector<16xi32>, vector<16xi32>, vector<16xi32>], vector<16xf32>, vector<16xi1>
          %and3A_499 = arith.andi %lt3A_482, %eq3A_36 : vector<16xi1>
          tpu.vector_store_idx %arg5[%add3A_405, %shift_right_arithmetic3A_487, %and3A_490], %broadcast_in_dim3A_401 masked %and3A_499 {add = true} : memref<2x32x1024xf32, #tpu.memory_space<vmem>>[vector<16xi32>, vector<16xi32>, vector<16xi32>], vector<16xf32>, vector<16xi1>
          %and3A_500 = arith.andi %lt3A_482, %eq3A_39 : vector<16xi1>
          tpu.vector_store_idx %arg5[%add3A_405, %shift_right_arithmetic3A_487, %and3A_490], %broadcast_in_dim3A_401 masked %and3A_500 {add = true} : memref<2x32x1024xf32, #tpu.memory_space<vmem>>[vector<16xi32>, vector<16xi32>, vector<16xi32>], vector<16xf32>, vector<16xi1>
          %and3A_501 = arith.andi %lt3A_482, %eq3A_42 : vector<16xi1>
          tpu.vector_store_idx %arg5[%add3A_405, %shift_right_arithmetic3A_487, %and3A_490], %broadcast_in_dim3A_401 masked %and3A_501 {add = true} : memref<2x32x1024xf32, #tpu.memory_space<vmem>>[vector<16xi32>, vector<16xi32>, vector<16xi32>], vector<16xf32>, vector<16xi1>
          %and3A_502 = arith.andi %lt3A_482, %eq3A_45 : vector<16xi1>
          tpu.vector_store_idx %arg5[%add3A_405, %shift_right_arithmetic3A_487, %and3A_490], %broadcast_in_dim3A_401 masked %and3A_502 {add = true} : memref<2x32x1024xf32, #tpu.memory_space<vmem>>[vector<16xi32>, vector<16xi32>, vector<16xi32>], vector<16xf32>, vector<16xi1>
          %and3A_503 = arith.andi %lt3A_482, %eq3A_48 : vector<16xi1>
          tpu.vector_store_idx %arg5[%add3A_405, %shift_right_arithmetic3A_487, %and3A_490], %broadcast_in_dim3A_401 masked %and3A_503 {add = true} : memref<2x32x1024xf32, #tpu.memory_space<vmem>>[vector<16xi32>, vector<16xi32>, vector<16xi32>], vector<16xf32>, vector<16xi1>
          %and3A_504 = arith.andi %lt3A_482, %eq3A_51 : vector<16xi1>
          tpu.vector_store_idx %arg5[%add3A_405, %shift_right_arithmetic3A_487, %and3A_490], %broadcast_in_dim3A_401 masked %and3A_504 {add = true} : memref<2x32x1024xf32, #tpu.memory_space<vmem>>[vector<16xi32>, vector<16xi32>, vector<16xi32>], vector<16xf32>, vector<16xi1>
          %and3A_505 = arith.andi %lt3A_482, %eq3A_54 : vector<16xi1>
          tpu.vector_store_idx %arg5[%add3A_405, %shift_right_arithmetic3A_487, %and3A_490], %broadcast_in_dim3A_401 masked %and3A_505 {add = true} : memref<2x32x1024xf32, #tpu.memory_space<vmem>>[vector<16xi32>, vector<16xi32>, vector<16xi32>], vector<16xf32>, vector<16xi1>
          %and3A_506 = arith.andi %lt3A_482, %eq3A_57 : vector<16xi1>
          tpu.vector_store_idx %arg5[%add3A_405, %shift_right_arithmetic3A_487, %and3A_490], %broadcast_in_dim3A_401 masked %and3A_506 {add = true} : memref<2x32x1024xf32, #tpu.memory_space<vmem>>[vector<16xi32>, vector<16xi32>, vector<16xi32>], vector<16xf32>, vector<16xi1>
        }
        %mul3A_456 = arith.constant 32 : i32
        %mul3A_457 = arith.muli %while3A_393, %mul3A_456 : i32
        %add3A_458 = arith.addi %mul3A_2, %mul3A_457 : i32
        %dma_start3A_459 = arith.constant 0 : i32
        %dma_start3A_460 = arith.constant 0 : i32
        %dma_start3A_461 = tpu.memref_slice %arg5[%and3A_395, %dma_start3A_459, %dma_start3A_460] : memref<2x32x1024xf32, #tpu.memory_space<vmem>> -> memref<1x32x1024xf32, #tpu.memory_space<vmem>>
        %dma_start3A_462 = tpu.memref_squeeze %dma_start3A_461 : memref<1x32x1024xf32, #tpu.memory_space<vmem>> -> memref<32x1024xf32, #tpu.memory_space<vmem>>
        %dma_start3A_463 = arith.constant 0 : i32
        %dma_start3A_464 = tpu.memref_slice %arg3[%add3A_458, %dma_start3A_463] : memref<100000x1024xf32, #tpu.memory_space<hbm>> -> memref<32x1024xf32, #tpu.memory_space<hbm>>
        %dma_start3A_465 = arith.constant 0 : i32
        %dma_start3A_466 = tpu.memref_slice %arg3[%add3A_458, %dma_start3A_465] : memref<100000x1024xf32, #tpu.memory_space<hbm>> -> memref<32x1024xf32, #tpu.memory_space<hbm>>
        %dma_start3A_467 = arith.constant 0 : i32
        %dma_start3A_468 = arith.constant 0 : i32
        %dma_start3A_469 = tpu.memref_slice %arg5[%and3A_395, %dma_start3A_467, %dma_start3A_468] : memref<2x32x1024xf32, #tpu.memory_space<vmem>> -> memref<1x32x1024xf32, #tpu.memory_space<vmem>>
        %dma_start3A_470 = tpu.memref_squeeze %dma_start3A_469 : memref<1x32x1024xf32, #tpu.memory_space<vmem>> -> memref<32x1024xf32, #tpu.memory_space<vmem>>
        tpu.enqueue_dma source(%dma_start3A_470 : memref<32x1024xf32, #tpu.memory_space<vmem>>) target(%dma_start3A_466 : memref<32x1024xf32, #tpu.memory_space<hbm>>) target_semaphore(%arg8 : memref<!tpu.dma_semaphore, #tpu.memory_space<semaphore_mem>>)
      }
      %sub3A_117 = arith.constant 2 : i32
      %sub3A_118 = arith.subi %shift_right_arithmetic3A_99, %sub3A_117 : i32
      %and3A = arith.constant 1 : i32
      %and3A_119 = arith.andi %shift_right_arithmetic3A_99, %and3A : i32
      %mul3A_120 = arith.constant 32 : i32
      %mul3A_121 = arith.muli %sub3A_118, %mul3A_120 : i32
      %add3A_122 = arith.addi %mul3A_2, %mul3A_121 : i32
      %dma_wait3A = arith.constant 0 : i32
      %dma_wait3A_123 = arith.constant 0 : i32
      %dma_wait3A_124 = tpu.memref_slice %arg5[%and3A_119, %dma_wait3A, %dma_wait3A_123] : memref<2x32x1024xf32, #tpu.memory_space<vmem>> -> memref<1x32x1024xf32, #tpu.memory_space<vmem>>
      %dma_wait3A_125 = tpu.memref_squeeze %dma_wait3A_124 : memref<1x32x1024xf32, #tpu.memory_space<vmem>> -> memref<32x1024xf32, #tpu.memory_space<vmem>>
      %dma_wait3A_126 = arith.constant 0 : i32
      %dma_wait3A_127 = tpu.memref_slice %arg3[%add3A_122, %dma_wait3A_126] : memref<100000x1024xf32, #tpu.memory_space<hbm>> -> memref<32x1024xf32, #tpu.memory_space<hbm>>
      %dma_wait3A_128 = arith.constant 0 : i32
      %dma_wait3A_129 = tpu.memref_slice %arg3[%add3A_122, %dma_wait3A_128] : memref<100000x1024xf32, #tpu.memory_space<hbm>> -> memref<32x1024xf32, #tpu.memory_space<hbm>>
      %dma_wait3A_130 = arith.constant 0 : i32
      %dma_wait3A_131 = arith.constant 0 : i32
      %dma_wait3A_132 = tpu.memref_slice %arg5[%and3A_119, %dma_wait3A_130, %dma_wait3A_131] : memref<2x32x1024xf32, #tpu.memory_space<vmem>> -> memref<1x32x1024xf32, #tpu.memory_space<vmem>>
      %dma_wait3A_133 = tpu.memref_squeeze %dma_wait3A_132 : memref<1x32x1024xf32, #tpu.memory_space<vmem>> -> memref<32x1024xf32, #tpu.memory_space<vmem>>
      tpu.wait_dma2 semaphore(%arg8 : memref<!tpu.dma_semaphore, #tpu.memory_space<semaphore_mem>>) src(%dma_wait3A_133 : memref<32x1024xf32, #tpu.memory_space<vmem>>) dst(%dma_wait3A_129 : memref<32x1024xf32, #tpu.memory_space<hbm>>)
      %sub3A_134 = arith.constant 2 : i32
      %sub3A_135 = arith.subi %shift_right_arithmetic3A_99, %sub3A_134 : i32
      %and3A_136 = arith.constant 1 : i32
      %and3A_137 = arith.andi %shift_right_arithmetic3A_99, %and3A_136 : i32
      %broadcast_in_dim3A_138 = arith.constant -1.000000e+00 : f32
      %broadcast_in_dim3A_139 = vector.broadcast %broadcast_in_dim3A_138 : f32 to vector<16xf32>
      %broadcast_in_dim3A_140 = arith.constant 0 : i32
      %broadcast_in_dim3A_141 = vector.broadcast %broadcast_in_dim3A_140 : i32 to vector<16xi32>
      %add3A_142 = vector.broadcast %and3A_137 : i32 to vector<16xi32>
      %add3A_143 = arith.addi %broadcast_in_dim3A_141, %add3A_142 : vector<16xi32>
      %mul3A_144 = arith.constant 32768 : i32
      %mul3A_145 = arith.muli %sub3A_135, %mul3A_144 : i32
      %add3A_146 = arith.constant 0 : i32
      %add3A_147 = arith.addi %add3A_146, %sub3A_135 : i32
      %mul3A_148 = arith.constant 16 : i32
      %mul3A_149 = arith.muli %add3A_147, %mul3A_148 : i32
      %get3A = arith.index_cast %mul3A_149 : i32 to index
      %get3A_150 = tpu.vector_load %arg7[%get3A] {strides = array<i32>} : memref<3136xi32, #tpu.memory_space<vmem>>, vector<16xi32>,
      %reduce_max3A_151 = arith.constant true
      %reduce_max3A_152 = vector.broadcast %reduce_max3A_151 : i1 to vector<16xi1>
      %reduce_max3A_153 = arith.constant -2147483648 : i32
      %reduce_max3A_154 = vector.broadcast %reduce_max3A_153 : i32 to vector<16xi32>
      %reduce_max3A_155 = arith.xori %get3A_150, %reduce_max3A_154 : vector<16xi32>
      %reduce_max3A_156 = tpu.scan <max>, %reduce_max3A_155 masked %reduce_max3A_152 : vector<16xi32>, vector<16xi1> -> vector<16xi32>
      %reduce_max3A_157 = arith.xori %reduce_max3A_156, %reduce_max3A_154 : vector<16xi32>
      %reduce_max3A_158 = vector.extract %reduce_max3A_157[15] : i32 from vector<16xi32>
      %while3A_159 = arith.constant 0 : i32
      %while3A_160 = arith.constant 0 : i32
      %while3A_161 = arith.subi %reduce_max3A_158, %while3A_160 : i32
      %while3A_162 = arith.addi %while3A_160, %while3A_161 : i32
      %while3A_163 = arith.constant 1 : i32
      %while3A_164 = arith.divsi %while3A_161, %while3A_163 : i32
      %while3A_165 = arith.muli %while3A_164, %while3A_163 : i32
      %while3A_166 = arith.addi %while3A_160, %while3A_165 : i32
      %while3A_167 = arith.constant 1 : i32
      scf.for %while3A_393 = %while3A_160 to %while3A_166 step %while3A_167  : i32 {
        %add3A_394 = arith.constant 0 : i32
        %add3A_395 = arith.addi %add3A_394, %sub3A_135 : i32
        %mul3A_396 = arith.constant 256 : i32
        %mul3A_397 = arith.muli %add3A_395, %mul3A_396 : i32
        %mul3A_398 = arith.constant 16 : i32
        %mul3A_399 = arith.muli %while3A_393, %mul3A_398 : i32
        %add3A_400 = arith.addi %mul3A_397, %mul3A_399 : i32
        %get3A_401 = arith.index_cast %add3A_400 : i32 to index
        %get3A_402 = tpu.vector_load %arg6[%get3A_401] {strides = array<i32>} : memref<50176xi32, #tpu.memory_space<vmem>>, vector<16xi32>,
        %lt3A_403 = vector.broadcast %while3A_393 : i32 to vector<16xi32>
        %lt3A_404 = arith.cmpi slt, %lt3A_403, %get3A_150 : vector<16xi32>
        %sub3A_405 = vector.broadcast %mul3A_145 : i32 to vector<16xi32>
        %sub3A_406 = arith.subi %get3A_402, %sub3A_405 : vector<16xi32>
        %shift_right_arithmetic3A_407 = arith.constant 10 : i32
        %shift_right_arithmetic3A_408 = vector.broadcast %shift_right_arithmetic3A_407 : i32 to vector<16xi32>
        %shift_right_arithmetic3A_409 = arith.shrsi %sub3A_406, %shift_right_arithmetic3A_408 : vector<16xi32>
        %and3A_410 = arith.constant 1023 : i32
        %and3A_411 = vector.broadcast %and3A_410 : i32 to vector<16xi32>
        %and3A_412 = arith.andi %sub3A_406, %and3A_411 : vector<16xi32>
        %and3A_413 = arith.andi %lt3A_404, %eq3A_12 : vector<16xi1>
        tpu.vector_store_idx %arg5[%add3A_143, %shift_right_arithmetic3A_409, %and3A_412], %broadcast_in_dim3A_139 masked %and3A_413 {add = true} : memref<2x32x1024xf32, #tpu.memory_space<vmem>>[vector<16xi32>, vector<16xi32>, vector<16xi32>], vector<16xf32>, vector<16xi1>
        %and3A_414 = arith.andi %lt3A_404, %eq3A_15 : vector<16xi1>
        tpu.vector_store_idx %arg5[%add3A_143, %shift_right_arithmetic3A_409, %and3A_412], %broadcast_in_dim3A_139 masked %and3A_414 {add = true} : memref<2x32x1024xf32, #tpu.memory_space<vmem>>[vector<16xi32>, vector<16xi32>, vector<16xi32>], vector<16xf32>, vector<16xi1>
        %and3A_415 = arith.andi %lt3A_404, %eq3A_18 : vector<16xi1>
        tpu.vector_store_idx %arg5[%add3A_143, %shift_right_arithmetic3A_409, %and3A_412], %broadcast_in_dim3A_139 masked %and3A_415 {add = true} : memref<2x32x1024xf32, #tpu.memory_space<vmem>>[vector<16xi32>, vector<16xi32>, vector<16xi32>], vector<16xf32>, vector<16xi1>
        %and3A_416 = arith.andi %lt3A_404, %eq3A_21 : vector<16xi1>
        tpu.vector_store_idx %arg5[%add3A_143, %shift_right_arithmetic3A_409, %and3A_412], %broadcast_in_dim3A_139 masked %and3A_416 {add = true} : memref<2x32x1024xf32, #tpu.memory_space<vmem>>[vector<16xi32>, vector<16xi32>, vector<16xi32>], vector<16xf32>, vector<16xi1>
        %and3A_417 = arith.andi %lt3A_404, %eq3A_24 : vector<16xi1>
        tpu.vector_store_idx %arg5[%add3A_143, %shift_right_arithmetic3A_409, %and3A_412], %broadcast_in_dim3A_139 masked %and3A_417 {add = true} : memref<2x32x1024xf32, #tpu.memory_space<vmem>>[vector<16xi32>, vector<16xi32>, vector<16xi32>], vector<16xf32>, vector<16xi1>
        %and3A_418 = arith.andi %lt3A_404, %eq3A_27 : vector<16xi1>
        tpu.vector_store_idx %arg5[%add3A_143, %shift_right_arithmetic3A_409, %and3A_412], %broadcast_in_dim3A_139 masked %and3A_418 {add = true} : memref<2x32x1024xf32, #tpu.memory_space<vmem>>[vector<16xi32>, vector<16xi32>, vector<16xi32>], vector<16xf32>, vector<16xi1>
        %and3A_419 = arith.andi %lt3A_404, %eq3A_30 : vector<16xi1>
        tpu.vector_store_idx %arg5[%add3A_143, %shift_right_arithmetic3A_409, %and3A_412], %broadcast_in_dim3A_139 masked %and3A_419 {add = true} : memref<2x32x1024xf32, #tpu.memory_space<vmem>>[vector<16xi32>, vector<16xi32>, vector<16xi32>], vector<16xf32>, vector<16xi1>
        %and3A_420 = arith.andi %lt3A_404, %eq3A_33 : vector<16xi1>
        tpu.vector_store_idx %arg5[%add3A_143, %shift_right_arithmetic3A_409, %and3A_412], %broadcast_in_dim3A_139 masked %and3A_420 {add = true} : memref<2x32x1024xf32, #tpu.memory_space<vmem>>[vector<16xi32>, vector<16xi32>, vector<16xi32>], vector<16xf32>, vector<16xi1>
        %and3A_421 = arith.andi %lt3A_404, %eq3A_36 : vector<16xi1>
        tpu.vector_store_idx %arg5[%add3A_143, %shift_right_arithmetic3A_409, %and3A_412], %broadcast_in_dim3A_139 masked %and3A_421 {add = true} : memref<2x32x1024xf32, #tpu.memory_space<vmem>>[vector<16xi32>, vector<16xi32>, vector<16xi32>], vector<16xf32>, vector<16xi1>
        %and3A_422 = arith.andi %lt3A_404, %eq3A_39 : vector<16xi1>
        tpu.vector_store_idx %arg5[%add3A_143, %shift_right_arithmetic3A_409, %and3A_412], %broadcast_in_dim3A_139 masked %and3A_422 {add = true} : memref<2x32x1024xf32, #tpu.memory_space<vmem>>[vector<16xi32>, vector<16xi32>, vector<16xi32>], vector<16xf32>, vector<16xi1>
        %and3A_423 = arith.andi %lt3A_404, %eq3A_42 : vector<16xi1>
        tpu.vector_store_idx %arg5[%add3A_143, %shift_right_arithmetic3A_409, %and3A_412], %broadcast_in_dim3A_139 masked %and3A_423 {add = true} : memref<2x32x1024xf32, #tpu.memory_space<vmem>>[vector<16xi32>, vector<16xi32>, vector<16xi32>], vector<16xf32>, vector<16xi1>
        %and3A_424 = arith.andi %lt3A_404, %eq3A_45 : vector<16xi1>
        tpu.vector_store_idx %arg5[%add3A_143, %shift_right_arithmetic3A_409, %and3A_412], %broadcast_in_dim3A_139 masked %and3A_424 {add = true} : memref<2x32x1024xf32, #tpu.memory_space<vmem>>[vector<16xi32>, vector<16xi32>, vector<16xi32>], vector<16xf32>, vector<16xi1>
        %and3A_425 = arith.andi %lt3A_404, %eq3A_48 : vector<16xi1>
        tpu.vector_store_idx %arg5[%add3A_143, %shift_right_arithmetic3A_409, %and3A_412], %broadcast_in_dim3A_139 masked %and3A_425 {add = true} : memref<2x32x1024xf32, #tpu.memory_space<vmem>>[vector<16xi32>, vector<16xi32>, vector<16xi32>], vector<16xf32>, vector<16xi1>
        %and3A_426 = arith.andi %lt3A_404, %eq3A_51 : vector<16xi1>
        tpu.vector_store_idx %arg5[%add3A_143, %shift_right_arithmetic3A_409, %and3A_412], %broadcast_in_dim3A_139 masked %and3A_426 {add = true} : memref<2x32x1024xf32, #tpu.memory_space<vmem>>[vector<16xi32>, vector<16xi32>, vector<16xi32>], vector<16xf32>, vector<16xi1>
        %and3A_427 = arith.andi %lt3A_404, %eq3A_54 : vector<16xi1>
        tpu.vector_store_idx %arg5[%add3A_143, %shift_right_arithmetic3A_409, %and3A_412], %broadcast_in_dim3A_139 masked %and3A_427 {add = true} : memref<2x32x1024xf32, #tpu.memory_space<vmem>>[vector<16xi32>, vector<16xi32>, vector<16xi32>], vector<16xf32>, vector<16xi1>
        %and3A_428 = arith.andi %lt3A_404, %eq3A_57 : vector<16xi1>
        tpu.vector_store_idx %arg5[%add3A_143, %shift_right_arithmetic3A_409, %and3A_412], %broadcast_in_dim3A_139 masked %and3A_428 {add = true} : memref<2x32x1024xf32, #tpu.memory_space<vmem>>[vector<16xi32>, vector<16xi32>, vector<16xi32>], vector<16xf32>, vector<16xi1>
      }
      %while3A_168 = arith.constant 1 : i32
      scf.for %while3A_393 = %while3A_166 to %while3A_162 step %while3A_168  : i32 {
        %add3A_394 = arith.constant 0 : i32
        %add3A_395 = arith.addi %add3A_394, %sub3A_135 : i32
        %mul3A_396 = arith.constant 256 : i32
        %mul3A_397 = arith.muli %add3A_395, %mul3A_396 : i32
        %mul3A_398 = arith.constant 16 : i32
        %mul3A_399 = arith.muli %while3A_393, %mul3A_398 : i32
        %add3A_400 = arith.addi %mul3A_397, %mul3A_399 : i32
        %get3A_401 = arith.index_cast %add3A_400 : i32 to index
        %get3A_402 = tpu.vector_load %arg6[%get3A_401] {strides = array<i32>} : memref<50176xi32, #tpu.memory_space<vmem>>, vector<16xi32>,
        %lt3A_403 = vector.broadcast %while3A_393 : i32 to vector<16xi32>
        %lt3A_404 = arith.cmpi slt, %lt3A_403, %get3A_150 : vector<16xi32>
        %sub3A_405 = vector.broadcast %mul3A_145 : i32 to vector<16xi32>
        %sub3A_406 = arith.subi %get3A_402, %sub3A_405 : vector<16xi32>
        %shift_right_arithmetic3A_407 = arith.constant 10 : i32
        %shift_right_arithmetic3A_408 = vector.broadcast %shift_right_arithmetic3A_407 : i32 to vector<16xi32>
        %shift_right_arithmetic3A_409 = arith.shrsi %sub3A_406, %shift_right_arithmetic3A_408 : vector<16xi32>
        %and3A_410 = arith.constant 1023 : i32
        %and3A_411 = vector.broadcast %and3A_410 : i32 to vector<16xi32>
        %and3A_412 = arith.andi %sub3A_406, %and3A_411 : vector<16xi32>
        %and3A_413 = arith.andi %lt3A_404, %eq3A_12 : vector<16xi1>
        tpu.vector_store_idx %arg5[%add3A_143, %shift_right_arithmetic3A_409, %and3A_412], %broadcast_in_dim3A_139 masked %and3A_413 {add = true} : memref<2x32x1024xf32, #tpu.memory_space<vmem>>[vector<16xi32>, vector<16xi32>, vector<16xi32>], vector<16xf32>, vector<16xi1>
        %and3A_414 = arith.andi %lt3A_404, %eq3A_15 : vector<16xi1>
        tpu.vector_store_idx %arg5[%add3A_143, %shift_right_arithmetic3A_409, %and3A_412], %broadcast_in_dim3A_139 masked %and3A_414 {add = true} : memref<2x32x1024xf32, #tpu.memory_space<vmem>>[vector<16xi32>, vector<16xi32>, vector<16xi32>], vector<16xf32>, vector<16xi1>
        %and3A_415 = arith.andi %lt3A_404, %eq3A_18 : vector<16xi1>
        tpu.vector_store_idx %arg5[%add3A_143, %shift_right_arithmetic3A_409, %and3A_412], %broadcast_in_dim3A_139 masked %and3A_415 {add = true} : memref<2x32x1024xf32, #tpu.memory_space<vmem>>[vector<16xi32>, vector<16xi32>, vector<16xi32>], vector<16xf32>, vector<16xi1>
        %and3A_416 = arith.andi %lt3A_404, %eq3A_21 : vector<16xi1>
        tpu.vector_store_idx %arg5[%add3A_143, %shift_right_arithmetic3A_409, %and3A_412], %broadcast_in_dim3A_139 masked %and3A_416 {add = true} : memref<2x32x1024xf32, #tpu.memory_space<vmem>>[vector<16xi32>, vector<16xi32>, vector<16xi32>], vector<16xf32>, vector<16xi1>
        %and3A_417 = arith.andi %lt3A_404, %eq3A_24 : vector<16xi1>
        tpu.vector_store_idx %arg5[%add3A_143, %shift_right_arithmetic3A_409, %and3A_412], %broadcast_in_dim3A_139 masked %and3A_417 {add = true} : memref<2x32x1024xf32, #tpu.memory_space<vmem>>[vector<16xi32>, vector<16xi32>, vector<16xi32>], vector<16xf32>, vector<16xi1>
        %and3A_418 = arith.andi %lt3A_404, %eq3A_27 : vector<16xi1>
        tpu.vector_store_idx %arg5[%add3A_143, %shift_right_arithmetic3A_409, %and3A_412], %broadcast_in_dim3A_139 masked %and3A_418 {add = true} : memref<2x32x1024xf32, #tpu.memory_space<vmem>>[vector<16xi32>, vector<16xi32>, vector<16xi32>], vector<16xf32>, vector<16xi1>
        %and3A_419 = arith.andi %lt3A_404, %eq3A_30 : vector<16xi1>
        tpu.vector_store_idx %arg5[%add3A_143, %shift_right_arithmetic3A_409, %and3A_412], %broadcast_in_dim3A_139 masked %and3A_419 {add = true} : memref<2x32x1024xf32, #tpu.memory_space<vmem>>[vector<16xi32>, vector<16xi32>, vector<16xi32>], vector<16xf32>, vector<16xi1>
        %and3A_420 = arith.andi %lt3A_404, %eq3A_33 : vector<16xi1>
        tpu.vector_store_idx %arg5[%add3A_143, %shift_right_arithmetic3A_409, %and3A_412], %broadcast_in_dim3A_139 masked %and3A_420 {add = true} : memref<2x32x1024xf32, #tpu.memory_space<vmem>>[vector<16xi32>, vector<16xi32>, vector<16xi32>], vector<16xf32>, vector<16xi1>
        %and3A_421 = arith.andi %lt3A_404, %eq3A_36 : vector<16xi1>
        tpu.vector_store_idx %arg5[%add3A_143, %shift_right_arithmetic3A_409, %and3A_412], %broadcast_in_dim3A_139 masked %and3A_421 {add = true} : memref<2x32x1024xf32, #tpu.memory_space<vmem>>[vector<16xi32>, vector<16xi32>, vector<16xi32>], vector<16xf32>, vector<16xi1>
        %and3A_422 = arith.andi %lt3A_404, %eq3A_39 : vector<16xi1>
        tpu.vector_store_idx %arg5[%add3A_143, %shift_right_arithmetic3A_409, %and3A_412], %broadcast_in_dim3A_139 masked %and3A_422 {add = true} : memref<2x32x1024xf32, #tpu.memory_space<vmem>>[vector<16xi32>, vector<16xi32>, vector<16xi32>], vector<16xf32>, vector<16xi1>
        %and3A_423 = arith.andi %lt3A_404, %eq3A_42 : vector<16xi1>
        tpu.vector_store_idx %arg5[%add3A_143, %shift_right_arithmetic3A_409, %and3A_412], %broadcast_in_dim3A_139 masked %and3A_423 {add = true} : memref<2x32x1024xf32, #tpu.memory_space<vmem>>[vector<16xi32>, vector<16xi32>, vector<16xi32>], vector<16xf32>, vector<16xi1>
        %and3A_424 = arith.andi %lt3A_404, %eq3A_45 : vector<16xi1>
        tpu.vector_store_idx %arg5[%add3A_143, %shift_right_arithmetic3A_409, %and3A_412], %broadcast_in_dim3A_139 masked %and3A_424 {add = true} : memref<2x32x1024xf32, #tpu.memory_space<vmem>>[vector<16xi32>, vector<16xi32>, vector<16xi32>], vector<16xf32>, vector<16xi1>
        %and3A_425 = arith.andi %lt3A_404, %eq3A_48 : vector<16xi1>
        tpu.vector_store_idx %arg5[%add3A_143, %shift_right_arithmetic3A_409, %and3A_412], %broadcast_in_dim3A_139 masked %and3A_425 {add = true} : memref<2x32x1024xf32, #tpu.memory_space<vmem>>[vector<16xi32>, vector<16xi32>, vector<16xi32>], vector<16xf32>, vector<16xi1>
        %and3A_426 = arith.andi %lt3A_404, %eq3A_51 : vector<16xi1>
        tpu.vector_store_idx %arg5[%add3A_143, %shift_right_arithmetic3A_409, %and3A_412], %broadcast_in_dim3A_139 masked %and3A_426 {add = true} : memref<2x32x1024xf32, #tpu.memory_space<vmem>>[vector<16xi32>, vector<16xi32>, vector<16xi32>], vector<16xf32>, vector<16xi1>
        %and3A_427 = arith.andi %lt3A_404, %eq3A_54 : vector<16xi1>
        tpu.vector_store_idx %arg5[%add3A_143, %shift_right_arithmetic3A_409, %and3A_412], %broadcast_in_dim3A_139 masked %and3A_427 {add = true} : memref<2x32x1024xf32, #tpu.memory_space<vmem>>[vector<16xi32>, vector<16xi32>, vector<16xi32>], vector<16xf32>, vector<16xi1>
        %and3A_428 = arith.andi %lt3A_404, %eq3A_57 : vector<16xi1>
        tpu.vector_store_idx %arg5[%add3A_143, %shift_right_arithmetic3A_409, %and3A_412], %broadcast_in_dim3A_139 masked %and3A_428 {add = true} : memref<2x32x1024xf32, #tpu.memory_space<vmem>>[vector<16xi32>, vector<16xi32>, vector<16xi32>], vector<16xf32>, vector<16xi1>
      }
      %add3A_169 = arith.constant 98 : i32
      %add3A_170 = arith.addi %add3A_169, %sub3A_135 : i32
      %mul3A_171 = arith.constant 16 : i32
      %mul3A_172 = arith.muli %add3A_170, %mul3A_171 : i32
      %get3A_173 = arith.index_cast %mul3A_172 : i32 to index
      %get3A_174 = tpu.vector_load %arg7[%get3A_173] {strides = array<i32>} : memref<3136xi32, #tpu.memory_space<vmem>>, vector<16xi32>,
      %reduce_max3A_175 = arith.constant true
      %reduce_max3A_176 = vector.broadcast %reduce_max3A_175 : i1 to vector<16xi1>
      %reduce_max3A_177 = arith.constant -2147483648 : i32
      %reduce_max3A_178 = vector.broadcast %reduce_max3A_177 : i32 to vector<16xi32>
      %reduce_max3A_179 = arith.xori %get3A_174, %reduce_max3A_178 : vector<16xi32>
      %reduce_max3A_180 = tpu.scan <max>, %reduce_max3A_179 masked %reduce_max3A_176 : vector<16xi32>, vector<16xi1> -> vector<16xi32>
      %reduce_max3A_181 = arith.xori %reduce_max3A_180, %reduce_max3A_178 : vector<16xi32>
      %reduce_max3A_182 = vector.extract %reduce_max3A_181[15] : i32 from vector<16xi32>
      %while3A_183 = arith.constant 0 : i32
      %while3A_184 = arith.constant 0 : i32
      %while3A_185 = arith.subi %reduce_max3A_182, %while3A_184 : i32
      %while3A_186 = arith.addi %while3A_184, %while3A_185 : i32
      %while3A_187 = arith.constant 1 : i32
      %while3A_188 = arith.divsi %while3A_185, %while3A_187 : i32
      %while3A_189 = arith.muli %while3A_188, %while3A_187 : i32
      %while3A_190 = arith.addi %while3A_184, %while3A_189 : i32
      %while3A_191 = arith.constant 1 : i32
      scf.for %while3A_393 = %while3A_184 to %while3A_190 step %while3A_191  : i32 {
        %add3A_394 = arith.constant 98 : i32
        %add3A_395 = arith.addi %add3A_394, %sub3A_135 : i32
        %mul3A_396 = arith.constant 256 : i32
        %mul3A_397 = arith.muli %add3A_395, %mul3A_396 : i32
        %mul3A_398 = arith.constant 16 : i32
        %mul3A_399 = arith.muli %while3A_393, %mul3A_398 : i32
        %add3A_400 = arith.addi %mul3A_397, %mul3A_399 : i32
        %get3A_401 = arith.index_cast %add3A_400 : i32 to index
        %get3A_402 = tpu.vector_load %arg6[%get3A_401] {strides = array<i32>} : memref<50176xi32, #tpu.memory_space<vmem>>, vector<16xi32>,
        %lt3A_403 = vector.broadcast %while3A_393 : i32 to vector<16xi32>
        %lt3A_404 = arith.cmpi slt, %lt3A_403, %get3A_174 : vector<16xi32>
        %sub3A_405 = vector.broadcast %mul3A_145 : i32 to vector<16xi32>
        %sub3A_406 = arith.subi %get3A_402, %sub3A_405 : vector<16xi32>
        %shift_right_arithmetic3A_407 = arith.constant 10 : i32
        %shift_right_arithmetic3A_408 = vector.broadcast %shift_right_arithmetic3A_407 : i32 to vector<16xi32>
        %shift_right_arithmetic3A_409 = arith.shrsi %sub3A_406, %shift_right_arithmetic3A_408 : vector<16xi32>
        %and3A_410 = arith.constant 1023 : i32
        %and3A_411 = vector.broadcast %and3A_410 : i32 to vector<16xi32>
        %and3A_412 = arith.andi %sub3A_406, %and3A_411 : vector<16xi32>
        %and3A_413 = arith.andi %lt3A_404, %eq3A_12 : vector<16xi1>
        tpu.vector_store_idx %arg5[%add3A_143, %shift_right_arithmetic3A_409, %and3A_412], %broadcast_in_dim3A_139 masked %and3A_413 {add = true} : memref<2x32x1024xf32, #tpu.memory_space<vmem>>[vector<16xi32>, vector<16xi32>, vector<16xi32>], vector<16xf32>, vector<16xi1>
        %and3A_414 = arith.andi %lt3A_404, %eq3A_15 : vector<16xi1>
        tpu.vector_store_idx %arg5[%add3A_143, %shift_right_arithmetic3A_409, %and3A_412], %broadcast_in_dim3A_139 masked %and3A_414 {add = true} : memref<2x32x1024xf32, #tpu.memory_space<vmem>>[vector<16xi32>, vector<16xi32>, vector<16xi32>], vector<16xf32>, vector<16xi1>
        %and3A_415 = arith.andi %lt3A_404, %eq3A_18 : vector<16xi1>
        tpu.vector_store_idx %arg5[%add3A_143, %shift_right_arithmetic3A_409, %and3A_412], %broadcast_in_dim3A_139 masked %and3A_415 {add = true} : memref<2x32x1024xf32, #tpu.memory_space<vmem>>[vector<16xi32>, vector<16xi32>, vector<16xi32>], vector<16xf32>, vector<16xi1>
        %and3A_416 = arith.andi %lt3A_404, %eq3A_21 : vector<16xi1>
        tpu.vector_store_idx %arg5[%add3A_143, %shift_right_arithmetic3A_409, %and3A_412], %broadcast_in_dim3A_139 masked %and3A_416 {add = true} : memref<2x32x1024xf32, #tpu.memory_space<vmem>>[vector<16xi32>, vector<16xi32>, vector<16xi32>], vector<16xf32>, vector<16xi1>
        %and3A_417 = arith.andi %lt3A_404, %eq3A_24 : vector<16xi1>
        tpu.vector_store_idx %arg5[%add3A_143, %shift_right_arithmetic3A_409, %and3A_412], %broadcast_in_dim3A_139 masked %and3A_417 {add = true} : memref<2x32x1024xf32, #tpu.memory_space<vmem>>[vector<16xi32>, vector<16xi32>, vector<16xi32>], vector<16xf32>, vector<16xi1>
        %and3A_418 = arith.andi %lt3A_404, %eq3A_27 : vector<16xi1>
        tpu.vector_store_idx %arg5[%add3A_143, %shift_right_arithmetic3A_409, %and3A_412], %broadcast_in_dim3A_139 masked %and3A_418 {add = true} : memref<2x32x1024xf32, #tpu.memory_space<vmem>>[vector<16xi32>, vector<16xi32>, vector<16xi32>], vector<16xf32>, vector<16xi1>
        %and3A_419 = arith.andi %lt3A_404, %eq3A_30 : vector<16xi1>
        tpu.vector_store_idx %arg5[%add3A_143, %shift_right_arithmetic3A_409, %and3A_412], %broadcast_in_dim3A_139 masked %and3A_419 {add = true} : memref<2x32x1024xf32, #tpu.memory_space<vmem>>[vector<16xi32>, vector<16xi32>, vector<16xi32>], vector<16xf32>, vector<16xi1>
        %and3A_420 = arith.andi %lt3A_404, %eq3A_33 : vector<16xi1>
        tpu.vector_store_idx %arg5[%add3A_143, %shift_right_arithmetic3A_409, %and3A_412], %broadcast_in_dim3A_139 masked %and3A_420 {add = true} : memref<2x32x1024xf32, #tpu.memory_space<vmem>>[vector<16xi32>, vector<16xi32>, vector<16xi32>], vector<16xf32>, vector<16xi1>
        %and3A_421 = arith.andi %lt3A_404, %eq3A_36 : vector<16xi1>
        tpu.vector_store_idx %arg5[%add3A_143, %shift_right_arithmetic3A_409, %and3A_412], %broadcast_in_dim3A_139 masked %and3A_421 {add = true} : memref<2x32x1024xf32, #tpu.memory_space<vmem>>[vector<16xi32>, vector<16xi32>, vector<16xi32>], vector<16xf32>, vector<16xi1>
        %and3A_422 = arith.andi %lt3A_404, %eq3A_39 : vector<16xi1>
        tpu.vector_store_idx %arg5[%add3A_143, %shift_right_arithmetic3A_409, %and3A_412], %broadcast_in_dim3A_139 masked %and3A_422 {add = true} : memref<2x32x1024xf32, #tpu.memory_space<vmem>>[vector<16xi32>, vector<16xi32>, vector<16xi32>], vector<16xf32>, vector<16xi1>
        %and3A_423 = arith.andi %lt3A_404, %eq3A_42 : vector<16xi1>
        tpu.vector_store_idx %arg5[%add3A_143, %shift_right_arithmetic3A_409, %and3A_412], %broadcast_in_dim3A_139 masked %and3A_423 {add = true} : memref<2x32x1024xf32, #tpu.memory_space<vmem>>[vector<16xi32>, vector<16xi32>, vector<16xi32>], vector<16xf32>, vector<16xi1>
        %and3A_424 = arith.andi %lt3A_404, %eq3A_45 : vector<16xi1>
        tpu.vector_store_idx %arg5[%add3A_143, %shift_right_arithmetic3A_409, %and3A_412], %broadcast_in_dim3A_139 masked %and3A_424 {add = true} : memref<2x32x1024xf32, #tpu.memory_space<vmem>>[vector<16xi32>, vector<16xi32>, vector<16xi32>], vector<16xf32>, vector<16xi1>
        %and3A_425 = arith.andi %lt3A_404, %eq3A_48 : vector<16xi1>
        tpu.vector_store_idx %arg5[%add3A_143, %shift_right_arithmetic3A_409, %and3A_412], %broadcast_in_dim3A_139 masked %and3A_425 {add = true} : memref<2x32x1024xf32, #tpu.memory_space<vmem>>[vector<16xi32>, vector<16xi32>, vector<16xi32>], vector<16xf32>, vector<16xi1>
        %and3A_426 = arith.andi %lt3A_404, %eq3A_51 : vector<16xi1>
        tpu.vector_store_idx %arg5[%add3A_143, %shift_right_arithmetic3A_409, %and3A_412], %broadcast_in_dim3A_139 masked %and3A_426 {add = true} : memref<2x32x1024xf32, #tpu.memory_space<vmem>>[vector<16xi32>, vector<16xi32>, vector<16xi32>], vector<16xf32>, vector<16xi1>
        %and3A_427 = arith.andi %lt3A_404, %eq3A_54 : vector<16xi1>
        tpu.vector_store_idx %arg5[%add3A_143, %shift_right_arithmetic3A_409, %and3A_412], %broadcast_in_dim3A_139 masked %and3A_427 {add = true} : memref<2x32x1024xf32, #tpu.memory_space<vmem>>[vector<16xi32>, vector<16xi32>, vector<16xi32>], vector<16xf32>, vector<16xi1>
        %and3A_428 = arith.andi %lt3A_404, %eq3A_57 : vector<16xi1>
        tpu.vector_store_idx %arg5[%add3A_143, %shift_right_arithmetic3A_409, %and3A_412], %broadcast_in_dim3A_139 masked %and3A_428 {add = true} : memref<2x32x1024xf32, #tpu.memory_space<vmem>>[vector<16xi32>, vector<16xi32>, vector<16xi32>], vector<16xf32>, vector<16xi1>
      }
      %while3A_192 = arith.constant 1 : i32
      scf.for %while3A_393 = %while3A_190 to %while3A_186 step %while3A_192  : i32 {
        %add3A_394 = arith.constant 98 : i32
        %add3A_395 = arith.addi %add3A_394, %sub3A_135 : i32
        %mul3A_396 = arith.constant 256 : i32
        %mul3A_397 = arith.muli %add3A_395, %mul3A_396 : i32
        %mul3A_398 = arith.constant 16 : i32
        %mul3A_399 = arith.muli %while3A_393, %mul3A_398 : i32
        %add3A_400 = arith.addi %mul3A_397, %mul3A_399 : i32
        %get3A_401 = arith.index_cast %add3A_400 : i32 to index
        %get3A_402 = tpu.vector_load %arg6[%get3A_401] {strides = array<i32>} : memref<50176xi32, #tpu.memory_space<vmem>>, vector<16xi32>,
        %lt3A_403 = vector.broadcast %while3A_393 : i32 to vector<16xi32>
        %lt3A_404 = arith.cmpi slt, %lt3A_403, %get3A_174 : vector<16xi32>
        %sub3A_405 = vector.broadcast %mul3A_145 : i32 to vector<16xi32>
        %sub3A_406 = arith.subi %get3A_402, %sub3A_405 : vector<16xi32>
        %shift_right_arithmetic3A_407 = arith.constant 10 : i32
        %shift_right_arithmetic3A_408 = vector.broadcast %shift_right_arithmetic3A_407 : i32 to vector<16xi32>
        %shift_right_arithmetic3A_409 = arith.shrsi %sub3A_406, %shift_right_arithmetic3A_408 : vector<16xi32>
        %and3A_410 = arith.constant 1023 : i32
        %and3A_411 = vector.broadcast %and3A_410 : i32 to vector<16xi32>
        %and3A_412 = arith.andi %sub3A_406, %and3A_411 : vector<16xi32>
        %and3A_413 = arith.andi %lt3A_404, %eq3A_12 : vector<16xi1>
        tpu.vector_store_idx %arg5[%add3A_143, %shift_right_arithmetic3A_409, %and3A_412], %broadcast_in_dim3A_139 masked %and3A_413 {add = true} : memref<2x32x1024xf32, #tpu.memory_space<vmem>>[vector<16xi32>, vector<16xi32>, vector<16xi32>], vector<16xf32>, vector<16xi1>
        %and3A_414 = arith.andi %lt3A_404, %eq3A_15 : vector<16xi1>
        tpu.vector_store_idx %arg5[%add3A_143, %shift_right_arithmetic3A_409, %and3A_412], %broadcast_in_dim3A_139 masked %and3A_414 {add = true} : memref<2x32x1024xf32, #tpu.memory_space<vmem>>[vector<16xi32>, vector<16xi32>, vector<16xi32>], vector<16xf32>, vector<16xi1>
        %and3A_415 = arith.andi %lt3A_404, %eq3A_18 : vector<16xi1>
        tpu.vector_store_idx %arg5[%add3A_143, %shift_right_arithmetic3A_409, %and3A_412], %broadcast_in_dim3A_139 masked %and3A_415 {add = true} : memref<2x32x1024xf32, #tpu.memory_space<vmem>>[vector<16xi32>, vector<16xi32>, vector<16xi32>], vector<16xf32>, vector<16xi1>
        %and3A_416 = arith.andi %lt3A_404, %eq3A_21 : vector<16xi1>
        tpu.vector_store_idx %arg5[%add3A_143, %shift_right_arithmetic3A_409, %and3A_412], %broadcast_in_dim3A_139 masked %and3A_416 {add = true} : memref<2x32x1024xf32, #tpu.memory_space<vmem>>[vector<16xi32>, vector<16xi32>, vector<16xi32>], vector<16xf32>, vector<16xi1>
        %and3A_417 = arith.andi %lt3A_404, %eq3A_24 : vector<16xi1>
        tpu.vector_store_idx %arg5[%add3A_143, %shift_right_arithmetic3A_409, %and3A_412], %broadcast_in_dim3A_139 masked %and3A_417 {add = true} : memref<2x32x1024xf32, #tpu.memory_space<vmem>>[vector<16xi32>, vector<16xi32>, vector<16xi32>], vector<16xf32>, vector<16xi1>
        %and3A_418 = arith.andi %lt3A_404, %eq3A_27 : vector<16xi1>
        tpu.vector_store_idx %arg5[%add3A_143, %shift_right_arithmetic3A_409, %and3A_412], %broadcast_in_dim3A_139 masked %and3A_418 {add = true} : memref<2x32x1024xf32, #tpu.memory_space<vmem>>[vector<16xi32>, vector<16xi32>, vector<16xi32>], vector<16xf32>, vector<16xi1>
        %and3A_419 = arith.andi %lt3A_404, %eq3A_30 : vector<16xi1>
        tpu.vector_store_idx %arg5[%add3A_143, %shift_right_arithmetic3A_409, %and3A_412], %broadcast_in_dim3A_139 masked %and3A_419 {add = true} : memref<2x32x1024xf32, #tpu.memory_space<vmem>>[vector<16xi32>, vector<16xi32>, vector<16xi32>], vector<16xf32>, vector<16xi1>
        %and3A_420 = arith.andi %lt3A_404, %eq3A_33 : vector<16xi1>
        tpu.vector_store_idx %arg5[%add3A_143, %shift_right_arithmetic3A_409, %and3A_412], %broadcast_in_dim3A_139 masked %and3A_420 {add = true} : memref<2x32x1024xf32, #tpu.memory_space<vmem>>[vector<16xi32>, vector<16xi32>, vector<16xi32>], vector<16xf32>, vector<16xi1>
        %and3A_421 = arith.andi %lt3A_404, %eq3A_36 : vector<16xi1>
        tpu.vector_store_idx %arg5[%add3A_143, %shift_right_arithmetic3A_409, %and3A_412], %broadcast_in_dim3A_139 masked %and3A_421 {add = true} : memref<2x32x1024xf32, #tpu.memory_space<vmem>>[vector<16xi32>, vector<16xi32>, vector<16xi32>], vector<16xf32>, vector<16xi1>
        %and3A_422 = arith.andi %lt3A_404, %eq3A_39 : vector<16xi1>
        tpu.vector_store_idx %arg5[%add3A_143, %shift_right_arithmetic3A_409, %and3A_412], %broadcast_in_dim3A_139 masked %and3A_422 {add = true} : memref<2x32x1024xf32, #tpu.memory_space<vmem>>[vector<16xi32>, vector<16xi32>, vector<16xi32>], vector<16xf32>, vector<16xi1>
        %and3A_423 = arith.andi %lt3A_404, %eq3A_42 : vector<16xi1>
        tpu.vector_store_idx %arg5[%add3A_143, %shift_right_arithmetic3A_409, %and3A_412], %broadcast_in_dim3A_139 masked %and3A_423 {add = true} : memref<2x32x1024xf32, #tpu.memory_space<vmem>>[vector<16xi32>, vector<16xi32>, vector<16xi32>], vector<16xf32>, vector<16xi1>
        %and3A_424 = arith.andi %lt3A_404, %eq3A_45 : vector<16xi1>
        tpu.vector_store_idx %arg5[%add3A_143, %shift_right_arithmetic3A_409, %and3A_412], %broadcast_in_dim3A_139 masked %and3A_424 {add = true} : memref<2x32x1024xf32, #tpu.memory_space<vmem>>[vector<16xi32>, vector<16xi32>, vector<16xi32>], vector<16xf32>, vector<16xi1>
        %and3A_425 = arith.andi %lt3A_404, %eq3A_48 : vector<16xi1>
        tpu.vector_store_idx %arg5[%add3A_143, %shift_right_arithmetic3A_409, %and3A_412], %broadcast_in_dim3A_139 masked %and3A_425 {add = true} : memref<2x32x1024xf32, #tpu.memory_space<vmem>>[vector<16xi32>, vector<16xi32>, vector<16xi32>], vector<16xf32>, vector<16xi1>
        %and3A_426 = arith.andi %lt3A_404, %eq3A_51 : vector<16xi1>
        tpu.vector_store_idx %arg5[%add3A_143, %shift_right_arithmetic3A_409, %and3A_412], %broadcast_in_dim3A_139 masked %and3A_426 {add = true} : memref<2x32x1024xf32, #tpu.memory_space<vmem>>[vector<16xi32>, vector<16xi32>, vector<16xi32>], vector<16xf32>, vector<16xi1>
        %and3A_427 = arith.andi %lt3A_404, %eq3A_54 : vector<16xi1>
        tpu.vector_store_idx %arg5[%add3A_143, %shift_right_arithmetic3A_409, %and3A_412], %broadcast_in_dim3A_139 masked %and3A_427 {add = true} : memref<2x32x1024xf32, #tpu.memory_space<vmem>>[vector<16xi32>, vector<16xi32>, vector<16xi32>], vector<16xf32>, vector<16xi1>
        %and3A_428 = arith.andi %lt3A_404, %eq3A_57 : vector<16xi1>
        tpu.vector_store_idx %arg5[%add3A_143, %shift_right_arithmetic3A_409, %and3A_412], %broadcast_in_dim3A_139 masked %and3A_428 {add = true} : memref<2x32x1024xf32, #tpu.memory_space<vmem>>[vector<16xi32>, vector<16xi32>, vector<16xi32>], vector<16xf32>, vector<16xi1>
      }
      %sub3A_193 = arith.constant 1 : i32
      %sub3A_194 = arith.subi %shift_right_arithmetic3A_99, %sub3A_193 : i32
      %and3A_195 = arith.constant 1 : i32
      %and3A_196 = arith.andi %shift_right_arithmetic3A_99, %and3A_195 : i32
      %sub3A_197 = arith.constant 1 : i32
      %sub3A_198 = arith.subi %sub3A_197, %and3A_196 : i32
      %mul3A_199 = arith.constant 32 : i32
      %mul3A_200 = arith.muli %sub3A_194, %mul3A_199 : i32
      %add3A_201 = arith.addi %mul3A_2, %mul3A_200 : i32
      %dma_wait3A_202 = arith.constant 0 : i32
      %dma_wait3A_203 = arith.constant 0 : i32
      %dma_wait3A_204 = tpu.memref_slice %arg5[%sub3A_198, %dma_wait3A_202, %dma_wait3A_203] : memref<2x32x1024xf32, #tpu.memory_space<vmem>> -> memref<1x32x1024xf32, #tpu.memory_space<vmem>>
      %dma_wait3A_205 = tpu.memref_squeeze %dma_wait3A_204 : memref<1x32x1024xf32, #tpu.memory_space<vmem>> -> memref<32x1024xf32, #tpu.memory_space<vmem>>
      %dma_wait3A_206 = arith.constant 0 : i32
      %dma_wait3A_207 = tpu.memref_slice %arg3[%add3A_201, %dma_wait3A_206] : memref<100000x1024xf32, #tpu.memory_space<hbm>> -> memref<32x1024xf32, #tpu.memory_space<hbm>>
      %dma_wait3A_208 = arith.constant 0 : i32
      %dma_wait3A_209 = tpu.memref_slice %arg3[%add3A_201, %dma_wait3A_208] : memref<100000x1024xf32, #tpu.memory_space<hbm>> -> memref<32x1024xf32, #tpu.memory_space<hbm>>
      %dma_wait3A_210 = arith.constant 0 : i32
      %dma_wait3A_211 = arith.constant 0 : i32
      %dma_wait3A_212 = tpu.memref_slice %arg5[%sub3A_198, %dma_wait3A_210, %dma_wait3A_211] : memref<2x32x1024xf32, #tpu.memory_space<vmem>> -> memref<1x32x1024xf32, #tpu.memory_space<vmem>>
      %dma_wait3A_213 = tpu.memref_squeeze %dma_wait3A_212 : memref<1x32x1024xf32, #tpu.memory_space<vmem>> -> memref<32x1024xf32, #tpu.memory_space<vmem>>
      tpu.wait_dma2 semaphore(%arg8 : memref<!tpu.dma_semaphore, #tpu.memory_space<semaphore_mem>>) src(%dma_wait3A_213 : memref<32x1024xf32, #tpu.memory_space<vmem>>) dst(%dma_wait3A_209 : memref<32x1024xf32, #tpu.memory_space<hbm>>)
      %sub3A_214 = arith.constant 1 : i32
      %sub3A_215 = arith.subi %shift_right_arithmetic3A_99, %sub3A_214 : i32
      %and3A_216 = arith.constant 1 : i32
      %and3A_217 = arith.andi %shift_right_arithmetic3A_99, %and3A_216 : i32
      %sub3A_218 = arith.constant 1 : i32
      %sub3A_219 = arith.subi %sub3A_218, %and3A_217 : i32
      %broadcast_in_dim3A_220 = arith.constant -1.000000e+00 : f32
      %broadcast_in_dim3A_221 = vector.broadcast %broadcast_in_dim3A_220 : f32 to vector<16xf32>
      %broadcast_in_dim3A_222 = arith.constant 0 : i32
      %broadcast_in_dim3A_223 = vector.broadcast %broadcast_in_dim3A_222 : i32 to vector<16xi32>
      %add3A_224 = vector.broadcast %sub3A_219 : i32 to vector<16xi32>
      %add3A_225 = arith.addi %broadcast_in_dim3A_223, %add3A_224 : vector<16xi32>
      %mul3A_226 = arith.constant 32768 : i32
      %mul3A_227 = arith.muli %sub3A_215, %mul3A_226 : i32
      %add3A_228 = arith.constant 0 : i32
      %add3A_229 = arith.addi %add3A_228, %sub3A_215 : i32
      %mul3A_230 = arith.constant 16 : i32
      %mul3A_231 = arith.muli %add3A_229, %mul3A_230 : i32
      %get3A_232 = arith.index_cast %mul3A_231 : i32 to index
      %get3A_233 = tpu.vector_load %arg7[%get3A_232] {strides = array<i32>} : memref<3136xi32, #tpu.memory_space<vmem>>, vector<16xi32>,
      %reduce_max3A_234 = arith.constant true
      %reduce_max3A_235 = vector.broadcast %reduce_max3A_234 : i1 to vector<16xi1>
      %reduce_max3A_236 = arith.constant -2147483648 : i32
      %reduce_max3A_237 = vector.broadcast %reduce_max3A_236 : i32 to vector<16xi32>
      %reduce_max3A_238 = arith.xori %get3A_233, %reduce_max3A_237 : vector<16xi32>
      %reduce_max3A_239 = tpu.scan <max>, %reduce_max3A_238 masked %reduce_max3A_235 : vector<16xi32>, vector<16xi1> -> vector<16xi32>
      %reduce_max3A_240 = arith.xori %reduce_max3A_239, %reduce_max3A_237 : vector<16xi32>
      %reduce_max3A_241 = vector.extract %reduce_max3A_240[15] : i32 from vector<16xi32>
      %while3A_242 = arith.constant 0 : i32
      %while3A_243 = arith.constant 0 : i32
      %while3A_244 = arith.subi %reduce_max3A_241, %while3A_243 : i32
      %while3A_245 = arith.addi %while3A_243, %while3A_244 : i32
      %while3A_246 = arith.constant 1 : i32
      %while3A_247 = arith.divsi %while3A_244, %while3A_246 : i32
      %while3A_248 = arith.muli %while3A_247, %while3A_246 : i32
      %while3A_249 = arith.addi %while3A_243, %while3A_248 : i32
      %while3A_250 = arith.constant 1 : i32
      scf.for %while3A_393 = %while3A_243 to %while3A_249 step %while3A_250  : i32 {
        %add3A_394 = arith.constant 0 : i32
        %add3A_395 = arith.addi %add3A_394, %sub3A_215 : i32
        %mul3A_396 = arith.constant 256 : i32
        %mul3A_397 = arith.muli %add3A_395, %mul3A_396 : i32
        %mul3A_398 = arith.constant 16 : i32
        %mul3A_399 = arith.muli %while3A_393, %mul3A_398 : i32
        %add3A_400 = arith.addi %mul3A_397, %mul3A_399 : i32
        %get3A_401 = arith.index_cast %add3A_400 : i32 to index
        %get3A_402 = tpu.vector_load %arg6[%get3A_401] {strides = array<i32>} : memref<50176xi32, #tpu.memory_space<vmem>>, vector<16xi32>,
        %lt3A_403 = vector.broadcast %while3A_393 : i32 to vector<16xi32>
        %lt3A_404 = arith.cmpi slt, %lt3A_403, %get3A_233 : vector<16xi32>
        %sub3A_405 = vector.broadcast %mul3A_227 : i32 to vector<16xi32>
        %sub3A_406 = arith.subi %get3A_402, %sub3A_405 : vector<16xi32>
        %shift_right_arithmetic3A_407 = arith.constant 10 : i32
        %shift_right_arithmetic3A_408 = vector.broadcast %shift_right_arithmetic3A_407 : i32 to vector<16xi32>
        %shift_right_arithmetic3A_409 = arith.shrsi %sub3A_406, %shift_right_arithmetic3A_408 : vector<16xi32>
        %and3A_410 = arith.constant 1023 : i32
        %and3A_411 = vector.broadcast %and3A_410 : i32 to vector<16xi32>
        %and3A_412 = arith.andi %sub3A_406, %and3A_411 : vector<16xi32>
        %and3A_413 = arith.andi %lt3A_404, %eq3A_12 : vector<16xi1>
        tpu.vector_store_idx %arg5[%add3A_225, %shift_right_arithmetic3A_409, %and3A_412], %broadcast_in_dim3A_221 masked %and3A_413 {add = true} : memref<2x32x1024xf32, #tpu.memory_space<vmem>>[vector<16xi32>, vector<16xi32>, vector<16xi32>], vector<16xf32>, vector<16xi1>
        %and3A_414 = arith.andi %lt3A_404, %eq3A_15 : vector<16xi1>
        tpu.vector_store_idx %arg5[%add3A_225, %shift_right_arithmetic3A_409, %and3A_412], %broadcast_in_dim3A_221 masked %and3A_414 {add = true} : memref<2x32x1024xf32, #tpu.memory_space<vmem>>[vector<16xi32>, vector<16xi32>, vector<16xi32>], vector<16xf32>, vector<16xi1>
        %and3A_415 = arith.andi %lt3A_404, %eq3A_18 : vector<16xi1>
        tpu.vector_store_idx %arg5[%add3A_225, %shift_right_arithmetic3A_409, %and3A_412], %broadcast_in_dim3A_221 masked %and3A_415 {add = true} : memref<2x32x1024xf32, #tpu.memory_space<vmem>>[vector<16xi32>, vector<16xi32>, vector<16xi32>], vector<16xf32>, vector<16xi1>
        %and3A_416 = arith.andi %lt3A_404, %eq3A_21 : vector<16xi1>
        tpu.vector_store_idx %arg5[%add3A_225, %shift_right_arithmetic3A_409, %and3A_412], %broadcast_in_dim3A_221 masked %and3A_416 {add = true} : memref<2x32x1024xf32, #tpu.memory_space<vmem>>[vector<16xi32>, vector<16xi32>, vector<16xi32>], vector<16xf32>, vector<16xi1>
        %and3A_417 = arith.andi %lt3A_404, %eq3A_24 : vector<16xi1>
        tpu.vector_store_idx %arg5[%add3A_225, %shift_right_arithmetic3A_409, %and3A_412], %broadcast_in_dim3A_221 masked %and3A_417 {add = true} : memref<2x32x1024xf32, #tpu.memory_space<vmem>>[vector<16xi32>, vector<16xi32>, vector<16xi32>], vector<16xf32>, vector<16xi1>
        %and3A_418 = arith.andi %lt3A_404, %eq3A_27 : vector<16xi1>
        tpu.vector_store_idx %arg5[%add3A_225, %shift_right_arithmetic3A_409, %and3A_412], %broadcast_in_dim3A_221 masked %and3A_418 {add = true} : memref<2x32x1024xf32, #tpu.memory_space<vmem>>[vector<16xi32>, vector<16xi32>, vector<16xi32>], vector<16xf32>, vector<16xi1>
        %and3A_419 = arith.andi %lt3A_404, %eq3A_30 : vector<16xi1>
        tpu.vector_store_idx %arg5[%add3A_225, %shift_right_arithmetic3A_409, %and3A_412], %broadcast_in_dim3A_221 masked %and3A_419 {add = true} : memref<2x32x1024xf32, #tpu.memory_space<vmem>>[vector<16xi32>, vector<16xi32>, vector<16xi32>], vector<16xf32>, vector<16xi1>
        %and3A_420 = arith.andi %lt3A_404, %eq3A_33 : vector<16xi1>
        tpu.vector_store_idx %arg5[%add3A_225, %shift_right_arithmetic3A_409, %and3A_412], %broadcast_in_dim3A_221 masked %and3A_420 {add = true} : memref<2x32x1024xf32, #tpu.memory_space<vmem>>[vector<16xi32>, vector<16xi32>, vector<16xi32>], vector<16xf32>, vector<16xi1>
        %and3A_421 = arith.andi %lt3A_404, %eq3A_36 : vector<16xi1>
        tpu.vector_store_idx %arg5[%add3A_225, %shift_right_arithmetic3A_409, %and3A_412], %broadcast_in_dim3A_221 masked %and3A_421 {add = true} : memref<2x32x1024xf32, #tpu.memory_space<vmem>>[vector<16xi32>, vector<16xi32>, vector<16xi32>], vector<16xf32>, vector<16xi1>
        %and3A_422 = arith.andi %lt3A_404, %eq3A_39 : vector<16xi1>
        tpu.vector_store_idx %arg5[%add3A_225, %shift_right_arithmetic3A_409, %and3A_412], %broadcast_in_dim3A_221 masked %and3A_422 {add = true} : memref<2x32x1024xf32, #tpu.memory_space<vmem>>[vector<16xi32>, vector<16xi32>, vector<16xi32>], vector<16xf32>, vector<16xi1>
        %and3A_423 = arith.andi %lt3A_404, %eq3A_42 : vector<16xi1>
        tpu.vector_store_idx %arg5[%add3A_225, %shift_right_arithmetic3A_409, %and3A_412], %broadcast_in_dim3A_221 masked %and3A_423 {add = true} : memref<2x32x1024xf32, #tpu.memory_space<vmem>>[vector<16xi32>, vector<16xi32>, vector<16xi32>], vector<16xf32>, vector<16xi1>
        %and3A_424 = arith.andi %lt3A_404, %eq3A_45 : vector<16xi1>
        tpu.vector_store_idx %arg5[%add3A_225, %shift_right_arithmetic3A_409, %and3A_412], %broadcast_in_dim3A_221 masked %and3A_424 {add = true} : memref<2x32x1024xf32, #tpu.memory_space<vmem>>[vector<16xi32>, vector<16xi32>, vector<16xi32>], vector<16xf32>, vector<16xi1>
        %and3A_425 = arith.andi %lt3A_404, %eq3A_48 : vector<16xi1>
        tpu.vector_store_idx %arg5[%add3A_225, %shift_right_arithmetic3A_409, %and3A_412], %broadcast_in_dim3A_221 masked %and3A_425 {add = true} : memref<2x32x1024xf32, #tpu.memory_space<vmem>>[vector<16xi32>, vector<16xi32>, vector<16xi32>], vector<16xf32>, vector<16xi1>
        %and3A_426 = arith.andi %lt3A_404, %eq3A_51 : vector<16xi1>
        tpu.vector_store_idx %arg5[%add3A_225, %shift_right_arithmetic3A_409, %and3A_412], %broadcast_in_dim3A_221 masked %and3A_426 {add = true} : memref<2x32x1024xf32, #tpu.memory_space<vmem>>[vector<16xi32>, vector<16xi32>, vector<16xi32>], vector<16xf32>, vector<16xi1>
        %and3A_427 = arith.andi %lt3A_404, %eq3A_54 : vector<16xi1>
        tpu.vector_store_idx %arg5[%add3A_225, %shift_right_arithmetic3A_409, %and3A_412], %broadcast_in_dim3A_221 masked %and3A_427 {add = true} : memref<2x32x1024xf32, #tpu.memory_space<vmem>>[vector<16xi32>, vector<16xi32>, vector<16xi32>], vector<16xf32>, vector<16xi1>
        %and3A_428 = arith.andi %lt3A_404, %eq3A_57 : vector<16xi1>
        tpu.vector_store_idx %arg5[%add3A_225, %shift_right_arithmetic3A_409, %and3A_412], %broadcast_in_dim3A_221 masked %and3A_428 {add = true} : memref<2x32x1024xf32, #tpu.memory_space<vmem>>[vector<16xi32>, vector<16xi32>, vector<16xi32>], vector<16xf32>, vector<16xi1>
      }
      %while3A_251 = arith.constant 1 : i32
      scf.for %while3A_393 = %while3A_249 to %while3A_245 step %while3A_251  : i32 {
        %add3A_394 = arith.constant 0 : i32
        %add3A_395 = arith.addi %add3A_394, %sub3A_215 : i32
        %mul3A_396 = arith.constant 256 : i32
        %mul3A_397 = arith.muli %add3A_395, %mul3A_396 : i32
        %mul3A_398 = arith.constant 16 : i32
        %mul3A_399 = arith.muli %while3A_393, %mul3A_398 : i32
        %add3A_400 = arith.addi %mul3A_397, %mul3A_399 : i32
        %get3A_401 = arith.index_cast %add3A_400 : i32 to index
        %get3A_402 = tpu.vector_load %arg6[%get3A_401] {strides = array<i32>} : memref<50176xi32, #tpu.memory_space<vmem>>, vector<16xi32>,
        %lt3A_403 = vector.broadcast %while3A_393 : i32 to vector<16xi32>
        %lt3A_404 = arith.cmpi slt, %lt3A_403, %get3A_233 : vector<16xi32>
        %sub3A_405 = vector.broadcast %mul3A_227 : i32 to vector<16xi32>
        %sub3A_406 = arith.subi %get3A_402, %sub3A_405 : vector<16xi32>
        %shift_right_arithmetic3A_407 = arith.constant 10 : i32
        %shift_right_arithmetic3A_408 = vector.broadcast %shift_right_arithmetic3A_407 : i32 to vector<16xi32>
        %shift_right_arithmetic3A_409 = arith.shrsi %sub3A_406, %shift_right_arithmetic3A_408 : vector<16xi32>
        %and3A_410 = arith.constant 1023 : i32
        %and3A_411 = vector.broadcast %and3A_410 : i32 to vector<16xi32>
        %and3A_412 = arith.andi %sub3A_406, %and3A_411 : vector<16xi32>
        %and3A_413 = arith.andi %lt3A_404, %eq3A_12 : vector<16xi1>
        tpu.vector_store_idx %arg5[%add3A_225, %shift_right_arithmetic3A_409, %and3A_412], %broadcast_in_dim3A_221 masked %and3A_413 {add = true} : memref<2x32x1024xf32, #tpu.memory_space<vmem>>[vector<16xi32>, vector<16xi32>, vector<16xi32>], vector<16xf32>, vector<16xi1>
        %and3A_414 = arith.andi %lt3A_404, %eq3A_15 : vector<16xi1>
        tpu.vector_store_idx %arg5[%add3A_225, %shift_right_arithmetic3A_409, %and3A_412], %broadcast_in_dim3A_221 masked %and3A_414 {add = true} : memref<2x32x1024xf32, #tpu.memory_space<vmem>>[vector<16xi32>, vector<16xi32>, vector<16xi32>], vector<16xf32>, vector<16xi1>
        %and3A_415 = arith.andi %lt3A_404, %eq3A_18 : vector<16xi1>
        tpu.vector_store_idx %arg5[%add3A_225, %shift_right_arithmetic3A_409, %and3A_412], %broadcast_in_dim3A_221 masked %and3A_415 {add = true} : memref<2x32x1024xf32, #tpu.memory_space<vmem>>[vector<16xi32>, vector<16xi32>, vector<16xi32>], vector<16xf32>, vector<16xi1>
        %and3A_416 = arith.andi %lt3A_404, %eq3A_21 : vector<16xi1>
        tpu.vector_store_idx %arg5[%add3A_225, %shift_right_arithmetic3A_409, %and3A_412], %broadcast_in_dim3A_221 masked %and3A_416 {add = true} : memref<2x32x1024xf32, #tpu.memory_space<vmem>>[vector<16xi32>, vector<16xi32>, vector<16xi32>], vector<16xf32>, vector<16xi1>
        %and3A_417 = arith.andi %lt3A_404, %eq3A_24 : vector<16xi1>
        tpu.vector_store_idx %arg5[%add3A_225, %shift_right_arithmetic3A_409, %and3A_412], %broadcast_in_dim3A_221 masked %and3A_417 {add = true} : memref<2x32x1024xf32, #tpu.memory_space<vmem>>[vector<16xi32>, vector<16xi32>, vector<16xi32>], vector<16xf32>, vector<16xi1>
        %and3A_418 = arith.andi %lt3A_404, %eq3A_27 : vector<16xi1>
        tpu.vector_store_idx %arg5[%add3A_225, %shift_right_arithmetic3A_409, %and3A_412], %broadcast_in_dim3A_221 masked %and3A_418 {add = true} : memref<2x32x1024xf32, #tpu.memory_space<vmem>>[vector<16xi32>, vector<16xi32>, vector<16xi32>], vector<16xf32>, vector<16xi1>
        %and3A_419 = arith.andi %lt3A_404, %eq3A_30 : vector<16xi1>
        tpu.vector_store_idx %arg5[%add3A_225, %shift_right_arithmetic3A_409, %and3A_412], %broadcast_in_dim3A_221 masked %and3A_419 {add = true} : memref<2x32x1024xf32, #tpu.memory_space<vmem>>[vector<16xi32>, vector<16xi32>, vector<16xi32>], vector<16xf32>, vector<16xi1>
        %and3A_420 = arith.andi %lt3A_404, %eq3A_33 : vector<16xi1>
        tpu.vector_store_idx %arg5[%add3A_225, %shift_right_arithmetic3A_409, %and3A_412], %broadcast_in_dim3A_221 masked %and3A_420 {add = true} : memref<2x32x1024xf32, #tpu.memory_space<vmem>>[vector<16xi32>, vector<16xi32>, vector<16xi32>], vector<16xf32>, vector<16xi1>
        %and3A_421 = arith.andi %lt3A_404, %eq3A_36 : vector<16xi1>
        tpu.vector_store_idx %arg5[%add3A_225, %shift_right_arithmetic3A_409, %and3A_412], %broadcast_in_dim3A_221 masked %and3A_421 {add = true} : memref<2x32x1024xf32, #tpu.memory_space<vmem>>[vector<16xi32>, vector<16xi32>, vector<16xi32>], vector<16xf32>, vector<16xi1>
        %and3A_422 = arith.andi %lt3A_404, %eq3A_39 : vector<16xi1>
        tpu.vector_store_idx %arg5[%add3A_225, %shift_right_arithmetic3A_409, %and3A_412], %broadcast_in_dim3A_221 masked %and3A_422 {add = true} : memref<2x32x1024xf32, #tpu.memory_space<vmem>>[vector<16xi32>, vector<16xi32>, vector<16xi32>], vector<16xf32>, vector<16xi1>
        %and3A_423 = arith.andi %lt3A_404, %eq3A_42 : vector<16xi1>
        tpu.vector_store_idx %arg5[%add3A_225, %shift_right_arithmetic3A_409, %and3A_412], %broadcast_in_dim3A_221 masked %and3A_423 {add = true} : memref<2x32x1024xf32, #tpu.memory_space<vmem>>[vector<16xi32>, vector<16xi32>, vector<16xi32>], vector<16xf32>, vector<16xi1>
        %and3A_424 = arith.andi %lt3A_404, %eq3A_45 : vector<16xi1>
        tpu.vector_store_idx %arg5[%add3A_225, %shift_right_arithmetic3A_409, %and3A_412], %broadcast_in_dim3A_221 masked %and3A_424 {add = true} : memref<2x32x1024xf32, #tpu.memory_space<vmem>>[vector<16xi32>, vector<16xi32>, vector<16xi32>], vector<16xf32>, vector<16xi1>
        %and3A_425 = arith.andi %lt3A_404, %eq3A_48 : vector<16xi1>
        tpu.vector_store_idx %arg5[%add3A_225, %shift_right_arithmetic3A_409, %and3A_412], %broadcast_in_dim3A_221 masked %and3A_425 {add = true} : memref<2x32x1024xf32, #tpu.memory_space<vmem>>[vector<16xi32>, vector<16xi32>, vector<16xi32>], vector<16xf32>, vector<16xi1>
        %and3A_426 = arith.andi %lt3A_404, %eq3A_51 : vector<16xi1>
        tpu.vector_store_idx %arg5[%add3A_225, %shift_right_arithmetic3A_409, %and3A_412], %broadcast_in_dim3A_221 masked %and3A_426 {add = true} : memref<2x32x1024xf32, #tpu.memory_space<vmem>>[vector<16xi32>, vector<16xi32>, vector<16xi32>], vector<16xf32>, vector<16xi1>
        %and3A_427 = arith.andi %lt3A_404, %eq3A_54 : vector<16xi1>
        tpu.vector_store_idx %arg5[%add3A_225, %shift_right_arithmetic3A_409, %and3A_412], %broadcast_in_dim3A_221 masked %and3A_427 {add = true} : memref<2x32x1024xf32, #tpu.memory_space<vmem>>[vector<16xi32>, vector<16xi32>, vector<16xi32>], vector<16xf32>, vector<16xi1>
        %and3A_428 = arith.andi %lt3A_404, %eq3A_57 : vector<16xi1>
        tpu.vector_store_idx %arg5[%add3A_225, %shift_right_arithmetic3A_409, %and3A_412], %broadcast_in_dim3A_221 masked %and3A_428 {add = true} : memref<2x32x1024xf32, #tpu.memory_space<vmem>>[vector<16xi32>, vector<16xi32>, vector<16xi32>], vector<16xf32>, vector<16xi1>
      }
      %add3A_252 = arith.constant 98 : i32
      %add3A_253 = arith.addi %add3A_252, %sub3A_215 : i32
      %mul3A_254 = arith.constant 16 : i32
      %mul3A_255 = arith.muli %add3A_253, %mul3A_254 : i32
      %get3A_256 = arith.index_cast %mul3A_255 : i32 to index
      %get3A_257 = tpu.vector_load %arg7[%get3A_256] {strides = array<i32>} : memref<3136xi32, #tpu.memory_space<vmem>>, vector<16xi32>,
      %reduce_max3A_258 = arith.constant true
      %reduce_max3A_259 = vector.broadcast %reduce_max3A_258 : i1 to vector<16xi1>
      %reduce_max3A_260 = arith.constant -2147483648 : i32
      %reduce_max3A_261 = vector.broadcast %reduce_max3A_260 : i32 to vector<16xi32>
      %reduce_max3A_262 = arith.xori %get3A_257, %reduce_max3A_261 : vector<16xi32>
      %reduce_max3A_263 = tpu.scan <max>, %reduce_max3A_262 masked %reduce_max3A_259 : vector<16xi32>, vector<16xi1> -> vector<16xi32>
      %reduce_max3A_264 = arith.xori %reduce_max3A_263, %reduce_max3A_261 : vector<16xi32>
      %reduce_max3A_265 = vector.extract %reduce_max3A_264[15] : i32 from vector<16xi32>
      %while3A_266 = arith.constant 0 : i32
      %while3A_267 = arith.constant 0 : i32
      %while3A_268 = arith.subi %reduce_max3A_265, %while3A_267 : i32
      %while3A_269 = arith.addi %while3A_267, %while3A_268 : i32
      %while3A_270 = arith.constant 1 : i32
      %while3A_271 = arith.divsi %while3A_268, %while3A_270 : i32
      %while3A_272 = arith.muli %while3A_271, %while3A_270 : i32
      %while3A_273 = arith.addi %while3A_267, %while3A_272 : i32
      %while3A_274 = arith.constant 1 : i32
      scf.for %while3A_393 = %while3A_267 to %while3A_273 step %while3A_274  : i32 {
        %add3A_394 = arith.constant 98 : i32
        %add3A_395 = arith.addi %add3A_394, %sub3A_215 : i32
        %mul3A_396 = arith.constant 256 : i32
        %mul3A_397 = arith.muli %add3A_395, %mul3A_396 : i32
        %mul3A_398 = arith.constant 16 : i32
        %mul3A_399 = arith.muli %while3A_393, %mul3A_398 : i32
        %add3A_400 = arith.addi %mul3A_397, %mul3A_399 : i32
        %get3A_401 = arith.index_cast %add3A_400 : i32 to index
        %get3A_402 = tpu.vector_load %arg6[%get3A_401] {strides = array<i32>} : memref<50176xi32, #tpu.memory_space<vmem>>, vector<16xi32>,
        %lt3A_403 = vector.broadcast %while3A_393 : i32 to vector<16xi32>
        %lt3A_404 = arith.cmpi slt, %lt3A_403, %get3A_257 : vector<16xi32>
        %sub3A_405 = vector.broadcast %mul3A_227 : i32 to vector<16xi32>
        %sub3A_406 = arith.subi %get3A_402, %sub3A_405 : vector<16xi32>
        %shift_right_arithmetic3A_407 = arith.constant 10 : i32
        %shift_right_arithmetic3A_408 = vector.broadcast %shift_right_arithmetic3A_407 : i32 to vector<16xi32>
        %shift_right_arithmetic3A_409 = arith.shrsi %sub3A_406, %shift_right_arithmetic3A_408 : vector<16xi32>
        %and3A_410 = arith.constant 1023 : i32
        %and3A_411 = vector.broadcast %and3A_410 : i32 to vector<16xi32>
        %and3A_412 = arith.andi %sub3A_406, %and3A_411 : vector<16xi32>
        %and3A_413 = arith.andi %lt3A_404, %eq3A_12 : vector<16xi1>
        tpu.vector_store_idx %arg5[%add3A_225, %shift_right_arithmetic3A_409, %and3A_412], %broadcast_in_dim3A_221 masked %and3A_413 {add = true} : memref<2x32x1024xf32, #tpu.memory_space<vmem>>[vector<16xi32>, vector<16xi32>, vector<16xi32>], vector<16xf32>, vector<16xi1>
        %and3A_414 = arith.andi %lt3A_404, %eq3A_15 : vector<16xi1>
        tpu.vector_store_idx %arg5[%add3A_225, %shift_right_arithmetic3A_409, %and3A_412], %broadcast_in_dim3A_221 masked %and3A_414 {add = true} : memref<2x32x1024xf32, #tpu.memory_space<vmem>>[vector<16xi32>, vector<16xi32>, vector<16xi32>], vector<16xf32>, vector<16xi1>
        %and3A_415 = arith.andi %lt3A_404, %eq3A_18 : vector<16xi1>
        tpu.vector_store_idx %arg5[%add3A_225, %shift_right_arithmetic3A_409, %and3A_412], %broadcast_in_dim3A_221 masked %and3A_415 {add = true} : memref<2x32x1024xf32, #tpu.memory_space<vmem>>[vector<16xi32>, vector<16xi32>, vector<16xi32>], vector<16xf32>, vector<16xi1>
        %and3A_416 = arith.andi %lt3A_404, %eq3A_21 : vector<16xi1>
        tpu.vector_store_idx %arg5[%add3A_225, %shift_right_arithmetic3A_409, %and3A_412], %broadcast_in_dim3A_221 masked %and3A_416 {add = true} : memref<2x32x1024xf32, #tpu.memory_space<vmem>>[vector<16xi32>, vector<16xi32>, vector<16xi32>], vector<16xf32>, vector<16xi1>
        %and3A_417 = arith.andi %lt3A_404, %eq3A_24 : vector<16xi1>
        tpu.vector_store_idx %arg5[%add3A_225, %shift_right_arithmetic3A_409, %and3A_412], %broadcast_in_dim3A_221 masked %and3A_417 {add = true} : memref<2x32x1024xf32, #tpu.memory_space<vmem>>[vector<16xi32>, vector<16xi32>, vector<16xi32>], vector<16xf32>, vector<16xi1>
        %and3A_418 = arith.andi %lt3A_404, %eq3A_27 : vector<16xi1>
        tpu.vector_store_idx %arg5[%add3A_225, %shift_right_arithmetic3A_409, %and3A_412], %broadcast_in_dim3A_221 masked %and3A_418 {add = true} : memref<2x32x1024xf32, #tpu.memory_space<vmem>>[vector<16xi32>, vector<16xi32>, vector<16xi32>], vector<16xf32>, vector<16xi1>
        %and3A_419 = arith.andi %lt3A_404, %eq3A_30 : vector<16xi1>
        tpu.vector_store_idx %arg5[%add3A_225, %shift_right_arithmetic3A_409, %and3A_412], %broadcast_in_dim3A_221 masked %and3A_419 {add = true} : memref<2x32x1024xf32, #tpu.memory_space<vmem>>[vector<16xi32>, vector<16xi32>, vector<16xi32>], vector<16xf32>, vector<16xi1>
        %and3A_420 = arith.andi %lt3A_404, %eq3A_33 : vector<16xi1>
        tpu.vector_store_idx %arg5[%add3A_225, %shift_right_arithmetic3A_409, %and3A_412], %broadcast_in_dim3A_221 masked %and3A_420 {add = true} : memref<2x32x1024xf32, #tpu.memory_space<vmem>>[vector<16xi32>, vector<16xi32>, vector<16xi32>], vector<16xf32>, vector<16xi1>
        %and3A_421 = arith.andi %lt3A_404, %eq3A_36 : vector<16xi1>
        tpu.vector_store_idx %arg5[%add3A_225, %shift_right_arithmetic3A_409, %and3A_412], %broadcast_in_dim3A_221 masked %and3A_421 {add = true} : memref<2x32x1024xf32, #tpu.memory_space<vmem>>[vector<16xi32>, vector<16xi32>, vector<16xi32>], vector<16xf32>, vector<16xi1>
        %and3A_422 = arith.andi %lt3A_404, %eq3A_39 : vector<16xi1>
        tpu.vector_store_idx %arg5[%add3A_225, %shift_right_arithmetic3A_409, %and3A_412], %broadcast_in_dim3A_221 masked %and3A_422 {add = true} : memref<2x32x1024xf32, #tpu.memory_space<vmem>>[vector<16xi32>, vector<16xi32>, vector<16xi32>], vector<16xf32>, vector<16xi1>
        %and3A_423 = arith.andi %lt3A_404, %eq3A_42 : vector<16xi1>
        tpu.vector_store_idx %arg5[%add3A_225, %shift_right_arithmetic3A_409, %and3A_412], %broadcast_in_dim3A_221 masked %and3A_423 {add = true} : memref<2x32x1024xf32, #tpu.memory_space<vmem>>[vector<16xi32>, vector<16xi32>, vector<16xi32>], vector<16xf32>, vector<16xi1>
        %and3A_424 = arith.andi %lt3A_404, %eq3A_45 : vector<16xi1>
        tpu.vector_store_idx %arg5[%add3A_225, %shift_right_arithmetic3A_409, %and3A_412], %broadcast_in_dim3A_221 masked %and3A_424 {add = true} : memref<2x32x1024xf32, #tpu.memory_space<vmem>>[vector<16xi32>, vector<16xi32>, vector<16xi32>], vector<16xf32>, vector<16xi1>
        %and3A_425 = arith.andi %lt3A_404, %eq3A_48 : vector<16xi1>
        tpu.vector_store_idx %arg5[%add3A_225, %shift_right_arithmetic3A_409, %and3A_412], %broadcast_in_dim3A_221 masked %and3A_425 {add = true} : memref<2x32x1024xf32, #tpu.memory_space<vmem>>[vector<16xi32>, vector<16xi32>, vector<16xi32>], vector<16xf32>, vector<16xi1>
        %and3A_426 = arith.andi %lt3A_404, %eq3A_51 : vector<16xi1>
        tpu.vector_store_idx %arg5[%add3A_225, %shift_right_arithmetic3A_409, %and3A_412], %broadcast_in_dim3A_221 masked %and3A_426 {add = true} : memref<2x32x1024xf32, #tpu.memory_space<vmem>>[vector<16xi32>, vector<16xi32>, vector<16xi32>], vector<16xf32>, vector<16xi1>
        %and3A_427 = arith.andi %lt3A_404, %eq3A_54 : vector<16xi1>
        tpu.vector_store_idx %arg5[%add3A_225, %shift_right_arithmetic3A_409, %and3A_412], %broadcast_in_dim3A_221 masked %and3A_427 {add = true} : memref<2x32x1024xf32, #tpu.memory_space<vmem>>[vector<16xi32>, vector<16xi32>, vector<16xi32>], vector<16xf32>, vector<16xi1>
        %and3A_428 = arith.andi %lt3A_404, %eq3A_57 : vector<16xi1>
        tpu.vector_store_idx %arg5[%add3A_225, %shift_right_arithmetic3A_409, %and3A_412], %broadcast_in_dim3A_221 masked %and3A_428 {add = true} : memref<2x32x1024xf32, #tpu.memory_space<vmem>>[vector<16xi32>, vector<16xi32>, vector<16xi32>], vector<16xf32>, vector<16xi1>
      }
      %while3A_275 = arith.constant 1 : i32
      scf.for %while3A_393 = %while3A_273 to %while3A_269 step %while3A_275  : i32 {
        %add3A_394 = arith.constant 98 : i32
        %add3A_395 = arith.addi %add3A_394, %sub3A_215 : i32
        %mul3A_396 = arith.constant 256 : i32
        %mul3A_397 = arith.muli %add3A_395, %mul3A_396 : i32
        %mul3A_398 = arith.constant 16 : i32
        %mul3A_399 = arith.muli %while3A_393, %mul3A_398 : i32
        %add3A_400 = arith.addi %mul3A_397, %mul3A_399 : i32
        %get3A_401 = arith.index_cast %add3A_400 : i32 to index
        %get3A_402 = tpu.vector_load %arg6[%get3A_401] {strides = array<i32>} : memref<50176xi32, #tpu.memory_space<vmem>>, vector<16xi32>,
        %lt3A_403 = vector.broadcast %while3A_393 : i32 to vector<16xi32>
        %lt3A_404 = arith.cmpi slt, %lt3A_403, %get3A_257 : vector<16xi32>
        %sub3A_405 = vector.broadcast %mul3A_227 : i32 to vector<16xi32>
        %sub3A_406 = arith.subi %get3A_402, %sub3A_405 : vector<16xi32>
        %shift_right_arithmetic3A_407 = arith.constant 10 : i32
        %shift_right_arithmetic3A_408 = vector.broadcast %shift_right_arithmetic3A_407 : i32 to vector<16xi32>
        %shift_right_arithmetic3A_409 = arith.shrsi %sub3A_406, %shift_right_arithmetic3A_408 : vector<16xi32>
        %and3A_410 = arith.constant 1023 : i32
        %and3A_411 = vector.broadcast %and3A_410 : i32 to vector<16xi32>
        %and3A_412 = arith.andi %sub3A_406, %and3A_411 : vector<16xi32>
        %and3A_413 = arith.andi %lt3A_404, %eq3A_12 : vector<16xi1>
        tpu.vector_store_idx %arg5[%add3A_225, %shift_right_arithmetic3A_409, %and3A_412], %broadcast_in_dim3A_221 masked %and3A_413 {add = true} : memref<2x32x1024xf32, #tpu.memory_space<vmem>>[vector<16xi32>, vector<16xi32>, vector<16xi32>], vector<16xf32>, vector<16xi1>
        %and3A_414 = arith.andi %lt3A_404, %eq3A_15 : vector<16xi1>
        tpu.vector_store_idx %arg5[%add3A_225, %shift_right_arithmetic3A_409, %and3A_412], %broadcast_in_dim3A_221 masked %and3A_414 {add = true} : memref<2x32x1024xf32, #tpu.memory_space<vmem>>[vector<16xi32>, vector<16xi32>, vector<16xi32>], vector<16xf32>, vector<16xi1>
        %and3A_415 = arith.andi %lt3A_404, %eq3A_18 : vector<16xi1>
        tpu.vector_store_idx %arg5[%add3A_225, %shift_right_arithmetic3A_409, %and3A_412], %broadcast_in_dim3A_221 masked %and3A_415 {add = true} : memref<2x32x1024xf32, #tpu.memory_space<vmem>>[vector<16xi32>, vector<16xi32>, vector<16xi32>], vector<16xf32>, vector<16xi1>
        %and3A_416 = arith.andi %lt3A_404, %eq3A_21 : vector<16xi1>
        tpu.vector_store_idx %arg5[%add3A_225, %shift_right_arithmetic3A_409, %and3A_412], %broadcast_in_dim3A_221 masked %and3A_416 {add = true} : memref<2x32x1024xf32, #tpu.memory_space<vmem>>[vector<16xi32>, vector<16xi32>, vector<16xi32>], vector<16xf32>, vector<16xi1>
        %and3A_417 = arith.andi %lt3A_404, %eq3A_24 : vector<16xi1>
        tpu.vector_store_idx %arg5[%add3A_225, %shift_right_arithmetic3A_409, %and3A_412], %broadcast_in_dim3A_221 masked %and3A_417 {add = true} : memref<2x32x1024xf32, #tpu.memory_space<vmem>>[vector<16xi32>, vector<16xi32>, vector<16xi32>], vector<16xf32>, vector<16xi1>
        %and3A_418 = arith.andi %lt3A_404, %eq3A_27 : vector<16xi1>
        tpu.vector_store_idx %arg5[%add3A_225, %shift_right_arithmetic3A_409, %and3A_412], %broadcast_in_dim3A_221 masked %and3A_418 {add = true} : memref<2x32x1024xf32, #tpu.memory_space<vmem>>[vector<16xi32>, vector<16xi32>, vector<16xi32>], vector<16xf32>, vector<16xi1>
        %and3A_419 = arith.andi %lt3A_404, %eq3A_30 : vector<16xi1>
        tpu.vector_store_idx %arg5[%add3A_225, %shift_right_arithmetic3A_409, %and3A_412], %broadcast_in_dim3A_221 masked %and3A_419 {add = true} : memref<2x32x1024xf32, #tpu.memory_space<vmem>>[vector<16xi32>, vector<16xi32>, vector<16xi32>], vector<16xf32>, vector<16xi1>
        %and3A_420 = arith.andi %lt3A_404, %eq3A_33 : vector<16xi1>
        tpu.vector_store_idx %arg5[%add3A_225, %shift_right_arithmetic3A_409, %and3A_412], %broadcast_in_dim3A_221 masked %and3A_420 {add = true} : memref<2x32x1024xf32, #tpu.memory_space<vmem>>[vector<16xi32>, vector<16xi32>, vector<16xi32>], vector<16xf32>, vector<16xi1>
        %and3A_421 = arith.andi %lt3A_404, %eq3A_36 : vector<16xi1>
        tpu.vector_store_idx %arg5[%add3A_225, %shift_right_arithmetic3A_409, %and3A_412], %broadcast_in_dim3A_221 masked %and3A_421 {add = true} : memref<2x32x1024xf32, #tpu.memory_space<vmem>>[vector<16xi32>, vector<16xi32>, vector<16xi32>], vector<16xf32>, vector<16xi1>
        %and3A_422 = arith.andi %lt3A_404, %eq3A_39 : vector<16xi1>
        tpu.vector_store_idx %arg5[%add3A_225, %shift_right_arithmetic3A_409, %and3A_412], %broadcast_in_dim3A_221 masked %and3A_422 {add = true} : memref<2x32x1024xf32, #tpu.memory_space<vmem>>[vector<16xi32>, vector<16xi32>, vector<16xi32>], vector<16xf32>, vector<16xi1>
        %and3A_423 = arith.andi %lt3A_404, %eq3A_42 : vector<16xi1>
        tpu.vector_store_idx %arg5[%add3A_225, %shift_right_arithmetic3A_409, %and3A_412], %broadcast_in_dim3A_221 masked %and3A_423 {add = true} : memref<2x32x1024xf32, #tpu.memory_space<vmem>>[vector<16xi32>, vector<16xi32>, vector<16xi32>], vector<16xf32>, vector<16xi1>
        %and3A_424 = arith.andi %lt3A_404, %eq3A_45 : vector<16xi1>
        tpu.vector_store_idx %arg5[%add3A_225, %shift_right_arithmetic3A_409, %and3A_412], %broadcast_in_dim3A_221 masked %and3A_424 {add = true} : memref<2x32x1024xf32, #tpu.memory_space<vmem>>[vector<16xi32>, vector<16xi32>, vector<16xi32>], vector<16xf32>, vector<16xi1>
        %and3A_425 = arith.andi %lt3A_404, %eq3A_48 : vector<16xi1>
        tpu.vector_store_idx %arg5[%add3A_225, %shift_right_arithmetic3A_409, %and3A_412], %broadcast_in_dim3A_221 masked %and3A_425 {add = true} : memref<2x32x1024xf32, #tpu.memory_space<vmem>>[vector<16xi32>, vector<16xi32>, vector<16xi32>], vector<16xf32>, vector<16xi1>
        %and3A_426 = arith.andi %lt3A_404, %eq3A_51 : vector<16xi1>
        tpu.vector_store_idx %arg5[%add3A_225, %shift_right_arithmetic3A_409, %and3A_412], %broadcast_in_dim3A_221 masked %and3A_426 {add = true} : memref<2x32x1024xf32, #tpu.memory_space<vmem>>[vector<16xi32>, vector<16xi32>, vector<16xi32>], vector<16xf32>, vector<16xi1>
        %and3A_427 = arith.andi %lt3A_404, %eq3A_54 : vector<16xi1>
        tpu.vector_store_idx %arg5[%add3A_225, %shift_right_arithmetic3A_409, %and3A_412], %broadcast_in_dim3A_221 masked %and3A_427 {add = true} : memref<2x32x1024xf32, #tpu.memory_space<vmem>>[vector<16xi32>, vector<16xi32>, vector<16xi32>], vector<16xf32>, vector<16xi1>
        %and3A_428 = arith.andi %lt3A_404, %eq3A_57 : vector<16xi1>
        tpu.vector_store_idx %arg5[%add3A_225, %shift_right_arithmetic3A_409, %and3A_412], %broadcast_in_dim3A_221 masked %and3A_428 {add = true} : memref<2x32x1024xf32, #tpu.memory_space<vmem>>[vector<16xi32>, vector<16xi32>, vector<16xi32>], vector<16xf32>, vector<16xi1>
      }
      %broadcast_in_dim3A_276 = arith.constant 1.000000e+00 : f32
      %broadcast_in_dim3A_277 = vector.broadcast %broadcast_in_dim3A_276 : f32 to vector<16xf32>
      %broadcast_in_dim3A_278 = arith.constant 0 : i32
      %broadcast_in_dim3A_279 = vector.broadcast %broadcast_in_dim3A_278 : i32 to vector<16xi32>
      %add3A_280 = arith.constant 0 : i32
      %add3A_281 = vector.broadcast %add3A_280 : i32 to vector<16xi32>
      %add3A_282 = arith.addi %broadcast_in_dim3A_279, %add3A_281 : vector<16xi32>
      %mul3A_283 = arith.constant 32768 : i32
      %mul3A_284 = arith.muli %shift_right_arithmetic3A_99, %mul3A_283 : i32
      %add3A_285 = arith.constant 0 : i32
      %add3A_286 = arith.addi %add3A_285, %shift_right_arithmetic3A_99 : i32
      %mul3A_287 = arith.constant 16 : i32
      %mul3A_288 = arith.muli %add3A_286, %mul3A_287 : i32
      %get3A_289 = arith.index_cast %mul3A_288 : i32 to index
      %get3A_290 = tpu.vector_load %arg7[%get3A_289] {strides = array<i32>} : memref<3136xi32, #tpu.memory_space<vmem>>, vector<16xi32>,
      %reduce_max3A_291 = arith.constant true
      %reduce_max3A_292 = vector.broadcast %reduce_max3A_291 : i1 to vector<16xi1>
      %reduce_max3A_293 = arith.constant -2147483648 : i32
      %reduce_max3A_294 = vector.broadcast %reduce_max3A_293 : i32 to vector<16xi32>
      %reduce_max3A_295 = arith.xori %get3A_290, %reduce_max3A_294 : vector<16xi32>
      %reduce_max3A_296 = tpu.scan <max>, %reduce_max3A_295 masked %reduce_max3A_292 : vector<16xi32>, vector<16xi1> -> vector<16xi32>
      %reduce_max3A_297 = arith.xori %reduce_max3A_296, %reduce_max3A_294 : vector<16xi32>
      %reduce_max3A_298 = vector.extract %reduce_max3A_297[15] : i32 from vector<16xi32>
      %while3A_299 = arith.constant 0 : i32
      %while3A_300 = arith.constant 0 : i32
      %while3A_301 = arith.subi %reduce_max3A_298, %while3A_300 : i32
      %while3A_302 = arith.addi %while3A_300, %while3A_301 : i32
      %while3A_303 = arith.constant 1 : i32
      %while3A_304 = arith.divsi %while3A_301, %while3A_303 : i32
      %while3A_305 = arith.muli %while3A_304, %while3A_303 : i32
      %while3A_306 = arith.addi %while3A_300, %while3A_305 : i32
      %while3A_307 = arith.constant 1 : i32
      scf.for %while3A_393 = %while3A_300 to %while3A_306 step %while3A_307  : i32 {
        %add3A_394 = arith.constant 0 : i32
        %add3A_395 = arith.addi %add3A_394, %shift_right_arithmetic3A_99 : i32
        %mul3A_396 = arith.constant 256 : i32
        %mul3A_397 = arith.muli %add3A_395, %mul3A_396 : i32
        %mul3A_398 = arith.constant 16 : i32
        %mul3A_399 = arith.muli %while3A_393, %mul3A_398 : i32
        %add3A_400 = arith.addi %mul3A_397, %mul3A_399 : i32
        %get3A_401 = arith.index_cast %add3A_400 : i32 to index
        %get3A_402 = tpu.vector_load %arg6[%get3A_401] {strides = array<i32>} : memref<50176xi32, #tpu.memory_space<vmem>>, vector<16xi32>,
        %lt3A_403 = vector.broadcast %while3A_393 : i32 to vector<16xi32>
        %lt3A_404 = arith.cmpi slt, %lt3A_403, %get3A_290 : vector<16xi32>
        %sub3A_405 = vector.broadcast %mul3A_284 : i32 to vector<16xi32>
        %sub3A_406 = arith.subi %get3A_402, %sub3A_405 : vector<16xi32>
        %shift_right_arithmetic3A_407 = arith.constant 10 : i32
        %shift_right_arithmetic3A_408 = vector.broadcast %shift_right_arithmetic3A_407 : i32 to vector<16xi32>
        %shift_right_arithmetic3A_409 = arith.shrsi %sub3A_406, %shift_right_arithmetic3A_408 : vector<16xi32>
        %and3A_410 = arith.constant 1023 : i32
        %and3A_411 = vector.broadcast %and3A_410 : i32 to vector<16xi32>
        %and3A_412 = arith.andi %sub3A_406, %and3A_411 : vector<16xi32>
        %and3A_413 = arith.andi %lt3A_404, %eq3A_12 : vector<16xi1>
        tpu.vector_store_idx %arg5[%add3A_282, %shift_right_arithmetic3A_409, %and3A_412], %broadcast_in_dim3A_277 masked %and3A_413 {add = true} : memref<2x32x1024xf32, #tpu.memory_space<vmem>>[vector<16xi32>, vector<16xi32>, vector<16xi32>], vector<16xf32>, vector<16xi1>
        %and3A_414 = arith.andi %lt3A_404, %eq3A_15 : vector<16xi1>
        tpu.vector_store_idx %arg5[%add3A_282, %shift_right_arithmetic3A_409, %and3A_412], %broadcast_in_dim3A_277 masked %and3A_414 {add = true} : memref<2x32x1024xf32, #tpu.memory_space<vmem>>[vector<16xi32>, vector<16xi32>, vector<16xi32>], vector<16xf32>, vector<16xi1>
        %and3A_415 = arith.andi %lt3A_404, %eq3A_18 : vector<16xi1>
        tpu.vector_store_idx %arg5[%add3A_282, %shift_right_arithmetic3A_409, %and3A_412], %broadcast_in_dim3A_277 masked %and3A_415 {add = true} : memref<2x32x1024xf32, #tpu.memory_space<vmem>>[vector<16xi32>, vector<16xi32>, vector<16xi32>], vector<16xf32>, vector<16xi1>
        %and3A_416 = arith.andi %lt3A_404, %eq3A_21 : vector<16xi1>
        tpu.vector_store_idx %arg5[%add3A_282, %shift_right_arithmetic3A_409, %and3A_412], %broadcast_in_dim3A_277 masked %and3A_416 {add = true} : memref<2x32x1024xf32, #tpu.memory_space<vmem>>[vector<16xi32>, vector<16xi32>, vector<16xi32>], vector<16xf32>, vector<16xi1>
        %and3A_417 = arith.andi %lt3A_404, %eq3A_24 : vector<16xi1>
        tpu.vector_store_idx %arg5[%add3A_282, %shift_right_arithmetic3A_409, %and3A_412], %broadcast_in_dim3A_277 masked %and3A_417 {add = true} : memref<2x32x1024xf32, #tpu.memory_space<vmem>>[vector<16xi32>, vector<16xi32>, vector<16xi32>], vector<16xf32>, vector<16xi1>
        %and3A_418 = arith.andi %lt3A_404, %eq3A_27 : vector<16xi1>
        tpu.vector_store_idx %arg5[%add3A_282, %shift_right_arithmetic3A_409, %and3A_412], %broadcast_in_dim3A_277 masked %and3A_418 {add = true} : memref<2x32x1024xf32, #tpu.memory_space<vmem>>[vector<16xi32>, vector<16xi32>, vector<16xi32>], vector<16xf32>, vector<16xi1>
        %and3A_419 = arith.andi %lt3A_404, %eq3A_30 : vector<16xi1>
        tpu.vector_store_idx %arg5[%add3A_282, %shift_right_arithmetic3A_409, %and3A_412], %broadcast_in_dim3A_277 masked %and3A_419 {add = true} : memref<2x32x1024xf32, #tpu.memory_space<vmem>>[vector<16xi32>, vector<16xi32>, vector<16xi32>], vector<16xf32>, vector<16xi1>
        %and3A_420 = arith.andi %lt3A_404, %eq3A_33 : vector<16xi1>
        tpu.vector_store_idx %arg5[%add3A_282, %shift_right_arithmetic3A_409, %and3A_412], %broadcast_in_dim3A_277 masked %and3A_420 {add = true} : memref<2x32x1024xf32, #tpu.memory_space<vmem>>[vector<16xi32>, vector<16xi32>, vector<16xi32>], vector<16xf32>, vector<16xi1>
        %and3A_421 = arith.andi %lt3A_404, %eq3A_36 : vector<16xi1>
        tpu.vector_store_idx %arg5[%add3A_282, %shift_right_arithmetic3A_409, %and3A_412], %broadcast_in_dim3A_277 masked %and3A_421 {add = true} : memref<2x32x1024xf32, #tpu.memory_space<vmem>>[vector<16xi32>, vector<16xi32>, vector<16xi32>], vector<16xf32>, vector<16xi1>
        %and3A_422 = arith.andi %lt3A_404, %eq3A_39 : vector<16xi1>
        tpu.vector_store_idx %arg5[%add3A_282, %shift_right_arithmetic3A_409, %and3A_412], %broadcast_in_dim3A_277 masked %and3A_422 {add = true} : memref<2x32x1024xf32, #tpu.memory_space<vmem>>[vector<16xi32>, vector<16xi32>, vector<16xi32>], vector<16xf32>, vector<16xi1>
        %and3A_423 = arith.andi %lt3A_404, %eq3A_42 : vector<16xi1>
        tpu.vector_store_idx %arg5[%add3A_282, %shift_right_arithmetic3A_409, %and3A_412], %broadcast_in_dim3A_277 masked %and3A_423 {add = true} : memref<2x32x1024xf32, #tpu.memory_space<vmem>>[vector<16xi32>, vector<16xi32>, vector<16xi32>], vector<16xf32>, vector<16xi1>
        %and3A_424 = arith.andi %lt3A_404, %eq3A_45 : vector<16xi1>
        tpu.vector_store_idx %arg5[%add3A_282, %shift_right_arithmetic3A_409, %and3A_412], %broadcast_in_dim3A_277 masked %and3A_424 {add = true} : memref<2x32x1024xf32, #tpu.memory_space<vmem>>[vector<16xi32>, vector<16xi32>, vector<16xi32>], vector<16xf32>, vector<16xi1>
        %and3A_425 = arith.andi %lt3A_404, %eq3A_48 : vector<16xi1>
        tpu.vector_store_idx %arg5[%add3A_282, %shift_right_arithmetic3A_409, %and3A_412], %broadcast_in_dim3A_277 masked %and3A_425 {add = true} : memref<2x32x1024xf32, #tpu.memory_space<vmem>>[vector<16xi32>, vector<16xi32>, vector<16xi32>], vector<16xf32>, vector<16xi1>
        %and3A_426 = arith.andi %lt3A_404, %eq3A_51 : vector<16xi1>
        tpu.vector_store_idx %arg5[%add3A_282, %shift_right_arithmetic3A_409, %and3A_412], %broadcast_in_dim3A_277 masked %and3A_426 {add = true} : memref<2x32x1024xf32, #tpu.memory_space<vmem>>[vector<16xi32>, vector<16xi32>, vector<16xi32>], vector<16xf32>, vector<16xi1>
        %and3A_427 = arith.andi %lt3A_404, %eq3A_54 : vector<16xi1>
        tpu.vector_store_idx %arg5[%add3A_282, %shift_right_arithmetic3A_409, %and3A_412], %broadcast_in_dim3A_277 masked %and3A_427 {add = true} : memref<2x32x1024xf32, #tpu.memory_space<vmem>>[vector<16xi32>, vector<16xi32>, vector<16xi32>], vector<16xf32>, vector<16xi1>
        %and3A_428 = arith.andi %lt3A_404, %eq3A_57 : vector<16xi1>
        tpu.vector_store_idx %arg5[%add3A_282, %shift_right_arithmetic3A_409, %and3A_412], %broadcast_in_dim3A_277 masked %and3A_428 {add = true} : memref<2x32x1024xf32, #tpu.memory_space<vmem>>[vector<16xi32>, vector<16xi32>, vector<16xi32>], vector<16xf32>, vector<16xi1>
      }
      %while3A_308 = arith.constant 1 : i32
      scf.for %while3A_393 = %while3A_306 to %while3A_302 step %while3A_308  : i32 {
        %add3A_394 = arith.constant 0 : i32
        %add3A_395 = arith.addi %add3A_394, %shift_right_arithmetic3A_99 : i32
        %mul3A_396 = arith.constant 256 : i32
        %mul3A_397 = arith.muli %add3A_395, %mul3A_396 : i32
        %mul3A_398 = arith.constant 16 : i32
        %mul3A_399 = arith.muli %while3A_393, %mul3A_398 : i32
        %add3A_400 = arith.addi %mul3A_397, %mul3A_399 : i32
        %get3A_401 = arith.index_cast %add3A_400 : i32 to index
        %get3A_402 = tpu.vector_load %arg6[%get3A_401] {strides = array<i32>} : memref<50176xi32, #tpu.memory_space<vmem>>, vector<16xi32>,
        %lt3A_403 = vector.broadcast %while3A_393 : i32 to vector<16xi32>
        %lt3A_404 = arith.cmpi slt, %lt3A_403, %get3A_290 : vector<16xi32>
        %sub3A_405 = vector.broadcast %mul3A_284 : i32 to vector<16xi32>
        %sub3A_406 = arith.subi %get3A_402, %sub3A_405 : vector<16xi32>
        %shift_right_arithmetic3A_407 = arith.constant 10 : i32
        %shift_right_arithmetic3A_408 = vector.broadcast %shift_right_arithmetic3A_407 : i32 to vector<16xi32>
        %shift_right_arithmetic3A_409 = arith.shrsi %sub3A_406, %shift_right_arithmetic3A_408 : vector<16xi32>
        %and3A_410 = arith.constant 1023 : i32
        %and3A_411 = vector.broadcast %and3A_410 : i32 to vector<16xi32>
        %and3A_412 = arith.andi %sub3A_406, %and3A_411 : vector<16xi32>
        %and3A_413 = arith.andi %lt3A_404, %eq3A_12 : vector<16xi1>
        tpu.vector_store_idx %arg5[%add3A_282, %shift_right_arithmetic3A_409, %and3A_412], %broadcast_in_dim3A_277 masked %and3A_413 {add = true} : memref<2x32x1024xf32, #tpu.memory_space<vmem>>[vector<16xi32>, vector<16xi32>, vector<16xi32>], vector<16xf32>, vector<16xi1>
        %and3A_414 = arith.andi %lt3A_404, %eq3A_15 : vector<16xi1>
        tpu.vector_store_idx %arg5[%add3A_282, %shift_right_arithmetic3A_409, %and3A_412], %broadcast_in_dim3A_277 masked %and3A_414 {add = true} : memref<2x32x1024xf32, #tpu.memory_space<vmem>>[vector<16xi32>, vector<16xi32>, vector<16xi32>], vector<16xf32>, vector<16xi1>
        %and3A_415 = arith.andi %lt3A_404, %eq3A_18 : vector<16xi1>
        tpu.vector_store_idx %arg5[%add3A_282, %shift_right_arithmetic3A_409, %and3A_412], %broadcast_in_dim3A_277 masked %and3A_415 {add = true} : memref<2x32x1024xf32, #tpu.memory_space<vmem>>[vector<16xi32>, vector<16xi32>, vector<16xi32>], vector<16xf32>, vector<16xi1>
        %and3A_416 = arith.andi %lt3A_404, %eq3A_21 : vector<16xi1>
        tpu.vector_store_idx %arg5[%add3A_282, %shift_right_arithmetic3A_409, %and3A_412], %broadcast_in_dim3A_277 masked %and3A_416 {add = true} : memref<2x32x1024xf32, #tpu.memory_space<vmem>>[vector<16xi32>, vector<16xi32>, vector<16xi32>], vector<16xf32>, vector<16xi1>
        %and3A_417 = arith.andi %lt3A_404, %eq3A_24 : vector<16xi1>
        tpu.vector_store_idx %arg5[%add3A_282, %shift_right_arithmetic3A_409, %and3A_412], %broadcast_in_dim3A_277 masked %and3A_417 {add = true} : memref<2x32x1024xf32, #tpu.memory_space<vmem>>[vector<16xi32>, vector<16xi32>, vector<16xi32>], vector<16xf32>, vector<16xi1>
        %and3A_418 = arith.andi %lt3A_404, %eq3A_27 : vector<16xi1>
        tpu.vector_store_idx %arg5[%add3A_282, %shift_right_arithmetic3A_409, %and3A_412], %broadcast_in_dim3A_277 masked %and3A_418 {add = true} : memref<2x32x1024xf32, #tpu.memory_space<vmem>>[vector<16xi32>, vector<16xi32>, vector<16xi32>], vector<16xf32>, vector<16xi1>
        %and3A_419 = arith.andi %lt3A_404, %eq3A_30 : vector<16xi1>
        tpu.vector_store_idx %arg5[%add3A_282, %shift_right_arithmetic3A_409, %and3A_412], %broadcast_in_dim3A_277 masked %and3A_419 {add = true} : memref<2x32x1024xf32, #tpu.memory_space<vmem>>[vector<16xi32>, vector<16xi32>, vector<16xi32>], vector<16xf32>, vector<16xi1>
        %and3A_420 = arith.andi %lt3A_404, %eq3A_33 : vector<16xi1>
        tpu.vector_store_idx %arg5[%add3A_282, %shift_right_arithmetic3A_409, %and3A_412], %broadcast_in_dim3A_277 masked %and3A_420 {add = true} : memref<2x32x1024xf32, #tpu.memory_space<vmem>>[vector<16xi32>, vector<16xi32>, vector<16xi32>], vector<16xf32>, vector<16xi1>
        %and3A_421 = arith.andi %lt3A_404, %eq3A_36 : vector<16xi1>
        tpu.vector_store_idx %arg5[%add3A_282, %shift_right_arithmetic3A_409, %and3A_412], %broadcast_in_dim3A_277 masked %and3A_421 {add = true} : memref<2x32x1024xf32, #tpu.memory_space<vmem>>[vector<16xi32>, vector<16xi32>, vector<16xi32>], vector<16xf32>, vector<16xi1>
        %and3A_422 = arith.andi %lt3A_404, %eq3A_39 : vector<16xi1>
        tpu.vector_store_idx %arg5[%add3A_282, %shift_right_arithmetic3A_409, %and3A_412], %broadcast_in_dim3A_277 masked %and3A_422 {add = true} : memref<2x32x1024xf32, #tpu.memory_space<vmem>>[vector<16xi32>, vector<16xi32>, vector<16xi32>], vector<16xf32>, vector<16xi1>
        %and3A_423 = arith.andi %lt3A_404, %eq3A_42 : vector<16xi1>
        tpu.vector_store_idx %arg5[%add3A_282, %shift_right_arithmetic3A_409, %and3A_412], %broadcast_in_dim3A_277 masked %and3A_423 {add = true} : memref<2x32x1024xf32, #tpu.memory_space<vmem>>[vector<16xi32>, vector<16xi32>, vector<16xi32>], vector<16xf32>, vector<16xi1>
        %and3A_424 = arith.andi %lt3A_404, %eq3A_45 : vector<16xi1>
        tpu.vector_store_idx %arg5[%add3A_282, %shift_right_arithmetic3A_409, %and3A_412], %broadcast_in_dim3A_277 masked %and3A_424 {add = true} : memref<2x32x1024xf32, #tpu.memory_space<vmem>>[vector<16xi32>, vector<16xi32>, vector<16xi32>], vector<16xf32>, vector<16xi1>
        %and3A_425 = arith.andi %lt3A_404, %eq3A_48 : vector<16xi1>
        tpu.vector_store_idx %arg5[%add3A_282, %shift_right_arithmetic3A_409, %and3A_412], %broadcast_in_dim3A_277 masked %and3A_425 {add = true} : memref<2x32x1024xf32, #tpu.memory_space<vmem>>[vector<16xi32>, vector<16xi32>, vector<16xi32>], vector<16xf32>, vector<16xi1>
        %and3A_426 = arith.andi %lt3A_404, %eq3A_51 : vector<16xi1>
        tpu.vector_store_idx %arg5[%add3A_282, %shift_right_arithmetic3A_409, %and3A_412], %broadcast_in_dim3A_277 masked %and3A_426 {add = true} : memref<2x32x1024xf32, #tpu.memory_space<vmem>>[vector<16xi32>, vector<16xi32>, vector<16xi32>], vector<16xf32>, vector<16xi1>
        %and3A_427 = arith.andi %lt3A_404, %eq3A_54 : vector<16xi1>
        tpu.vector_store_idx %arg5[%add3A_282, %shift_right_arithmetic3A_409, %and3A_412], %broadcast_in_dim3A_277 masked %and3A_427 {add = true} : memref<2x32x1024xf32, #tpu.memory_space<vmem>>[vector<16xi32>, vector<16xi32>, vector<16xi32>], vector<16xf32>, vector<16xi1>
        %and3A_428 = arith.andi %lt3A_404, %eq3A_57 : vector<16xi1>
        tpu.vector_store_idx %arg5[%add3A_282, %shift_right_arithmetic3A_409, %and3A_412], %broadcast_in_dim3A_277 masked %and3A_428 {add = true} : memref<2x32x1024xf32, #tpu.memory_space<vmem>>[vector<16xi32>, vector<16xi32>, vector<16xi32>], vector<16xf32>, vector<16xi1>
      }
      %add3A_309 = arith.constant 98 : i32
      %add3A_310 = arith.addi %add3A_309, %shift_right_arithmetic3A_99 : i32
      %mul3A_311 = arith.constant 16 : i32
      %mul3A_312 = arith.muli %add3A_310, %mul3A_311 : i32
      %get3A_313 = arith.index_cast %mul3A_312 : i32 to index
      %get3A_314 = tpu.vector_load %arg7[%get3A_313] {strides = array<i32>} : memref<3136xi32, #tpu.memory_space<vmem>>, vector<16xi32>,
      %reduce_max3A_315 = arith.constant true
      %reduce_max3A_316 = vector.broadcast %reduce_max3A_315 : i1 to vector<16xi1>
      %reduce_max3A_317 = arith.constant -2147483648 : i32
      %reduce_max3A_318 = vector.broadcast %reduce_max3A_317 : i32 to vector<16xi32>
      %reduce_max3A_319 = arith.xori %get3A_314, %reduce_max3A_318 : vector<16xi32>
      %reduce_max3A_320 = tpu.scan <max>, %reduce_max3A_319 masked %reduce_max3A_316 : vector<16xi32>, vector<16xi1> -> vector<16xi32>
      %reduce_max3A_321 = arith.xori %reduce_max3A_320, %reduce_max3A_318 : vector<16xi32>
      %reduce_max3A_322 = vector.extract %reduce_max3A_321[15] : i32 from vector<16xi32>
      %while3A_323 = arith.constant 0 : i32
      %while3A_324 = arith.constant 0 : i32
      %while3A_325 = arith.subi %reduce_max3A_322, %while3A_324 : i32
      %while3A_326 = arith.addi %while3A_324, %while3A_325 : i32
      %while3A_327 = arith.constant 1 : i32
      %while3A_328 = arith.divsi %while3A_325, %while3A_327 : i32
      %while3A_329 = arith.muli %while3A_328, %while3A_327 : i32
      %while3A_330 = arith.addi %while3A_324, %while3A_329 : i32
      %while3A_331 = arith.constant 1 : i32
      scf.for %while3A_393 = %while3A_324 to %while3A_330 step %while3A_331  : i32 {
        %add3A_394 = arith.constant 98 : i32
        %add3A_395 = arith.addi %add3A_394, %shift_right_arithmetic3A_99 : i32
        %mul3A_396 = arith.constant 256 : i32
        %mul3A_397 = arith.muli %add3A_395, %mul3A_396 : i32
        %mul3A_398 = arith.constant 16 : i32
        %mul3A_399 = arith.muli %while3A_393, %mul3A_398 : i32
        %add3A_400 = arith.addi %mul3A_397, %mul3A_399 : i32
        %get3A_401 = arith.index_cast %add3A_400 : i32 to index
        %get3A_402 = tpu.vector_load %arg6[%get3A_401] {strides = array<i32>} : memref<50176xi32, #tpu.memory_space<vmem>>, vector<16xi32>,
        %lt3A_403 = vector.broadcast %while3A_393 : i32 to vector<16xi32>
        %lt3A_404 = arith.cmpi slt, %lt3A_403, %get3A_314 : vector<16xi32>
        %sub3A_405 = vector.broadcast %mul3A_284 : i32 to vector<16xi32>
        %sub3A_406 = arith.subi %get3A_402, %sub3A_405 : vector<16xi32>
        %shift_right_arithmetic3A_407 = arith.constant 10 : i32
        %shift_right_arithmetic3A_408 = vector.broadcast %shift_right_arithmetic3A_407 : i32 to vector<16xi32>
        %shift_right_arithmetic3A_409 = arith.shrsi %sub3A_406, %shift_right_arithmetic3A_408 : vector<16xi32>
        %and3A_410 = arith.constant 1023 : i32
        %and3A_411 = vector.broadcast %and3A_410 : i32 to vector<16xi32>
        %and3A_412 = arith.andi %sub3A_406, %and3A_411 : vector<16xi32>
        %and3A_413 = arith.andi %lt3A_404, %eq3A_12 : vector<16xi1>
        tpu.vector_store_idx %arg5[%add3A_282, %shift_right_arithmetic3A_409, %and3A_412], %broadcast_in_dim3A_277 masked %and3A_413 {add = true} : memref<2x32x1024xf32, #tpu.memory_space<vmem>>[vector<16xi32>, vector<16xi32>, vector<16xi32>], vector<16xf32>, vector<16xi1>
        %and3A_414 = arith.andi %lt3A_404, %eq3A_15 : vector<16xi1>
        tpu.vector_store_idx %arg5[%add3A_282, %shift_right_arithmetic3A_409, %and3A_412], %broadcast_in_dim3A_277 masked %and3A_414 {add = true} : memref<2x32x1024xf32, #tpu.memory_space<vmem>>[vector<16xi32>, vector<16xi32>, vector<16xi32>], vector<16xf32>, vector<16xi1>
        %and3A_415 = arith.andi %lt3A_404, %eq3A_18 : vector<16xi1>
        tpu.vector_store_idx %arg5[%add3A_282, %shift_right_arithmetic3A_409, %and3A_412], %broadcast_in_dim3A_277 masked %and3A_415 {add = true} : memref<2x32x1024xf32, #tpu.memory_space<vmem>>[vector<16xi32>, vector<16xi32>, vector<16xi32>], vector<16xf32>, vector<16xi1>
        %and3A_416 = arith.andi %lt3A_404, %eq3A_21 : vector<16xi1>
        tpu.vector_store_idx %arg5[%add3A_282, %shift_right_arithmetic3A_409, %and3A_412], %broadcast_in_dim3A_277 masked %and3A_416 {add = true} : memref<2x32x1024xf32, #tpu.memory_space<vmem>>[vector<16xi32>, vector<16xi32>, vector<16xi32>], vector<16xf32>, vector<16xi1>
        %and3A_417 = arith.andi %lt3A_404, %eq3A_24 : vector<16xi1>
        tpu.vector_store_idx %arg5[%add3A_282, %shift_right_arithmetic3A_409, %and3A_412], %broadcast_in_dim3A_277 masked %and3A_417 {add = true} : memref<2x32x1024xf32, #tpu.memory_space<vmem>>[vector<16xi32>, vector<16xi32>, vector<16xi32>], vector<16xf32>, vector<16xi1>
        %and3A_418 = arith.andi %lt3A_404, %eq3A_27 : vector<16xi1>
        tpu.vector_store_idx %arg5[%add3A_282, %shift_right_arithmetic3A_409, %and3A_412], %broadcast_in_dim3A_277 masked %and3A_418 {add = true} : memref<2x32x1024xf32, #tpu.memory_space<vmem>>[vector<16xi32>, vector<16xi32>, vector<16xi32>], vector<16xf32>, vector<16xi1>
        %and3A_419 = arith.andi %lt3A_404, %eq3A_30 : vector<16xi1>
        tpu.vector_store_idx %arg5[%add3A_282, %shift_right_arithmetic3A_409, %and3A_412], %broadcast_in_dim3A_277 masked %and3A_419 {add = true} : memref<2x32x1024xf32, #tpu.memory_space<vmem>>[vector<16xi32>, vector<16xi32>, vector<16xi32>], vector<16xf32>, vector<16xi1>
        %and3A_420 = arith.andi %lt3A_404, %eq3A_33 : vector<16xi1>
        tpu.vector_store_idx %arg5[%add3A_282, %shift_right_arithmetic3A_409, %and3A_412], %broadcast_in_dim3A_277 masked %and3A_420 {add = true} : memref<2x32x1024xf32, #tpu.memory_space<vmem>>[vector<16xi32>, vector<16xi32>, vector<16xi32>], vector<16xf32>, vector<16xi1>
        %and3A_421 = arith.andi %lt3A_404, %eq3A_36 : vector<16xi1>
        tpu.vector_store_idx %arg5[%add3A_282, %shift_right_arithmetic3A_409, %and3A_412], %broadcast_in_dim3A_277 masked %and3A_421 {add = true} : memref<2x32x1024xf32, #tpu.memory_space<vmem>>[vector<16xi32>, vector<16xi32>, vector<16xi32>], vector<16xf32>, vector<16xi1>
        %and3A_422 = arith.andi %lt3A_404, %eq3A_39 : vector<16xi1>
        tpu.vector_store_idx %arg5[%add3A_282, %shift_right_arithmetic3A_409, %and3A_412], %broadcast_in_dim3A_277 masked %and3A_422 {add = true} : memref<2x32x1024xf32, #tpu.memory_space<vmem>>[vector<16xi32>, vector<16xi32>, vector<16xi32>], vector<16xf32>, vector<16xi1>
        %and3A_423 = arith.andi %lt3A_404, %eq3A_42 : vector<16xi1>
        tpu.vector_store_idx %arg5[%add3A_282, %shift_right_arithmetic3A_409, %and3A_412], %broadcast_in_dim3A_277 masked %and3A_423 {add = true} : memref<2x32x1024xf32, #tpu.memory_space<vmem>>[vector<16xi32>, vector<16xi32>, vector<16xi32>], vector<16xf32>, vector<16xi1>
        %and3A_424 = arith.andi %lt3A_404, %eq3A_45 : vector<16xi1>
        tpu.vector_store_idx %arg5[%add3A_282, %shift_right_arithmetic3A_409, %and3A_412], %broadcast_in_dim3A_277 masked %and3A_424 {add = true} : memref<2x32x1024xf32, #tpu.memory_space<vmem>>[vector<16xi32>, vector<16xi32>, vector<16xi32>], vector<16xf32>, vector<16xi1>
        %and3A_425 = arith.andi %lt3A_404, %eq3A_48 : vector<16xi1>
        tpu.vector_store_idx %arg5[%add3A_282, %shift_right_arithmetic3A_409, %and3A_412], %broadcast_in_dim3A_277 masked %and3A_425 {add = true} : memref<2x32x1024xf32, #tpu.memory_space<vmem>>[vector<16xi32>, vector<16xi32>, vector<16xi32>], vector<16xf32>, vector<16xi1>
        %and3A_426 = arith.andi %lt3A_404, %eq3A_51 : vector<16xi1>
        tpu.vector_store_idx %arg5[%add3A_282, %shift_right_arithmetic3A_409, %and3A_412], %broadcast_in_dim3A_277 masked %and3A_426 {add = true} : memref<2x32x1024xf32, #tpu.memory_space<vmem>>[vector<16xi32>, vector<16xi32>, vector<16xi32>], vector<16xf32>, vector<16xi1>
        %and3A_427 = arith.andi %lt3A_404, %eq3A_54 : vector<16xi1>
        tpu.vector_store_idx %arg5[%add3A_282, %shift_right_arithmetic3A_409, %and3A_412], %broadcast_in_dim3A_277 masked %and3A_427 {add = true} : memref<2x32x1024xf32, #tpu.memory_space<vmem>>[vector<16xi32>, vector<16xi32>, vector<16xi32>], vector<16xf32>, vector<16xi1>
        %and3A_428 = arith.andi %lt3A_404, %eq3A_57 : vector<16xi1>
        tpu.vector_store_idx %arg5[%add3A_282, %shift_right_arithmetic3A_409, %and3A_412], %broadcast_in_dim3A_277 masked %and3A_428 {add = true} : memref<2x32x1024xf32, #tpu.memory_space<vmem>>[vector<16xi32>, vector<16xi32>, vector<16xi32>], vector<16xf32>, vector<16xi1>
      }
      %while3A_332 = arith.constant 1 : i32
      scf.for %while3A_393 = %while3A_330 to %while3A_326 step %while3A_332  : i32 {
        %add3A_394 = arith.constant 98 : i32
        %add3A_395 = arith.addi %add3A_394, %shift_right_arithmetic3A_99 : i32
        %mul3A_396 = arith.constant 256 : i32
        %mul3A_397 = arith.muli %add3A_395, %mul3A_396 : i32
        %mul3A_398 = arith.constant 16 : i32
        %mul3A_399 = arith.muli %while3A_393, %mul3A_398 : i32
        %add3A_400 = arith.addi %mul3A_397, %mul3A_399 : i32
        %get3A_401 = arith.index_cast %add3A_400 : i32 to index
        %get3A_402 = tpu.vector_load %arg6[%get3A_401] {strides = array<i32>} : memref<50176xi32, #tpu.memory_space<vmem>>, vector<16xi32>,
        %lt3A_403 = vector.broadcast %while3A_393 : i32 to vector<16xi32>
        %lt3A_404 = arith.cmpi slt, %lt3A_403, %get3A_314 : vector<16xi32>
        %sub3A_405 = vector.broadcast %mul3A_284 : i32 to vector<16xi32>
        %sub3A_406 = arith.subi %get3A_402, %sub3A_405 : vector<16xi32>
        %shift_right_arithmetic3A_407 = arith.constant 10 : i32
        %shift_right_arithmetic3A_408 = vector.broadcast %shift_right_arithmetic3A_407 : i32 to vector<16xi32>
        %shift_right_arithmetic3A_409 = arith.shrsi %sub3A_406, %shift_right_arithmetic3A_408 : vector<16xi32>
        %and3A_410 = arith.constant 1023 : i32
        %and3A_411 = vector.broadcast %and3A_410 : i32 to vector<16xi32>
        %and3A_412 = arith.andi %sub3A_406, %and3A_411 : vector<16xi32>
        %and3A_413 = arith.andi %lt3A_404, %eq3A_12 : vector<16xi1>
        tpu.vector_store_idx %arg5[%add3A_282, %shift_right_arithmetic3A_409, %and3A_412], %broadcast_in_dim3A_277 masked %and3A_413 {add = true} : memref<2x32x1024xf32, #tpu.memory_space<vmem>>[vector<16xi32>, vector<16xi32>, vector<16xi32>], vector<16xf32>, vector<16xi1>
        %and3A_414 = arith.andi %lt3A_404, %eq3A_15 : vector<16xi1>
        tpu.vector_store_idx %arg5[%add3A_282, %shift_right_arithmetic3A_409, %and3A_412], %broadcast_in_dim3A_277 masked %and3A_414 {add = true} : memref<2x32x1024xf32, #tpu.memory_space<vmem>>[vector<16xi32>, vector<16xi32>, vector<16xi32>], vector<16xf32>, vector<16xi1>
        %and3A_415 = arith.andi %lt3A_404, %eq3A_18 : vector<16xi1>
        tpu.vector_store_idx %arg5[%add3A_282, %shift_right_arithmetic3A_409, %and3A_412], %broadcast_in_dim3A_277 masked %and3A_415 {add = true} : memref<2x32x1024xf32, #tpu.memory_space<vmem>>[vector<16xi32>, vector<16xi32>, vector<16xi32>], vector<16xf32>, vector<16xi1>
        %and3A_416 = arith.andi %lt3A_404, %eq3A_21 : vector<16xi1>
        tpu.vector_store_idx %arg5[%add3A_282, %shift_right_arithmetic3A_409, %and3A_412], %broadcast_in_dim3A_277 masked %and3A_416 {add = true} : memref<2x32x1024xf32, #tpu.memory_space<vmem>>[vector<16xi32>, vector<16xi32>, vector<16xi32>], vector<16xf32>, vector<16xi1>
        %and3A_417 = arith.andi %lt3A_404, %eq3A_24 : vector<16xi1>
        tpu.vector_store_idx %arg5[%add3A_282, %shift_right_arithmetic3A_409, %and3A_412], %broadcast_in_dim3A_277 masked %and3A_417 {add = true} : memref<2x32x1024xf32, #tpu.memory_space<vmem>>[vector<16xi32>, vector<16xi32>, vector<16xi32>], vector<16xf32>, vector<16xi1>
        %and3A_418 = arith.andi %lt3A_404, %eq3A_27 : vector<16xi1>
        tpu.vector_store_idx %arg5[%add3A_282, %shift_right_arithmetic3A_409, %and3A_412], %broadcast_in_dim3A_277 masked %and3A_418 {add = true} : memref<2x32x1024xf32, #tpu.memory_space<vmem>>[vector<16xi32>, vector<16xi32>, vector<16xi32>], vector<16xf32>, vector<16xi1>
        %and3A_419 = arith.andi %lt3A_404, %eq3A_30 : vector<16xi1>
        tpu.vector_store_idx %arg5[%add3A_282, %shift_right_arithmetic3A_409, %and3A_412], %broadcast_in_dim3A_277 masked %and3A_419 {add = true} : memref<2x32x1024xf32, #tpu.memory_space<vmem>>[vector<16xi32>, vector<16xi32>, vector<16xi32>], vector<16xf32>, vector<16xi1>
        %and3A_420 = arith.andi %lt3A_404, %eq3A_33 : vector<16xi1>
        tpu.vector_store_idx %arg5[%add3A_282, %shift_right_arithmetic3A_409, %and3A_412], %broadcast_in_dim3A_277 masked %and3A_420 {add = true} : memref<2x32x1024xf32, #tpu.memory_space<vmem>>[vector<16xi32>, vector<16xi32>, vector<16xi32>], vector<16xf32>, vector<16xi1>
        %and3A_421 = arith.andi %lt3A_404, %eq3A_36 : vector<16xi1>
        tpu.vector_store_idx %arg5[%add3A_282, %shift_right_arithmetic3A_409, %and3A_412], %broadcast_in_dim3A_277 masked %and3A_421 {add = true} : memref<2x32x1024xf32, #tpu.memory_space<vmem>>[vector<16xi32>, vector<16xi32>, vector<16xi32>], vector<16xf32>, vector<16xi1>
        %and3A_422 = arith.andi %lt3A_404, %eq3A_39 : vector<16xi1>
        tpu.vector_store_idx %arg5[%add3A_282, %shift_right_arithmetic3A_409, %and3A_412], %broadcast_in_dim3A_277 masked %and3A_422 {add = true} : memref<2x32x1024xf32, #tpu.memory_space<vmem>>[vector<16xi32>, vector<16xi32>, vector<16xi32>], vector<16xf32>, vector<16xi1>
        %and3A_423 = arith.andi %lt3A_404, %eq3A_42 : vector<16xi1>
        tpu.vector_store_idx %arg5[%add3A_282, %shift_right_arithmetic3A_409, %and3A_412], %broadcast_in_dim3A_277 masked %and3A_423 {add = true} : memref<2x32x1024xf32, #tpu.memory_space<vmem>>[vector<16xi32>, vector<16xi32>, vector<16xi32>], vector<16xf32>, vector<16xi1>
        %and3A_424 = arith.andi %lt3A_404, %eq3A_45 : vector<16xi1>
        tpu.vector_store_idx %arg5[%add3A_282, %shift_right_arithmetic3A_409, %and3A_412], %broadcast_in_dim3A_277 masked %and3A_424 {add = true} : memref<2x32x1024xf32, #tpu.memory_space<vmem>>[vector<16xi32>, vector<16xi32>, vector<16xi32>], vector<16xf32>, vector<16xi1>
        %and3A_425 = arith.andi %lt3A_404, %eq3A_48 : vector<16xi1>
        tpu.vector_store_idx %arg5[%add3A_282, %shift_right_arithmetic3A_409, %and3A_412], %broadcast_in_dim3A_277 masked %and3A_425 {add = true} : memref<2x32x1024xf32, #tpu.memory_space<vmem>>[vector<16xi32>, vector<16xi32>, vector<16xi32>], vector<16xf32>, vector<16xi1>
        %and3A_426 = arith.andi %lt3A_404, %eq3A_51 : vector<16xi1>
        tpu.vector_store_idx %arg5[%add3A_282, %shift_right_arithmetic3A_409, %and3A_412], %broadcast_in_dim3A_277 masked %and3A_426 {add = true} : memref<2x32x1024xf32, #tpu.memory_space<vmem>>[vector<16xi32>, vector<16xi32>, vector<16xi32>], vector<16xf32>, vector<16xi1>
        %and3A_427 = arith.andi %lt3A_404, %eq3A_54 : vector<16xi1>
        tpu.vector_store_idx %arg5[%add3A_282, %shift_right_arithmetic3A_409, %and3A_412], %broadcast_in_dim3A_277 masked %and3A_427 {add = true} : memref<2x32x1024xf32, #tpu.memory_space<vmem>>[vector<16xi32>, vector<16xi32>, vector<16xi32>], vector<16xf32>, vector<16xi1>
        %and3A_428 = arith.andi %lt3A_404, %eq3A_57 : vector<16xi1>
        tpu.vector_store_idx %arg5[%add3A_282, %shift_right_arithmetic3A_409, %and3A_412], %broadcast_in_dim3A_277 masked %and3A_428 {add = true} : memref<2x32x1024xf32, #tpu.memory_space<vmem>>[vector<16xi32>, vector<16xi32>, vector<16xi32>], vector<16xf32>, vector<16xi1>
      }
      %mul3A_333 = arith.constant 32 : i32
      %mul3A_334 = arith.muli %shift_right_arithmetic3A_99, %mul3A_333 : i32
      %add3A_335 = arith.addi %mul3A_2, %mul3A_334 : i32
      %run_scoped3A = arith.constant 0 : i32
      "tpu.region"() ({
        %run_scoped3A_393 = tpu.sem_alloc : memref<!tpu.dma_semaphore, #tpu.memory_space<semaphore_mem>>
        %dma_start3A_394 = arith.constant 0 : i32
        %dma_start3A_395 = arith.constant 0 : i32
        %dma_start3A_396 = tpu.memref_slice %arg5[%run_scoped3A, %dma_start3A_394, %dma_start3A_395] : memref<2x32x1024xf32, #tpu.memory_space<vmem>> -> memref<1x24x1024xf32, #tpu.memory_space<vmem>>
        %dma_start3A_397 = tpu.memref_squeeze %dma_start3A_396 : memref<1x24x1024xf32, #tpu.memory_space<vmem>> -> memref<24x1024xf32, #tpu.memory_space<vmem>>
        %dma_start3A_398 = arith.constant 0 : i32
        %dma_start3A_399 = tpu.memref_slice %arg3[%add3A_335, %dma_start3A_398] : memref<100000x1024xf32, #tpu.memory_space<hbm>> -> memref<24x1024xf32, #tpu.memory_space<hbm>>
        %dma_start3A_400 = arith.constant 0 : i32
        %dma_start3A_401 = tpu.memref_slice %arg3[%add3A_335, %dma_start3A_400] : memref<100000x1024xf32, #tpu.memory_space<hbm>> -> memref<24x1024xf32, #tpu.memory_space<hbm>>
        %dma_start3A_402 = arith.constant 0 : i32
        %dma_start3A_403 = arith.constant 0 : i32
        %dma_start3A_404 = tpu.memref_slice %arg5[%run_scoped3A, %dma_start3A_402, %dma_start3A_403] : memref<2x32x1024xf32, #tpu.memory_space<vmem>> -> memref<1x24x1024xf32, #tpu.memory_space<vmem>>
        %dma_start3A_405 = tpu.memref_squeeze %dma_start3A_404 : memref<1x24x1024xf32, #tpu.memory_space<vmem>> -> memref<24x1024xf32, #tpu.memory_space<vmem>>
        tpu.enqueue_dma source(%dma_start3A_405 : memref<24x1024xf32, #tpu.memory_space<vmem>>) target(%dma_start3A_401 : memref<24x1024xf32, #tpu.memory_space<hbm>>) target_semaphore(%run_scoped3A_393 : memref<!tpu.dma_semaphore, #tpu.memory_space<semaphore_mem>>)
        %dma_wait3A_406 = arith.constant 0 : i32
        %dma_wait3A_407 = arith.constant 0 : i32
        %dma_wait3A_408 = tpu.memref_slice %arg5[%run_scoped3A, %dma_wait3A_406, %dma_wait3A_407] : memref<2x32x1024xf32, #tpu.memory_space<vmem>> -> memref<1x24x1024xf32, #tpu.memory_space<vmem>>
        %dma_wait3A_409 = tpu.memref_squeeze %dma_wait3A_408 : memref<1x24x1024xf32, #tpu.memory_space<vmem>> -> memref<24x1024xf32, #tpu.memory_space<vmem>>
        %dma_wait3A_410 = arith.constant 0 : i32
        %dma_wait3A_411 = tpu.memref_slice %arg3[%add3A_335, %dma_wait3A_410] : memref<100000x1024xf32, #tpu.memory_space<hbm>> -> memref<24x1024xf32, #tpu.memory_space<hbm>>
        %dma_wait3A_412 = arith.constant 0 : i32
        %dma_wait3A_413 = tpu.memref_slice %arg3[%add3A_335, %dma_wait3A_412] : memref<100000x1024xf32, #tpu.memory_space<hbm>> -> memref<24x1024xf32, #tpu.memory_space<hbm>>
        %dma_wait3A_414 = arith.constant 0 : i32
        %dma_wait3A_415 = arith.constant 0 : i32
        %dma_wait3A_416 = tpu.memref_slice %arg5[%run_scoped3A, %dma_wait3A_414, %dma_wait3A_415] : memref<2x32x1024xf32, #tpu.memory_space<vmem>> -> memref<1x24x1024xf32, #tpu.memory_space<vmem>>
        %dma_wait3A_417 = tpu.memref_squeeze %dma_wait3A_416 : memref<1x24x1024xf32, #tpu.memory_space<vmem>> -> memref<24x1024xf32, #tpu.memory_space<vmem>>
        tpu.wait_dma2 semaphore(%run_scoped3A_393 : memref<!tpu.dma_semaphore, #tpu.memory_space<semaphore_mem>>) src(%dma_wait3A_417 : memref<24x1024xf32, #tpu.memory_space<vmem>>) dst(%dma_wait3A_413 : memref<24x1024xf32, #tpu.memory_space<hbm>>)
        tpu.yield
      }) : () -> ()
      %broadcast_in_dim3A_336 = arith.constant -1.000000e+00 : f32
      %broadcast_in_dim3A_337 = vector.broadcast %broadcast_in_dim3A_336 : f32 to vector<16xf32>
      %broadcast_in_dim3A_338 = arith.constant 0 : i32
      %broadcast_in_dim3A_339 = vector.broadcast %broadcast_in_dim3A_338 : i32 to vector<16xi32>
      %add3A_340 = arith.constant 0 : i32
      %add3A_341 = vector.broadcast %add3A_340 : i32 to vector<16xi32>
      %add3A_342 = arith.addi %broadcast_in_dim3A_339, %add3A_341 : vector<16xi32>
      %mul3A_343 = arith.constant 32768 : i32
      %mul3A_344 = arith.muli %shift_right_arithmetic3A_99, %mul3A_343 : i32
      %add3A_345 = arith.constant 0 : i32
      %add3A_346 = arith.addi %add3A_345, %shift_right_arithmetic3A_99 : i32
      %mul3A_347 = arith.constant 16 : i32
      %mul3A_348 = arith.muli %add3A_346, %mul3A_347 : i32
      %get3A_349 = arith.index_cast %mul3A_348 : i32 to index
      %get3A_350 = tpu.vector_load %arg7[%get3A_349] {strides = array<i32>} : memref<3136xi32, #tpu.memory_space<vmem>>, vector<16xi32>,
      %reduce_max3A_351 = arith.constant true
      %reduce_max3A_352 = vector.broadcast %reduce_max3A_351 : i1 to vector<16xi1>
      %reduce_max3A_353 = arith.constant -2147483648 : i32
      %reduce_max3A_354 = vector.broadcast %reduce_max3A_353 : i32 to vector<16xi32>
      %reduce_max3A_355 = arith.xori %get3A_350, %reduce_max3A_354 : vector<16xi32>
      %reduce_max3A_356 = tpu.scan <max>, %reduce_max3A_355 masked %reduce_max3A_352 : vector<16xi32>, vector<16xi1> -> vector<16xi32>
      %reduce_max3A_357 = arith.xori %reduce_max3A_356, %reduce_max3A_354 : vector<16xi32>
      %reduce_max3A_358 = vector.extract %reduce_max3A_357[15] : i32 from vector<16xi32>
      %while3A_359 = arith.constant 0 : i32
      %while3A_360 = arith.constant 0 : i32
      %while3A_361 = arith.subi %reduce_max3A_358, %while3A_360 : i32
      %while3A_362 = arith.addi %while3A_360, %while3A_361 : i32
      %while3A_363 = arith.constant 1 : i32
      %while3A_364 = arith.divsi %while3A_361, %while3A_363 : i32
      %while3A_365 = arith.muli %while3A_364, %while3A_363 : i32
      %while3A_366 = arith.addi %while3A_360, %while3A_365 : i32
      %while3A_367 = arith.constant 1 : i32
      scf.for %while3A_393 = %while3A_360 to %while3A_366 step %while3A_367  : i32 {
        %add3A_394 = arith.constant 0 : i32
        %add3A_395 = arith.addi %add3A_394, %shift_right_arithmetic3A_99 : i32
        %mul3A_396 = arith.constant 256 : i32
        %mul3A_397 = arith.muli %add3A_395, %mul3A_396 : i32
        %mul3A_398 = arith.constant 16 : i32
        %mul3A_399 = arith.muli %while3A_393, %mul3A_398 : i32
        %add3A_400 = arith.addi %mul3A_397, %mul3A_399 : i32
        %get3A_401 = arith.index_cast %add3A_400 : i32 to index
        %get3A_402 = tpu.vector_load %arg6[%get3A_401] {strides = array<i32>} : memref<50176xi32, #tpu.memory_space<vmem>>, vector<16xi32>,
        %lt3A_403 = vector.broadcast %while3A_393 : i32 to vector<16xi32>
        %lt3A_404 = arith.cmpi slt, %lt3A_403, %get3A_350 : vector<16xi32>
        %sub3A_405 = vector.broadcast %mul3A_344 : i32 to vector<16xi32>
        %sub3A_406 = arith.subi %get3A_402, %sub3A_405 : vector<16xi32>
        %shift_right_arithmetic3A_407 = arith.constant 10 : i32
        %shift_right_arithmetic3A_408 = vector.broadcast %shift_right_arithmetic3A_407 : i32 to vector<16xi32>
        %shift_right_arithmetic3A_409 = arith.shrsi %sub3A_406, %shift_right_arithmetic3A_408 : vector<16xi32>
        %and3A_410 = arith.constant 1023 : i32
        %and3A_411 = vector.broadcast %and3A_410 : i32 to vector<16xi32>
        %and3A_412 = arith.andi %sub3A_406, %and3A_411 : vector<16xi32>
        %and3A_413 = arith.andi %lt3A_404, %eq3A_12 : vector<16xi1>
        tpu.vector_store_idx %arg5[%add3A_342, %shift_right_arithmetic3A_409, %and3A_412], %broadcast_in_dim3A_337 masked %and3A_413 {add = true} : memref<2x32x1024xf32, #tpu.memory_space<vmem>>[vector<16xi32>, vector<16xi32>, vector<16xi32>], vector<16xf32>, vector<16xi1>
        %and3A_414 = arith.andi %lt3A_404, %eq3A_15 : vector<16xi1>
        tpu.vector_store_idx %arg5[%add3A_342, %shift_right_arithmetic3A_409, %and3A_412], %broadcast_in_dim3A_337 masked %and3A_414 {add = true} : memref<2x32x1024xf32, #tpu.memory_space<vmem>>[vector<16xi32>, vector<16xi32>, vector<16xi32>], vector<16xf32>, vector<16xi1>
        %and3A_415 = arith.andi %lt3A_404, %eq3A_18 : vector<16xi1>
        tpu.vector_store_idx %arg5[%add3A_342, %shift_right_arithmetic3A_409, %and3A_412], %broadcast_in_dim3A_337 masked %and3A_415 {add = true} : memref<2x32x1024xf32, #tpu.memory_space<vmem>>[vector<16xi32>, vector<16xi32>, vector<16xi32>], vector<16xf32>, vector<16xi1>
        %and3A_416 = arith.andi %lt3A_404, %eq3A_21 : vector<16xi1>
        tpu.vector_store_idx %arg5[%add3A_342, %shift_right_arithmetic3A_409, %and3A_412], %broadcast_in_dim3A_337 masked %and3A_416 {add = true} : memref<2x32x1024xf32, #tpu.memory_space<vmem>>[vector<16xi32>, vector<16xi32>, vector<16xi32>], vector<16xf32>, vector<16xi1>
        %and3A_417 = arith.andi %lt3A_404, %eq3A_24 : vector<16xi1>
        tpu.vector_store_idx %arg5[%add3A_342, %shift_right_arithmetic3A_409, %and3A_412], %broadcast_in_dim3A_337 masked %and3A_417 {add = true} : memref<2x32x1024xf32, #tpu.memory_space<vmem>>[vector<16xi32>, vector<16xi32>, vector<16xi32>], vector<16xf32>, vector<16xi1>
        %and3A_418 = arith.andi %lt3A_404, %eq3A_27 : vector<16xi1>
        tpu.vector_store_idx %arg5[%add3A_342, %shift_right_arithmetic3A_409, %and3A_412], %broadcast_in_dim3A_337 masked %and3A_418 {add = true} : memref<2x32x1024xf32, #tpu.memory_space<vmem>>[vector<16xi32>, vector<16xi32>, vector<16xi32>], vector<16xf32>, vector<16xi1>
        %and3A_419 = arith.andi %lt3A_404, %eq3A_30 : vector<16xi1>
        tpu.vector_store_idx %arg5[%add3A_342, %shift_right_arithmetic3A_409, %and3A_412], %broadcast_in_dim3A_337 masked %and3A_419 {add = true} : memref<2x32x1024xf32, #tpu.memory_space<vmem>>[vector<16xi32>, vector<16xi32>, vector<16xi32>], vector<16xf32>, vector<16xi1>
        %and3A_420 = arith.andi %lt3A_404, %eq3A_33 : vector<16xi1>
        tpu.vector_store_idx %arg5[%add3A_342, %shift_right_arithmetic3A_409, %and3A_412], %broadcast_in_dim3A_337 masked %and3A_420 {add = true} : memref<2x32x1024xf32, #tpu.memory_space<vmem>>[vector<16xi32>, vector<16xi32>, vector<16xi32>], vector<16xf32>, vector<16xi1>
        %and3A_421 = arith.andi %lt3A_404, %eq3A_36 : vector<16xi1>
        tpu.vector_store_idx %arg5[%add3A_342, %shift_right_arithmetic3A_409, %and3A_412], %broadcast_in_dim3A_337 masked %and3A_421 {add = true} : memref<2x32x1024xf32, #tpu.memory_space<vmem>>[vector<16xi32>, vector<16xi32>, vector<16xi32>], vector<16xf32>, vector<16xi1>
        %and3A_422 = arith.andi %lt3A_404, %eq3A_39 : vector<16xi1>
        tpu.vector_store_idx %arg5[%add3A_342, %shift_right_arithmetic3A_409, %and3A_412], %broadcast_in_dim3A_337 masked %and3A_422 {add = true} : memref<2x32x1024xf32, #tpu.memory_space<vmem>>[vector<16xi32>, vector<16xi32>, vector<16xi32>], vector<16xf32>, vector<16xi1>
        %and3A_423 = arith.andi %lt3A_404, %eq3A_42 : vector<16xi1>
        tpu.vector_store_idx %arg5[%add3A_342, %shift_right_arithmetic3A_409, %and3A_412], %broadcast_in_dim3A_337 masked %and3A_423 {add = true} : memref<2x32x1024xf32, #tpu.memory_space<vmem>>[vector<16xi32>, vector<16xi32>, vector<16xi32>], vector<16xf32>, vector<16xi1>
        %and3A_424 = arith.andi %lt3A_404, %eq3A_45 : vector<16xi1>
        tpu.vector_store_idx %arg5[%add3A_342, %shift_right_arithmetic3A_409, %and3A_412], %broadcast_in_dim3A_337 masked %and3A_424 {add = true} : memref<2x32x1024xf32, #tpu.memory_space<vmem>>[vector<16xi32>, vector<16xi32>, vector<16xi32>], vector<16xf32>, vector<16xi1>
        %and3A_425 = arith.andi %lt3A_404, %eq3A_48 : vector<16xi1>
        tpu.vector_store_idx %arg5[%add3A_342, %shift_right_arithmetic3A_409, %and3A_412], %broadcast_in_dim3A_337 masked %and3A_425 {add = true} : memref<2x32x1024xf32, #tpu.memory_space<vmem>>[vector<16xi32>, vector<16xi32>, vector<16xi32>], vector<16xf32>, vector<16xi1>
        %and3A_426 = arith.andi %lt3A_404, %eq3A_51 : vector<16xi1>
        tpu.vector_store_idx %arg5[%add3A_342, %shift_right_arithmetic3A_409, %and3A_412], %broadcast_in_dim3A_337 masked %and3A_426 {add = true} : memref<2x32x1024xf32, #tpu.memory_space<vmem>>[vector<16xi32>, vector<16xi32>, vector<16xi32>], vector<16xf32>, vector<16xi1>
        %and3A_427 = arith.andi %lt3A_404, %eq3A_54 : vector<16xi1>
        tpu.vector_store_idx %arg5[%add3A_342, %shift_right_arithmetic3A_409, %and3A_412], %broadcast_in_dim3A_337 masked %and3A_427 {add = true} : memref<2x32x1024xf32, #tpu.memory_space<vmem>>[vector<16xi32>, vector<16xi32>, vector<16xi32>], vector<16xf32>, vector<16xi1>
        %and3A_428 = arith.andi %lt3A_404, %eq3A_57 : vector<16xi1>
        tpu.vector_store_idx %arg5[%add3A_342, %shift_right_arithmetic3A_409, %and3A_412], %broadcast_in_dim3A_337 masked %and3A_428 {add = true} : memref<2x32x1024xf32, #tpu.memory_space<vmem>>[vector<16xi32>, vector<16xi32>, vector<16xi32>], vector<16xf32>, vector<16xi1>
      }
      %while3A_368 = arith.constant 1 : i32
      scf.for %while3A_393 = %while3A_366 to %while3A_362 step %while3A_368  : i32 {
        %add3A_394 = arith.constant 0 : i32
        %add3A_395 = arith.addi %add3A_394, %shift_right_arithmetic3A_99 : i32
        %mul3A_396 = arith.constant 256 : i32
        %mul3A_397 = arith.muli %add3A_395, %mul3A_396 : i32
        %mul3A_398 = arith.constant 16 : i32
        %mul3A_399 = arith.muli %while3A_393, %mul3A_398 : i32
        %add3A_400 = arith.addi %mul3A_397, %mul3A_399 : i32
        %get3A_401 = arith.index_cast %add3A_400 : i32 to index
        %get3A_402 = tpu.vector_load %arg6[%get3A_401] {strides = array<i32>} : memref<50176xi32, #tpu.memory_space<vmem>>, vector<16xi32>,
        %lt3A_403 = vector.broadcast %while3A_393 : i32 to vector<16xi32>
        %lt3A_404 = arith.cmpi slt, %lt3A_403, %get3A_350 : vector<16xi32>
        %sub3A_405 = vector.broadcast %mul3A_344 : i32 to vector<16xi32>
        %sub3A_406 = arith.subi %get3A_402, %sub3A_405 : vector<16xi32>
        %shift_right_arithmetic3A_407 = arith.constant 10 : i32
        %shift_right_arithmetic3A_408 = vector.broadcast %shift_right_arithmetic3A_407 : i32 to vector<16xi32>
        %shift_right_arithmetic3A_409 = arith.shrsi %sub3A_406, %shift_right_arithmetic3A_408 : vector<16xi32>
        %and3A_410 = arith.constant 1023 : i32
        %and3A_411 = vector.broadcast %and3A_410 : i32 to vector<16xi32>
        %and3A_412 = arith.andi %sub3A_406, %and3A_411 : vector<16xi32>
        %and3A_413 = arith.andi %lt3A_404, %eq3A_12 : vector<16xi1>
        tpu.vector_store_idx %arg5[%add3A_342, %shift_right_arithmetic3A_409, %and3A_412], %broadcast_in_dim3A_337 masked %and3A_413 {add = true} : memref<2x32x1024xf32, #tpu.memory_space<vmem>>[vector<16xi32>, vector<16xi32>, vector<16xi32>], vector<16xf32>, vector<16xi1>
        %and3A_414 = arith.andi %lt3A_404, %eq3A_15 : vector<16xi1>
        tpu.vector_store_idx %arg5[%add3A_342, %shift_right_arithmetic3A_409, %and3A_412], %broadcast_in_dim3A_337 masked %and3A_414 {add = true} : memref<2x32x1024xf32, #tpu.memory_space<vmem>>[vector<16xi32>, vector<16xi32>, vector<16xi32>], vector<16xf32>, vector<16xi1>
        %and3A_415 = arith.andi %lt3A_404, %eq3A_18 : vector<16xi1>
        tpu.vector_store_idx %arg5[%add3A_342, %shift_right_arithmetic3A_409, %and3A_412], %broadcast_in_dim3A_337 masked %and3A_415 {add = true} : memref<2x32x1024xf32, #tpu.memory_space<vmem>>[vector<16xi32>, vector<16xi32>, vector<16xi32>], vector<16xf32>, vector<16xi1>
        %and3A_416 = arith.andi %lt3A_404, %eq3A_21 : vector<16xi1>
        tpu.vector_store_idx %arg5[%add3A_342, %shift_right_arithmetic3A_409, %and3A_412], %broadcast_in_dim3A_337 masked %and3A_416 {add = true} : memref<2x32x1024xf32, #tpu.memory_space<vmem>>[vector<16xi32>, vector<16xi32>, vector<16xi32>], vector<16xf32>, vector<16xi1>
        %and3A_417 = arith.andi %lt3A_404, %eq3A_24 : vector<16xi1>
        tpu.vector_store_idx %arg5[%add3A_342, %shift_right_arithmetic3A_409, %and3A_412], %broadcast_in_dim3A_337 masked %and3A_417 {add = true} : memref<2x32x1024xf32, #tpu.memory_space<vmem>>[vector<16xi32>, vector<16xi32>, vector<16xi32>], vector<16xf32>, vector<16xi1>
        %and3A_418 = arith.andi %lt3A_404, %eq3A_27 : vector<16xi1>
        tpu.vector_store_idx %arg5[%add3A_342, %shift_right_arithmetic3A_409, %and3A_412], %broadcast_in_dim3A_337 masked %and3A_418 {add = true} : memref<2x32x1024xf32, #tpu.memory_space<vmem>>[vector<16xi32>, vector<16xi32>, vector<16xi32>], vector<16xf32>, vector<16xi1>
        %and3A_419 = arith.andi %lt3A_404, %eq3A_30 : vector<16xi1>
        tpu.vector_store_idx %arg5[%add3A_342, %shift_right_arithmetic3A_409, %and3A_412], %broadcast_in_dim3A_337 masked %and3A_419 {add = true} : memref<2x32x1024xf32, #tpu.memory_space<vmem>>[vector<16xi32>, vector<16xi32>, vector<16xi32>], vector<16xf32>, vector<16xi1>
        %and3A_420 = arith.andi %lt3A_404, %eq3A_33 : vector<16xi1>
        tpu.vector_store_idx %arg5[%add3A_342, %shift_right_arithmetic3A_409, %and3A_412], %broadcast_in_dim3A_337 masked %and3A_420 {add = true} : memref<2x32x1024xf32, #tpu.memory_space<vmem>>[vector<16xi32>, vector<16xi32>, vector<16xi32>], vector<16xf32>, vector<16xi1>
        %and3A_421 = arith.andi %lt3A_404, %eq3A_36 : vector<16xi1>
        tpu.vector_store_idx %arg5[%add3A_342, %shift_right_arithmetic3A_409, %and3A_412], %broadcast_in_dim3A_337 masked %and3A_421 {add = true} : memref<2x32x1024xf32, #tpu.memory_space<vmem>>[vector<16xi32>, vector<16xi32>, vector<16xi32>], vector<16xf32>, vector<16xi1>
        %and3A_422 = arith.andi %lt3A_404, %eq3A_39 : vector<16xi1>
        tpu.vector_store_idx %arg5[%add3A_342, %shift_right_arithmetic3A_409, %and3A_412], %broadcast_in_dim3A_337 masked %and3A_422 {add = true} : memref<2x32x1024xf32, #tpu.memory_space<vmem>>[vector<16xi32>, vector<16xi32>, vector<16xi32>], vector<16xf32>, vector<16xi1>
        %and3A_423 = arith.andi %lt3A_404, %eq3A_42 : vector<16xi1>
        tpu.vector_store_idx %arg5[%add3A_342, %shift_right_arithmetic3A_409, %and3A_412], %broadcast_in_dim3A_337 masked %and3A_423 {add = true} : memref<2x32x1024xf32, #tpu.memory_space<vmem>>[vector<16xi32>, vector<16xi32>, vector<16xi32>], vector<16xf32>, vector<16xi1>
        %and3A_424 = arith.andi %lt3A_404, %eq3A_45 : vector<16xi1>
        tpu.vector_store_idx %arg5[%add3A_342, %shift_right_arithmetic3A_409, %and3A_412], %broadcast_in_dim3A_337 masked %and3A_424 {add = true} : memref<2x32x1024xf32, #tpu.memory_space<vmem>>[vector<16xi32>, vector<16xi32>, vector<16xi32>], vector<16xf32>, vector<16xi1>
        %and3A_425 = arith.andi %lt3A_404, %eq3A_48 : vector<16xi1>
        tpu.vector_store_idx %arg5[%add3A_342, %shift_right_arithmetic3A_409, %and3A_412], %broadcast_in_dim3A_337 masked %and3A_425 {add = true} : memref<2x32x1024xf32, #tpu.memory_space<vmem>>[vector<16xi32>, vector<16xi32>, vector<16xi32>], vector<16xf32>, vector<16xi1>
        %and3A_426 = arith.andi %lt3A_404, %eq3A_51 : vector<16xi1>
        tpu.vector_store_idx %arg5[%add3A_342, %shift_right_arithmetic3A_409, %and3A_412], %broadcast_in_dim3A_337 masked %and3A_426 {add = true} : memref<2x32x1024xf32, #tpu.memory_space<vmem>>[vector<16xi32>, vector<16xi32>, vector<16xi32>], vector<16xf32>, vector<16xi1>
        %and3A_427 = arith.andi %lt3A_404, %eq3A_54 : vector<16xi1>
        tpu.vector_store_idx %arg5[%add3A_342, %shift_right_arithmetic3A_409, %and3A_412], %broadcast_in_dim3A_337 masked %and3A_427 {add = true} : memref<2x32x1024xf32, #tpu.memory_space<vmem>>[vector<16xi32>, vector<16xi32>, vector<16xi32>], vector<16xf32>, vector<16xi1>
        %and3A_428 = arith.andi %lt3A_404, %eq3A_57 : vector<16xi1>
        tpu.vector_store_idx %arg5[%add3A_342, %shift_right_arithmetic3A_409, %and3A_412], %broadcast_in_dim3A_337 masked %and3A_428 {add = true} : memref<2x32x1024xf32, #tpu.memory_space<vmem>>[vector<16xi32>, vector<16xi32>, vector<16xi32>], vector<16xf32>, vector<16xi1>
      }
      %add3A_369 = arith.constant 98 : i32
      %add3A_370 = arith.addi %add3A_369, %shift_right_arithmetic3A_99 : i32
      %mul3A_371 = arith.constant 16 : i32
      %mul3A_372 = arith.muli %add3A_370, %mul3A_371 : i32
      %get3A_373 = arith.index_cast %mul3A_372 : i32 to index
      %get3A_374 = tpu.vector_load %arg7[%get3A_373] {strides = array<i32>} : memref<3136xi32, #tpu.memory_space<vmem>>, vector<16xi32>,
      %reduce_max3A_375 = arith.constant true
      %reduce_max3A_376 = vector.broadcast %reduce_max3A_375 : i1 to vector<16xi1>
      %reduce_max3A_377 = arith.constant -2147483648 : i32
      %reduce_max3A_378 = vector.broadcast %reduce_max3A_377 : i32 to vector<16xi32>
      %reduce_max3A_379 = arith.xori %get3A_374, %reduce_max3A_378 : vector<16xi32>
      %reduce_max3A_380 = tpu.scan <max>, %reduce_max3A_379 masked %reduce_max3A_376 : vector<16xi32>, vector<16xi1> -> vector<16xi32>
      %reduce_max3A_381 = arith.xori %reduce_max3A_380, %reduce_max3A_378 : vector<16xi32>
      %reduce_max3A_382 = vector.extract %reduce_max3A_381[15] : i32 from vector<16xi32>
      %while3A_383 = arith.constant 0 : i32
      %while3A_384 = arith.constant 0 : i32
      %while3A_385 = arith.subi %reduce_max3A_382, %while3A_384 : i32
      %while3A_386 = arith.addi %while3A_384, %while3A_385 : i32
      %while3A_387 = arith.constant 1 : i32
      %while3A_388 = arith.divsi %while3A_385, %while3A_387 : i32
      %while3A_389 = arith.muli %while3A_388, %while3A_387 : i32
      %while3A_390 = arith.addi %while3A_384, %while3A_389 : i32
      %while3A_391 = arith.constant 1 : i32
      scf.for %while3A_393 = %while3A_384 to %while3A_390 step %while3A_391  : i32 {
        %add3A_394 = arith.constant 98 : i32
        %add3A_395 = arith.addi %add3A_394, %shift_right_arithmetic3A_99 : i32
        %mul3A_396 = arith.constant 256 : i32
        %mul3A_397 = arith.muli %add3A_395, %mul3A_396 : i32
        %mul3A_398 = arith.constant 16 : i32
        %mul3A_399 = arith.muli %while3A_393, %mul3A_398 : i32
        %add3A_400 = arith.addi %mul3A_397, %mul3A_399 : i32
        %get3A_401 = arith.index_cast %add3A_400 : i32 to index
        %get3A_402 = tpu.vector_load %arg6[%get3A_401] {strides = array<i32>} : memref<50176xi32, #tpu.memory_space<vmem>>, vector<16xi32>,
        %lt3A_403 = vector.broadcast %while3A_393 : i32 to vector<16xi32>
        %lt3A_404 = arith.cmpi slt, %lt3A_403, %get3A_374 : vector<16xi32>
        %sub3A_405 = vector.broadcast %mul3A_344 : i32 to vector<16xi32>
        %sub3A_406 = arith.subi %get3A_402, %sub3A_405 : vector<16xi32>
        %shift_right_arithmetic3A_407 = arith.constant 10 : i32
        %shift_right_arithmetic3A_408 = vector.broadcast %shift_right_arithmetic3A_407 : i32 to vector<16xi32>
        %shift_right_arithmetic3A_409 = arith.shrsi %sub3A_406, %shift_right_arithmetic3A_408 : vector<16xi32>
        %and3A_410 = arith.constant 1023 : i32
        %and3A_411 = vector.broadcast %and3A_410 : i32 to vector<16xi32>
        %and3A_412 = arith.andi %sub3A_406, %and3A_411 : vector<16xi32>
        %and3A_413 = arith.andi %lt3A_404, %eq3A_12 : vector<16xi1>
        tpu.vector_store_idx %arg5[%add3A_342, %shift_right_arithmetic3A_409, %and3A_412], %broadcast_in_dim3A_337 masked %and3A_413 {add = true} : memref<2x32x1024xf32, #tpu.memory_space<vmem>>[vector<16xi32>, vector<16xi32>, vector<16xi32>], vector<16xf32>, vector<16xi1>
        %and3A_414 = arith.andi %lt3A_404, %eq3A_15 : vector<16xi1>
        tpu.vector_store_idx %arg5[%add3A_342, %shift_right_arithmetic3A_409, %and3A_412], %broadcast_in_dim3A_337 masked %and3A_414 {add = true} : memref<2x32x1024xf32, #tpu.memory_space<vmem>>[vector<16xi32>, vector<16xi32>, vector<16xi32>], vector<16xf32>, vector<16xi1>
        %and3A_415 = arith.andi %lt3A_404, %eq3A_18 : vector<16xi1>
        tpu.vector_store_idx %arg5[%add3A_342, %shift_right_arithmetic3A_409, %and3A_412], %broadcast_in_dim3A_337 masked %and3A_415 {add = true} : memref<2x32x1024xf32, #tpu.memory_space<vmem>>[vector<16xi32>, vector<16xi32>, vector<16xi32>], vector<16xf32>, vector<16xi1>
        %and3A_416 = arith.andi %lt3A_404, %eq3A_21 : vector<16xi1>
        tpu.vector_store_idx %arg5[%add3A_342, %shift_right_arithmetic3A_409, %and3A_412], %broadcast_in_dim3A_337 masked %and3A_416 {add = true} : memref<2x32x1024xf32, #tpu.memory_space<vmem>>[vector<16xi32>, vector<16xi32>, vector<16xi32>], vector<16xf32>, vector<16xi1>
        %and3A_417 = arith.andi %lt3A_404, %eq3A_24 : vector<16xi1>
        tpu.vector_store_idx %arg5[%add3A_342, %shift_right_arithmetic3A_409, %and3A_412], %broadcast_in_dim3A_337 masked %and3A_417 {add = true} : memref<2x32x1024xf32, #tpu.memory_space<vmem>>[vector<16xi32>, vector<16xi32>, vector<16xi32>], vector<16xf32>, vector<16xi1>
        %and3A_418 = arith.andi %lt3A_404, %eq3A_27 : vector<16xi1>
        tpu.vector_store_idx %arg5[%add3A_342, %shift_right_arithmetic3A_409, %and3A_412], %broadcast_in_dim3A_337 masked %and3A_418 {add = true} : memref<2x32x1024xf32, #tpu.memory_space<vmem>>[vector<16xi32>, vector<16xi32>, vector<16xi32>], vector<16xf32>, vector<16xi1>
        %and3A_419 = arith.andi %lt3A_404, %eq3A_30 : vector<16xi1>
        tpu.vector_store_idx %arg5[%add3A_342, %shift_right_arithmetic3A_409, %and3A_412], %broadcast_in_dim3A_337 masked %and3A_419 {add = true} : memref<2x32x1024xf32, #tpu.memory_space<vmem>>[vector<16xi32>, vector<16xi32>, vector<16xi32>], vector<16xf32>, vector<16xi1>
        %and3A_420 = arith.andi %lt3A_404, %eq3A_33 : vector<16xi1>
        tpu.vector_store_idx %arg5[%add3A_342, %shift_right_arithmetic3A_409, %and3A_412], %broadcast_in_dim3A_337 masked %and3A_420 {add = true} : memref<2x32x1024xf32, #tpu.memory_space<vmem>>[vector<16xi32>, vector<16xi32>, vector<16xi32>], vector<16xf32>, vector<16xi1>
        %and3A_421 = arith.andi %lt3A_404, %eq3A_36 : vector<16xi1>
        tpu.vector_store_idx %arg5[%add3A_342, %shift_right_arithmetic3A_409, %and3A_412], %broadcast_in_dim3A_337 masked %and3A_421 {add = true} : memref<2x32x1024xf32, #tpu.memory_space<vmem>>[vector<16xi32>, vector<16xi32>, vector<16xi32>], vector<16xf32>, vector<16xi1>
        %and3A_422 = arith.andi %lt3A_404, %eq3A_39 : vector<16xi1>
        tpu.vector_store_idx %arg5[%add3A_342, %shift_right_arithmetic3A_409, %and3A_412], %broadcast_in_dim3A_337 masked %and3A_422 {add = true} : memref<2x32x1024xf32, #tpu.memory_space<vmem>>[vector<16xi32>, vector<16xi32>, vector<16xi32>], vector<16xf32>, vector<16xi1>
        %and3A_423 = arith.andi %lt3A_404, %eq3A_42 : vector<16xi1>
        tpu.vector_store_idx %arg5[%add3A_342, %shift_right_arithmetic3A_409, %and3A_412], %broadcast_in_dim3A_337 masked %and3A_423 {add = true} : memref<2x32x1024xf32, #tpu.memory_space<vmem>>[vector<16xi32>, vector<16xi32>, vector<16xi32>], vector<16xf32>, vector<16xi1>
        %and3A_424 = arith.andi %lt3A_404, %eq3A_45 : vector<16xi1>
        tpu.vector_store_idx %arg5[%add3A_342, %shift_right_arithmetic3A_409, %and3A_412], %broadcast_in_dim3A_337 masked %and3A_424 {add = true} : memref<2x32x1024xf32, #tpu.memory_space<vmem>>[vector<16xi32>, vector<16xi32>, vector<16xi32>], vector<16xf32>, vector<16xi1>
        %and3A_425 = arith.andi %lt3A_404, %eq3A_48 : vector<16xi1>
        tpu.vector_store_idx %arg5[%add3A_342, %shift_right_arithmetic3A_409, %and3A_412], %broadcast_in_dim3A_337 masked %and3A_425 {add = true} : memref<2x32x1024xf32, #tpu.memory_space<vmem>>[vector<16xi32>, vector<16xi32>, vector<16xi32>], vector<16xf32>, vector<16xi1>
        %and3A_426 = arith.andi %lt3A_404, %eq3A_51 : vector<16xi1>
        tpu.vector_store_idx %arg5[%add3A_342, %shift_right_arithmetic3A_409, %and3A_412], %broadcast_in_dim3A_337 masked %and3A_426 {add = true} : memref<2x32x1024xf32, #tpu.memory_space<vmem>>[vector<16xi32>, vector<16xi32>, vector<16xi32>], vector<16xf32>, vector<16xi1>
        %and3A_427 = arith.andi %lt3A_404, %eq3A_54 : vector<16xi1>
        tpu.vector_store_idx %arg5[%add3A_342, %shift_right_arithmetic3A_409, %and3A_412], %broadcast_in_dim3A_337 masked %and3A_427 {add = true} : memref<2x32x1024xf32, #tpu.memory_space<vmem>>[vector<16xi32>, vector<16xi32>, vector<16xi32>], vector<16xf32>, vector<16xi1>
        %and3A_428 = arith.andi %lt3A_404, %eq3A_57 : vector<16xi1>
        tpu.vector_store_idx %arg5[%add3A_342, %shift_right_arithmetic3A_409, %and3A_412], %broadcast_in_dim3A_337 masked %and3A_428 {add = true} : memref<2x32x1024xf32, #tpu.memory_space<vmem>>[vector<16xi32>, vector<16xi32>, vector<16xi32>], vector<16xf32>, vector<16xi1>
      }
      %while3A_392 = arith.constant 1 : i32
      scf.for %while3A_393 = %while3A_390 to %while3A_386 step %while3A_392  : i32 {
        %add3A_394 = arith.constant 98 : i32
        %add3A_395 = arith.addi %add3A_394, %shift_right_arithmetic3A_99 : i32
        %mul3A_396 = arith.constant 256 : i32
        %mul3A_397 = arith.muli %add3A_395, %mul3A_396 : i32
        %mul3A_398 = arith.constant 16 : i32
        %mul3A_399 = arith.muli %while3A_393, %mul3A_398 : i32
        %add3A_400 = arith.addi %mul3A_397, %mul3A_399 : i32
        %get3A_401 = arith.index_cast %add3A_400 : i32 to index
        %get3A_402 = tpu.vector_load %arg6[%get3A_401] {strides = array<i32>} : memref<50176xi32, #tpu.memory_space<vmem>>, vector<16xi32>,
        %lt3A_403 = vector.broadcast %while3A_393 : i32 to vector<16xi32>
        %lt3A_404 = arith.cmpi slt, %lt3A_403, %get3A_374 : vector<16xi32>
        %sub3A_405 = vector.broadcast %mul3A_344 : i32 to vector<16xi32>
        %sub3A_406 = arith.subi %get3A_402, %sub3A_405 : vector<16xi32>
        %shift_right_arithmetic3A_407 = arith.constant 10 : i32
        %shift_right_arithmetic3A_408 = vector.broadcast %shift_right_arithmetic3A_407 : i32 to vector<16xi32>
        %shift_right_arithmetic3A_409 = arith.shrsi %sub3A_406, %shift_right_arithmetic3A_408 : vector<16xi32>
        %and3A_410 = arith.constant 1023 : i32
        %and3A_411 = vector.broadcast %and3A_410 : i32 to vector<16xi32>
        %and3A_412 = arith.andi %sub3A_406, %and3A_411 : vector<16xi32>
        %and3A_413 = arith.andi %lt3A_404, %eq3A_12 : vector<16xi1>
        tpu.vector_store_idx %arg5[%add3A_342, %shift_right_arithmetic3A_409, %and3A_412], %broadcast_in_dim3A_337 masked %and3A_413 {add = true} : memref<2x32x1024xf32, #tpu.memory_space<vmem>>[vector<16xi32>, vector<16xi32>, vector<16xi32>], vector<16xf32>, vector<16xi1>
        %and3A_414 = arith.andi %lt3A_404, %eq3A_15 : vector<16xi1>
        tpu.vector_store_idx %arg5[%add3A_342, %shift_right_arithmetic3A_409, %and3A_412], %broadcast_in_dim3A_337 masked %and3A_414 {add = true} : memref<2x32x1024xf32, #tpu.memory_space<vmem>>[vector<16xi32>, vector<16xi32>, vector<16xi32>], vector<16xf32>, vector<16xi1>
        %and3A_415 = arith.andi %lt3A_404, %eq3A_18 : vector<16xi1>
        tpu.vector_store_idx %arg5[%add3A_342, %shift_right_arithmetic3A_409, %and3A_412], %broadcast_in_dim3A_337 masked %and3A_415 {add = true} : memref<2x32x1024xf32, #tpu.memory_space<vmem>>[vector<16xi32>, vector<16xi32>, vector<16xi32>], vector<16xf32>, vector<16xi1>
        %and3A_416 = arith.andi %lt3A_404, %eq3A_21 : vector<16xi1>
        tpu.vector_store_idx %arg5[%add3A_342, %shift_right_arithmetic3A_409, %and3A_412], %broadcast_in_dim3A_337 masked %and3A_416 {add = true} : memref<2x32x1024xf32, #tpu.memory_space<vmem>>[vector<16xi32>, vector<16xi32>, vector<16xi32>], vector<16xf32>, vector<16xi1>
        %and3A_417 = arith.andi %lt3A_404, %eq3A_24 : vector<16xi1>
        tpu.vector_store_idx %arg5[%add3A_342, %shift_right_arithmetic3A_409, %and3A_412], %broadcast_in_dim3A_337 masked %and3A_417 {add = true} : memref<2x32x1024xf32, #tpu.memory_space<vmem>>[vector<16xi32>, vector<16xi32>, vector<16xi32>], vector<16xf32>, vector<16xi1>
        %and3A_418 = arith.andi %lt3A_404, %eq3A_27 : vector<16xi1>
        tpu.vector_store_idx %arg5[%add3A_342, %shift_right_arithmetic3A_409, %and3A_412], %broadcast_in_dim3A_337 masked %and3A_418 {add = true} : memref<2x32x1024xf32, #tpu.memory_space<vmem>>[vector<16xi32>, vector<16xi32>, vector<16xi32>], vector<16xf32>, vector<16xi1>
        %and3A_419 = arith.andi %lt3A_404, %eq3A_30 : vector<16xi1>
        tpu.vector_store_idx %arg5[%add3A_342, %shift_right_arithmetic3A_409, %and3A_412], %broadcast_in_dim3A_337 masked %and3A_419 {add = true} : memref<2x32x1024xf32, #tpu.memory_space<vmem>>[vector<16xi32>, vector<16xi32>, vector<16xi32>], vector<16xf32>, vector<16xi1>
        %and3A_420 = arith.andi %lt3A_404, %eq3A_33 : vector<16xi1>
        tpu.vector_store_idx %arg5[%add3A_342, %shift_right_arithmetic3A_409, %and3A_412], %broadcast_in_dim3A_337 masked %and3A_420 {add = true} : memref<2x32x1024xf32, #tpu.memory_space<vmem>>[vector<16xi32>, vector<16xi32>, vector<16xi32>], vector<16xf32>, vector<16xi1>
        %and3A_421 = arith.andi %lt3A_404, %eq3A_36 : vector<16xi1>
        tpu.vector_store_idx %arg5[%add3A_342, %shift_right_arithmetic3A_409, %and3A_412], %broadcast_in_dim3A_337 masked %and3A_421 {add = true} : memref<2x32x1024xf32, #tpu.memory_space<vmem>>[vector<16xi32>, vector<16xi32>, vector<16xi32>], vector<16xf32>, vector<16xi1>
        %and3A_422 = arith.andi %lt3A_404, %eq3A_39 : vector<16xi1>
        tpu.vector_store_idx %arg5[%add3A_342, %shift_right_arithmetic3A_409, %and3A_412], %broadcast_in_dim3A_337 masked %and3A_422 {add = true} : memref<2x32x1024xf32, #tpu.memory_space<vmem>>[vector<16xi32>, vector<16xi32>, vector<16xi32>], vector<16xf32>, vector<16xi1>
        %and3A_423 = arith.andi %lt3A_404, %eq3A_42 : vector<16xi1>
        tpu.vector_store_idx %arg5[%add3A_342, %shift_right_arithmetic3A_409, %and3A_412], %broadcast_in_dim3A_337 masked %and3A_423 {add = true} : memref<2x32x1024xf32, #tpu.memory_space<vmem>>[vector<16xi32>, vector<16xi32>, vector<16xi32>], vector<16xf32>, vector<16xi1>
        %and3A_424 = arith.andi %lt3A_404, %eq3A_45 : vector<16xi1>
        tpu.vector_store_idx %arg5[%add3A_342, %shift_right_arithmetic3A_409, %and3A_412], %broadcast_in_dim3A_337 masked %and3A_424 {add = true} : memref<2x32x1024xf32, #tpu.memory_space<vmem>>[vector<16xi32>, vector<16xi32>, vector<16xi32>], vector<16xf32>, vector<16xi1>
        %and3A_425 = arith.andi %lt3A_404, %eq3A_48 : vector<16xi1>
        tpu.vector_store_idx %arg5[%add3A_342, %shift_right_arithmetic3A_409, %and3A_412], %broadcast_in_dim3A_337 masked %and3A_425 {add = true} : memref<2x32x1024xf32, #tpu.memory_space<vmem>>[vector<16xi32>, vector<16xi32>, vector<16xi32>], vector<16xf32>, vector<16xi1>
        %and3A_426 = arith.andi %lt3A_404, %eq3A_51 : vector<16xi1>
        tpu.vector_store_idx %arg5[%add3A_342, %shift_right_arithmetic3A_409, %and3A_412], %broadcast_in_dim3A_337 masked %and3A_426 {add = true} : memref<2x32x1024xf32, #tpu.memory_space<vmem>>[vector<16xi32>, vector<16xi32>, vector<16xi32>], vector<16xf32>, vector<16xi1>
        %and3A_427 = arith.andi %lt3A_404, %eq3A_54 : vector<16xi1>
        tpu.vector_store_idx %arg5[%add3A_342, %shift_right_arithmetic3A_409, %and3A_412], %broadcast_in_dim3A_337 masked %and3A_427 {add = true} : memref<2x32x1024xf32, #tpu.memory_space<vmem>>[vector<16xi32>, vector<16xi32>, vector<16xi32>], vector<16xf32>, vector<16xi1>
        %and3A_428 = arith.andi %lt3A_404, %eq3A_57 : vector<16xi1>
        tpu.vector_store_idx %arg5[%add3A_342, %shift_right_arithmetic3A_409, %and3A_412], %broadcast_in_dim3A_337 masked %and3A_428 {add = true} : memref<2x32x1024xf32, #tpu.memory_space<vmem>>[vector<16xi32>, vector<16xi32>, vector<16xi32>], vector<16xf32>, vector<16xi1>
      }
    } else {
    }
    %ne3A = arith.constant 0 : i32
    %ne3A_104 = arith.cmpi ne, %reduce_max3A_98, %ne3A : i32
    %convert_element_type3A_105 = arith.extui %ne3A_104 : i1 to i32
    %cond3A_106 = arith.constant 0 : i32
    %cond3A_107 = arith.cmpi ne, %convert_element_type3A_105, %cond3A_106 : i32
    scf.if %cond3A_107 {
      %while3A = arith.constant 0 : i32
      %while3A_108 = arith.constant 0 : i32
      %while3A_109 = arith.subi %shift_right_arithmetic3A_99, %while3A_108 : i32
      %while3A_110 = arith.addi %while3A_108, %while3A_109 : i32
      %while3A_111 = arith.constant 1 : i32
      %while3A_112 = arith.divsi %while3A_109, %while3A_111 : i32
      %while3A_113 = arith.muli %while3A_112, %while3A_111 : i32
      %while3A_114 = arith.addi %while3A_108, %while3A_113 : i32
      %while3A_115 = arith.constant 1 : i32
      scf.for %while3A_144 = %while3A_108 to %while3A_114 step %while3A_115  : i32 {
        %mul3A_145 = arith.constant 32768 : i32
        %mul3A_146 = arith.muli %while3A_144, %mul3A_145 : i32
        %add3A_147 = arith.addi %mul3A_6, %mul3A_146 : i32
        %max3A_148 = arith.constant 1024 : i32
        %max3A_149 = arith.maxsi %add3A_147, %max3A_148 : i32
        %mul3A_150 = arith.constant 32768 : i32
        %mul3A_151 = arith.muli %while3A_144, %mul3A_150 : i32
        %add3A_152 = arith.addi %mul3A_6, %mul3A_151 : i32
        %add3A_153 = arith.constant 32768 : i32
        %add3A_154 = arith.addi %add3A_152, %add3A_153 : i32
        %broadcast_in_dim3A_155 = arith.constant 1.000000e+00 : f32
        %broadcast_in_dim3A_156 = vector.broadcast %broadcast_in_dim3A_155 : f32 to vector<16xf32>
        %scan3A_157 = arith.constant 0 : i32
        %scan3A_158 = arith.constant 0 : i32
        %scan3A_159 = arith.constant 50 : i32
        %scan3A_160 = arith.addi %scan3A_158, %scan3A_159 : i32
        %scan3A_161 = arith.constant 1 : i32
        scf.for %scan3A_173 = %scan3A_158 to %scan3A_160 step %scan3A_161  : i32 {
          %mul3A_174 = arith.constant 4096 : i32
          %mul3A_175 = arith.muli %scan3A_173, %mul3A_174 : i32
          %run_scoped3A_176 = arith.constant 0 : i32
          "tpu.region"() ({
            %run_scoped3A_182 = tpu.sem_alloc : memref<!tpu.dma_semaphore, #tpu.memory_space<semaphore_mem>>
            %dma_start3A_183 = arith.constant 0 : i32
            %dma_start3A_184 = tpu.memref_slice %arg4[%run_scoped3A_176, %dma_start3A_183] : memref<2x4096xi32, #tpu.memory_space<vmem>> -> memref<1x4096xi32, #tpu.memory_space<vmem>>
            %dma_start3A_185 = tpu.memref_squeeze %dma_start3A_184 : memref<1x4096xi32, #tpu.memory_space<vmem>> -> memref<4096xi32, #tpu.memory_space<vmem>>
            %dma_start3A_186 = tpu.memref_slice %arg2[%mul3A_175] : memref<204800xi32, #tpu.memory_space<hbm>> -> memref<4096xi32, #tpu.memory_space<hbm>>
            %dma_start3A_187 = arith.constant 0 : i32
            %dma_start3A_188 = tpu.memref_slice %arg4[%run_scoped3A_176, %dma_start3A_187] : memref<2x4096xi32, #tpu.memory_space<vmem>> -> memref<1x4096xi32, #tpu.memory_space<vmem>>
            %dma_start3A_189 = tpu.memref_squeeze %dma_start3A_188 : memref<1x4096xi32, #tpu.memory_space<vmem>> -> memref<4096xi32, #tpu.memory_space<vmem>>
            %dma_start3A_190 = tpu.memref_slice %arg2[%mul3A_175] : memref<204800xi32, #tpu.memory_space<hbm>> -> memref<4096xi32, #tpu.memory_space<hbm>>
            tpu.enqueue_dma source(%dma_start3A_190 : memref<4096xi32, #tpu.memory_space<hbm>>) target(%dma_start3A_189 : memref<4096xi32, #tpu.memory_space<vmem>>) target_semaphore(%run_scoped3A_182 : memref<!tpu.dma_semaphore, #tpu.memory_space<semaphore_mem>>)
            %dma_wait3A = arith.constant 0 : i32
            %dma_wait3A_191 = tpu.memref_slice %arg4[%run_scoped3A_176, %dma_wait3A] : memref<2x4096xi32, #tpu.memory_space<vmem>> -> memref<1x4096xi32, #tpu.memory_space<vmem>>
            %dma_wait3A_192 = tpu.memref_squeeze %dma_wait3A_191 : memref<1x4096xi32, #tpu.memory_space<vmem>> -> memref<4096xi32, #tpu.memory_space<vmem>>
            %dma_wait3A_193 = tpu.memref_slice %arg2[%mul3A_175] : memref<204800xi32, #tpu.memory_space<hbm>> -> memref<4096xi32, #tpu.memory_space<hbm>>
            %dma_wait3A_194 = arith.constant 0 : i32
            %dma_wait3A_195 = tpu.memref_slice %arg4[%run_scoped3A_176, %dma_wait3A_194] : memref<2x4096xi32, #tpu.memory_space<vmem>> -> memref<1x4096xi32, #tpu.memory_space<vmem>>
            %dma_wait3A_196 = tpu.memref_squeeze %dma_wait3A_195 : memref<1x4096xi32, #tpu.memory_space<vmem>> -> memref<4096xi32, #tpu.memory_space<vmem>>
            %dma_wait3A_197 = tpu.memref_slice %arg2[%mul3A_175] : memref<204800xi32, #tpu.memory_space<hbm>> -> memref<4096xi32, #tpu.memory_space<hbm>>
            tpu.wait_dma2 semaphore(%run_scoped3A_182 : memref<!tpu.dma_semaphore, #tpu.memory_space<semaphore_mem>>) src(%dma_wait3A_197 : memref<4096xi32, #tpu.memory_space<hbm>>) dst(%dma_wait3A_196 : memref<4096xi32, #tpu.memory_space<vmem>>)
            tpu.yield
          }) : () -> ()
          %scan3A_177 = arith.constant 0 : i32
          %scan3A_178 = arith.constant 256 : i32
          %scan3A_179 = arith.addi %scan3A_177, %scan3A_178 : i32
          %scan3A_180 = arith.constant 1 : i32
          scf.for %scan3A_182 = %scan3A_177 to %scan3A_179 step %scan3A_180  : i32 {
            %mul3A_183 = arith.constant 16 : i32
            %mul3A_184 = arith.muli %scan3A_182, %mul3A_183 : i32
            %get3A = arith.constant 0 : i32
            %get3A_185 = arith.index_cast %get3A : i32 to index
            %get3A_186 = arith.index_cast %mul3A_184 : i32 to index
            %get3A_187 = tpu.vector_load %arg4[%get3A_185, %get3A_186] {strides = array<i32>} : memref<2x4096xi32, #tpu.memory_space<vmem>>, vector<16xi32>,
            %mul3A_188 = arith.constant 16 : i32
            %mul3A_189 = arith.muli %scan3A_182, %mul3A_188 : i32
            %add3A_190 = vector.broadcast %mul3A_189 : i32 to vector<16xi32>
            %add3A_191 = arith.addi %add3A_190, %iota3A : vector<16xi32>
            %and3A = arith.constant 1023 : i32
            %and3A_192 = vector.broadcast %and3A : i32 to vector<16xi32>
            %and3A_193 = arith.andi %add3A_191, %and3A_192 : vector<16xi32>
            %shift_left3A = arith.constant 10 : i32
            %shift_left3A_194 = vector.broadcast %shift_left3A : i32 to vector<16xi32>
            %shift_left3A_195 = arith.shli %get3A_187, %shift_left3A_194 : vector<16xi32>
            %or3A = arith.ori %shift_left3A_195, %and3A_193 : vector<16xi32>
            %ge3A = vector.broadcast %max3A_149 : i32 to vector<16xi32>
            %ge3A_196 = arith.cmpi sge, %or3A, %ge3A : vector<16xi32>
            %lt3A_197 = vector.broadcast %add3A_154 : i32 to vector<16xi32>
            %lt3A_198 = arith.cmpi slt, %or3A, %lt3A_197 : vector<16xi32>
            %and3A_199 = arith.andi %ge3A_196, %lt3A_198 : vector<16xi1>
            %mul3A_200 = arith.constant 32768 : i32
            %mul3A_201 = arith.muli %while3A_144, %mul3A_200 : i32
            %add3A_202 = arith.addi %mul3A_6, %mul3A_201 : i32
            %sub3A_203 = vector.broadcast %add3A_202 : i32 to vector<16xi32>
            %sub3A_204 = arith.subi %or3A, %sub3A_203 : vector<16xi32>
            %shift_right_arithmetic3A_205 = arith.constant 10 : i32
            %shift_right_arithmetic3A_206 = vector.broadcast %shift_right_arithmetic3A_205 : i32 to vector<16xi32>
            %shift_right_arithmetic3A_207 = arith.shrsi %sub3A_204, %shift_right_arithmetic3A_206 : vector<16xi32>
            %jit3A = arith.constant 0 : i32
            %broadcast_in_dim3A_208 = vector.broadcast %jit3A : i32 to vector<16xi32>
            %select_n3A = arith.select %and3A_199, %shift_right_arithmetic3A_207, %broadcast_in_dim3A_208 : vector<16xi1>, vector<16xi32>
            %and3A_209 = arith.constant 1023 : i32
            %and3A_210 = vector.broadcast %and3A_209 : i32 to vector<16xi32>
            %and3A_211 = arith.andi %sub3A_204, %and3A_210 : vector<16xi32>
            %and3A_212 = arith.andi %and3A_199, %eq3A_12 : vector<16xi1>
            tpu.vector_store_idx %arg5[%broadcast_in_dim3A_58, %select_n3A, %and3A_211], %broadcast_in_dim3A_156 masked %and3A_212 {add = true} : memref<2x32x1024xf32, #tpu.memory_space<vmem>>[vector<16xi32>, vector<16xi32>, vector<16xi32>], vector<16xf32>, vector<16xi1>
            %and3A_213 = arith.andi %and3A_199, %eq3A_15 : vector<16xi1>
            tpu.vector_store_idx %arg5[%broadcast_in_dim3A_58, %select_n3A, %and3A_211], %broadcast_in_dim3A_156 masked %and3A_213 {add = true} : memref<2x32x1024xf32, #tpu.memory_space<vmem>>[vector<16xi32>, vector<16xi32>, vector<16xi32>], vector<16xf32>, vector<16xi1>
            %and3A_214 = arith.andi %and3A_199, %eq3A_18 : vector<16xi1>
            tpu.vector_store_idx %arg5[%broadcast_in_dim3A_58, %select_n3A, %and3A_211], %broadcast_in_dim3A_156 masked %and3A_214 {add = true} : memref<2x32x1024xf32, #tpu.memory_space<vmem>>[vector<16xi32>, vector<16xi32>, vector<16xi32>], vector<16xf32>, vector<16xi1>
            %and3A_215 = arith.andi %and3A_199, %eq3A_21 : vector<16xi1>
            tpu.vector_store_idx %arg5[%broadcast_in_dim3A_58, %select_n3A, %and3A_211], %broadcast_in_dim3A_156 masked %and3A_215 {add = true} : memref<2x32x1024xf32, #tpu.memory_space<vmem>>[vector<16xi32>, vector<16xi32>, vector<16xi32>], vector<16xf32>, vector<16xi1>
            %and3A_216 = arith.andi %and3A_199, %eq3A_24 : vector<16xi1>
            tpu.vector_store_idx %arg5[%broadcast_in_dim3A_58, %select_n3A, %and3A_211], %broadcast_in_dim3A_156 masked %and3A_216 {add = true} : memref<2x32x1024xf32, #tpu.memory_space<vmem>>[vector<16xi32>, vector<16xi32>, vector<16xi32>], vector<16xf32>, vector<16xi1>
            %and3A_217 = arith.andi %and3A_199, %eq3A_27 : vector<16xi1>
            tpu.vector_store_idx %arg5[%broadcast_in_dim3A_58, %select_n3A, %and3A_211], %broadcast_in_dim3A_156 masked %and3A_217 {add = true} : memref<2x32x1024xf32, #tpu.memory_space<vmem>>[vector<16xi32>, vector<16xi32>, vector<16xi32>], vector<16xf32>, vector<16xi1>
            %and3A_218 = arith.andi %and3A_199, %eq3A_30 : vector<16xi1>
            tpu.vector_store_idx %arg5[%broadcast_in_dim3A_58, %select_n3A, %and3A_211], %broadcast_in_dim3A_156 masked %and3A_218 {add = true} : memref<2x32x1024xf32, #tpu.memory_space<vmem>>[vector<16xi32>, vector<16xi32>, vector<16xi32>], vector<16xf32>, vector<16xi1>
            %and3A_219 = arith.andi %and3A_199, %eq3A_33 : vector<16xi1>
            tpu.vector_store_idx %arg5[%broadcast_in_dim3A_58, %select_n3A, %and3A_211], %broadcast_in_dim3A_156 masked %and3A_219 {add = true} : memref<2x32x1024xf32, #tpu.memory_space<vmem>>[vector<16xi32>, vector<16xi32>, vector<16xi32>], vector<16xf32>, vector<16xi1>
            %and3A_220 = arith.andi %and3A_199, %eq3A_36 : vector<16xi1>
            tpu.vector_store_idx %arg5[%broadcast_in_dim3A_58, %select_n3A, %and3A_211], %broadcast_in_dim3A_156 masked %and3A_220 {add = true} : memref<2x32x1024xf32, #tpu.memory_space<vmem>>[vector<16xi32>, vector<16xi32>, vector<16xi32>], vector<16xf32>, vector<16xi1>
            %and3A_221 = arith.andi %and3A_199, %eq3A_39 : vector<16xi1>
            tpu.vector_store_idx %arg5[%broadcast_in_dim3A_58, %select_n3A, %and3A_211], %broadcast_in_dim3A_156 masked %and3A_221 {add = true} : memref<2x32x1024xf32, #tpu.memory_space<vmem>>[vector<16xi32>, vector<16xi32>, vector<16xi32>], vector<16xf32>, vector<16xi1>
            %and3A_222 = arith.andi %and3A_199, %eq3A_42 : vector<16xi1>
            tpu.vector_store_idx %arg5[%broadcast_in_dim3A_58, %select_n3A, %and3A_211], %broadcast_in_dim3A_156 masked %and3A_222 {add = true} : memref<2x32x1024xf32, #tpu.memory_space<vmem>>[vector<16xi32>, vector<16xi32>, vector<16xi32>], vector<16xf32>, vector<16xi1>
            %and3A_223 = arith.andi %and3A_199, %eq3A_45 : vector<16xi1>
            tpu.vector_store_idx %arg5[%broadcast_in_dim3A_58, %select_n3A, %and3A_211], %broadcast_in_dim3A_156 masked %and3A_223 {add = true} : memref<2x32x1024xf32, #tpu.memory_space<vmem>>[vector<16xi32>, vector<16xi32>, vector<16xi32>], vector<16xf32>, vector<16xi1>
            %and3A_224 = arith.andi %and3A_199, %eq3A_48 : vector<16xi1>
            tpu.vector_store_idx %arg5[%broadcast_in_dim3A_58, %select_n3A, %and3A_211], %broadcast_in_dim3A_156 masked %and3A_224 {add = true} : memref<2x32x1024xf32, #tpu.memory_space<vmem>>[vector<16xi32>, vector<16xi32>, vector<16xi32>], vector<16xf32>, vector<16xi1>
            %and3A_225 = arith.andi %and3A_199, %eq3A_51 : vector<16xi1>
            tpu.vector_store_idx %arg5[%broadcast_in_dim3A_58, %select_n3A, %and3A_211], %broadcast_in_dim3A_156 masked %and3A_225 {add = true} : memref<2x32x1024xf32, #tpu.memory_space<vmem>>[vector<16xi32>, vector<16xi32>, vector<16xi32>], vector<16xf32>, vector<16xi1>
            %and3A_226 = arith.andi %and3A_199, %eq3A_54 : vector<16xi1>
            tpu.vector_store_idx %arg5[%broadcast_in_dim3A_58, %select_n3A, %and3A_211], %broadcast_in_dim3A_156 masked %and3A_226 {add = true} : memref<2x32x1024xf32, #tpu.memory_space<vmem>>[vector<16xi32>, vector<16xi32>, vector<16xi32>], vector<16xf32>, vector<16xi1>
            %and3A_227 = arith.andi %and3A_199, %eq3A_57 : vector<16xi1>
            tpu.vector_store_idx %arg5[%broadcast_in_dim3A_58, %select_n3A, %and3A_211], %broadcast_in_dim3A_156 masked %and3A_227 {add = true} : memref<2x32x1024xf32, #tpu.memory_space<vmem>>[vector<16xi32>, vector<16xi32>, vector<16xi32>], vector<16xf32>, vector<16xi1>
          }
          %scan3A_181 = arith.constant 256 : i32
        }
        %scan3A_162 = arith.constant 50 : i32
        %mul3A_163 = arith.constant 32 : i32
        %mul3A_164 = arith.muli %while3A_144, %mul3A_163 : i32
        %add3A_165 = arith.addi %mul3A_2, %mul3A_164 : i32
        %run_scoped3A_166 = arith.constant 0 : i32
        "tpu.region"() ({
          %run_scoped3A_173 = tpu.sem_alloc : memref<!tpu.dma_semaphore, #tpu.memory_space<semaphore_mem>>
          %dma_start3A_174 = arith.constant 0 : i32
          %dma_start3A_175 = arith.constant 0 : i32
          %dma_start3A_176 = tpu.memref_slice %arg5[%run_scoped3A_166, %dma_start3A_174, %dma_start3A_175] : memref<2x32x1024xf32, #tpu.memory_space<vmem>> -> memref<1x32x1024xf32, #tpu.memory_space<vmem>>
          %dma_start3A_177 = tpu.memref_squeeze %dma_start3A_176 : memref<1x32x1024xf32, #tpu.memory_space<vmem>> -> memref<32x1024xf32, #tpu.memory_space<vmem>>
          %dma_start3A_178 = arith.constant 0 : i32
          %dma_start3A_179 = tpu.memref_slice %arg3[%add3A_165, %dma_start3A_178] : memref<100000x1024xf32, #tpu.memory_space<hbm>> -> memref<32x1024xf32, #tpu.memory_space<hbm>>
          %dma_start3A_180 = arith.constant 0 : i32
          %dma_start3A_181 = tpu.memref_slice %arg3[%add3A_165, %dma_start3A_180] : memref<100000x1024xf32, #tpu.memory_space<hbm>> -> memref<32x1024xf32, #tpu.memory_space<hbm>>
          %dma_start3A_182 = arith.constant 0 : i32
          %dma_start3A_183 = arith.constant 0 : i32
          %dma_start3A_184 = tpu.memref_slice %arg5[%run_scoped3A_166, %dma_start3A_182, %dma_start3A_183] : memref<2x32x1024xf32, #tpu.memory_space<vmem>> -> memref<1x32x1024xf32, #tpu.memory_space<vmem>>
          %dma_start3A_185 = tpu.memref_squeeze %dma_start3A_184 : memref<1x32x1024xf32, #tpu.memory_space<vmem>> -> memref<32x1024xf32, #tpu.memory_space<vmem>>
          tpu.enqueue_dma source(%dma_start3A_185 : memref<32x1024xf32, #tpu.memory_space<vmem>>) target(%dma_start3A_181 : memref<32x1024xf32, #tpu.memory_space<hbm>>) target_semaphore(%run_scoped3A_173 : memref<!tpu.dma_semaphore, #tpu.memory_space<semaphore_mem>>)
          %dma_wait3A = arith.constant 0 : i32
          %dma_wait3A_186 = arith.constant 0 : i32
          %dma_wait3A_187 = tpu.memref_slice %arg5[%run_scoped3A_166, %dma_wait3A, %dma_wait3A_186] : memref<2x32x1024xf32, #tpu.memory_space<vmem>> -> memref<1x32x1024xf32, #tpu.memory_space<vmem>>
          %dma_wait3A_188 = tpu.memref_squeeze %dma_wait3A_187 : memref<1x32x1024xf32, #tpu.memory_space<vmem>> -> memref<32x1024xf32, #tpu.memory_space<vmem>>
          %dma_wait3A_189 = arith.constant 0 : i32
          %dma_wait3A_190 = tpu.memref_slice %arg3[%add3A_165, %dma_wait3A_189] : memref<100000x1024xf32, #tpu.memory_space<hbm>> -> memref<32x1024xf32, #tpu.memory_space<hbm>>
          %dma_wait3A_191 = arith.constant 0 : i32
          %dma_wait3A_192 = tpu.memref_slice %arg3[%add3A_165, %dma_wait3A_191] : memref<100000x1024xf32, #tpu.memory_space<hbm>> -> memref<32x1024xf32, #tpu.memory_space<hbm>>
          %dma_wait3A_193 = arith.constant 0 : i32
          %dma_wait3A_194 = arith.constant 0 : i32
          %dma_wait3A_195 = tpu.memref_slice %arg5[%run_scoped3A_166, %dma_wait3A_193, %dma_wait3A_194] : memref<2x32x1024xf32, #tpu.memory_space<vmem>> -> memref<1x32x1024xf32, #tpu.memory_space<vmem>>
          %dma_wait3A_196 = tpu.memref_squeeze %dma_wait3A_195 : memref<1x32x1024xf32, #tpu.memory_space<vmem>> -> memref<32x1024xf32, #tpu.memory_space<vmem>>
          tpu.wait_dma2 semaphore(%run_scoped3A_173 : memref<!tpu.dma_semaphore, #tpu.memory_space<semaphore_mem>>) src(%dma_wait3A_196 : memref<32x1024xf32, #tpu.memory_space<vmem>>) dst(%dma_wait3A_192 : memref<32x1024xf32, #tpu.memory_space<hbm>>)
          tpu.yield
        }) : () -> ()
        %scan3A_167 = arith.constant 0 : i32
        %scan3A_168 = arith.constant 0 : i32
        %scan3A_169 = arith.constant 2048 : i32
        %scan3A_170 = arith.addi %scan3A_168, %scan3A_169 : i32
        %scan3A_171 = arith.constant 1 : i32
        scf.for %scan3A_173 = %scan3A_168 to %scan3A_170 step %scan3A_171  : i32 {
          %shift_right_arithmetic3A_174 = arith.constant 6 : i32
          %shift_right_arithmetic3A_175 = arith.shrsi %scan3A_173, %shift_right_arithmetic3A_174 : i32
          %and3A = arith.constant 63 : i32
          %and3A_176 = arith.andi %scan3A_173, %and3A : i32
          %mul3A_177 = arith.constant 16 : i32
          %mul3A_178 = arith.muli %and3A_176, %mul3A_177 : i32
          %swap3A = arith.constant 0 : i32
          %swap3A_179 = arith.index_cast %swap3A : i32 to index
          %swap3A_180 = arith.index_cast %shift_right_arithmetic3A_175 : i32 to index
          %swap3A_181 = arith.index_cast %mul3A_178 : i32 to index
          %swap3A_182 = tpu.vector_load %arg5[%swap3A_179, %swap3A_180, %swap3A_181] {strides = array<i32>} : memref<2x32x1024xf32, #tpu.memory_space<vmem>>, vector<16xf32>,
          tpu.vector_store %arg5[%swap3A_179, %swap3A_180, %swap3A_181], %broadcast_in_dim3A_60 {strides = array<i32>} : memref<2x32x1024xf32, #tpu.memory_space<vmem>>, vector<16xf32>,
        }
        %scan3A_172 = arith.constant 2048 : i32
      }
      %while3A_116 = arith.constant 1 : i32
      scf.for %while3A_144 = %while3A_114 to %while3A_110 step %while3A_116  : i32 {
        %mul3A_145 = arith.constant 32768 : i32
        %mul3A_146 = arith.muli %while3A_144, %mul3A_145 : i32
        %add3A_147 = arith.addi %mul3A_6, %mul3A_146 : i32
        %max3A_148 = arith.constant 1024 : i32
        %max3A_149 = arith.maxsi %add3A_147, %max3A_148 : i32
        %mul3A_150 = arith.constant 32768 : i32
        %mul3A_151 = arith.muli %while3A_144, %mul3A_150 : i32
        %add3A_152 = arith.addi %mul3A_6, %mul3A_151 : i32
        %add3A_153 = arith.constant 32768 : i32
        %add3A_154 = arith.addi %add3A_152, %add3A_153 : i32
        %broadcast_in_dim3A_155 = arith.constant 1.000000e+00 : f32
        %broadcast_in_dim3A_156 = vector.broadcast %broadcast_in_dim3A_155 : f32 to vector<16xf32>
        %scan3A_157 = arith.constant 0 : i32
        %scan3A_158 = arith.constant 0 : i32
        %scan3A_159 = arith.constant 50 : i32
        %scan3A_160 = arith.addi %scan3A_158, %scan3A_159 : i32
        %scan3A_161 = arith.constant 1 : i32
        scf.for %scan3A_173 = %scan3A_158 to %scan3A_160 step %scan3A_161  : i32 {
          %mul3A_174 = arith.constant 4096 : i32
          %mul3A_175 = arith.muli %scan3A_173, %mul3A_174 : i32
          %run_scoped3A_176 = arith.constant 0 : i32
          "tpu.region"() ({
            %run_scoped3A_182 = tpu.sem_alloc : memref<!tpu.dma_semaphore, #tpu.memory_space<semaphore_mem>>
            %dma_start3A_183 = arith.constant 0 : i32
            %dma_start3A_184 = tpu.memref_slice %arg4[%run_scoped3A_176, %dma_start3A_183] : memref<2x4096xi32, #tpu.memory_space<vmem>> -> memref<1x4096xi32, #tpu.memory_space<vmem>>
            %dma_start3A_185 = tpu.memref_squeeze %dma_start3A_184 : memref<1x4096xi32, #tpu.memory_space<vmem>> -> memref<4096xi32, #tpu.memory_space<vmem>>
            %dma_start3A_186 = tpu.memref_slice %arg2[%mul3A_175] : memref<204800xi32, #tpu.memory_space<hbm>> -> memref<4096xi32, #tpu.memory_space<hbm>>
            %dma_start3A_187 = arith.constant 0 : i32
            %dma_start3A_188 = tpu.memref_slice %arg4[%run_scoped3A_176, %dma_start3A_187] : memref<2x4096xi32, #tpu.memory_space<vmem>> -> memref<1x4096xi32, #tpu.memory_space<vmem>>
            %dma_start3A_189 = tpu.memref_squeeze %dma_start3A_188 : memref<1x4096xi32, #tpu.memory_space<vmem>> -> memref<4096xi32, #tpu.memory_space<vmem>>
            %dma_start3A_190 = tpu.memref_slice %arg2[%mul3A_175] : memref<204800xi32, #tpu.memory_space<hbm>> -> memref<4096xi32, #tpu.memory_space<hbm>>
            tpu.enqueue_dma source(%dma_start3A_190 : memref<4096xi32, #tpu.memory_space<hbm>>) target(%dma_start3A_189 : memref<4096xi32, #tpu.memory_space<vmem>>) target_semaphore(%run_scoped3A_182 : memref<!tpu.dma_semaphore, #tpu.memory_space<semaphore_mem>>)
            %dma_wait3A = arith.constant 0 : i32
            %dma_wait3A_191 = tpu.memref_slice %arg4[%run_scoped3A_176, %dma_wait3A] : memref<2x4096xi32, #tpu.memory_space<vmem>> -> memref<1x4096xi32, #tpu.memory_space<vmem>>
            %dma_wait3A_192 = tpu.memref_squeeze %dma_wait3A_191 : memref<1x4096xi32, #tpu.memory_space<vmem>> -> memref<4096xi32, #tpu.memory_space<vmem>>
            %dma_wait3A_193 = tpu.memref_slice %arg2[%mul3A_175] : memref<204800xi32, #tpu.memory_space<hbm>> -> memref<4096xi32, #tpu.memory_space<hbm>>
            %dma_wait3A_194 = arith.constant 0 : i32
            %dma_wait3A_195 = tpu.memref_slice %arg4[%run_scoped3A_176, %dma_wait3A_194] : memref<2x4096xi32, #tpu.memory_space<vmem>> -> memref<1x4096xi32, #tpu.memory_space<vmem>>
            %dma_wait3A_196 = tpu.memref_squeeze %dma_wait3A_195 : memref<1x4096xi32, #tpu.memory_space<vmem>> -> memref<4096xi32, #tpu.memory_space<vmem>>
            %dma_wait3A_197 = tpu.memref_slice %arg2[%mul3A_175] : memref<204800xi32, #tpu.memory_space<hbm>> -> memref<4096xi32, #tpu.memory_space<hbm>>
            tpu.wait_dma2 semaphore(%run_scoped3A_182 : memref<!tpu.dma_semaphore, #tpu.memory_space<semaphore_mem>>) src(%dma_wait3A_197 : memref<4096xi32, #tpu.memory_space<hbm>>) dst(%dma_wait3A_196 : memref<4096xi32, #tpu.memory_space<vmem>>)
            tpu.yield
          }) : () -> ()
          %scan3A_177 = arith.constant 0 : i32
          %scan3A_178 = arith.constant 256 : i32
          %scan3A_179 = arith.addi %scan3A_177, %scan3A_178 : i32
          %scan3A_180 = arith.constant 1 : i32
          scf.for %scan3A_182 = %scan3A_177 to %scan3A_179 step %scan3A_180  : i32 {
            %mul3A_183 = arith.constant 16 : i32
            %mul3A_184 = arith.muli %scan3A_182, %mul3A_183 : i32
            %get3A = arith.constant 0 : i32
            %get3A_185 = arith.index_cast %get3A : i32 to index
            %get3A_186 = arith.index_cast %mul3A_184 : i32 to index
            %get3A_187 = tpu.vector_load %arg4[%get3A_185, %get3A_186] {strides = array<i32>} : memref<2x4096xi32, #tpu.memory_space<vmem>>, vector<16xi32>,
            %mul3A_188 = arith.constant 16 : i32
            %mul3A_189 = arith.muli %scan3A_182, %mul3A_188 : i32
            %add3A_190 = vector.broadcast %mul3A_189 : i32 to vector<16xi32>
            %add3A_191 = arith.addi %add3A_190, %iota3A : vector<16xi32>
            %and3A = arith.constant 1023 : i32
            %and3A_192 = vector.broadcast %and3A : i32 to vector<16xi32>
            %and3A_193 = arith.andi %add3A_191, %and3A_192 : vector<16xi32>
            %shift_left3A = arith.constant 10 : i32
            %shift_left3A_194 = vector.broadcast %shift_left3A : i32 to vector<16xi32>
            %shift_left3A_195 = arith.shli %get3A_187, %shift_left3A_194 : vector<16xi32>
            %or3A = arith.ori %shift_left3A_195, %and3A_193 : vector<16xi32>
            %ge3A = vector.broadcast %max3A_149 : i32 to vector<16xi32>
            %ge3A_196 = arith.cmpi sge, %or3A, %ge3A : vector<16xi32>
            %lt3A_197 = vector.broadcast %add3A_154 : i32 to vector<16xi32>
            %lt3A_198 = arith.cmpi slt, %or3A, %lt3A_197 : vector<16xi32>
            %and3A_199 = arith.andi %ge3A_196, %lt3A_198 : vector<16xi1>
            %mul3A_200 = arith.constant 32768 : i32
            %mul3A_201 = arith.muli %while3A_144, %mul3A_200 : i32
            %add3A_202 = arith.addi %mul3A_6, %mul3A_201 : i32
            %sub3A_203 = vector.broadcast %add3A_202 : i32 to vector<16xi32>
            %sub3A_204 = arith.subi %or3A, %sub3A_203 : vector<16xi32>
            %shift_right_arithmetic3A_205 = arith.constant 10 : i32
            %shift_right_arithmetic3A_206 = vector.broadcast %shift_right_arithmetic3A_205 : i32 to vector<16xi32>
            %shift_right_arithmetic3A_207 = arith.shrsi %sub3A_204, %shift_right_arithmetic3A_206 : vector<16xi32>
            %jit3A = arith.constant 0 : i32
            %broadcast_in_dim3A_208 = vector.broadcast %jit3A : i32 to vector<16xi32>
            %select_n3A = arith.select %and3A_199, %shift_right_arithmetic3A_207, %broadcast_in_dim3A_208 : vector<16xi1>, vector<16xi32>
            %and3A_209 = arith.constant 1023 : i32
            %and3A_210 = vector.broadcast %and3A_209 : i32 to vector<16xi32>
            %and3A_211 = arith.andi %sub3A_204, %and3A_210 : vector<16xi32>
            %and3A_212 = arith.andi %and3A_199, %eq3A_12 : vector<16xi1>
            tpu.vector_store_idx %arg5[%broadcast_in_dim3A_58, %select_n3A, %and3A_211], %broadcast_in_dim3A_156 masked %and3A_212 {add = true} : memref<2x32x1024xf32, #tpu.memory_space<vmem>>[vector<16xi32>, vector<16xi32>, vector<16xi32>], vector<16xf32>, vector<16xi1>
            %and3A_213 = arith.andi %and3A_199, %eq3A_15 : vector<16xi1>
            tpu.vector_store_idx %arg5[%broadcast_in_dim3A_58, %select_n3A, %and3A_211], %broadcast_in_dim3A_156 masked %and3A_213 {add = true} : memref<2x32x1024xf32, #tpu.memory_space<vmem>>[vector<16xi32>, vector<16xi32>, vector<16xi32>], vector<16xf32>, vector<16xi1>
            %and3A_214 = arith.andi %and3A_199, %eq3A_18 : vector<16xi1>
            tpu.vector_store_idx %arg5[%broadcast_in_dim3A_58, %select_n3A, %and3A_211], %broadcast_in_dim3A_156 masked %and3A_214 {add = true} : memref<2x32x1024xf32, #tpu.memory_space<vmem>>[vector<16xi32>, vector<16xi32>, vector<16xi32>], vector<16xf32>, vector<16xi1>
            %and3A_215 = arith.andi %and3A_199, %eq3A_21 : vector<16xi1>
            tpu.vector_store_idx %arg5[%broadcast_in_dim3A_58, %select_n3A, %and3A_211], %broadcast_in_dim3A_156 masked %and3A_215 {add = true} : memref<2x32x1024xf32, #tpu.memory_space<vmem>>[vector<16xi32>, vector<16xi32>, vector<16xi32>], vector<16xf32>, vector<16xi1>
            %and3A_216 = arith.andi %and3A_199, %eq3A_24 : vector<16xi1>
            tpu.vector_store_idx %arg5[%broadcast_in_dim3A_58, %select_n3A, %and3A_211], %broadcast_in_dim3A_156 masked %and3A_216 {add = true} : memref<2x32x1024xf32, #tpu.memory_space<vmem>>[vector<16xi32>, vector<16xi32>, vector<16xi32>], vector<16xf32>, vector<16xi1>
            %and3A_217 = arith.andi %and3A_199, %eq3A_27 : vector<16xi1>
            tpu.vector_store_idx %arg5[%broadcast_in_dim3A_58, %select_n3A, %and3A_211], %broadcast_in_dim3A_156 masked %and3A_217 {add = true} : memref<2x32x1024xf32, #tpu.memory_space<vmem>>[vector<16xi32>, vector<16xi32>, vector<16xi32>], vector<16xf32>, vector<16xi1>
            %and3A_218 = arith.andi %and3A_199, %eq3A_30 : vector<16xi1>
            tpu.vector_store_idx %arg5[%broadcast_in_dim3A_58, %select_n3A, %and3A_211], %broadcast_in_dim3A_156 masked %and3A_218 {add = true} : memref<2x32x1024xf32, #tpu.memory_space<vmem>>[vector<16xi32>, vector<16xi32>, vector<16xi32>], vector<16xf32>, vector<16xi1>
            %and3A_219 = arith.andi %and3A_199, %eq3A_33 : vector<16xi1>
            tpu.vector_store_idx %arg5[%broadcast_in_dim3A_58, %select_n3A, %and3A_211], %broadcast_in_dim3A_156 masked %and3A_219 {add = true} : memref<2x32x1024xf32, #tpu.memory_space<vmem>>[vector<16xi32>, vector<16xi32>, vector<16xi32>], vector<16xf32>, vector<16xi1>
            %and3A_220 = arith.andi %and3A_199, %eq3A_36 : vector<16xi1>
            tpu.vector_store_idx %arg5[%broadcast_in_dim3A_58, %select_n3A, %and3A_211], %broadcast_in_dim3A_156 masked %and3A_220 {add = true} : memref<2x32x1024xf32, #tpu.memory_space<vmem>>[vector<16xi32>, vector<16xi32>, vector<16xi32>], vector<16xf32>, vector<16xi1>
            %and3A_221 = arith.andi %and3A_199, %eq3A_39 : vector<16xi1>
            tpu.vector_store_idx %arg5[%broadcast_in_dim3A_58, %select_n3A, %and3A_211], %broadcast_in_dim3A_156 masked %and3A_221 {add = true} : memref<2x32x1024xf32, #tpu.memory_space<vmem>>[vector<16xi32>, vector<16xi32>, vector<16xi32>], vector<16xf32>, vector<16xi1>
            %and3A_222 = arith.andi %and3A_199, %eq3A_42 : vector<16xi1>
            tpu.vector_store_idx %arg5[%broadcast_in_dim3A_58, %select_n3A, %and3A_211], %broadcast_in_dim3A_156 masked %and3A_222 {add = true} : memref<2x32x1024xf32, #tpu.memory_space<vmem>>[vector<16xi32>, vector<16xi32>, vector<16xi32>], vector<16xf32>, vector<16xi1>
            %and3A_223 = arith.andi %and3A_199, %eq3A_45 : vector<16xi1>
            tpu.vector_store_idx %arg5[%broadcast_in_dim3A_58, %select_n3A, %and3A_211], %broadcast_in_dim3A_156 masked %and3A_223 {add = true} : memref<2x32x1024xf32, #tpu.memory_space<vmem>>[vector<16xi32>, vector<16xi32>, vector<16xi32>], vector<16xf32>, vector<16xi1>
            %and3A_224 = arith.andi %and3A_199, %eq3A_48 : vector<16xi1>
            tpu.vector_store_idx %arg5[%broadcast_in_dim3A_58, %select_n3A, %and3A_211], %broadcast_in_dim3A_156 masked %and3A_224 {add = true} : memref<2x32x1024xf32, #tpu.memory_space<vmem>>[vector<16xi32>, vector<16xi32>, vector<16xi32>], vector<16xf32>, vector<16xi1>
            %and3A_225 = arith.andi %and3A_199, %eq3A_51 : vector<16xi1>
            tpu.vector_store_idx %arg5[%broadcast_in_dim3A_58, %select_n3A, %and3A_211], %broadcast_in_dim3A_156 masked %and3A_225 {add = true} : memref<2x32x1024xf32, #tpu.memory_space<vmem>>[vector<16xi32>, vector<16xi32>, vector<16xi32>], vector<16xf32>, vector<16xi1>
            %and3A_226 = arith.andi %and3A_199, %eq3A_54 : vector<16xi1>
            tpu.vector_store_idx %arg5[%broadcast_in_dim3A_58, %select_n3A, %and3A_211], %broadcast_in_dim3A_156 masked %and3A_226 {add = true} : memref<2x32x1024xf32, #tpu.memory_space<vmem>>[vector<16xi32>, vector<16xi32>, vector<16xi32>], vector<16xf32>, vector<16xi1>
            %and3A_227 = arith.andi %and3A_199, %eq3A_57 : vector<16xi1>
            tpu.vector_store_idx %arg5[%broadcast_in_dim3A_58, %select_n3A, %and3A_211], %broadcast_in_dim3A_156 masked %and3A_227 {add = true} : memref<2x32x1024xf32, #tpu.memory_space<vmem>>[vector<16xi32>, vector<16xi32>, vector<16xi32>], vector<16xf32>, vector<16xi1>
          }
          %scan3A_181 = arith.constant 256 : i32
        }
        %scan3A_162 = arith.constant 50 : i32
        %mul3A_163 = arith.constant 32 : i32
        %mul3A_164 = arith.muli %while3A_144, %mul3A_163 : i32
        %add3A_165 = arith.addi %mul3A_2, %mul3A_164 : i32
        %run_scoped3A_166 = arith.constant 0 : i32
        "tpu.region"() ({
          %run_scoped3A_173 = tpu.sem_alloc : memref<!tpu.dma_semaphore, #tpu.memory_space<semaphore_mem>>
          %dma_start3A_174 = arith.constant 0 : i32
          %dma_start3A_175 = arith.constant 0 : i32
          %dma_start3A_176 = tpu.memref_slice %arg5[%run_scoped3A_166, %dma_start3A_174, %dma_start3A_175] : memref<2x32x1024xf32, #tpu.memory_space<vmem>> -> memref<1x32x1024xf32, #tpu.memory_space<vmem>>
          %dma_start3A_177 = tpu.memref_squeeze %dma_start3A_176 : memref<1x32x1024xf32, #tpu.memory_space<vmem>> -> memref<32x1024xf32, #tpu.memory_space<vmem>>
          %dma_start3A_178 = arith.constant 0 : i32
          %dma_start3A_179 = tpu.memref_slice %arg3[%add3A_165, %dma_start3A_178] : memref<100000x1024xf32, #tpu.memory_space<hbm>> -> memref<32x1024xf32, #tpu.memory_space<hbm>>
          %dma_start3A_180 = arith.constant 0 : i32
          %dma_start3A_181 = tpu.memref_slice %arg3[%add3A_165, %dma_start3A_180] : memref<100000x1024xf32, #tpu.memory_space<hbm>> -> memref<32x1024xf32, #tpu.memory_space<hbm>>
          %dma_start3A_182 = arith.constant 0 : i32
          %dma_start3A_183 = arith.constant 0 : i32
          %dma_start3A_184 = tpu.memref_slice %arg5[%run_scoped3A_166, %dma_start3A_182, %dma_start3A_183] : memref<2x32x1024xf32, #tpu.memory_space<vmem>> -> memref<1x32x1024xf32, #tpu.memory_space<vmem>>
          %dma_start3A_185 = tpu.memref_squeeze %dma_start3A_184 : memref<1x32x1024xf32, #tpu.memory_space<vmem>> -> memref<32x1024xf32, #tpu.memory_space<vmem>>
          tpu.enqueue_dma source(%dma_start3A_185 : memref<32x1024xf32, #tpu.memory_space<vmem>>) target(%dma_start3A_181 : memref<32x1024xf32, #tpu.memory_space<hbm>>) target_semaphore(%run_scoped3A_173 : memref<!tpu.dma_semaphore, #tpu.memory_space<semaphore_mem>>)
          %dma_wait3A = arith.constant 0 : i32
          %dma_wait3A_186 = arith.constant 0 : i32
          %dma_wait3A_187 = tpu.memref_slice %arg5[%run_scoped3A_166, %dma_wait3A, %dma_wait3A_186] : memref<2x32x1024xf32, #tpu.memory_space<vmem>> -> memref<1x32x1024xf32, #tpu.memory_space<vmem>>
          %dma_wait3A_188 = tpu.memref_squeeze %dma_wait3A_187 : memref<1x32x1024xf32, #tpu.memory_space<vmem>> -> memref<32x1024xf32, #tpu.memory_space<vmem>>
          %dma_wait3A_189 = arith.constant 0 : i32
          %dma_wait3A_190 = tpu.memref_slice %arg3[%add3A_165, %dma_wait3A_189] : memref<100000x1024xf32, #tpu.memory_space<hbm>> -> memref<32x1024xf32, #tpu.memory_space<hbm>>
          %dma_wait3A_191 = arith.constant 0 : i32
          %dma_wait3A_192 = tpu.memref_slice %arg3[%add3A_165, %dma_wait3A_191] : memref<100000x1024xf32, #tpu.memory_space<hbm>> -> memref<32x1024xf32, #tpu.memory_space<hbm>>
          %dma_wait3A_193 = arith.constant 0 : i32
          %dma_wait3A_194 = arith.constant 0 : i32
          %dma_wait3A_195 = tpu.memref_slice %arg5[%run_scoped3A_166, %dma_wait3A_193, %dma_wait3A_194] : memref<2x32x1024xf32, #tpu.memory_space<vmem>> -> memref<1x32x1024xf32, #tpu.memory_space<vmem>>
          %dma_wait3A_196 = tpu.memref_squeeze %dma_wait3A_195 : memref<1x32x1024xf32, #tpu.memory_space<vmem>> -> memref<32x1024xf32, #tpu.memory_space<vmem>>
          tpu.wait_dma2 semaphore(%run_scoped3A_173 : memref<!tpu.dma_semaphore, #tpu.memory_space<semaphore_mem>>) src(%dma_wait3A_196 : memref<32x1024xf32, #tpu.memory_space<vmem>>) dst(%dma_wait3A_192 : memref<32x1024xf32, #tpu.memory_space<hbm>>)
          tpu.yield
        }) : () -> ()
        %scan3A_167 = arith.constant 0 : i32
        %scan3A_168 = arith.constant 0 : i32
        %scan3A_169 = arith.constant 2048 : i32
        %scan3A_170 = arith.addi %scan3A_168, %scan3A_169 : i32
        %scan3A_171 = arith.constant 1 : i32
        scf.for %scan3A_173 = %scan3A_168 to %scan3A_170 step %scan3A_171  : i32 {
          %shift_right_arithmetic3A_174 = arith.constant 6 : i32
          %shift_right_arithmetic3A_175 = arith.shrsi %scan3A_173, %shift_right_arithmetic3A_174 : i32
          %and3A = arith.constant 63 : i32
          %and3A_176 = arith.andi %scan3A_173, %and3A : i32
          %mul3A_177 = arith.constant 16 : i32
          %mul3A_178 = arith.muli %and3A_176, %mul3A_177 : i32
          %swap3A = arith.constant 0 : i32
          %swap3A_179 = arith.index_cast %swap3A : i32 to index
          %swap3A_180 = arith.index_cast %shift_right_arithmetic3A_175 : i32 to index
          %swap3A_181 = arith.index_cast %mul3A_178 : i32 to index
          %swap3A_182 = tpu.vector_load %arg5[%swap3A_179, %swap3A_180, %swap3A_181] {strides = array<i32>} : memref<2x32x1024xf32, #tpu.memory_space<vmem>>, vector<16xf32>,
          tpu.vector_store %arg5[%swap3A_179, %swap3A_180, %swap3A_181], %broadcast_in_dim3A_60 {strides = array<i32>} : memref<2x32x1024xf32, #tpu.memory_space<vmem>>, vector<16xf32>,
        }
        %scan3A_172 = arith.constant 2048 : i32
      }
      %mul3A_117 = arith.constant 32768 : i32
      %mul3A_118 = arith.muli %shift_right_arithmetic3A_99, %mul3A_117 : i32
      %add3A_119 = arith.addi %mul3A_6, %mul3A_118 : i32
      %max3A_120 = arith.constant 1024 : i32
      %max3A_121 = arith.maxsi %add3A_119, %max3A_120 : i32
      %mul3A_122 = arith.constant 32768 : i32
      %mul3A_123 = arith.muli %shift_right_arithmetic3A_99, %mul3A_122 : i32
      %add3A_124 = arith.addi %mul3A_6, %mul3A_123 : i32
      %add3A_125 = arith.constant 24576 : i32
      %add3A_126 = arith.addi %add3A_124, %add3A_125 : i32
      %broadcast_in_dim3A_127 = arith.constant 1.000000e+00 : f32
      %broadcast_in_dim3A_128 = vector.broadcast %broadcast_in_dim3A_127 : f32 to vector<16xf32>
      %scan3A_129 = arith.constant 0 : i32
      %scan3A_130 = arith.constant 0 : i32
      %scan3A_131 = arith.constant 50 : i32
      %scan3A_132 = arith.addi %scan3A_130, %scan3A_131 : i32
      %scan3A_133 = arith.constant 1 : i32
      scf.for %scan3A_144 = %scan3A_130 to %scan3A_132 step %scan3A_133  : i32 {
        %mul3A_145 = arith.constant 4096 : i32
        %mul3A_146 = arith.muli %scan3A_144, %mul3A_145 : i32
        %run_scoped3A_147 = arith.constant 0 : i32
        "tpu.region"() ({
          %run_scoped3A_153 = tpu.sem_alloc : memref<!tpu.dma_semaphore, #tpu.memory_space<semaphore_mem>>
          %dma_start3A_154 = arith.constant 0 : i32
          %dma_start3A_155 = tpu.memref_slice %arg4[%run_scoped3A_147, %dma_start3A_154] : memref<2x4096xi32, #tpu.memory_space<vmem>> -> memref<1x4096xi32, #tpu.memory_space<vmem>>
          %dma_start3A_156 = tpu.memref_squeeze %dma_start3A_155 : memref<1x4096xi32, #tpu.memory_space<vmem>> -> memref<4096xi32, #tpu.memory_space<vmem>>
          %dma_start3A_157 = tpu.memref_slice %arg2[%mul3A_146] : memref<204800xi32, #tpu.memory_space<hbm>> -> memref<4096xi32, #tpu.memory_space<hbm>>
          %dma_start3A_158 = arith.constant 0 : i32
          %dma_start3A_159 = tpu.memref_slice %arg4[%run_scoped3A_147, %dma_start3A_158] : memref<2x4096xi32, #tpu.memory_space<vmem>> -> memref<1x4096xi32, #tpu.memory_space<vmem>>
          %dma_start3A_160 = tpu.memref_squeeze %dma_start3A_159 : memref<1x4096xi32, #tpu.memory_space<vmem>> -> memref<4096xi32, #tpu.memory_space<vmem>>
          %dma_start3A_161 = tpu.memref_slice %arg2[%mul3A_146] : memref<204800xi32, #tpu.memory_space<hbm>> -> memref<4096xi32, #tpu.memory_space<hbm>>
          tpu.enqueue_dma source(%dma_start3A_161 : memref<4096xi32, #tpu.memory_space<hbm>>) target(%dma_start3A_160 : memref<4096xi32, #tpu.memory_space<vmem>>) target_semaphore(%run_scoped3A_153 : memref<!tpu.dma_semaphore, #tpu.memory_space<semaphore_mem>>)
          %dma_wait3A = arith.constant 0 : i32
          %dma_wait3A_162 = tpu.memref_slice %arg4[%run_scoped3A_147, %dma_wait3A] : memref<2x4096xi32, #tpu.memory_space<vmem>> -> memref<1x4096xi32, #tpu.memory_space<vmem>>
          %dma_wait3A_163 = tpu.memref_squeeze %dma_wait3A_162 : memref<1x4096xi32, #tpu.memory_space<vmem>> -> memref<4096xi32, #tpu.memory_space<vmem>>
          %dma_wait3A_164 = tpu.memref_slice %arg2[%mul3A_146] : memref<204800xi32, #tpu.memory_space<hbm>> -> memref<4096xi32, #tpu.memory_space<hbm>>
          %dma_wait3A_165 = arith.constant 0 : i32
          %dma_wait3A_166 = tpu.memref_slice %arg4[%run_scoped3A_147, %dma_wait3A_165] : memref<2x4096xi32, #tpu.memory_space<vmem>> -> memref<1x4096xi32, #tpu.memory_space<vmem>>
          %dma_wait3A_167 = tpu.memref_squeeze %dma_wait3A_166 : memref<1x4096xi32, #tpu.memory_space<vmem>> -> memref<4096xi32, #tpu.memory_space<vmem>>
          %dma_wait3A_168 = tpu.memref_slice %arg2[%mul3A_146] : memref<204800xi32, #tpu.memory_space<hbm>> -> memref<4096xi32, #tpu.memory_space<hbm>>
          tpu.wait_dma2 semaphore(%run_scoped3A_153 : memref<!tpu.dma_semaphore, #tpu.memory_space<semaphore_mem>>) src(%dma_wait3A_168 : memref<4096xi32, #tpu.memory_space<hbm>>) dst(%dma_wait3A_167 : memref<4096xi32, #tpu.memory_space<vmem>>)
          tpu.yield
        }) : () -> ()
        %scan3A_148 = arith.constant 0 : i32
        %scan3A_149 = arith.constant 256 : i32
        %scan3A_150 = arith.addi %scan3A_148, %scan3A_149 : i32
        %scan3A_151 = arith.constant 1 : i32
        scf.for %scan3A_153 = %scan3A_148 to %scan3A_150 step %scan3A_151  : i32 {
          %mul3A_154 = arith.constant 16 : i32
          %mul3A_155 = arith.muli %scan3A_153, %mul3A_154 : i32
          %get3A = arith.constant 0 : i32
          %get3A_156 = arith.index_cast %get3A : i32 to index
          %get3A_157 = arith.index_cast %mul3A_155 : i32 to index
          %get3A_158 = tpu.vector_load %arg4[%get3A_156, %get3A_157] {strides = array<i32>} : memref<2x4096xi32, #tpu.memory_space<vmem>>, vector<16xi32>,
          %mul3A_159 = arith.constant 16 : i32
          %mul3A_160 = arith.muli %scan3A_153, %mul3A_159 : i32
          %add3A_161 = vector.broadcast %mul3A_160 : i32 to vector<16xi32>
          %add3A_162 = arith.addi %add3A_161, %iota3A : vector<16xi32>
          %and3A = arith.constant 1023 : i32
          %and3A_163 = vector.broadcast %and3A : i32 to vector<16xi32>
          %and3A_164 = arith.andi %add3A_162, %and3A_163 : vector<16xi32>
          %shift_left3A = arith.constant 10 : i32
          %shift_left3A_165 = vector.broadcast %shift_left3A : i32 to vector<16xi32>
          %shift_left3A_166 = arith.shli %get3A_158, %shift_left3A_165 : vector<16xi32>
          %or3A = arith.ori %shift_left3A_166, %and3A_164 : vector<16xi32>
          %ge3A = vector.broadcast %max3A_121 : i32 to vector<16xi32>
          %ge3A_167 = arith.cmpi sge, %or3A, %ge3A : vector<16xi32>
          %lt3A_168 = vector.broadcast %add3A_126 : i32 to vector<16xi32>
          %lt3A_169 = arith.cmpi slt, %or3A, %lt3A_168 : vector<16xi32>
          %and3A_170 = arith.andi %ge3A_167, %lt3A_169 : vector<16xi1>
          %mul3A_171 = arith.constant 32768 : i32
          %mul3A_172 = arith.muli %shift_right_arithmetic3A_99, %mul3A_171 : i32
          %add3A_173 = arith.addi %mul3A_6, %mul3A_172 : i32
          %sub3A_174 = vector.broadcast %add3A_173 : i32 to vector<16xi32>
          %sub3A_175 = arith.subi %or3A, %sub3A_174 : vector<16xi32>
          %shift_right_arithmetic3A_176 = arith.constant 10 : i32
          %shift_right_arithmetic3A_177 = vector.broadcast %shift_right_arithmetic3A_176 : i32 to vector<16xi32>
          %shift_right_arithmetic3A_178 = arith.shrsi %sub3A_175, %shift_right_arithmetic3A_177 : vector<16xi32>
          %jit3A = arith.constant 0 : i32
          %broadcast_in_dim3A_179 = vector.broadcast %jit3A : i32 to vector<16xi32>
          %select_n3A = arith.select %and3A_170, %shift_right_arithmetic3A_178, %broadcast_in_dim3A_179 : vector<16xi1>, vector<16xi32>
          %and3A_180 = arith.constant 1023 : i32
          %and3A_181 = vector.broadcast %and3A_180 : i32 to vector<16xi32>
          %and3A_182 = arith.andi %sub3A_175, %and3A_181 : vector<16xi32>
          %and3A_183 = arith.andi %and3A_170, %eq3A_12 : vector<16xi1>
          tpu.vector_store_idx %arg5[%broadcast_in_dim3A_58, %select_n3A, %and3A_182], %broadcast_in_dim3A_128 masked %and3A_183 {add = true} : memref<2x32x1024xf32, #tpu.memory_space<vmem>>[vector<16xi32>, vector<16xi32>, vector<16xi32>], vector<16xf32>, vector<16xi1>
          %and3A_184 = arith.andi %and3A_170, %eq3A_15 : vector<16xi1>
          tpu.vector_store_idx %arg5[%broadcast_in_dim3A_58, %select_n3A, %and3A_182], %broadcast_in_dim3A_128 masked %and3A_184 {add = true} : memref<2x32x1024xf32, #tpu.memory_space<vmem>>[vector<16xi32>, vector<16xi32>, vector<16xi32>], vector<16xf32>, vector<16xi1>
          %and3A_185 = arith.andi %and3A_170, %eq3A_18 : vector<16xi1>
          tpu.vector_store_idx %arg5[%broadcast_in_dim3A_58, %select_n3A, %and3A_182], %broadcast_in_dim3A_128 masked %and3A_185 {add = true} : memref<2x32x1024xf32, #tpu.memory_space<vmem>>[vector<16xi32>, vector<16xi32>, vector<16xi32>], vector<16xf32>, vector<16xi1>
          %and3A_186 = arith.andi %and3A_170, %eq3A_21 : vector<16xi1>
          tpu.vector_store_idx %arg5[%broadcast_in_dim3A_58, %select_n3A, %and3A_182], %broadcast_in_dim3A_128 masked %and3A_186 {add = true} : memref<2x32x1024xf32, #tpu.memory_space<vmem>>[vector<16xi32>, vector<16xi32>, vector<16xi32>], vector<16xf32>, vector<16xi1>
          %and3A_187 = arith.andi %and3A_170, %eq3A_24 : vector<16xi1>
          tpu.vector_store_idx %arg5[%broadcast_in_dim3A_58, %select_n3A, %and3A_182], %broadcast_in_dim3A_128 masked %and3A_187 {add = true} : memref<2x32x1024xf32, #tpu.memory_space<vmem>>[vector<16xi32>, vector<16xi32>, vector<16xi32>], vector<16xf32>, vector<16xi1>
          %and3A_188 = arith.andi %and3A_170, %eq3A_27 : vector<16xi1>
          tpu.vector_store_idx %arg5[%broadcast_in_dim3A_58, %select_n3A, %and3A_182], %broadcast_in_dim3A_128 masked %and3A_188 {add = true} : memref<2x32x1024xf32, #tpu.memory_space<vmem>>[vector<16xi32>, vector<16xi32>, vector<16xi32>], vector<16xf32>, vector<16xi1>
          %and3A_189 = arith.andi %and3A_170, %eq3A_30 : vector<16xi1>
          tpu.vector_store_idx %arg5[%broadcast_in_dim3A_58, %select_n3A, %and3A_182], %broadcast_in_dim3A_128 masked %and3A_189 {add = true} : memref<2x32x1024xf32, #tpu.memory_space<vmem>>[vector<16xi32>, vector<16xi32>, vector<16xi32>], vector<16xf32>, vector<16xi1>
          %and3A_190 = arith.andi %and3A_170, %eq3A_33 : vector<16xi1>
          tpu.vector_store_idx %arg5[%broadcast_in_dim3A_58, %select_n3A, %and3A_182], %broadcast_in_dim3A_128 masked %and3A_190 {add = true} : memref<2x32x1024xf32, #tpu.memory_space<vmem>>[vector<16xi32>, vector<16xi32>, vector<16xi32>], vector<16xf32>, vector<16xi1>
          %and3A_191 = arith.andi %and3A_170, %eq3A_36 : vector<16xi1>
          tpu.vector_store_idx %arg5[%broadcast_in_dim3A_58, %select_n3A, %and3A_182], %broadcast_in_dim3A_128 masked %and3A_191 {add = true} : memref<2x32x1024xf32, #tpu.memory_space<vmem>>[vector<16xi32>, vector<16xi32>, vector<16xi32>], vector<16xf32>, vector<16xi1>
          %and3A_192 = arith.andi %and3A_170, %eq3A_39 : vector<16xi1>
          tpu.vector_store_idx %arg5[%broadcast_in_dim3A_58, %select_n3A, %and3A_182], %broadcast_in_dim3A_128 masked %and3A_192 {add = true} : memref<2x32x1024xf32, #tpu.memory_space<vmem>>[vector<16xi32>, vector<16xi32>, vector<16xi32>], vector<16xf32>, vector<16xi1>
          %and3A_193 = arith.andi %and3A_170, %eq3A_42 : vector<16xi1>
          tpu.vector_store_idx %arg5[%broadcast_in_dim3A_58, %select_n3A, %and3A_182], %broadcast_in_dim3A_128 masked %and3A_193 {add = true} : memref<2x32x1024xf32, #tpu.memory_space<vmem>>[vector<16xi32>, vector<16xi32>, vector<16xi32>], vector<16xf32>, vector<16xi1>
          %and3A_194 = arith.andi %and3A_170, %eq3A_45 : vector<16xi1>
          tpu.vector_store_idx %arg5[%broadcast_in_dim3A_58, %select_n3A, %and3A_182], %broadcast_in_dim3A_128 masked %and3A_194 {add = true} : memref<2x32x1024xf32, #tpu.memory_space<vmem>>[vector<16xi32>, vector<16xi32>, vector<16xi32>], vector<16xf32>, vector<16xi1>
          %and3A_195 = arith.andi %and3A_170, %eq3A_48 : vector<16xi1>
          tpu.vector_store_idx %arg5[%broadcast_in_dim3A_58, %select_n3A, %and3A_182], %broadcast_in_dim3A_128 masked %and3A_195 {add = true} : memref<2x32x1024xf32, #tpu.memory_space<vmem>>[vector<16xi32>, vector<16xi32>, vector<16xi32>], vector<16xf32>, vector<16xi1>
          %and3A_196 = arith.andi %and3A_170, %eq3A_51 : vector<16xi1>
          tpu.vector_store_idx %arg5[%broadcast_in_dim3A_58, %select_n3A, %and3A_182], %broadcast_in_dim3A_128 masked %and3A_196 {add = true} : memref<2x32x1024xf32, #tpu.memory_space<vmem>>[vector<16xi32>, vector<16xi32>, vector<16xi32>], vector<16xf32>, vector<16xi1>
          %and3A_197 = arith.andi %and3A_170, %eq3A_54 : vector<16xi1>
          tpu.vector_store_idx %arg5[%broadcast_in_dim3A_58, %select_n3A, %and3A_182], %broadcast_in_dim3A_128 masked %and3A_197 {add = true} : memref<2x32x1024xf32, #tpu.memory_space<vmem>>[vector<16xi32>, vector<16xi32>, vector<16xi32>], vector<16xf32>, vector<16xi1>
          %and3A_198 = arith.andi %and3A_170, %eq3A_57 : vector<16xi1>
          tpu.vector_store_idx %arg5[%broadcast_in_dim3A_58, %select_n3A, %and3A_182], %broadcast_in_dim3A_128 masked %and3A_198 {add = true} : memref<2x32x1024xf32, #tpu.memory_space<vmem>>[vector<16xi32>, vector<16xi32>, vector<16xi32>], vector<16xf32>, vector<16xi1>
        }
        %scan3A_152 = arith.constant 256 : i32
      }
      %scan3A_134 = arith.constant 50 : i32
      %mul3A_135 = arith.constant 32 : i32
      %mul3A_136 = arith.muli %shift_right_arithmetic3A_99, %mul3A_135 : i32
      %add3A_137 = arith.addi %mul3A_2, %mul3A_136 : i32
      %run_scoped3A = arith.constant 0 : i32
      "tpu.region"() ({
        %run_scoped3A_144 = tpu.sem_alloc : memref<!tpu.dma_semaphore, #tpu.memory_space<semaphore_mem>>
        %dma_start3A_145 = arith.constant 0 : i32
        %dma_start3A_146 = arith.constant 0 : i32
        %dma_start3A_147 = tpu.memref_slice %arg5[%run_scoped3A, %dma_start3A_145, %dma_start3A_146] : memref<2x32x1024xf32, #tpu.memory_space<vmem>> -> memref<1x24x1024xf32, #tpu.memory_space<vmem>>
        %dma_start3A_148 = tpu.memref_squeeze %dma_start3A_147 : memref<1x24x1024xf32, #tpu.memory_space<vmem>> -> memref<24x1024xf32, #tpu.memory_space<vmem>>
        %dma_start3A_149 = arith.constant 0 : i32
        %dma_start3A_150 = tpu.memref_slice %arg3[%add3A_137, %dma_start3A_149] : memref<100000x1024xf32, #tpu.memory_space<hbm>> -> memref<24x1024xf32, #tpu.memory_space<hbm>>
        %dma_start3A_151 = arith.constant 0 : i32
        %dma_start3A_152 = tpu.memref_slice %arg3[%add3A_137, %dma_start3A_151] : memref<100000x1024xf32, #tpu.memory_space<hbm>> -> memref<24x1024xf32, #tpu.memory_space<hbm>>
        %dma_start3A_153 = arith.constant 0 : i32
        %dma_start3A_154 = arith.constant 0 : i32
        %dma_start3A_155 = tpu.memref_slice %arg5[%run_scoped3A, %dma_start3A_153, %dma_start3A_154] : memref<2x32x1024xf32, #tpu.memory_space<vmem>> -> memref<1x24x1024xf32, #tpu.memory_space<vmem>>
        %dma_start3A_156 = tpu.memref_squeeze %dma_start3A_155 : memref<1x24x1024xf32, #tpu.memory_space<vmem>> -> memref<24x1024xf32, #tpu.memory_space<vmem>>
        tpu.enqueue_dma source(%dma_start3A_156 : memref<24x1024xf32, #tpu.memory_space<vmem>>) target(%dma_start3A_152 : memref<24x1024xf32, #tpu.memory_space<hbm>>) target_semaphore(%run_scoped3A_144 : memref<!tpu.dma_semaphore, #tpu.memory_space<semaphore_mem>>)
        %dma_wait3A = arith.constant 0 : i32
        %dma_wait3A_157 = arith.constant 0 : i32
        %dma_wait3A_158 = tpu.memref_slice %arg5[%run_scoped3A, %dma_wait3A, %dma_wait3A_157] : memref<2x32x1024xf32, #tpu.memory_space<vmem>> -> memref<1x24x1024xf32, #tpu.memory_space<vmem>>
        %dma_wait3A_159 = tpu.memref_squeeze %dma_wait3A_158 : memref<1x24x1024xf32, #tpu.memory_space<vmem>> -> memref<24x1024xf32, #tpu.memory_space<vmem>>
        %dma_wait3A_160 = arith.constant 0 : i32
        %dma_wait3A_161 = tpu.memref_slice %arg3[%add3A_137, %dma_wait3A_160] : memref<100000x1024xf32, #tpu.memory_space<hbm>> -> memref<24x1024xf32, #tpu.memory_space<hbm>>
        %dma_wait3A_162 = arith.constant 0 : i32
        %dma_wait3A_163 = tpu.memref_slice %arg3[%add3A_137, %dma_wait3A_162] : memref<100000x1024xf32, #tpu.memory_space<hbm>> -> memref<24x1024xf32, #tpu.memory_space<hbm>>
        %dma_wait3A_164 = arith.constant 0 : i32
        %dma_wait3A_165 = arith.constant 0 : i32
        %dma_wait3A_166 = tpu.memref_slice %arg5[%run_scoped3A, %dma_wait3A_164, %dma_wait3A_165] : memref<2x32x1024xf32, #tpu.memory_space<vmem>> -> memref<1x24x1024xf32, #tpu.memory_space<vmem>>
        %dma_wait3A_167 = tpu.memref_squeeze %dma_wait3A_166 : memref<1x24x1024xf32, #tpu.memory_space<vmem>> -> memref<24x1024xf32, #tpu.memory_space<vmem>>
        tpu.wait_dma2 semaphore(%run_scoped3A_144 : memref<!tpu.dma_semaphore, #tpu.memory_space<semaphore_mem>>) src(%dma_wait3A_167 : memref<24x1024xf32, #tpu.memory_space<vmem>>) dst(%dma_wait3A_163 : memref<24x1024xf32, #tpu.memory_space<hbm>>)
        tpu.yield
      }) : () -> ()
      %scan3A_138 = arith.constant 0 : i32
      %scan3A_139 = arith.constant 0 : i32
      %scan3A_140 = arith.constant 1536 : i32
      %scan3A_141 = arith.addi %scan3A_139, %scan3A_140 : i32
      %scan3A_142 = arith.constant 1 : i32
      scf.for %scan3A_144 = %scan3A_139 to %scan3A_141 step %scan3A_142  : i32 {
        %shift_right_arithmetic3A_145 = arith.constant 6 : i32
        %shift_right_arithmetic3A_146 = arith.shrsi %scan3A_144, %shift_right_arithmetic3A_145 : i32
        %and3A = arith.constant 63 : i32
        %and3A_147 = arith.andi %scan3A_144, %and3A : i32
        %mul3A_148 = arith.constant 16 : i32
        %mul3A_149 = arith.muli %and3A_147, %mul3A_148 : i32
        %swap3A = arith.constant 0 : i32
        %swap3A_150 = arith.index_cast %swap3A : i32 to index
        %swap3A_151 = arith.index_cast %shift_right_arithmetic3A_146 : i32 to index
        %swap3A_152 = arith.index_cast %mul3A_149 : i32 to index
        %swap3A_153 = tpu.vector_load %arg5[%swap3A_150, %swap3A_151, %swap3A_152] {strides = array<i32>} : memref<2x32x1024xf32, #tpu.memory_space<vmem>>, vector<16xf32>,
        tpu.vector_store %arg5[%swap3A_150, %swap3A_151, %swap3A_152], %broadcast_in_dim3A_60 {strides = array<i32>} : memref<2x32x1024xf32, #tpu.memory_space<vmem>>, vector<16xf32>,
      }
      %scan3A_143 = arith.constant 1536 : i32
    } else {
    }
    return
  }
}

</mosaic_0001>

<sc_bundles>
// kernel: _encode.3.cloned.1.call-start
scs
__scs_entry_jumppad:
0x0: {  	(pc) =	sbr.rel $0x88, $3  }
0x1: {  	(tag) =	ssettag $0x0;
	lr =	simm.s32 $0x1  }
0x2: {  	[smem:$0x3FA0] =	sst lr;
	_ =	strace $0xD0000000  }
0x3: {  	_ = 	snop  }
0x4: {  	_ = 	snop  }
0x5: {  	_ = 	snop  }
0x6: {  	_ = 	snop  }
0x7: {  	_ = 	snop  }
__scs_overlays_trampoline_lowered:
0x8: {  	[smem:$0x3FAF] =	sst s0  }
0x9: {  	[smem:$0x3FB0] =	sst s1  }
0xa: {  	[smem:$0x3FB1] =	sst s2  }
0xb: {  	[smem:$0x3FB2] =	sst s3  }
0xc: {  	[smem:$0x3FB3] =	sst s4  }
0xd: {  	[smem:$0x3FB4] =	sst s5  }
0xe: {  	[smem:$0x3FB5] =	sst s6  }
0xf: {  	[smem:$0x3FB6] =	sst s7  }
0x10: {  	[smem:$0x3FB7] =	sst s8  }
0x11: {  	[smem:$0x3FB8] =	sst s9;
	s0 =	simm.s32 @!p0 $0x0  }
0x12: {  	s1 =	sld [smem:$0x3F9E];
	s0 =	simm.s32 @p0 $0x1  }
0x13: {  	[smem:$0x3FB9] =	sst s0;
	s0 =	simm.s32 @!p1 $0x0  }
0x14: {  	s2 =	sld [smem:$0x3F9D];
	s0 =	simm.s32 @p1 $0x1  }
0x15: {  	[smem:$0x3FBA] =	sst s0;
	s0 =	simm.s32 @!p2 $0x0  }
0x16: {  	s3 =	sld [smem:$0x3FDB];
	s0 =	simm.s32 @p2 $0x1  }
0x17: {  	s4 =	simm.s32 $0x1BF5;
	[smem:$0x3FBC] =	sst s0  }
0x18: {  	s0 =	sld [smem:$0x3F9F];
	_ =	swait.ge [sflag:s4], $0x0  }
0x19: {  	s7 =	sld [smem:$0x3FA0]  }
0x1a: {  	s8 =	sadd.s32 $0xFFFFE003, lr  }
0x1b: {  	s9 =	sadd.s32 $0xFFFFFEF7, lr;
	s5 =	simm.s32 $0xFFFFFFFF;
	p2 =	slt.u32 s8, $0xFFFFF086  }
0x1c: {  	p1 =	slt.u32 s9, $0xF7A;
	s5 =	simm.s32 @!p2 $0x0  }
0x1d: {  	s5 =	simm.s32 @p1 $0x1;
	p0 =	seq.s32 s7, s2  }
0x1e: {  	s7 =	smul.u32 @!p0 $0xF7A, s2;
	p2 =	seq.s32 @!p0 s5, $0x0  }
0x1f: {  	s9 =	smul.u32 $0xF7A, s1;
	s8 =	simm.s32 @!p0 $0x1BF5;
	p2 =	por !p2, p0  }
0x20: {  	[sflag:s8] =	ssyncset.s32 @!p0 $0xFFFFF086;
	s6 =	sadd.s32 @!p0 s3, s7;
	s7 =	simm.s32 @!p0 $0x108  }
0x21: {  	s3 =	sadd.s32 s3, s9;
	s6 =	sadd.s32 @!p0 $0x88, s6;
	s7 =	simm.s32 @p2 $0x1082  }
0x22: {  	[simem:s7], [sflag:s8] =	dma.local @!p0 [hbm:s6], $0xF7A  }
0x23: {  	s9 =	sor.u32 $0xD0000000, s2;
	s6 =	simm.s32 $0x108;
	_ =	swait.ge @!p0 [sflag:s8], $0x0  }
0x24: {  	s3 =	sadd.s32 $0x88, s3;
	s6 =	simm.s32 @!p1 $0x1082;
	[sflag:s4] =	ssyncset.s32 $0xFFFFF086  }
0x25: {  	[simem:s6], [sflag:s4] =	dma.local [hbm:s3], $0xF7A  }
0x26: {  	[smem:$0x3FA0] =	sst s1;
	(tag) =	ssettag s2;
	_ =	strace s9  }
0x27: {  	s1 =	sld [smem:$0x3FB0]  }
0x28: {  	s2 =	sld [smem:$0x3FB1]  }
0x29: {  	s4 =	sld [smem:$0x3FB3]  }
0x2a: {  	p0 =	seq.s32 s5, $0x0;
	s5 =	sld [smem:$0x3FB4]  }
0x2b: {  	s6 =	sld [smem:$0x3FB5]  }
0x2c: {  	s7 =	sld [smem:$0x3FB6]  }
0x2d: {  	s3 =	simm.s32 $0x108;
	s8 =	sld [smem:$0x3FB7]  }
0x2e: {  	s3 =	simm.s32 @!p0 $0x1082;
	s9 =	sld [smem:$0x3FB8]  }
0x2f: {  	lr =	sadd.s32 s0, s3;
	s0 =	sld [smem:$0x3FAF]  }
0x30: {  	s3 =	sld [smem:$0x3FB2]  }
0x31: {  	[smem:$0x3FBB] =	sst s10  }
0x32: {  	s10 =	sld [smem:$0x3FB9];
	_ =	sdelay $0x3  }
0x33: {  	p0 =	seq.s32 s10, $0x1;
	s10 =	sld [smem:$0x3FBB];
	_ =	sdelay $0x3  }
0x34: {  	[smem:$0x3FBB] =	sst s10  }
0x35: {  	s10 =	sld [smem:$0x3FBA];
	_ =	sdelay $0x3  }
0x36: {  	p1 =	seq.s32 s10, $0x1;
	s10 =	sld [smem:$0x3FBB];
	_ =	sdelay $0x3  }
0x37: {  	[smem:$0x3FBB] =	sst s10  }
0x38: {  	s10 =	sld [smem:$0x3FBC]  }
0x39: {  	_ = 	snop;
	(pc) =	sbr.ind lr, $3  }
0x3a: {  	_ = 	snop  }
0x3b: {  	_ = 	snop  }
0x3c: {  	p2 =	seq.s32 s10, $0x1;
	s10 =	sld [smem:$0x3FBB]  }
0x3d: {  	_ =	shalt  }
0x3e: {  	_ =	shalt  }
0x3f: {  	_ =	shalt  }
0x40: {  	_ =	shalt  }
0x41: {  	_ =	shalt  }
0x42: {  	_ =	shalt  }
0x43: {  	_ =	shalt  }
0x44: {  	_ =	shalt  }
0x45: {  	_ =	shalt  }
0x46: {  	_ =	shalt  }
0x47: {  	_ =	shalt  }
0x48: {  	_ =	shalt  }
0x49: {  	_ =	shalt  }
0x4a: {  	_ =	shalt  }
0x4b: {  	_ =	shalt  }
0x4c: {  	_ =	shalt  }
0x4d: {  	_ =	shalt  }
0x4e: {  	_ =	shalt  }
0x4f: {  	_ =	shalt  }
0x50: {  	_ =	shalt  }
0x51: {  	_ =	shalt  }
0x52: {  	_ =	shalt  }
0x53: {  	_ =	shalt  }
0x54: {  	_ =	shalt  }
0x55: {  	_ =	shalt  }
0x56: {  	_ =	shalt  }
0x57: {  	_ =	shalt  }
0x58: {  	_ =	shalt  }
0x59: {  	_ =	shalt  }
0x5a: {  	_ =	shalt  }
0x5b: {  	_ =	shalt  }
0x5c: {  	_ =	shalt  }
0x5d: {  	_ =	shalt  }
0x5e: {  	_ =	shalt  }
0x5f: {  	_ =	shalt  }
0x60: {  	_ =	shalt  }
0x61: {  	_ =	shalt  }
0x62: {  	_ =	shalt  }
0x63: {  	_ =	shalt  }
0x64: {  	_ =	shalt  }
0x65: {  	_ =	shalt  }
0x66: {  	_ =	shalt  }
0x67: {  	_ =	shalt  }
0x68: {  	_ =	shalt  }
0x69: {  	_ =	shalt  }
0x6a: {  	_ =	shalt  }
0x6b: {  	_ =	shalt  }
0x6c: {  	_ =	shalt  }
0x6d: {  	_ =	shalt  }
0x6e: {  	_ =	shalt  }
0x6f: {  	_ =	shalt  }
0x70: {  	_ =	shalt  }
0x71: {  	_ =	shalt  }
0x72: {  	_ =	shalt  }
0x73: {  	_ =	shalt  }
0x74: {  	_ =	shalt  }
0x75: {  	_ =	shalt  }
0x76: {  	_ =	shalt  }
0x77: {  	_ =	shalt  }
0x78: {  	_ =	shalt  }
0x79: {  	_ =	shalt  }
0x7a: {  	_ =	shalt  }
0x7b: {  	_ =	shalt  }
0x7c: {  	_ =	shalt  }
0x7d: {  	_ =	shalt  }
0x7e: {  	_ =	shalt  }
0x7f: {  	_ =	shalt  }
0x80: {  	_ =	shalt  }
0x81: {  	_ =	shalt  }
0x82: {  	_ =	shalt  }
0x83: {  	_ =	shalt  }
0x84: {  	_ =	shalt  }
0x85: {  	_ =	shalt  }
0x86: {  	_ =	shalt  }
0x87: {  	_ =	shalt  }
.Lfunc_end0:
.L_simem_size_0:
called_computation_lowered:
.L_overlay_start_0:
0x88: {  	s2 =	sld [smem:$0x3FD9]  }
0x89: {  	s3 =	sld [smem:$0x3FFE];
	_ =	sdelay $0x1  }
0x8a: {  	s1 =	srdreg.scid  }
0x8b: {  	s0 =	sand.u32 $0x1, s1  }
0x8c: {  	s17 =	sshll.u32 s0, $0xA;
	s2 =	sadd.s32 s3, s2  }
0x8d: {  	s2 =	sadd.s32 s2, s17  }
0x8e: {  	[smem:$0x3FC7] =	sst s2  }
0x8f: {  	_ = 	snop  }
0x90: {  	s2 =	sld [smem:$0x3FD0];
	(tm) =	ssettm $0x1  }
0x91: {  	s18 =	sld [smem:$0x3FFB];
	_ =	sdelay $0x3  }
0x92: {  	_ =	strace s18  }
0x93: {  	s3 =	sld [smem:$0x3FFC];
	_ =	sdelay $0x3  }
0x94: {  	_ =	strace s3  }
0x95: {  	s3 =	sld [smem:$0x3FFD];
	_ =	sdelay $0x3  }
0x96: {  	_ =	strace s3  }
0x97: {  	_ =	strace $0x8FFFFFFF  }
0x98: {  	s19 =	sld [smem:$0x3FDB];
	_ =	sdelay $0x1  }
0x99: {  	s4 =	simm.s32 $_scs_section_size  }
0x9a: {  	s5 =	simm.s32 $_size__tile_overlayer_lowered;
	s6 =	simm.s32 $_tile_overlayer_lowered  }
0x9b: {  	s22 =	simm.s32 $0x1BFF;
	s21 =	sshll.u32 s6, $0x1;
	s3 =	sadd.s32 s4, s19  }
0x9c: {  	s7 =	simm.s32 $0x0;
	s20 =	sshll.u32 s5, $0x1;
	s5 =	sadd.s32 s21, s3  }
0x9d: {  	[timem:s7], [sflag:s22] =	dma.local [hbm:s5], s20  }
0x9e: {  	_ =	swait.ge [sflag:s22], s20  }
0x9f: {  	s4 =	ssub.s32 $0x0, s20;
	[sflag:s22] =	ssyncset.done $0x0  }
0xa0: {  	[sflag:s22] =	ssyncadd.s32 s4;
	_ =	sdelay $0x1  }
0xa1: {  	s23 =	simm.s32 $0x1B8B  }
0xa2: {  	_ =	swait.ge [sflag:s23], $0x1  }
0xa3: {  	[sflag:s23] =	ssyncset.done $0x0  }
0xa4: {  	s25 =	simm.s32 $0x1B8E;
	s24 =	sld [smem:$0x3FFE];
	[sflag:s23] =	ssyncadd.s32 $0xFFFFFFFF  }
0xa5: {  	s26 =	simm.s32 $execute0_lowered;
	[smem:$0x3FD2] =	sst s25  }
0xa6: {  	s5 =	sshll.u32 s26, $0x1;
	_ =	strace $0x80000046;
	[dreg:$0x1] =	wrdreg $0xFFFFFFFF  }
0xa7: {  	s28 =	simm.s32 $_size_execute0_lowered;
	s3 =	sadd.s32 s3, s5;
	[dreg:$0x0] =	wrdreg $0x0  }
0xa8: {  	s5 =	sshll.u32 s28, $0x1;
	[dreg:$0x2] =	wrdreg s3  }
0xa9: {  	[dreg:$0x3] =	wrdreg s5  }
0xaa: {  	[dreg:$0x4] =	wrdreg $0xC0  }
0xab: {  	_ =	task [dreg:s7], $0x5FFFF  }
0xac: {  	[dreg:$0x1] =	wrdreg $0xFFFFFFFF  }
0xad: {  	[dreg:$0x0] =	wrdreg $0x60  }
0xae: {  	[dreg:$0x2] =	wrdreg s24  }
0xaf: {  	[dreg:$0x3] =	wrdreg s2  }
0xb0: {  	[dreg:$0x4] =	wrdreg $0x9  }
0xb1: {  	_ =	task.clear_ibuf [dreg:s7], $0x5FFFF;
	_ =	strace $0x90000046  }
0xb2: {  	s29 =	simm.s32 $0x9;
	_ =	strace $0x80000048  }
0xb3: {  	_ =	swait.ge [sflag:s29], $0x1  }
0xb4: {  	[sflag:s29] =	ssyncadd.s32 $0xFFFFFFFF  }
0xb5: {  	_ =	strace $0x90000048  }
0xb6: {  	_ =	sfence  }
0xb7: {  	s30 =	sld [smem:$0x0];
	_ =	sdelay $0x2  }
0xb8: {  	s31 =	sshll.u32 s1, $0xD;
	s1 =	sshrl.u32 s1, $0x2  }
0xb9: {  	s3 =	sand.u32 $0x4000, s31;
	s1 =	sadd.s32 s1, s30  }
0xba: {  	s0 =	sor.u32 s3, s0;
	s1 =	sshll.u32 s1, $0x11  }
0xbb: {  	s0 =	sor.u32 s1, s0  }
0xbc: {  	s0 =	sadd.s32 $0x8F2B, s0  }
0xbd: {  	[sflag:s0] =	ssyncadd.remote.s32 $0x1  }
0xbe: {  	_ =	sfence.sel $0xFFFF  }
0xbf: {  	[dreg:$0x0] =	wrdreg $0xFFFFFFFF;
	(pc) =	sbr.abs _section_cstart, $3  }
0xc0: {  	[dreg:$0x1] =	wrdreg $0xFFFFFFFF  }
0xc1: {  	_ =	task.clear_ibuf [dreg:s7], $0x2FFFF;
	_ =	strace $0x9FFFFFFF  }
0xc2: {  	(tm) =	ssettm $0x7FFFFFFF  }
0xc3: {  	_ =	shalt  }
tec
execute0_lowered:
.L_overlay_start_1:
0x0: {  	(tag) =	ssettag $0x1  }
0x1: {  	s0 =	srdreg.scid;
	s5 =	rddreg [dreg:$0x0]  }
0x2: {  	s14 =	stileid.u32;
	s2 =	rddreg [dreg:$0x1];
	s3 =	simm.s32 $0x0  }
0x3: {  	s0 =	sand.u32 $0x1, s0;
	s1 =	sshll.u32 s14, $0x1;
	s14 =	smul.u32 $0xFFFFE790, s14  }
0x4: {  	s1 =	sor.u32 s0, s1;
	s7 =	ssub.s32 $0x2, s0;
	s0 =	smul.u32 $0xFFFFF3C8, s0  }
0x5: {  	s29 =	simm.s32 $0x0;
	[smem:$0x7FF] =	sst s3;
	s6 =	smul.u32 $0xC38, s1  }
0x6: {  	s5 =	sadd.s32 $0x400, s5;
	_ =	strace $0x80000047;
	s9 =	sshrl.u32 s7, $0x1  }
0x7: {  	s7 =	ssub.s32 s7, s9;
	s0 =	sadd.s32 s14, s0;
	s4 =	ssub.s32 $0x186A0, s6  }
0x8: {  	s0 =	sadd.s32 $0x186A0, s0;
	s28 =	smax.u32 s7, $0x1;
	s8 =	smin.u32 s4, $0xC38  }
0x9: {  	s4 =	smul.u32 $0x30E000, s1;
	s0 =	smin.u32 s0, $0xC38;
	[dreg:$0x6] =	wrdreg s28  }
0xa: {  	s30 =	sshrl.u32 s8, $0x5;
	s11 =	sshll.u32 s8, $0xA;
	s8 =	sand.u32 $0xFE0, s8  }
0xb: {  	s31 =	sshll.u32 s30, $0xF;
	s10 =	smax.u32 s4, $0x400;
	s11 =	sadd.s32 s4, s11  }
0xc: {  	s15 =	sand.u32 $0x1, s30;
	s6 =	sadd.s32 s6, s8;
	s16 =	sadd.s32 $0xFFFFFFFE, s30  }
0xd: {  	s19 =	sadd.s32 $0xFFFFFFFF, s30;
	s21 =	sshll.u32 s30, $0x6;
	s8 =	sshrl.u32 s0, $0x5  }
0xe: {  	s12 =	sadd.s32 s4, s31;
	s17 =	sxor.u32 $0x1, s15;
	s18 =	sshll.u32 s16, $0xF  }
0xf: {  	v10 =	vimm.f32 $0.0e+00;
	v11 =	vimm.s32 $0x0;
	s6 =	sshll.u32 s6, $0x7;
	s20 =	sshll.u32 s19, $0xF;
	s22 =	sshll.u32 s16, $0x6  }
0x10: {  	v12 =	vlaneseq.u32;
	v13 =	vimm.s32 $0x1;
	vm0 =	vmmov $0x1;
	s23 =	sadd.s32 $0x1800, s21;
	s24 =	sshll.u32 s19, $0x6;
	s26 =	sadd.s32 $0x1840, s21  }
0x11: {  	v14 =	vimm.s32 $0x0;
	vm10 =	vcmask $0x704;
	v1 =	vmov s11;
	s9 =	sshll.u32 s8, $0x8;
	[dreg:$0x4] =	wrdreg s21;
	s11 =	sadd.s32 $0x1880, s21  }
0x12: {  	vm11 =	vcmask $0xB08;
	vm9 =	vcmask $0xF0C;
	vm14 =	vcmask $0x1310;
	s19 =	simm.s32 $0x12000;
	s21 =	simm.s32 $0x2000;
	s13 =	sadd.s32 $0x6000, s12  }
0x13: {  	vm13 =	vcmask $0x1714;
	vm15 =	vcmask $0x1B18;
	v3 =	vmov s12;
	s25 =	sadd.s32 s2, s6;
	[dreg:$0x5] =	wrdreg s11;
	s12 =	sadd.s32 $0xFFFFFE00, s9  }
0x14: {  	vm1 =	vcmask $0x1F1C;
	vm12 =	vcmask $0x2B28;
	v6 =	vmov s15;
	s14 =	sadd.s32 $0xFFFFFF00, s9;
	s15 =	sadd.s32 $0x6100, s9;
	s1 =	sshrl.u32 s22, $0x2  }
.Ltmp0:
0x15: {  	v15 =	vimm.f32 $1.000000000e+00;
	vm6 =	vcmask $0x3F3C;
	v14 =	vsel vm0, $0xFFFFFFFF, v14;
	s30 =	sshrl.u32 s23, $0x2;
	[dreg:$0x7] =	wrdreg s1;
	(pc) =	sbr.rel .LBB2_1-.Ltmp0, $4  }
0x16: {  	[tilespmem:$0x1FFF0] =	vst v14;
	v14 =	vimm.f32 $-1.000000000e+00;
	v2 =	vmov s4;
	v0 =	vmov s10;
	s16 =	sadd.s32 $0x6200, s9;
	s0 =	sshrl.u32 s24, $0x2;
	[dreg:$0x8] =	wrdreg s30  }
0x17: {  	v9 =	vmov s31;
	v7 =	vmov s17;
	v5 =	vmov s18;
	s17 =	simm.s32 $0x2;
	s31 =	sshrl.u32 s26, $0x2;
	[dreg:$0x9] =	wrdreg s0  }
0x18: {  	v6 =	vshll.u32 v6, $0xF;
	s18 =	simm.s32 $0x1E400;
	s26 =	simm.s32 $0x3;
	v4 =	vmov s13;
	v8 =	vshll.u32 v7, $0xF;
	[dreg:$0xa] =	wrdreg s31  }
0x19: {  	v6 =	vbroadcast v6, $0x0;
	v7 =	vmov s20;
	s13 =	sadd.s32 $0x6000, s9;
	s20 =	simm.s32 $0x1;
	[dreg:$0x3] =	wrdreg s25;
	v8 =	vbroadcast v8, $0x0  }
.LBB2_110:
0x1a: {  	v18 =	vld [tilespmem:$0x1FFF0];
	_ =	sdelay $0x4  }
0x1b: {  	vm0 =	vnez.u8 v18  }
.LBB2_115:
0x1c: {  	_ =	sdelay $0x4  }
0x1d: {  	s0 =	sor.u32 s11, s10;
	[tilespmem:v17+s21+$0x0] =	vst.idx.add.f32.msk @p0 vm2, v14  }
0x1e: {  	v17 =	vld [tilespmem:s0+$0x12000];
	_ =	sdelay $0x4  }
0x1f: {  	v21 =	vmov s6;
	v18 =	vsub.s32 v17, v9;
	v19 =	vshll.u32 v17, $0x3  }
0x20: {  	v20 =	vshrl.u32 v17, $0x3;
	v17 =	vand.u32 $0x7F, v17;
	v19 =	vand.u32 $0x1C00, v19  }
0x21: {  	vm2 =	vlt.s32 v21, v16;
	v16 =	vand.u32 $0xFFFFE000, v18;
	v17 =	vor.u32 v17, v19  }
0x22: {  	vm3 =	vmand vm2, vm0;
	v63 =	vand.u32 $0x380, v20;
	v16 =	vor.u32 v16, v17  }
0x23: {  	vm4 =	vmand vm2, vm10;
	v16 =	vor.u32 v63, v16  }
0x24: {  	vm5 =	vmand vm2, vm11  }
0x25: {  	vm6 =	vmand vm2, vm9  }
0x26: {  	vm7 =	vmand vm2, vm14  }
0x27: {  	vm8 =	vmand vm2, vm13  }
0x28: {  	[tilespmem:v16+s21+$0x0] =	vst.idx.add.f32.msk vm3, v14;
	vm3 =	vmand vm2, vm15  }
0x29: {  	[tilespmem:v16+s21+$0x0] =	vst.idx.add.f32.msk vm4, v14;
	vm4 =	vmand vm2, vm1;
	vm1 =	vcmask $0x2320  }
0x2a: {  	[tilespmem:v16+s21+$0x0] =	vst.idx.add.f32.msk vm5, v14;
	vm5 =	vmand vm2, vm1;
	vm1 =	vcmask $0x2724  }
0x2b: {  	[tilespmem:v16+s21+$0x0] =	vst.idx.add.f32.msk vm6, v14;
	vm6 =	vmand vm2, vm1  }
0x2c: {  	[tilespmem:v16+s21+$0x0] =	vst.idx.add.f32.msk vm7, v14  }
0x2d: {  	vm1 =	vcmask $0x2F2C;
	vm7 =	vmand vm2, vm12;
	[tilespmem:v16+s21+$0x0] =	vst.idx.add.f32.msk vm8, v14  }
0x2e: {  	vm8 =	vmand vm2, vm1;
	vm1 =	vcmask $0x3330;
	[tilespmem:v16+s21+$0x0] =	vst.idx.add.f32.msk vm3, v14  }
0x2f: {  	vm3 =	vmand vm2, vm1;
	vm1 =	vcmask $0x3734;
	[tilespmem:v16+s21+$0x0] =	vst.idx.add.f32.msk vm4, v14  }
0x30: {  	vm0 =	vcmask $0x3B38;
	vm4 =	vmand vm2, vm1;
	[tilespmem:v16+s21+$0x0] =	vst.idx.add.f32.msk vm5, v14  }
0x31: {  	vm5 =	vmand vm2, vm0;
	[tilespmem:v16+s21+$0x0] =	vst.idx.add.f32.msk vm6, v14;
	vm6 =	vcmask $0x3F3C  }
0x32: {  	vm2 =	vmand vm2, vm6  }
0x33: {  	[tilespmem:v16+s21+$0x0] =	vst.idx.add.f32.msk vm7, v14  }
0x34: {  	[tilespmem:v16+s21+$0x0] =	vst.idx.add.f32.msk vm8, v14  }
0x35: {  	[tilespmem:v16+s21+$0x0] =	vst.idx.add.f32.msk vm3, v14  }
0x36: {  	[tilespmem:v16+s21+$0x0] =	vst.idx.add.f32.msk vm4, v14  }
0x37: {  	[tilespmem:v16+s21+$0x0] =	vst.idx.add.f32.msk vm5, v14  }
0x38: {  	vm1 =	vcmask $0x1F1C;
	[tilespmem:v16+s21+$0x0] =	vst.idx.add.f32.msk vm2, v14  }
.LBB2_134:
0x39: {  	s29 =	sadd.s32 $0x1, s29  }
0x3a: {  	p0 =	sne.s32 s29, s28  }
.Ltmp1:
0x3b: {  	_ = 	snop;
	(pc) =	sbr.rel @!p0 .LBB2_135-.Ltmp1, $1  }
0x3c: {  	_ =	sdelay $0x3  }
.LBB2_1:
0x3d: {  	s0 =	sand.u32 $0xE000, s3;
	s1 =	sand.u32 $0x1C00, s3  }
0x3e: {  	s6 =	sand.u32 $0x380, s3;
	s0 =	sor.u32 s1, s0  }
0x3f: {  	s31 =	sand.u32 $0x70, s3;
	s0 =	sor.u32 s6, s0  }
0x40: {  	s0 =	sor.u32 s31, s0  }
0x41: {  	s7 =	simm.s32 $0x0;
	s1 =	simm.s32 $0x10;
	s6 =	simm.s32 $0x0;
	[tilespmem:s0+$0x2000] =	vst v10  }
.LBB2_2:
0x42: {  	s0 =	sand.u32 $0xE000, s1;
	s6 =	sadd.s32 $0x2, s6  }
0x43: {  	s7 =	sadd.s32 $0x80, s7;
	s10 =	smov.u32 s1;
	p0 =	sne.s32 s1, $0xFFF0  }
.Ltmp2:
0x44: {  	s1 =	sadd.s32 $0x10, s1;
	s11 =	sand.u32 $0x1C00, s7;
	(pc) =	sbr.rel @p0 .LBB2_2-.Ltmp2, $4  }
0x45: {  	s22 =	sand.u32 $0x380, s6;
	s0 =	sor.u32 s11, s0  }
0x46: {  	s10 =	sand.u32 $0x70, s10;
	s0 =	sor.u32 s22, s0  }
0x47: {  	s0 =	sor.u32 s10, s0  }
0x48: {  	[tilespmem:s0+$0x2000] =	vst v10;
	s0 =	simm.s32 $0x0  }
0x49: {  	s1 =	simm.s32 $0x40;
	s6 =	simm.s32 $0x0  }
.LBB2_4:
0x4a: {  	p0 =	sne.s32 s1, $0x30C0;
	[tilespmem:s6+$0x1E400] =	vst v11;
	s6 =	smov.u32 s1;
	s1 =	sadd.s32 $0x40, s1  }
.Ltmp3:
0x4b: {  	(pc) =	sbr.rel @p0 .LBB2_4-.Ltmp3, $2  }
0x4c: {  	_ =	sdelay $0x2  }
0x4d: {  	s6 =	sshra.s32 s6, $0x2  }
0x4e: {  	[tilespmem:s6+$0x1E400] =	vst v11;
	s1 =	sadd.s32 $0x0, s5;
	s6 =	simm.s32 $0x10  }
0x4f: {  	[tilespmem:s0], [sflag:$0x2] =	stream.linear.gather [hbm4b:s1+s0], $0x80, $0x38;
	[tilespmem:$0x1F080] =	vst v63  }
.LBB2_6:
0x50: {  	p0 =	seq.s32 s6, $0x1F0  }
.Ltmp4:
0x51: {  	_ = 	snop;
	(pc) =	sbr.rel @!p0 .LBB2_6-.Ltmp4, $4  }
0x52: {  	_ = 	snop  }
0x53: {  	s7 =	sadd.s32 s6, s5;
	s0 =	sadd.s32 $0x100, s0  }
0x54: {  	s1 =	simm.s32 $0x0;
	s6 =	sadd.s32 $0x10, s6  }
0x55: {  	[tilespmem:s0], [sflag:$0x2] =	stream.linear.gather [hbm4b:s7+s1], $0x80, $0x38;
	[tilespmem:$0x1F080] =	vst v63  }
0x56: {  	vm0 =	vmxor vm0, vm0  }
.LBB2_9:
0x57: {  	p0 =	seq.s32 s1, $0x31  }
.Ltmp5:
0x58: {  	_ = 	snop;
	(pc) =	sbr.rel @p0 .LBB2_13-.Ltmp5, $4  }
0x59: {  	_ = 	snop  }
0x5a: {  	_ =	swait.ge [sflag:s17], $0x1000  }
0x5b: {  	[sflag:s17] =	ssyncset.done $0x0  }
0x5c: {  	s0 =	sadd.s32 $0x1, s1;
	s6 =	simm.s32 $0x80;
	[sflag:s17] =	ssyncadd.s32 $0xFFFFF000  }
0x5d: {  	s1 =	sshll.u32 s1, $0x7  }
0x5e: {  	s7 =	sshll.u32 s0, $0x9;
	s6 =	sand.u32 $0x80, s1  }
0x5f: {  	s7 =	sadd.s32 s5, s7;
	s1 =	sxor.u32 $0x80, s6  }
0x60: {  	s10 =	simm.s32 $0x10;
	s22 =	sadd.s32 $0x0, s7;
	s11 =	sadd.s32 $0x100, s1  }
.LBB2_11:
0x61: {  	[tilespmem:s1], [sflag:$0x2] =	stream.linear.gather [hbm4b:s22+s3], $0x80, $0x38;
	[tilespmem:$0x1F080] =	vst v63  }
0x62: {  	s22 =	smov.u32 s10;
	s1 =	smov.u32 s11;
	p0 =	sne.s32 s10, $0x1F0  }
.Ltmp6:
0x63: {  	s10 =	sadd.s32 $0x10, s10;
	(pc) =	sbr.rel @p0 .LBB2_11-.Ltmp6, $2  }
0x64: {  	_ =	sdelay $0x2  }
0x65: {  	s11 =	sadd.s32 $0x100, s11;
	s22 =	sadd.s32 s22, s7  }
0x66: {  	[tilespmem:s1], [sflag:$0x2] =	stream.linear.gather [hbm4b:s22+s3], $0x80, $0x38;
	[tilespmem:$0x1F080] =	vst v63  }
.LBB2_13:
0x67: {  	v16 =	vmov s6;
	_ =	sdelay $0x1  }
0x68: {  	s1 =	simm.s32 $0x0;
	s6 =	simm.s32 $0x0  }
.LBB2_14:
0x69: {  	s7 =	sand.u32 $0x60, s6;
	s10 =	sand.u32 $0x1F00, s1  }
0x6a: {  	s7 =	sor.u32 s7, s10  }
0x6b: {  	v17 =	vld.idx.msk [tilespmem:v16+s7+$0x0 ss:$0x1], $0xffff;
	_ =	sdelay $0x3  }
0x6c: {  	v18 =	vor.u32 s6, v12  }
0x6d: {  	v18 =	vand.u32 $0x3EF, v18;
	v17 =	vshll.u32 v17, $0xA  }
0x6e: {  	v17 =	vor.u32 v18, v17  }
0x6f: {  	v18 =	vsub.s32 v17, v2  }
0x70: {  	vm2 =	vge.s32 v17, v0;
	vm3 =	vlt.s32 v17, v1;
	v17 =	vshra.s32 v18, $0xF  }
0x71: {  	vm5 =	vmand vm2, vm3;
	v19 =	vshll.u32 v17, $0x4  }
0x72: {  	v19 =	vor.u32 v12, v19;
	_ =	sdelay $0x4  }
0x73: {  	v20 =	vld.idx.msk [tilespmem:v19+s18+$0x0], vm5;
	_ =	sdelay $0x4  }
0x74: {  	v17 =	vshll.u32 v17, $0x8;
	v21 =	vshll.u32 v20, $0x4  }
0x75: {  	vm3 =	vlt.s32 v20, $0x10;
	v17 =	vadd.s32 v21, v17;
	v21 =	vor.u32 v12, v21  }
0x76: {  	vm3 =	vmand vm3, vm5;
	v17 =	vand.u32 $0xFFFFFF80, v17;
	v21 =	vand.u32 $0x7F, v21  }
0x77: {  	v17 =	vor.u32 v21, v17;
	_ =	sdelay $0x3  }
0x78: {  	s31 =	sadd.s32 $0x10, s6  }
0x79: {  	s11 =	sand.u32 $0x70, s31;
	[tilespmem:v17+s19+$0x0] =	vst.idx.msk vm3, v18  }
0x7a: {  	s10 =	sor.u32 s11, s10;
	[tilespmem:v19+s18+$0x0] =	vst.idx.add.s32.msk vm3, v13  }
0x7b: {  	v17 =	vld.idx.msk [tilespmem:v16+s10+$0x0 ss:$0x1], $0xffff;
	_ =	sdelay $0x3  }
0x7c: {  	v18 =	vor.u32 s31, v12  }
0x7d: {  	v18 =	vand.u32 $0x3FF, v18;
	v17 =	vshll.u32 v17, $0xA  }
0x7e: {  	v17 =	vor.u32 v18, v17  }
0x7f: {  	v18 =	vsub.s32 v17, v2  }
0x80: {  	v19 =	vshra.s32 v18, $0xF  }
0x81: {  	vm3 =	vge.s32 v17, v0;
	vm4 =	vlt.s32 v17, v1;
	v17 =	vadd.s32 $0x62, v19  }
0x82: {  	vm3 =	vmand vm3, vm4;
	v19 =	vshll.u32 v17, $0x4  }
0x83: {  	v19 =	vor.u32 v12, v19;
	_ =	sdelay $0x4  }
0x84: {  	v63 =	vld.idx.msk [tilespmem:v19+s18+$0x0], vm3;
	_ =	sdelay $0x4  }
0x85: {  	v17 =	vshll.u32 v17, $0x8;
	v22 =	vshll.u32 v63, $0x4  }
0x86: {  	vm4 =	vlt.s32 v63, $0x10;
	v17 =	vadd.s32 v22, v17;
	v22 =	vor.u32 v12, v22  }
0x87: {  	vm4 =	vmand vm4, vm3;
	v17 =	vand.u32 $0xFFFFFF80, v17;
	v22 =	vand.u32 $0x7F, v22  }
0x88: {  	v17 =	vor.u32 v22, v17  }
0x89: {  	p0 =	seq.s32 s6, $0xFE0  }
.Ltmp7:
0x8a: {  	_ = 	snop;
	(pc) =	sbr.rel @!p0 .LBB2_14-.Ltmp7, $4  }
0x8b: {  	vm2 =	vge.s32 v20, $0x10;
	vm7 =	vge.s32 v63, $0x10  }
0x8c: {  	vm2 =	vmand vm5, vm2;
	vm3 =	vmand vm3, vm7  }
0x8d: {  	vm2 =	vmor vm2, vm3;
	[tilespmem:v17+s19+$0x0] =	vst.idx.msk vm4, v18  }
0x8e: {  	s1 =	sadd.s32 $0x40, s1;
	s6 =	sadd.s32 $0x20, s6;
	vm0 =	vmor vm0, vm2;
	[tilespmem:v19+s18+$0x0] =	vst.idx.add.s32.msk vm4, v13  }
0x8f: {  	p0 =	seq.s32 s0, $0x32  }
.Ltmp8:
0x90: {  	_ = 	snop;
	(pc) =	sbr.rel @!p0 .LBB2_9-.Ltmp8, $2  }
0x91: {  	_ =	sdelay $0x2  }
0x92: {  	s1 =	smov.u32 s0  }
0x93: {  	v16 =	vsel vm0, $0x1, v11  }
0x94: {  	v16 =	vor.u32 $0x80000000, v16  }
0x95: {  	(xrf0) =	vmax.scan.msk.u32 $0xffff, v16;
	_ =	sdelay $0x5  }
0x96: {  	v16, _, _ =	vpop (xrf0)  }
0x97: {  	(v2sf) =	vpush v16, $0xF;
	_ =	sdelay $0xe  }
0x98: {  	s0 =	spop (v2sf)  }
0x99: {  	p0 =	seq.s32 s0, $0x80000000  }
.Ltmp9:
0x9a: {  	_ = 	snop;
	(pc) =	sbr.rel @!p0 .LBB2_116-.Ltmp9, $1  }
0x9b: {  	_ =	sdelay $0x3  }
.Ltmp10:
0x9c: {  	(pc) =	sbr.rel .LBB2_17-.Ltmp10, $3  }
0x9d: {  	_ =	sdelay $0x1  }
0x9e: {  	[dreg:$0xb] =	wrdreg s29;
	s29 =	simm.s32 $0xFFFFFE00;
	s30 =	simm.s32 $0x6000  }
0x9f: {  	s31 =	simm.s32 $0x0;
	s1 =	simm.s32 $0x6200;
	s0 =	simm.s32 $0x0  }
.LBB2_116:
0xa0: {  	v16 =	vld [tilespmem:$0x1FFF0];
	_ =	sdelay $0x4  }
0xa1: {  	s0 =	simm.s32 $0x0;
	vm9 =	vcmask $0x2320;
	vm1 =	vnez.u8 v16  }
.LBB2_117:
0xa2: {  	s1 =	sshll.u32 s0, $0xF  }
0xa3: {  	s1 =	sadd.s32 s4, s1  }
0xa4: {  	p0 =	sgt.s32 s1, $0x400;
	s6 =	smov.u32 s1  }
0xa5: {  	s7 =	sadd.s32 $0x8000, s1;
	s6 =	simm.s32 @!p0 $0x400  }
0xa6: {  	s10 =	simm.s32 $0x0;
	v18 =	vmov s1;
	v17 =	vmov s7;
	v16 =	vmov s6  }
.LBB2_118:
0xa7: {  	s6 =	sshll.u32 s10, $0x9  }
0xa8: {  	s7 =	simm.s32 $0x0;
	s6 =	sadd.s32 s5, s6  }
0xa9: {  	s11 =	simm.s32 $0x10;
	s22 =	simm.s32 $0x100;
	s23 =	sadd.s32 $0x0, s6  }
.LBB2_119:
0xaa: {  	[tilespmem:s7], [sflag:$0x3] =	stream.linear.gather [hbm4b:s23+s3], $0x80, $0x38;
	[tilespmem:$0x1F080] =	vst v63  }
0xab: {  	s23 =	smov.u32 s11;
	s7 =	smov.u32 s22;
	p0 =	sne.s32 s11, $0x1F0  }
.Ltmp11:
0xac: {  	s11 =	sadd.s32 $0x10, s11;
	(pc) =	sbr.rel @p0 .LBB2_119-.Ltmp11, $2  }
0xad: {  	_ =	sdelay $0x2  }
0xae: {  	s22 =	sadd.s32 $0x100, s22;
	s23 =	sadd.s32 s23, s6  }
0xaf: {  	[tilespmem:s7], [sflag:$0x3] =	stream.linear.gather [hbm4b:s23+s3], $0x80, $0x38;
	[tilespmem:$0x1F080] =	vst v63  }
0xb0: {  	s6 =	simm.s32 $0x0;
	_ =	swait.ge [sflag:s26], $0x1000  }
0xb1: {  	s31 =	sand.u32 $0x70, s6;
	s11 =	sand.u32 $0x1F00, s6;
	[sflag:s26] =	ssyncset.done $0x0  }
0xb2: {  	s7 =	sor.u32 s31, s11;
	[sflag:s26] =	ssyncadd.s32 $0xFFFFF000  }
0xb3: {  	v19 =	vld [tilespmem:s7+$0x0];
	_ =	sdelay $0x3  }
0xb4: {  	v20 =	vor.u32 s6, v12  }
0xb5: {  	v21 =	vand.u32 $0x3FF, v20;
	v19 =	vshll.u32 v19, $0xA  }
0xb6: {  	v21 =	vor.u32 v21, v19  }
0xb7: {  	v19 =	vsub.s32 v19, v18;
	vm2 =	vge.s32 v21, v16;
	vm3 =	vlt.s32 v21, v17  }
0xb8: {  	v62 =	vmov s6;
	v19 =	vshra.s32 v19, $0xA;
	vm2 =	vmand vm2, vm3  }
0xb9: {  	v21 =	vshll.u32 v62, $0x3;
	v19 =	vnsel vm2, $0x0, v19  }
0xba: {  	v20 =	vand.u32 $0x7F, v20;
	v21 =	vand.u32 $0x1C00, v21;
	v22 =	vshll.u32 v19, $0xA  }
0xbb: {  	v20 =	vor.u32 v20, v21;
	v19 =	vshll.u32 v19, $0x7;
	v63 =	vand.u32 $0xFFFFE000, v22  }
0xbc: {  	vm3 =	vmand vm2, vm1;
	v19 =	vand.u32 $0x380, v19;
	v20 =	vor.u32 v63, v20  }
0xbd: {  	vm4 =	vmand vm2, vm10;
	v19 =	vor.u32 v19, v20  }
0xbe: {  	vm14 =	vcmask $0xF0C;
	vm5 =	vmand vm2, vm11  }
0xbf: {  	vm15 =	vcmask $0x1310;
	vm6 =	vmand vm2, vm14  }
0xc0: {  	vm0 =	vcmask $0x1714;
	vm7 =	vmand vm2, vm15  }
0xc1: {  	vm8 =	vmand vm2, vm0;
	vm0 =	vmmov vm1;
	vm1 =	vcmask $0x1B18  }
0xc2: {  	[tilespmem:v19+s21+$0x0] =	vst.idx.add.f32.msk vm3, v15;
	vm3 =	vmand vm2, vm1  }
0xc3: {  	vm15 =	vcmask $0x1F1C;
	[tilespmem:v19+s21+$0x0] =	vst.idx.add.f32.msk vm4, v15  }
0xc4: {  	vm12 =	vmand vm2, vm15;
	[tilespmem:v19+s21+$0x0] =	vst.idx.add.f32.msk vm5, v15  }
0xc5: {  	vm1 =	vcmask $0x2724;
	vm5 =	vmand vm2, vm9;
	[tilespmem:v19+s21+$0x0] =	vst.idx.add.f32.msk vm6, v15  }
0xc6: {  	vm6 =	vmand vm2, vm1;
	vm1 =	vcmask $0x2B28;
	[tilespmem:v19+s21+$0x0] =	vst.idx.add.f32.msk vm7, v15  }
0xc7: {  	vm4 =	vcmask $0x2F2C;
	vm7 =	vmand vm2, vm1;
	[tilespmem:v19+s21+$0x0] =	vst.idx.add.f32.msk vm8, v15  }
0xc8: {  	vm8 =	vmand vm2, vm4;
	[tilespmem:v19+s21+$0x0] =	vst.idx.add.f32.msk vm3, v15;
	vm3 =	vcmask $0x3330  }
0xc9: {  	vm4 =	vmand vm2, vm3  }
0xca: {  	[tilespmem:v19+s21+$0x0] =	vst.idx.add.f32.msk vm12, v15  }
0xcb: {  	[tilespmem:v19+s21+$0x0] =	vst.idx.add.f32.msk vm5, v15  }
0xcc: {  	[tilespmem:v19+s21+$0x0] =	vst.idx.add.f32.msk vm6, v15  }
0xcd: {  	[tilespmem:v19+s21+$0x0] =	vst.idx.add.f32.msk vm7, v15  }
0xce: {  	vm3 =	vcmask $0x3734;
	[tilespmem:v19+s21+$0x0] =	vst.idx.add.f32.msk vm8, v15  }
0xcf: {  	vm3 =	vmand vm2, vm3;
	[tilespmem:v19+s21+$0x0] =	vst.idx.add.f32.msk vm4, v15;
	vm4 =	vcmask $0x3B38  }
0xd0: {  	vm5 =	vcmask $0x3F3C;
	vm4 =	vmand vm2, vm4  }
0xd1: {  	vm2 =	vmand vm2, vm5  }
0xd2: {  	s22 =	simm.s32 $0x10;
	s23 =	simm.s32 $0x20  }
0xd3: {  	s24 =	simm.s32 $0x20;
	s6 =	sand.u32 $0x70, s22;
	s7 =	sand.u32 $0x1F00, s23;
	vm1 =	vmmov vm9  }
.LBB2_121:
0xd4: {  	p0 =	sne.s32 s24, $0xFF0  }
0xd5: {  	s6 =	sor.u32 s6, s7;
	[tilespmem:v19+s21+$0x0] =	vst.idx.add.f32.msk vm3, v15;
	s7 =	smov.u32 s24;
	s24 =	sadd.s32 $0x10, s24  }
0xd6: {  	[tilespmem:v19+s21+$0x0] =	vst.idx.add.f32.msk vm4, v15  }
0xd7: {  	[tilespmem:v19+s21+$0x0] =	vst.idx.add.f32.msk vm2, v15  }
0xd8: {  	v19 =	vld [tilespmem:s6+$0x0];
	_ =	sdelay $0x1  }
0xd9: {  	v20 =	vor.u32 s22, v12  }
0xda: {  	v21 =	vand.u32 $0x3FF, v20;
	_ =	sdelay $0x1  }
0xdb: {  	v20 =	vand.u32 $0x7F, v20;
	v19 =	vshll.u32 v19, $0xA  }
0xdc: {  	v22 =	vmov s22;
	s22 =	smov.u32 s7;
	v21 =	vor.u32 v21, v19;
	v19 =	vsub.s32 v19, v18  }
0xdd: {  	vm2 =	vge.s32 v21, v16;
	vm3 =	vlt.s32 v21, v17;
	v21 =	vshll.u32 v22, $0x3  }
0xde: {  	v19 =	vshra.s32 v19, $0xA;
	vm2 =	vmand vm2, vm3;
	v21 =	vand.u32 $0x1C00, v21  }
0xdf: {  	v19 =	vnsel vm2, $0x0, v19;
	v20 =	vor.u32 v20, v21  }
0xe0: {  	v21 =	vshll.u32 v19, $0xA;
	v19 =	vshll.u32 v19, $0x7  }
0xe1: {  	vm3 =	vmand vm2, vm0;
	v21 =	vand.u32 $0xFFFFE000, v21;
	v19 =	vand.u32 $0x380, v19  }
0xe2: {  	vm4 =	vmand vm2, vm10;
	v20 =	vor.u32 v21, v20  }
0xe3: {  	vm5 =	vmand vm2, vm11;
	v19 =	vor.u32 v19, v20  }
0xe4: {  	vm7 =	vcmask $0x1310;
	vm6 =	vmand vm2, vm14  }
0xe5: {  	vm8 =	vcmask $0x1714;
	vm7 =	vmand vm2, vm7  }
0xe6: {  	vm9 =	vcmask $0x1B18;
	vm8 =	vmand vm2, vm8  }
0xe7: {  	vm12 =	vmmov vm10;
	vm9 =	vmand vm2, vm9;
	vm10 =	vmand vm2, vm15  }
0xe8: {  	[tilespmem:v19+s21+$0x0] =	vst.idx.add.f32.msk vm3, v15  }
0xe9: {  	vm13 =	vmmov vm11;
	vm11 =	vmand vm2, vm1;
	vm3 =	vcmask $0x2724;
	[tilespmem:v19+s21+$0x0] =	vst.idx.add.f32.msk vm4, v15  }
0xea: {  	[tilespmem:v19+s21+$0x0] =	vst.idx.add.f32.msk vm5, v15;
	vm5 =	vmand vm2, vm3;
	vm3 =	vcmask $0x2B28  }
0xeb: {  	[tilespmem:v19+s21+$0x0] =	vst.idx.add.f32.msk vm6, v15;
	vm6 =	vmand vm2, vm3;
	vm3 =	vcmask $0x2F2C  }
0xec: {  	[tilespmem:v19+s21+$0x0] =	vst.idx.add.f32.msk vm7, v15;
	vm7 =	vmand vm2, vm3;
	vm3 =	vcmask $0x3330  }
0xed: {  	[tilespmem:v19+s21+$0x0] =	vst.idx.add.f32.msk vm8, v15;
	vm8 =	vmand vm2, vm3;
	vm3 =	vcmask $0x3734  }
0xee: {  	vm4 =	vcmask $0x3B38;
	[tilespmem:v19+s21+$0x0] =	vst.idx.add.f32.msk vm9, v15;
	vm3 =	vmand vm2, vm3  }
0xef: {  	vm4 =	vmand vm2, vm4;
	vm9 =	vcmask $0x3F3C;
	[tilespmem:v19+s21+$0x0] =	vst.idx.add.f32.msk vm10, v15;
	vm10 =	vmmov vm12  }
.Ltmp12:
0xf0: {  	vm2 =	vmand vm2, vm9;
	[tilespmem:v19+s21+$0x0] =	vst.idx.add.f32.msk vm11, v15;
	vm11 =	vmmov vm13;
	(pc) =	sbr.rel @p0 .LBB2_121-.Ltmp12, $4  }
0xf1: {  	[tilespmem:v19+s21+$0x0] =	vst.idx.add.f32.msk vm5, v15  }
0xf2: {  	[tilespmem:v19+s21+$0x0] =	vst.idx.add.f32.msk vm6, v15  }
0xf3: {  	s23 =	sadd.s32 $0x20, s23;
	[tilespmem:v19+s21+$0x0] =	vst.idx.add.f32.msk vm7, v15  }
0xf4: {  	s7 =	sand.u32 $0x1F00, s23;
	s6 =	sand.u32 $0x70, s22;
	[tilespmem:v19+s21+$0x0] =	vst.idx.add.f32.msk vm8, v15  }
0xf5: {  	_ =	sdelay $0x4  }
0xf6: {  	[tilespmem:v19+s21+$0x0] =	vst.idx.add.f32.msk vm3, v15  }
0xf7: {  	[tilespmem:v19+s21+$0x0] =	vst.idx.add.f32.msk vm4, v15  }
0xf8: {  	s6 =	sor.u32 s6, s7;
	[tilespmem:v19+s21+$0x0] =	vst.idx.add.f32.msk vm2, v15  }
0xf9: {  	v19 =	vld [tilespmem:s6+$0x0];
	_ =	sdelay $0x3  }
0xfa: {  	v20 =	vor.u32 s22, v12  }
0xfb: {  	v21 =	vand.u32 $0x3FF, v20;
	v19 =	vshll.u32 v19, $0xA  }
0xfc: {  	v21 =	vor.u32 v21, v19  }
0xfd: {  	v19 =	vsub.s32 v19, v18;
	vm2 =	vge.s32 v21, v16;
	vm3 =	vlt.s32 v21, v17  }
0xfe: {  	v62 =	vmov s22;
	v19 =	vshra.s32 v19, $0xA;
	vm2 =	vmand vm2, vm3  }
0xff: {  	v21 =	vshll.u32 v62, $0x3;
	v19 =	vnsel vm2, $0x0, v19  }
0x100: {  	v20 =	vand.u32 $0x7F, v20;
	v21 =	vand.u32 $0x1C00, v21;
	v22 =	vshll.u32 v19, $0xA  }
0x101: {  	v20 =	vor.u32 v20, v21;
	v19 =	vshll.u32 v19, $0x7;
	v63 =	vand.u32 $0xFFFFE000, v22  }
0x102: {  	vm3 =	vmand vm2, vm0;
	v19 =	vand.u32 $0x380, v19;
	v20 =	vor.u32 v63, v20  }
0x103: {  	v19 =	vor.u32 v19, v20  }
0x104: {  	vm4 =	vmand vm2, vm10  }
0x105: {  	vm5 =	vmand vm2, vm11  }
0x106: {  	vm7 =	vcmask $0x1310;
	vm6 =	vmand vm2, vm14  }
0x107: {  	vm8 =	vcmask $0x1714;
	vm7 =	vmand vm2, vm7  }
0x108: {  	vm8 =	vmand vm2, vm8;
	[tilespmem:v19+s21+$0x0] =	vst.idx.add.f32.msk vm3, v15;
	vm3 =	vcmask $0x1B18  }
0x109: {  	vm3 =	vmand vm2, vm3  }
0x10a: {  	[tilespmem:v19+s21+$0x0] =	vst.idx.add.f32.msk vm4, v15;
	vm4 =	vmand vm2, vm15  }
0x10b: {  	vm9 =	vmmov vm1;
	[tilespmem:v19+s21+$0x0] =	vst.idx.add.f32.msk vm5, v15;
	vm5 =	vmand vm2, vm1;
	vm1 =	vcmask $0x2724  }
0x10c: {  	[tilespmem:v19+s21+$0x0] =	vst.idx.add.f32.msk vm6, v15;
	vm6 =	vmand vm2, vm1;
	vm1 =	vcmask $0x2B28  }
0x10d: {  	[tilespmem:v19+s21+$0x0] =	vst.idx.add.f32.msk vm7, v15;
	vm7 =	vmand vm2, vm1;
	vm1 =	vcmask $0x2F2C  }
0x10e: {  	[tilespmem:v19+s21+$0x0] =	vst.idx.add.f32.msk vm8, v15;
	vm8 =	vmand vm2, vm1;
	vm1 =	vcmask $0x3330  }
0x10f: {  	[tilespmem:v19+s21+$0x0] =	vst.idx.add.f32.msk vm3, v15;
	vm3 =	vmand vm2, vm1;
	vm1 =	vcmask $0x3734  }
0x110: {  	[tilespmem:v19+s21+$0x0] =	vst.idx.add.f32.msk vm4, v15;
	vm4 =	vmand vm2, vm1;
	vm1 =	vcmask $0x3B38  }
0x111: {  	[tilespmem:v19+s21+$0x0] =	vst.idx.add.f32.msk vm5, v15;
	vm5 =	vmand vm2, vm1;
	vm1 =	vcmask $0x3F3C  }
0x112: {  	s10 =	sadd.s32 $0x1, s10;
	[tilespmem:v19+s21+$0x0] =	vst.idx.add.f32.msk vm6, v15;
	vm2 =	vmand vm2, vm1  }
0x113: {  	p0 =	sne.s32 s10, $0x32;
	[tilespmem:v19+s21+$0x0] =	vst.idx.add.f32.msk vm7, v15  }
.Ltmp13:
0x114: {  	[tilespmem:v19+s21+$0x0] =	vst.idx.add.f32.msk vm8, v15;
	(pc) =	sbr.rel @p0 .LBB2_118-.Ltmp13, $4  }
0x115: {  	[tilespmem:v19+s21+$0x0] =	vst.idx.add.f32.msk vm3, v15  }
0x116: {  	[tilespmem:v19+s21+$0x0] =	vst.idx.add.f32.msk vm4, v15  }
0x117: {  	[tilespmem:v19+s21+$0x0] =	vst.idx.add.f32.msk vm5, v15  }
0x118: {  	vm1 =	vmmov vm0;
	[tilespmem:v19+s21+$0x0] =	vst.idx.add.f32.msk vm2, v15  }
0x119: {  	s1 =	sshrl.u32 s1, $0x3  }
0x11a: {  	s30 =	simm.s32 $0x0;
	s6 =	sadd.s32 s2, s1;
	s1 =	simm.s32 $0x0  }
0x11b: {  	[hbm4b:s6+s1] =	stream.linear.scatter [tilespmem:s21], [sflag:$0x3], $0x8000, $0x38;
	[tilespmem:$0x1F080] =	vst v63  }
0x11c: {  	s10 =	simm.s32 $0x0;
	s6 =	sand.u32 $0x6000, s30;
	s7 =	sand.u32 $0x1C00, s1  }
0x11d: {  	s10 =	sand.u32 $0x380, s10;
	_ =	swait.ge [sflag:s26], $0x8000;
	s6 =	sor.u32 s7, s6  }
0x11e: {  	s31 =	sand.u32 $0x70, s1;
	[sflag:s26] =	ssyncset.done $0x0;
	s6 =	sor.u32 s10, s6  }
0x11f: {  	[sflag:s26] =	ssyncadd.s32 $0xFFFF8000;
	s7 =	sor.u32 s31, s6  }
0x120: {  	s6 =	simm.s32 $0x1;
	[tilespmem:s7+$0x2000] =	vst v10;
	s7 =	simm.s32 $0x80  }
.LBB2_124:
0x121: {  	s10 =	sshll.u32 s6, $0x4;
	p0 =	sne.s32 s6, $0x7FF  }
0x122: {  	s11 =	smov.u32 s6;
	s6 =	sadd.s32 $0x1, s6;
	s22 =	sand.u32 $0x1C00, s7  }
.Ltmp14:
0x123: {  	s10 =	sand.u32 $0x6000, s10;
	s11 =	sshll.u32 s11, $0x1;
	(pc) =	sbr.rel @p0 .LBB2_124-.Ltmp14, $4  }
0x124: {  	s1 =	sadd.s32 $0x10, s1;
	s11 =	sand.u32 $0x380, s11;
	s10 =	sor.u32 s22, s10  }
0x125: {  	s22 =	sand.u32 $0x70, s1;
	s10 =	sor.u32 s11, s10  }
0x126: {  	s10 =	sor.u32 s22, s10  }
0x127: {  	s7 =	sadd.s32 $0x80, s7;
	[tilespmem:s10+$0x2000] =	vst v10  }
0x128: {  	s0 =	sadd.s32 $0x1, s0  }
0x129: {  	p0 =	sne.s32 s0, s8  }
.Ltmp15:
0x12a: {  	_ = 	snop;
	(pc) =	sbr.rel @p0 .LBB2_117-.Ltmp15, $2  }
0x12b: {  	_ =	sdelay $0x2  }
0x12c: {  	s1 =	simm.s32 $0x0  }
.LBB2_126:
0x12d: {  	s0 =	sshll.u32 s1, $0x9  }
0x12e: {  	s6 =	simm.s32 $0x10;
	s0 =	sadd.s32 s5, s0  }
0x12f: {  	s7 =	simm.s32 $0x100;
	s10 =	simm.s32 $0x0;
	s11 =	sadd.s32 $0x0, s0  }
.LBB2_127:
0x130: {  	[tilespmem:s10], [sflag:$0x3] =	stream.linear.gather [hbm4b:s11+s3], $0x80, $0x38;
	[tilespmem:$0x1F080] =	vst v63  }
0x131: {  	s11 =	smov.u32 s6;
	s10 =	smov.u32 s7;
	p0 =	sne.s32 s6, $0x1F0  }
.Ltmp16:
0x132: {  	s6 =	sadd.s32 $0x10, s6;
	(pc) =	sbr.rel @p0 .LBB2_127-.Ltmp16, $2  }
0x133: {  	_ =	sdelay $0x2  }
0x134: {  	s7 =	sadd.s32 $0x100, s7;
	s11 =	sadd.s32 s11, s0  }
0x135: {  	[tilespmem:s10], [sflag:$0x3] =	stream.linear.gather [hbm4b:s11+s3], $0x80, $0x38;
	[tilespmem:$0x1F080] =	vst v63  }
0x136: {  	s0 =	simm.s32 $0x0;
	_ =	swait.ge [sflag:s26], $0x1000  }
0x137: {  	s6 =	sand.u32 $0x70, s0;
	s7 =	sand.u32 $0x1F00, s0;
	[sflag:s26] =	ssyncset.done $0x0  }
0x138: {  	s6 =	sor.u32 s6, s7;
	[sflag:s26] =	ssyncadd.s32 $0xFFFFF000  }
0x139: {  	v16 =	vld [tilespmem:s6+$0x0];
	_ =	sdelay $0x3  }
0x13a: {  	v17 =	vor.u32 s0, v12  }
0x13b: {  	v18 =	vand.u32 $0x3FF, v17;
	v16 =	vshll.u32 v16, $0xA  }
0x13c: {  	v18 =	vor.u32 v18, v16  }
0x13d: {  	v16 =	vsub.s32 v16, v3;
	vm2 =	vge.s32 v18, v3;
	vm3 =	vlt.s32 v18, v4  }
0x13e: {  	v18 =	vmov s0;
	v16 =	vshra.s32 v16, $0xA;
	vm2 =	vmand vm2, vm3  }
0x13f: {  	v18 =	vshll.u32 v18, $0x3;
	v16 =	vnsel vm2, $0x0, v16  }
0x140: {  	v17 =	vand.u32 $0x7F, v17;
	v18 =	vand.u32 $0x1C00, v18;
	v19 =	vshll.u32 v16, $0xA  }
0x141: {  	v17 =	vor.u32 v17, v18;
	v16 =	vshll.u32 v16, $0x7;
	v18 =	vand.u32 $0xFFFFE000, v19  }
0x142: {  	vm3 =	vmand vm2, vm1;
	v16 =	vand.u32 $0x380, v16;
	v17 =	vor.u32 v18, v17  }
0x143: {  	vm4 =	vmand vm2, vm10;
	v16 =	vor.u32 v16, v17  }
0x144: {  	vm14 =	vcmask $0xF0C;
	vm5 =	vmand vm2, vm11  }
0x145: {  	vm15 =	vcmask $0x1310;
	vm6 =	vmand vm2, vm14  }
0x146: {  	vm0 =	vcmask $0x1714;
	vm7 =	vmand vm2, vm15  }
0x147: {  	vm8 =	vmand vm2, vm0;
	vm0 =	vmmov vm1;
	vm1 =	vcmask $0x1B18  }
0x148: {  	[tilespmem:v16+s21+$0x0] =	vst.idx.add.f32.msk vm3, v15;
	vm3 =	vmand vm2, vm1  }
0x149: {  	vm15 =	vcmask $0x1F1C;
	[tilespmem:v16+s21+$0x0] =	vst.idx.add.f32.msk vm4, v15  }
0x14a: {  	vm4 =	vmand vm2, vm15;
	[tilespmem:v16+s21+$0x0] =	vst.idx.add.f32.msk vm5, v15  }
0x14b: {  	vm1 =	vcmask $0x2724;
	vm5 =	vmand vm2, vm9;
	[tilespmem:v16+s21+$0x0] =	vst.idx.add.f32.msk vm6, v15  }
0x14c: {  	vm6 =	vmand vm2, vm1;
	vm1 =	vcmask $0x2B28;
	[tilespmem:v16+s21+$0x0] =	vst.idx.add.f32.msk vm7, v15  }
0x14d: {  	vm7 =	vmand vm2, vm1;
	[tilespmem:v16+s21+$0x0] =	vst.idx.add.f32.msk vm8, v15;
	vm8 =	vcmask $0x2F2C  }
0x14e: {  	vm8 =	vmand vm2, vm8;
	[tilespmem:v16+s21+$0x0] =	vst.idx.add.f32.msk vm3, v15;
	vm3 =	vcmask $0x3330  }
0x14f: {  	vm1 =	vmmov vm9;
	vm9 =	vmand vm2, vm3  }
0x150: {  	[tilespmem:v16+s21+$0x0] =	vst.idx.add.f32.msk vm4, v15;
	vm3 =	vcmask $0x3734  }
0x151: {  	vm4 =	vcmask $0x3B38;
	[tilespmem:v16+s21+$0x0] =	vst.idx.add.f32.msk vm5, v15;
	vm3 =	vmand vm2, vm3  }
0x152: {  	vm4 =	vmand vm2, vm4;
	vm5 =	vcmask $0x3F3C;
	[tilespmem:v16+s21+$0x0] =	vst.idx.add.f32.msk vm6, v15  }
0x153: {  	vm2 =	vmand vm2, vm5;
	[tilespmem:v16+s21+$0x0] =	vst.idx.add.f32.msk vm7, v15  }
0x154: {  	s10 =	simm.s32 $0x20;
	s0 =	simm.s32 $0x10;
	[tilespmem:v16+s21+$0x0] =	vst.idx.add.f32.msk vm8, v15  }
0x155: {  	s22 =	simm.s32 $0x20;
	s7 =	sand.u32 $0x1F00, s10;
	s6 =	sand.u32 $0x70, s0;
	[tilespmem:v16+s21+$0x0] =	vst.idx.add.f32.msk vm9, v15  }
.LBB2_129:
0x156: {  	p0 =	sne.s32 s22, $0xFF0  }
0x157: {  	s6 =	sor.u32 s6, s7;
	[tilespmem:v16+s21+$0x0] =	vst.idx.add.f32.msk vm3, v15;
	s7 =	smov.u32 s22;
	s22 =	sadd.s32 $0x10, s22  }
0x158: {  	[tilespmem:v16+s21+$0x0] =	vst.idx.add.f32.msk vm4, v15  }
0x159: {  	[tilespmem:v16+s21+$0x0] =	vst.idx.add.f32.msk vm2, v15  }
0x15a: {  	v16 =	vld [tilespmem:s6+$0x0];
	_ =	sdelay $0x1  }
0x15b: {  	v17 =	vor.u32 s0, v12  }
0x15c: {  	v18 =	vand.u32 $0x3FF, v17;
	_ =	sdelay $0x1  }
0x15d: {  	v17 =	vand.u32 $0x7F, v17;
	v16 =	vshll.u32 v16, $0xA  }
0x15e: {  	v19 =	vmov s0;
	s0 =	smov.u32 s7;
	v18 =	vor.u32 v18, v16;
	v16 =	vsub.s32 v16, v3  }
0x15f: {  	vm2 =	vge.s32 v18, v3;
	vm3 =	vlt.s32 v18, v4;
	v18 =	vshll.u32 v19, $0x3  }
0x160: {  	v16 =	vshra.s32 v16, $0xA;
	vm2 =	vmand vm2, vm3;
	v18 =	vand.u32 $0x1C00, v18  }
0x161: {  	v16 =	vnsel vm2, $0x0, v16;
	v17 =	vor.u32 v17, v18  }
0x162: {  	v18 =	vshll.u32 v16, $0xA;
	v16 =	vshll.u32 v16, $0x7  }
0x163: {  	vm3 =	vmand vm2, vm0;
	v18 =	vand.u32 $0xFFFFE000, v18;
	v16 =	vand.u32 $0x380, v16  }
0x164: {  	vm4 =	vmand vm2, vm10;
	v17 =	vor.u32 v18, v17  }
0x165: {  	vm6 =	vcmask $0xF0C;
	vm5 =	vmand vm2, vm11;
	v16 =	vor.u32 v16, v17  }
0x166: {  	vm7 =	vcmask $0x1310;
	vm6 =	vmand vm2, vm6  }
0x167: {  	vm8 =	vcmask $0x1714;
	vm7 =	vmand vm2, vm7  }
0x168: {  	vm9 =	vcmask $0x1B18;
	vm8 =	vmand vm2, vm8  }
0x169: {  	vm9 =	vmand vm2, vm9;
	vm10 =	vmand vm2, vm15  }
0x16a: {  	[tilespmem:v16+s21+$0x0] =	vst.idx.add.f32.msk vm3, v15  }
0x16b: {  	vm11 =	vmand vm2, vm1;
	vm3 =	vcmask $0x2724;
	[tilespmem:v16+s21+$0x0] =	vst.idx.add.f32.msk vm4, v15  }
0x16c: {  	[tilespmem:v16+s21+$0x0] =	vst.idx.add.f32.msk vm5, v15;
	vm5 =	vmand vm2, vm3;
	vm3 =	vcmask $0x2B28  }
0x16d: {  	[tilespmem:v16+s21+$0x0] =	vst.idx.add.f32.msk vm6, v15;
	vm6 =	vmand vm2, vm3;
	vm3 =	vcmask $0x2F2C  }
0x16e: {  	[tilespmem:v16+s21+$0x0] =	vst.idx.add.f32.msk vm7, v15;
	vm7 =	vmand vm2, vm3;
	vm3 =	vcmask $0x3330  }
0x16f: {  	[tilespmem:v16+s21+$0x0] =	vst.idx.add.f32.msk vm8, v15;
	vm8 =	vmand vm2, vm3;
	vm3 =	vcmask $0x3734  }
0x170: {  	[tilespmem:v16+s21+$0x0] =	vst.idx.add.f32.msk vm9, v15;
	vm9 =	vcmask $0x3B38;
	vm3 =	vmand vm2, vm3  }
0x171: {  	vm14 =	vcmask $0x3F3C;
	[tilespmem:v16+s21+$0x0] =	vst.idx.add.f32.msk vm10, v15;
	vm10 =	vmmov vm12;
	vm4 =	vmand vm2, vm9  }
.Ltmp17:
0x172: {  	vm2 =	vmand vm2, vm14;
	[tilespmem:v16+s21+$0x0] =	vst.idx.add.f32.msk vm11, v15;
	vm11 =	vmmov vm13;
	(pc) =	sbr.rel @p0 .LBB2_129-.Ltmp17, $4  }
0x173: {  	[tilespmem:v16+s21+$0x0] =	vst.idx.add.f32.msk vm5, v15  }
0x174: {  	[tilespmem:v16+s21+$0x0] =	vst.idx.add.f32.msk vm6, v15  }
0x175: {  	s10 =	sadd.s32 $0x20, s10;
	[tilespmem:v16+s21+$0x0] =	vst.idx.add.f32.msk vm7, v15  }
0x176: {  	s7 =	sand.u32 $0x1F00, s10;
	s6 =	sand.u32 $0x70, s0;
	[tilespmem:v16+s21+$0x0] =	vst.idx.add.f32.msk vm8, v15  }
0x177: {  	_ =	sdelay $0x4  }
0x178: {  	[tilespmem:v16+s21+$0x0] =	vst.idx.add.f32.msk vm3, v15  }
0x179: {  	[tilespmem:v16+s21+$0x0] =	vst.idx.add.f32.msk vm4, v15  }
0x17a: {  	s6 =	sor.u32 s6, s7;
	[tilespmem:v16+s21+$0x0] =	vst.idx.add.f32.msk vm2, v15  }
0x17b: {  	v16 =	vld [tilespmem:s6+$0x0];
	_ =	sdelay $0x3  }
0x17c: {  	v17 =	vor.u32 s0, v12  }
0x17d: {  	v18 =	vand.u32 $0x3FF, v17;
	v16 =	vshll.u32 v16, $0xA  }
0x17e: {  	v18 =	vor.u32 v18, v16  }
0x17f: {  	v16 =	vsub.s32 v16, v3;
	vm2 =	vge.s32 v18, v3;
	vm3 =	vlt.s32 v18, v4  }
0x180: {  	v62 =	vmov s0;
	v16 =	vshra.s32 v16, $0xA;
	vm2 =	vmand vm2, vm3  }
0x181: {  	v18 =	vshll.u32 v62, $0x3;
	v16 =	vnsel vm2, $0x0, v16  }
0x182: {  	v17 =	vand.u32 $0x7F, v17;
	v18 =	vand.u32 $0x1C00, v18;
	v19 =	vshll.u32 v16, $0xA  }
0x183: {  	v17 =	vor.u32 v17, v18;
	v16 =	vshll.u32 v16, $0x7;
	v63 =	vand.u32 $0xFFFFE000, v19  }
0x184: {  	vm3 =	vmand vm2, vm0;
	v16 =	vand.u32 $0x380, v16;
	v17 =	vor.u32 v63, v17  }
0x185: {  	vm4 =	vmand vm2, vm10;
	v16 =	vor.u32 v16, v17  }
0x186: {  	vm5 =	vmand vm2, vm11;
	vm0 =	vcmask $0xF0C  }
0x187: {  	vm14 =	vcmask $0x1310;
	vm6 =	vmand vm2, vm0  }
0x188: {  	vm7 =	vmand vm2, vm14;
	vm0 =	vcmask $0x1714  }
0x189: {  	vm8 =	vmand vm2, vm0;
	vm0 =	vcmask $0x1B18  }
0x18a: {  	[tilespmem:v16+s21+$0x0] =	vst.idx.add.f32.msk vm3, v15;
	vm3 =	vmand vm2, vm0  }
0x18b: {  	[tilespmem:v16+s21+$0x0] =	vst.idx.add.f32.msk vm4, v15;
	vm4 =	vmand vm2, vm15  }
0x18c: {  	vm15 =	vmmov vm1;
	[tilespmem:v16+s21+$0x0] =	vst.idx.add.f32.msk vm5, v15;
	vm5 =	vmand vm2, vm1;
	vm1 =	vcmask $0x2724  }
0x18d: {  	[tilespmem:v16+s21+$0x0] =	vst.idx.add.f32.msk vm6, v15;
	vm6 =	vmand vm2, vm1  }
0x18e: {  	vm1 =	vcmask $0x2B28;
	[tilespmem:v16+s21+$0x0] =	vst.idx.add.f32.msk vm7, v15  }
0x18f: {  	vm7 =	vmand vm2, vm1;
	vm1 =	vcmask $0x2F2C;
	[tilespmem:v16+s21+$0x0] =	vst.idx.add.f32.msk vm8, v15  }
0x190: {  	vm8 =	vmand vm2, vm1;
	vm1 =	vcmask $0x3330;
	[tilespmem:v16+s21+$0x0] =	vst.idx.add.f32.msk vm3, v15  }
0x191: {  	vm3 =	vmand vm2, vm1;
	vm1 =	vcmask $0x3734;
	[tilespmem:v16+s21+$0x0] =	vst.idx.add.f32.msk vm4, v15  }
0x192: {  	vm4 =	vmand vm2, vm1;
	[tilespmem:v16+s21+$0x0] =	vst.idx.add.f32.msk vm5, v15  }
0x193: {  	vm5 =	vmand vm2, vm9;
	[tilespmem:v16+s21+$0x0] =	vst.idx.add.f32.msk vm6, v15;
	vm6 =	vcmask $0x3F3C  }
0x194: {  	vm2 =	vmand vm2, vm6  }
0x195: {  	[tilespmem:v16+s21+$0x0] =	vst.idx.add.f32.msk vm7, v15  }
0x196: {  	[tilespmem:v16+s21+$0x0] =	vst.idx.add.f32.msk vm8, v15  }
0x197: {  	[tilespmem:v16+s21+$0x0] =	vst.idx.add.f32.msk vm3, v15  }
0x198: {  	[tilespmem:v16+s21+$0x0] =	vst.idx.add.f32.msk vm4, v15  }
0x199: {  	[tilespmem:v16+s21+$0x0] =	vst.idx.add.f32.msk vm5, v15  }
0x19a: {  	s1 =	sadd.s32 $0x1, s1;
	[tilespmem:v16+s21+$0x0] =	vst.idx.add.f32.msk vm2, v15  }
0x19b: {  	p0 =	sne.s32 s1, $0x32;
	v16 =	vld [tilespmem:$0x1FFF0]  }
.Ltmp18:
0x19c: {  	_ = 	snop;
	(pc) =	sbr.rel @p0 .LBB2_126-.Ltmp18, $2  }
0x19d: {  	_ =	sdelay $0x2  }
0x19e: {  	vm9 =	vmmov vm15;
	vm1 =	vnez.u8 v16  }
0x19f: {  	s0 =	simm.s32 $0x0;
	s1 =	simm.s32 $0x0  }
0x1a0: {  	[hbm4b:s25+s0] =	stream.linear.scatter [tilespmem:s21], [sflag:$0x3], $0x6000, $0x38;
	[tilespmem:$0x1F080] =	vst v63  }
0x1a1: {  	s7 =	simm.s32 $0x0;
	s1 =	sand.u32 $0x6000, s1;
	s6 =	sand.u32 $0x1C00, s0  }
0x1a2: {  	s7 =	sand.u32 $0x380, s7;
	_ =	swait.ge [sflag:s26], $0x6000;
	s1 =	sor.u32 s6, s1  }
0x1a3: {  	s31 =	sand.u32 $0x70, s0;
	[sflag:s26] =	ssyncset.done $0x0;
	s1 =	sor.u32 s7, s1  }
0x1a4: {  	[sflag:s26] =	ssyncadd.s32 $0xFFFFA000;
	s6 =	sor.u32 s31, s1  }
0x1a5: {  	s1 =	simm.s32 $0x1;
	[tilespmem:s6+$0x2000] =	vst v10;
	s6 =	simm.s32 $0x80  }
.LBB2_132:
0x1a6: {  	s7 =	sshll.u32 s1, $0x4;
	p0 =	sne.s32 s1, $0x5FF  }
0x1a7: {  	s10 =	smov.u32 s1;
	s1 =	sadd.s32 $0x1, s1;
	s11 =	sand.u32 $0x1C00, s6  }
.Ltmp19:
0x1a8: {  	s7 =	sand.u32 $0x6000, s7;
	s10 =	sshll.u32 s10, $0x1;
	(pc) =	sbr.rel @p0 .LBB2_132-.Ltmp19, $4  }
0x1a9: {  	s0 =	sadd.s32 $0x10, s0;
	s10 =	sand.u32 $0x380, s10;
	s7 =	sor.u32 s11, s7  }
0x1aa: {  	s11 =	sand.u32 $0x70, s0;
	s7 =	sor.u32 s10, s7  }
0x1ab: {  	s7 =	sor.u32 s11, s7  }
0x1ac: {  	s6 =	sadd.s32 $0x80, s6;
	[tilespmem:s7+$0x2000] =	vst v10  }
.Ltmp20:
0x1ad: {  	(pc) =	sbr.rel .LBB2_134-.Ltmp20, $3  }
0x1ae: {  	_ =	sdelay $0x1  }
0x1af: {  	vm9 =	vcmask $0xF0C;
	vm13 =	vcmask $0x1714;
	vm15 =	vcmask $0x1F1C  }
0x1b0: {  	vm12 =	vcmask $0x2B28;
	vm1 =	vmmov vm15;
	vm15 =	vmmov vm0  }
.LBB2_45:
0x1b1: {  	v20 =	vld [tilespmem:$0x1FFF0];
	_ =	sdelay $0x4  }
0x1b2: {  	vm0 =	vnez.u8 v20  }
.LBB2_50:
0x1b3: {  	_ =	sdelay $0x4  }
0x1b4: {  	s7 =	sor.u32 s25, s11;
	[tilespmem:v19+s21+$0x0] =	vst.idx.add.f32.msk @p0 vm2, v15  }
0x1b5: {  	v19 =	vld [tilespmem:s7+$0x12000];
	_ =	sdelay $0x4  }
0x1b6: {  	v17 =	vsub.s32 v19, v17  }
0x1b7: {  	v22 =	vmov s6;
	v20 =	vshll.u32 v19, $0x3;
	v17 =	vand.u32 $0xFFFFE000, v17  }
0x1b8: {  	v21 =	vshrl.u32 v19, $0x3;
	v16 =	vadd.s32 v16, v17;
	v17 =	vand.u32 $0x1C00, v20  }
0x1b9: {  	vm2 =	vlt.s32 v22, v18;
	v16 =	vor.u32 v17, v16;
	v17 =	vand.u32 $0x380, v21  }
0x1ba: {  	vm3 =	vmand vm2, vm0;
	v63 =	vand.u32 $0x7F, v19;
	v16 =	vor.u32 v17, v16  }
0x1bb: {  	vm4 =	vmand vm2, vm10;
	v16 =	vor.u32 v63, v16  }
0x1bc: {  	vm5 =	vmand vm2, vm11  }
0x1bd: {  	vm6 =	vmand vm2, vm9  }
0x1be: {  	vm7 =	vmand vm2, vm14  }
0x1bf: {  	vm8 =	vmand vm2, vm13  }
0x1c0: {  	[tilespmem:v16+s21+$0x0] =	vst.idx.add.f32.msk vm3, v15;
	vm3 =	vmand vm2, vm15  }
0x1c1: {  	[tilespmem:v16+s21+$0x0] =	vst.idx.add.f32.msk vm4, v15;
	vm4 =	vmand vm2, vm1;
	vm1 =	vcmask $0x2320  }
0x1c2: {  	[tilespmem:v16+s21+$0x0] =	vst.idx.add.f32.msk vm5, v15;
	vm5 =	vmand vm2, vm1;
	vm1 =	vcmask $0x2724  }
0x1c3: {  	[tilespmem:v16+s21+$0x0] =	vst.idx.add.f32.msk vm6, v15;
	vm6 =	vmand vm2, vm1  }
0x1c4: {  	[tilespmem:v16+s21+$0x0] =	vst.idx.add.f32.msk vm7, v15  }
0x1c5: {  	vm1 =	vcmask $0x2F2C;
	vm7 =	vmand vm2, vm12;
	[tilespmem:v16+s21+$0x0] =	vst.idx.add.f32.msk vm8, v15  }
0x1c6: {  	vm8 =	vmand vm2, vm1;
	vm1 =	vcmask $0x3330;
	[tilespmem:v16+s21+$0x0] =	vst.idx.add.f32.msk vm3, v15  }
0x1c7: {  	vm3 =	vmand vm2, vm1;
	vm1 =	vcmask $0x3734;
	[tilespmem:v16+s21+$0x0] =	vst.idx.add.f32.msk vm4, v15  }
0x1c8: {  	vm0 =	vcmask $0x3B38;
	vm4 =	vmand vm2, vm1;
	[tilespmem:v16+s21+$0x0] =	vst.idx.add.f32.msk vm5, v15  }
0x1c9: {  	vm5 =	vmand vm2, vm0;
	[tilespmem:v16+s21+$0x0] =	vst.idx.add.f32.msk vm6, v15;
	vm6 =	vcmask $0x3F3C  }
0x1ca: {  	vm2 =	vmand vm2, vm6  }
0x1cb: {  	[tilespmem:v16+s21+$0x0] =	vst.idx.add.f32.msk vm7, v15  }
0x1cc: {  	[tilespmem:v16+s21+$0x0] =	vst.idx.add.f32.msk vm8, v15  }
0x1cd: {  	[tilespmem:v16+s21+$0x0] =	vst.idx.add.f32.msk vm3, v15  }
0x1ce: {  	[tilespmem:v16+s21+$0x0] =	vst.idx.add.f32.msk vm4, v15  }
0x1cf: {  	[tilespmem:v16+s21+$0x0] =	vst.idx.add.f32.msk vm5, v15  }
0x1d0: {  	vm1 =	vcmask $0x1F1C;
	[tilespmem:v16+s21+$0x0] =	vst.idx.add.f32.msk vm2, v15  }
.LBB2_51:
0x1d1: {  	s0 =	sadd.s32 $0x1, s0  }
0x1d2: {  	p0 =	sne.s32 s0, s8  }
.Ltmp21:
0x1d3: {  	_ = 	snop;
	(pc) =	sbr.rel @!p0 .LBB2_52-.Ltmp21, $4  }
0x1d4: {  	s6 =	sadd.s32 s4, s22;
	s7 =	sshll.u32 s10, $0xF;
	s29 =	sadd.s32 $0x100, s29  }
0x1d5: {  	s30 =	sadd.s32 $0x100, s30;
	s31 =	sadd.s32 $0x100, s31;
	s6 =	sshrl.u32 s6, $0x3  }
0x1d6: {  	s1 =	sadd.s32 $0x100, s1;
	s7 =	sor.u32 $0x2000, s7;
	s6 =	sadd.s32 s2, s6  }
0x1d7: {  	[hbm4b:s6+s3] =	stream.linear.scatter [tilespmem:s7], [sflag:$0x1], $0x8000, $0x38;
	[tilespmem:$0x1F080] =	vst v63  }
.LBB2_17:
0x1d8: {  	p0 =	sgt.u32 s0, $0x1  }
.Ltmp22:
0x1d9: {  	_ = 	snop;
	(pc) =	sbr.rel @!p0 .LBB2_18-.Ltmp22, $2  }
0x1da: {  	_ =	sdelay $0x2  }
0x1db: {  	s10 =	sand.u32 $0x1, s0  }
0x1dc: {  	s6 =	sadd.s32 $0xFFFFFFFE, s0;
	_ =	swait.ge [sflag:s20], $0x8000  }
0x1dd: {  	[sflag:s20] =	ssyncset.done $0x0;
	s7 =	sshll.u32 s6, $0x4  }
0x1de: {  	[sflag:s20] =	ssyncadd.s32 $0xFFFF8000;
	s7 =	sand.u32 $0x3FFFFFF0, s7  }
0x1df: {  	v19 =	vld [tilespmem:s7+$0x1E400];
	_ =	sdelay $0x4  }
0x1e0: {  	v16 =	vxor.u32 $0x80000000, v19  }
0x1e1: {  	(xrf0) =	vmax.scan.msk.u32 $0xffff, v16;
	_ =	sdelay $0x5  }
0x1e2: {  	v16, _, _ =	vpop (xrf0)  }
0x1e3: {  	(v2sf) =	vpush v16, $0xF;
	_ =	sdelay $0xe  }
0x1e4: {  	s28 =	spop (v2sf)  }
0x1e5: {  	s22 =	sxor.u32 $0x80000000, s28  }
0x1e6: {  	p0 =	slt.s32 s22, $0x1  }
.Ltmp23:
0x1e7: {  	_ = 	snop;
	(pc) =	sbr.rel @p0 .LBB2_27-.Ltmp23, $3  }
0x1e8: {  	_ =	sdelay $0x1  }
0x1e9: {  	s6 =	sshll.u32 s6, $0xF;
	v16 =	vmov s10  }
0x1ea: {  	v18 =	vmov s6;
	v17 =	vshll.u32 v16, $0xF  }
0x1eb: {  	p1 =	sne.s32 s22, $0x1  }
.Ltmp24:
0x1ec: {  	_ = 	snop;
	(pc) =	sbr.rel @!p1 .LBB2_21-.Ltmp24, $3  }
0x1ed: {  	_ =	sdelay $0x1  }
0x1ee: {  	s6 =	simm.s32 $0x0;
	s23 =	simm.s32 $0x1;
	s7 =	sadd.s32 $0x0, s29  }
0x1ef: {  	p0 =	por $0x0, $0x0;
	s25 =	sand.u32 $0xFFFFFF80, s7;
	s11 =	sand.u32 $0x70, s6  }
0x1f0: {  	s7 =	sor.u32 s11, s25  }
0x1f1: {  	v20 =	vld [tilespmem:s7+$0x12000];
	_ =	sdelay $0x4  }
0x1f2: {  	v21 =	vsub.s32 v20, v18  }
0x1f3: {  	v22 =	vshll.u32 v20, $0x3;
	v21 =	vand.u32 $0xFFFFE000, v21  }
0x1f4: {  	v23 =	vshrl.u32 v20, $0x3;
	v22 =	vand.u32 $0x1C00, v22;
	v21 =	vadd.s32 v17, v21  }
0x1f5: {  	v21 =	vor.u32 v22, v21;
	v22 =	vand.u32 $0x380, v23;
	v23 =	vld [tilespmem:$0x1FFF0];
	_ =	sdelay $0x3  }
0x1f6: {  	v24 =	vmov s6;
	v20 =	vand.u32 $0x7F, v20;
	v21 =	vor.u32 v22, v21  }
0x1f7: {  	vm2 =	vlt.s32 v24, v19;
	v20 =	vor.u32 v20, v21;
	vm0 =	vnez.u8 v23  }
0x1f8: {  	v21 =	vimm.s32 $0x0;
	vm5 =	vmand vm2, vm0;
	vm0 =	vmand vm2, vm14  }
0x1f9: {  	vm4 =	vmand vm2, vm10;
	v21 =	vsel vm0, $0xFFFFFFFF, v21  }
0x1fa: {  	[tilespmem:$0x1FFC0] =	vst v21  }
0x1fb: {  	v21 =	vld [tilespmem:$0x1FFC0];
	_ =	sdelay $0x2  }
0x1fc: {  	vm3 =	vmand vm2, vm11;
	[tilespmem:v20+s21+$0x0] =	vst.idx.add.f32.msk vm5, v14  }
0x1fd: {  	vm8 =	vmand vm2, vm9;
	[tilespmem:v20+s21+$0x0] =	vst.idx.add.f32.msk vm4, v14;
	vm4 =	vmand vm2, vm1;
	vm1 =	vcmask $0x2320  }
0x1fe: {  	vm7 =	vmand vm2, vm1;
	vm1 =	vnez.u8 v21  }
0x1ff: {  	vm0 =	vmand vm2, vm13;
	_ =	sdelay $0x2  }
0x200: {  	[tilespmem:v20+s21+$0x0] =	vst.idx.add.f32.msk vm3, v14  }
0x201: {  	[tilespmem:v20+s21+$0x0] =	vst.idx.add.f32.msk vm8, v14  }
0x202: {  	v21 =	vimm.s32 $0x0;
	[tilespmem:v20+s21+$0x0] =	vst.idx.add.f32.msk vm1, v14;
	vm1 =	vmand vm2, vm12  }
0x203: {  	vm13 =	vcmask $0x2F2C;
	v21 =	vsel vm1, $0xFFFFFFFF, v21;
	[tilespmem:v20+s21+$0x0] =	vst.idx.add.f32.msk vm0, v14  }
0x204: {  	vm0 =	vmand vm2, vm13;
	[tilespmem:$0x1FFD0] =	vst v21;
	v21 =	vimm.s32 $0x0  }
0x205: {  	vm5 =	vmand vm2, vm15;
	v21 =	vsel vm0, $0xFFFFFFFF, v21  }
0x206: {  	[tilespmem:$0x1FFE0] =	vst v21;
	v21 =	vld [tilespmem:$0x1FFD0];
	_ =	sdelay $0x2  }
0x207: {  	vm9 =	vcmask $0x2724  }
0x208: {  	vm8 =	vmand vm2, vm9  }
0x209: {  	[tilespmem:v20+s21+$0x0] =	vst.idx.add.f32.msk vm5, v14;
	vm5 =	vnez.u8 v21  }
0x20a: {  	v21 =	vld [tilespmem:$0x1FFE0];
	_ =	sdelay $0x1  }
0x20b: {  	[tilespmem:v20+s21+$0x0] =	vst.idx.add.f32.msk vm4, v14  }
0x20c: {  	[tilespmem:v20+s21+$0x0] =	vst.idx.add.f32.msk vm7, v14  }
0x20d: {  	[tilespmem:v20+s21+$0x0] =	vst.idx.add.f32.msk vm8, v14  }
0x20e: {  	vm9 =	vmmov vm15;
	vm15 =	vcmask $0x3330;
	[tilespmem:v20+s21+$0x0] =	vst.idx.add.f32.msk vm5, v14;
	vm5 =	vnez.u8 v21  }
0x20f: {  	vm3 =	vmand vm2, vm15;
	vm1 =	vmmov vm14;
	vm14 =	vcmask $0x3734  }
0x210: {  	vm4 =	vmand vm2, vm14;
	vm0 =	vcmask $0x3B38  }
0x211: {  	vm7 =	vmand vm2, vm0  }
0x212: {  	p1 =	sne.s32 s22, $0x2  }
.Ltmp25:
0x213: {  	_ = 	snop;
	(pc) =	sbr.rel @!p1 .LBB2_23-.Ltmp25, $4  }
0x214: {  	[tilespmem:v20+s21+$0x0] =	vst.idx.add.f32.msk vm5, v14  }
0x215: {  	[tilespmem:v20+s21+$0x0] =	vst.idx.add.f32.msk vm3, v14  }
0x216: {  	s24 =	simm.s32 $0x2;
	s28 =	sadd.s32 $0x10, s29;
	s7 =	simm.s32 $0x10;
	[tilespmem:v20+s21+$0x0] =	vst.idx.add.f32.msk vm4, v14  }
0x217: {  	p0 =	por $0x1, $0x1;
	s25 =	sand.u32 $0xFFFFFF80, s28;
	s11 =	sand.u32 $0x70, s7;
	vm2 =	vmand vm2, vm6;
	[tilespmem:v20+s21+$0x0] =	vst.idx.add.f32.msk vm7, v14  }
.LBB2_24:
0x218: {  	_ =	sdelay $0x4  }
0x219: {  	s6 =	sor.u32 s11, s25;
	[tilespmem:v20+s21+$0x0] =	vst.idx.add.f32.msk vm2, v14  }
0x21a: {  	v20 =	vld [tilespmem:s6+$0x12000];
	_ =	sdelay $0x4  }
0x21b: {  	v21 =	vsub.s32 v20, v18  }
0x21c: {  	v22 =	vshll.u32 v20, $0x3;
	v21 =	vand.u32 $0xFFFFE000, v21  }
0x21d: {  	v23 =	vshrl.u32 v20, $0x3;
	v22 =	vand.u32 $0x1C00, v22;
	v21 =	vadd.s32 v17, v21  }
0x21e: {  	v21 =	vor.u32 v22, v21;
	v22 =	vand.u32 $0x380, v23;
	v23 =	vld [tilespmem:$0x1FFF0];
	_ =	sdelay $0x3  }
0x21f: {  	v24 =	vmov s23  }
0x220: {  	vm2 =	vlt.s32 v24, v19;
	vm3 =	vnez.u8 v23  }
0x221: {  	v20 =	vand.u32 $0x7F, v20;
	v21 =	vor.u32 v22, v21;
	vm3 =	vmand vm2, vm3  }
0x222: {  	vm4 =	vmand vm2, vm10;
	v20 =	vor.u32 v20, v21  }
0x223: {  	vm6 =	vcmask $0xF0C;
	vm5 =	vmand vm2, vm11  }
0x224: {  	vm6 =	vmand vm2, vm6;
	_ =	sdelay $0x1  }
0x225: {  	vm8 =	vcmask $0x1714;
	vm7 =	vmand vm2, vm1  }
0x226: {  	vm8 =	vmand vm2, vm8;
	[tilespmem:v20+s21+$0x0] =	vst.idx.add.f32.msk vm3, v14  }
0x227: {  	vm3 =	vmand vm2, vm9;
	[tilespmem:v20+s21+$0x0] =	vst.idx.add.f32.msk vm4, v14;
	vm4 =	vcmask $0x1F1C  }
0x228: {  	vm4 =	vmand vm2, vm4;
	[tilespmem:v20+s21+$0x0] =	vst.idx.add.f32.msk vm5, v14;
	vm5 =	vcmask $0x2320  }
0x229: {  	vm5 =	vmand vm2, vm5;
	[tilespmem:v20+s21+$0x0] =	vst.idx.add.f32.msk vm6, v14;
	vm6 =	vcmask $0x2724  }
0x22a: {  	vm6 =	vmand vm2, vm6  }
0x22b: {  	[tilespmem:v20+s21+$0x0] =	vst.idx.add.f32.msk vm7, v14;
	vm7 =	vmand vm2, vm12  }
0x22c: {  	[tilespmem:v20+s21+$0x0] =	vst.idx.add.f32.msk vm8, v14;
	vm8 =	vmand vm2, vm13  }
0x22d: {  	[tilespmem:v20+s21+$0x0] =	vst.idx.add.f32.msk vm3, v14;
	vm3 =	vmand vm2, vm15  }
0x22e: {  	[tilespmem:v20+s21+$0x0] =	vst.idx.add.f32.msk vm4, v14;
	vm4 =	vmand vm2, vm14  }
0x22f: {  	s25 =	smov.u32 s24;
	s24 =	sadd.s32 $0x1, s24;
	[tilespmem:v20+s21+$0x0] =	vst.idx.add.f32.msk vm5, v14;
	vm5 =	vmand vm2, vm0  }
0x230: {  	p1 =	sne.s32 s22, s24;
	[tilespmem:v20+s21+$0x0] =	vst.idx.add.f32.msk vm6, v14  }
.Ltmp26:
0x231: {  	[tilespmem:v20+s21+$0x0] =	vst.idx.add.f32.msk vm7, v14;
	(pc) =	sbr.rel @p1 .LBB2_24-.Ltmp26, $4  }
0x232: {  	[tilespmem:v20+s21+$0x0] =	vst.idx.add.f32.msk vm8, v14  }
0x233: {  	s7 =	sadd.s32 $0x10, s7;
	[tilespmem:v20+s21+$0x0] =	vst.idx.add.f32.msk vm3, v14  }
0x234: {  	s28 =	sadd.s32 s7, s29;
	vm6 =	vcmask $0x3F3C;
	[tilespmem:v20+s21+$0x0] =	vst.idx.add.f32.msk vm4, v14  }
0x235: {  	s23 =	smov.u32 s25;
	s11 =	sand.u32 $0x70, s7;
	s25 =	sand.u32 $0xFFFFFF80, s28;
	vm2 =	vmand vm2, vm6;
	[tilespmem:v20+s21+$0x0] =	vst.idx.add.f32.msk vm5, v14  }
0x236: {  	v21 =	vld [tilespmem:$0x1FFF0];
	_ =	sdelay $0x3  }
0x237: {  	vm14 =	vmmov vm1;
	vm15 =	vmmov vm9;
	vm9 =	vcmask $0xF0C  }
0x238: {  	s6 =	smov.u32 s23;
	vm13 =	vcmask $0x1714;
	vm1 =	vcmask $0x1F1C;
	vm0 =	vnez.u8 v21  }
.LBB2_26:
0x239: {  	_ =	sdelay $0x4  }
0x23a: {  	s7 =	sor.u32 s11, s25;
	[tilespmem:v20+s21+$0x0] =	vst.idx.add.f32.msk @p0 vm2, v14  }
0x23b: {  	v20 =	vld [tilespmem:s7+$0x12000];
	_ =	sdelay $0x4  }
0x23c: {  	v21 =	vsub.s32 v20, v18  }
0x23d: {  	v24 =	vmov s6;
	v22 =	vshll.u32 v20, $0x3;
	v21 =	vand.u32 $0xFFFFE000, v21  }
0x23e: {  	v23 =	vshrl.u32 v20, $0x3;
	v22 =	vand.u32 $0x1C00, v22;
	v21 =	vadd.s32 v17, v21  }
0x23f: {  	vm2 =	vlt.s32 v24, v19;
	v63 =	vand.u32 $0x380, v23;
	v19 =	vor.u32 v22, v21  }
0x240: {  	vm3 =	vmand vm2, vm0;
	v20 =	vand.u32 $0x7F, v20;
	v19 =	vor.u32 v63, v19  }
0x241: {  	vm4 =	vmand vm2, vm10;
	v19 =	vor.u32 v20, v19  }
0x242: {  	vm5 =	vmand vm2, vm11  }
0x243: {  	vm6 =	vmand vm2, vm9  }
0x244: {  	vm7 =	vmand vm2, vm14  }
0x245: {  	vm8 =	vmand vm2, vm13  }
0x246: {  	[tilespmem:v19+s21+$0x0] =	vst.idx.add.f32.msk vm3, v14;
	vm3 =	vmand vm2, vm15  }
0x247: {  	[tilespmem:v19+s21+$0x0] =	vst.idx.add.f32.msk vm4, v14;
	vm4 =	vmand vm2, vm1;
	vm1 =	vcmask $0x2320  }
0x248: {  	[tilespmem:v19+s21+$0x0] =	vst.idx.add.f32.msk vm5, v14;
	vm5 =	vmand vm2, vm1;
	vm1 =	vcmask $0x2724  }
0x249: {  	[tilespmem:v19+s21+$0x0] =	vst.idx.add.f32.msk vm6, v14;
	vm6 =	vmand vm2, vm1  }
0x24a: {  	[tilespmem:v19+s21+$0x0] =	vst.idx.add.f32.msk vm7, v14  }
0x24b: {  	vm1 =	vcmask $0x2F2C;
	vm7 =	vmand vm2, vm12;
	[tilespmem:v19+s21+$0x0] =	vst.idx.add.f32.msk vm8, v14  }
0x24c: {  	vm8 =	vmand vm2, vm1;
	vm1 =	vcmask $0x3330;
	[tilespmem:v19+s21+$0x0] =	vst.idx.add.f32.msk vm3, v14  }
0x24d: {  	vm3 =	vmand vm2, vm1;
	vm1 =	vcmask $0x3734;
	[tilespmem:v19+s21+$0x0] =	vst.idx.add.f32.msk vm4, v14  }
0x24e: {  	vm0 =	vcmask $0x3B38;
	vm4 =	vmand vm2, vm1;
	[tilespmem:v19+s21+$0x0] =	vst.idx.add.f32.msk vm5, v14  }
0x24f: {  	vm5 =	vmand vm2, vm0;
	[tilespmem:v19+s21+$0x0] =	vst.idx.add.f32.msk vm6, v14;
	vm6 =	vcmask $0x3F3C  }
0x250: {  	vm2 =	vmand vm2, vm6  }
0x251: {  	[tilespmem:v19+s21+$0x0] =	vst.idx.add.f32.msk vm7, v14  }
0x252: {  	[tilespmem:v19+s21+$0x0] =	vst.idx.add.f32.msk vm8, v14  }
0x253: {  	[tilespmem:v19+s21+$0x0] =	vst.idx.add.f32.msk vm3, v14  }
0x254: {  	[tilespmem:v19+s21+$0x0] =	vst.idx.add.f32.msk vm4, v14  }
0x255: {  	[tilespmem:v19+s21+$0x0] =	vst.idx.add.f32.msk vm5, v14  }
0x256: {  	vm1 =	vcmask $0x1F1C;
	[tilespmem:v19+s21+$0x0] =	vst.idx.add.f32.msk vm2, v14  }
.LBB2_27:
0x257: {  	s6 =	sshll.u32 s0, $0x4  }
0x258: {  	s6 =	sadd.s32 $0x600, s6  }
0x259: {  	s6 =	sand.u32 $0x3FFFFFF0, s6  }
0x25a: {  	v19 =	vld [tilespmem:s6+$0x1E400];
	_ =	sdelay $0x4  }
0x25b: {  	v20 =	vxor.u32 $0x80000000, v19  }
0x25c: {  	(xrf0) =	vmax.scan.msk.u32 $0xffff, v20;
	_ =	sdelay $0x5  }
0x25d: {  	v20, _, _ =	vpop (xrf0)  }
0x25e: {  	(v2sf) =	vpush v20, $0xF;
	_ =	sdelay $0xe  }
0x25f: {  	s28 =	spop (v2sf)  }
0x260: {  	s22 =	sxor.u32 $0x80000000, s28  }
0x261: {  	p0 =	slt.s32 s22, $0x1  }
.Ltmp27:
0x262: {  	_ = 	snop;
	(pc) =	sbr.rel @p0 .LBB2_35-.Ltmp27, $1  }
0x263: {  	_ =	sdelay $0x3  }
0x264: {  	p1 =	sne.s32 s22, $0x1  }
.Ltmp28:
0x265: {  	_ = 	snop;
	(pc) =	sbr.rel @!p1 .LBB2_29-.Ltmp28, $3  }
0x266: {  	_ =	sdelay $0x1  }
0x267: {  	s6 =	simm.s32 $0x0;
	s23 =	simm.s32 $0x1;
	s7 =	sadd.s32 $0x0, s30  }
0x268: {  	p0 =	por $0x0, $0x0;
	s25 =	sand.u32 $0xFFFFFF80, s7;
	s11 =	sand.u32 $0x70, s6  }
0x269: {  	s7 =	sor.u32 s11, s25  }
0x26a: {  	v20 =	vld [tilespmem:s7+$0x12000];
	_ =	sdelay $0x4  }
0x26b: {  	v21 =	vsub.s32 v20, v18  }
0x26c: {  	v22 =	vshll.u32 v20, $0x3;
	v21 =	vand.u32 $0xFFFFE000, v21  }
0x26d: {  	v23 =	vshrl.u32 v20, $0x3;
	v22 =	vand.u32 $0x1C00, v22;
	v21 =	vadd.s32 v17, v21  }
0x26e: {  	v21 =	vor.u32 v22, v21;
	v22 =	vand.u32 $0x380, v23;
	v23 =	vld [tilespmem:$0x1FFF0];
	_ =	sdelay $0x3  }
0x26f: {  	v24 =	vmov s6  }
0x270: {  	vm2 =	vlt.s32 v24, v19;
	vm0 =	vnez.u8 v23  }
0x271: {  	v20 =	vand.u32 $0x7F, v20;
	v21 =	vor.u32 v22, v21;
	vm3 =	vmand vm2, vm0  }
0x272: {  	vm4 =	vmand vm2, vm10;
	v20 =	vor.u32 v20, v21  }
0x273: {  	vm5 =	vmand vm2, vm11  }
0x274: {  	vm6 =	vmand vm2, vm9  }
0x275: {  	vm7 =	vmand vm2, vm14  }
0x276: {  	vm8 =	vmand vm2, vm13  }
0x277: {  	[tilespmem:v20+s21+$0x0] =	vst.idx.add.f32.msk vm3, v14;
	vm3 =	vmand vm2, vm15  }
0x278: {  	[tilespmem:v20+s21+$0x0] =	vst.idx.add.f32.msk vm4, v14;
	vm4 =	vmand vm2, vm1;
	vm1 =	vcmask $0x2320  }
0x279: {  	vm9 =	vcmask $0x2724;
	[tilespmem:v20+s21+$0x0] =	vst.idx.add.f32.msk vm5, v14;
	vm5 =	vmand vm2, vm1  }
0x27a: {  	[tilespmem:v20+s21+$0x0] =	vst.idx.add.f32.msk vm6, v14;
	vm6 =	vmand vm2, vm9  }
0x27b: {  	vm13 =	vcmask $0x2F2C;
	[tilespmem:v20+s21+$0x0] =	vst.idx.add.f32.msk vm7, v14;
	vm7 =	vmand vm2, vm12  }
0x27c: {  	[tilespmem:v20+s21+$0x0] =	vst.idx.add.f32.msk vm8, v14;
	vm8 =	vmand vm2, vm13;
	vm13 =	vmmov vm15;
	vm15 =	vcmask $0x3330  }
0x27d: {  	vm9 =	vmmov vm14;
	vm14 =	vcmask $0x3734;
	[tilespmem:v20+s21+$0x0] =	vst.idx.add.f32.msk vm3, v14;
	vm3 =	vmand vm2, vm15  }
0x27e: {  	vm0 =	vcmask $0x3B38;
	[tilespmem:v20+s21+$0x0] =	vst.idx.add.f32.msk vm4, v14;
	vm4 =	vmand vm2, vm14  }
0x27f: {  	[tilespmem:v20+s21+$0x0] =	vst.idx.add.f32.msk vm5, v14;
	vm5 =	vmand vm2, vm0  }
0x280: {  	p1 =	sne.s32 s22, $0x2;
	[tilespmem:v20+s21+$0x0] =	vst.idx.add.f32.msk vm6, v14  }
.Ltmp29:
0x281: {  	[tilespmem:v20+s21+$0x0] =	vst.idx.add.f32.msk vm7, v14;
	(pc) =	sbr.rel @!p1 .LBB2_31-.Ltmp29, $4  }
0x282: {  	[tilespmem:v20+s21+$0x0] =	vst.idx.add.f32.msk vm8, v14  }
0x283: {  	[tilespmem:v20+s21+$0x0] =	vst.idx.add.f32.msk vm3, v14  }
0x284: {  	s24 =	simm.s32 $0x2;
	s28 =	sadd.s32 $0x10, s30;
	s7 =	simm.s32 $0x10;
	vm1 =	vcmask $0x3F3C;
	[tilespmem:v20+s21+$0x0] =	vst.idx.add.f32.msk vm4, v14  }
0x285: {  	p0 =	por $0x1, $0x1;
	s25 =	sand.u32 $0xFFFFFF80, s28;
	s11 =	sand.u32 $0x70, s7;
	vm2 =	vmand vm2, vm1;
	[tilespmem:v20+s21+$0x0] =	vst.idx.add.f32.msk vm5, v14  }
.LBB2_32:
0x286: {  	_ =	sdelay $0x4  }
0x287: {  	s6 =	sor.u32 s11, s25;
	[tilespmem:v20+s21+$0x0] =	vst.idx.add.f32.msk vm2, v14  }
0x288: {  	v20 =	vld [tilespmem:s6+$0x12000];
	_ =	sdelay $0x4  }
0x289: {  	v21 =	vsub.s32 v20, v18  }
0x28a: {  	v22 =	vshll.u32 v20, $0x3;
	v21 =	vand.u32 $0xFFFFE000, v21  }
0x28b: {  	v23 =	vshrl.u32 v20, $0x3;
	v22 =	vand.u32 $0x1C00, v22;
	v21 =	vadd.s32 v17, v21  }
0x28c: {  	v21 =	vor.u32 v22, v21;
	v22 =	vand.u32 $0x380, v23;
	v23 =	vld [tilespmem:$0x1FFF0];
	_ =	sdelay $0x3  }
0x28d: {  	v24 =	vmov s23  }
0x28e: {  	vm2 =	vlt.s32 v24, v19;
	vm3 =	vnez.u8 v23  }
0x28f: {  	v20 =	vand.u32 $0x7F, v20;
	v21 =	vor.u32 v22, v21;
	vm3 =	vmand vm2, vm3  }
0x290: {  	vm4 =	vmand vm2, vm10;
	v20 =	vor.u32 v20, v21  }
0x291: {  	vm6 =	vcmask $0xF0C;
	vm5 =	vmand vm2, vm11  }
0x292: {  	vm6 =	vmand vm2, vm6  }
0x293: {  	vm8 =	vcmask $0x1714;
	vm7 =	vmand vm2, vm9  }
0x294: {  	vm8 =	vmand vm2, vm8  }
0x295: {  	[tilespmem:v20+s21+$0x0] =	vst.idx.add.f32.msk vm3, v14  }
0x296: {  	vm3 =	vmand vm2, vm13;
	[tilespmem:v20+s21+$0x0] =	vst.idx.add.f32.msk vm4, v14;
	vm4 =	vcmask $0x1F1C  }
0x297: {  	vm4 =	vmand vm2, vm4;
	[tilespmem:v20+s21+$0x0] =	vst.idx.add.f32.msk vm5, v14;
	vm5 =	vcmask $0x2320  }
0x298: {  	vm5 =	vmand vm2, vm5;
	[tilespmem:v20+s21+$0x0] =	vst.idx.add.f32.msk vm6, v14;
	vm6 =	vcmask $0x2724  }
0x299: {  	vm6 =	vmand vm2, vm6;
	[tilespmem:v20+s21+$0x0] =	vst.idx.add.f32.msk vm7, v14  }
0x29a: {  	vm7 =	vmand vm2, vm12;
	[tilespmem:v20+s21+$0x0] =	vst.idx.add.f32.msk vm8, v14;
	vm8 =	vcmask $0x2F2C  }
0x29b: {  	vm8 =	vmand vm2, vm8  }
0x29c: {  	[tilespmem:v20+s21+$0x0] =	vst.idx.add.f32.msk vm3, v14;
	vm3 =	vmand vm2, vm15  }
0x29d: {  	[tilespmem:v20+s21+$0x0] =	vst.idx.add.f32.msk vm4, v14;
	vm4 =	vmand vm2, vm14  }
0x29e: {  	s25 =	smov.u32 s24;
	s24 =	sadd.s32 $0x1, s24;
	[tilespmem:v20+s21+$0x0] =	vst.idx.add.f32.msk vm5, v14;
	vm5 =	vmand vm2, vm0  }
0x29f: {  	p1 =	sne.s32 s22, s24;
	[tilespmem:v20+s21+$0x0] =	vst.idx.add.f32.msk vm6, v14  }
.Ltmp30:
0x2a0: {  	[tilespmem:v20+s21+$0x0] =	vst.idx.add.f32.msk vm7, v14;
	(pc) =	sbr.rel @p1 .LBB2_32-.Ltmp30, $4  }
0x2a1: {  	[tilespmem:v20+s21+$0x0] =	vst.idx.add.f32.msk vm8, v14  }
0x2a2: {  	s7 =	sadd.s32 $0x10, s7;
	[tilespmem:v20+s21+$0x0] =	vst.idx.add.f32.msk vm3, v14  }
0x2a3: {  	s28 =	sadd.s32 s7, s30;
	[tilespmem:v20+s21+$0x0] =	vst.idx.add.f32.msk vm4, v14  }
0x2a4: {  	s23 =	smov.u32 s25;
	s11 =	sand.u32 $0x70, s7;
	s25 =	sand.u32 $0xFFFFFF80, s28;
	vm2 =	vmand vm2, vm1;
	[tilespmem:v20+s21+$0x0] =	vst.idx.add.f32.msk vm5, v14  }
0x2a5: {  	v21 =	vld [tilespmem:$0x1FFF0];
	_ =	sdelay $0x3  }
0x2a6: {  	vm14 =	vmmov vm9;
	vm15 =	vmmov vm13;
	vm9 =	vcmask $0xF0C  }
0x2a7: {  	s6 =	smov.u32 s23;
	vm13 =	vcmask $0x1714;
	vm1 =	vcmask $0x1F1C;
	vm0 =	vnez.u8 v21  }
.LBB2_34:
0x2a8: {  	_ =	sdelay $0x4  }
0x2a9: {  	s7 =	sor.u32 s11, s25;
	[tilespmem:v20+s21+$0x0] =	vst.idx.add.f32.msk @p0 vm2, v14  }
0x2aa: {  	v20 =	vld [tilespmem:s7+$0x12000];
	_ =	sdelay $0x4  }
0x2ab: {  	v18 =	vsub.s32 v20, v18  }
0x2ac: {  	v23 =	vmov s6;
	v21 =	vshll.u32 v20, $0x3;
	v18 =	vand.u32 $0xFFFFE000, v18  }
0x2ad: {  	v22 =	vshrl.u32 v20, $0x3;
	v17 =	vadd.s32 v17, v18;
	v18 =	vand.u32 $0x1C00, v21  }
0x2ae: {  	vm2 =	vlt.s32 v23, v19;
	v17 =	vor.u32 v18, v17;
	v18 =	vand.u32 $0x380, v22  }
0x2af: {  	vm3 =	vmand vm2, vm0;
	v19 =	vand.u32 $0x7F, v20;
	v17 =	vor.u32 v18, v17  }
0x2b0: {  	vm4 =	vmand vm2, vm10;
	v17 =	vor.u32 v19, v17  }
0x2b1: {  	vm5 =	vmand vm2, vm11  }
0x2b2: {  	vm6 =	vmand vm2, vm9  }
0x2b3: {  	vm7 =	vmand vm2, vm14  }
0x2b4: {  	vm8 =	vmand vm2, vm13  }
0x2b5: {  	[tilespmem:v17+s21+$0x0] =	vst.idx.add.f32.msk vm3, v14;
	vm3 =	vmand vm2, vm15  }
0x2b6: {  	[tilespmem:v17+s21+$0x0] =	vst.idx.add.f32.msk vm4, v14;
	vm4 =	vmand vm2, vm1;
	vm1 =	vcmask $0x2320  }
0x2b7: {  	[tilespmem:v17+s21+$0x0] =	vst.idx.add.f32.msk vm5, v14;
	vm5 =	vmand vm2, vm1;
	vm1 =	vcmask $0x2724  }
0x2b8: {  	[tilespmem:v17+s21+$0x0] =	vst.idx.add.f32.msk vm6, v14;
	vm6 =	vmand vm2, vm1  }
0x2b9: {  	[tilespmem:v17+s21+$0x0] =	vst.idx.add.f32.msk vm7, v14  }
0x2ba: {  	vm1 =	vcmask $0x2F2C;
	vm7 =	vmand vm2, vm12;
	[tilespmem:v17+s21+$0x0] =	vst.idx.add.f32.msk vm8, v14  }
0x2bb: {  	vm8 =	vmand vm2, vm1;
	vm1 =	vcmask $0x3330;
	[tilespmem:v17+s21+$0x0] =	vst.idx.add.f32.msk vm3, v14  }
0x2bc: {  	vm3 =	vmand vm2, vm1;
	vm1 =	vcmask $0x3734;
	[tilespmem:v17+s21+$0x0] =	vst.idx.add.f32.msk vm4, v14  }
0x2bd: {  	vm0 =	vcmask $0x3B38;
	vm4 =	vmand vm2, vm1;
	[tilespmem:v17+s21+$0x0] =	vst.idx.add.f32.msk vm5, v14  }
0x2be: {  	vm5 =	vmand vm2, vm0;
	[tilespmem:v17+s21+$0x0] =	vst.idx.add.f32.msk vm6, v14;
	vm6 =	vcmask $0x3F3C  }
0x2bf: {  	vm2 =	vmand vm2, vm6  }
0x2c0: {  	[tilespmem:v17+s21+$0x0] =	vst.idx.add.f32.msk vm7, v14  }
.Ltmp31:
0x2c1: {  	[tilespmem:v17+s21+$0x0] =	vst.idx.add.f32.msk vm8, v14;
	(pc) =	sbr.rel .LBB2_35-.Ltmp31, $4  }
0x2c2: {  	[tilespmem:v17+s21+$0x0] =	vst.idx.add.f32.msk vm3, v14  }
0x2c3: {  	[tilespmem:v17+s21+$0x0] =	vst.idx.add.f32.msk vm4, v14  }
0x2c4: {  	[tilespmem:v17+s21+$0x0] =	vst.idx.add.f32.msk vm5, v14  }
0x2c5: {  	vm1 =	vcmask $0x1F1C;
	[tilespmem:v17+s21+$0x0] =	vst.idx.add.f32.msk vm2, v14  }
.LBB2_18:
0x2c6: {  	v16 =	vmov s10  }
.LBB2_35:
0x2c7: {  	s23 =	sshll.u32 s0, $0x6  }
0x2c8: {  	s6 =	sshra.s32 s23, $0x2  }
0x2c9: {  	v18 =	vld [tilespmem:s6+$0x1E400];
	_ =	sdelay $0x4  }
0x2ca: {  	v17 =	vxor.u32 $0x80000000, v18  }
0x2cb: {  	(xrf0) =	vmax.scan.msk.u32 $0xffff, v17;
	_ =	sdelay $0x5  }
0x2cc: {  	v17, _, _ =	vpop (xrf0)  }
0x2cd: {  	(v2sf) =	vpush v17, $0xF;
	_ =	sdelay $0xe  }
0x2ce: {  	s28 =	spop (v2sf)  }
0x2cf: {  	s24 =	sxor.u32 $0x80000000, s28  }
0x2d0: {  	p0 =	slt.s32 s24, $0x1  }
.Ltmp32:
0x2d1: {  	_ = 	snop;
	(pc) =	sbr.rel @p0 .LBB2_43-.Ltmp32, $3  }
0x2d2: {  	_ =	sdelay $0x1  }
0x2d3: {  	s22 =	sshll.u32 s0, $0xF  }
0x2d4: {  	v16 =	vshll.u32 v16, $0xF;
	v17 =	vmov s22  }
0x2d5: {  	p1 =	sne.s32 s24, $0x1  }
.Ltmp33:
0x2d6: {  	_ = 	snop;
	(pc) =	sbr.rel @!p1 .LBB2_37-.Ltmp33, $3  }
0x2d7: {  	_ =	sdelay $0x1  }
0x2d8: {  	s6 =	simm.s32 $0x0;
	s25 =	simm.s32 $0x1;
	s7 =	sadd.s32 $0x0, s31  }
0x2d9: {  	p0 =	por $0x0, $0x0;
	s11 =	sand.u32 $0xFFFFFF80, s7;
	s28 =	sand.u32 $0x70, s6  }
0x2da: {  	s7 =	sor.u32 s28, s11  }
0x2db: {  	v19 =	vld [tilespmem:s7+$0x12000];
	_ =	sdelay $0x2  }
0x2dc: {  	v63 =	vld [tilespmem:$0x1FFF0];
	_ =	sdelay $0x1  }
0x2dd: {  	v23 =	vmov s6;
	v20 =	vsub.s32 v19, v17  }
0x2de: {  	vm2 =	vlt.s32 v23, v18;
	v21 =	vshll.u32 v19, $0x3;
	v20 =	vand.u32 $0xFFFFE000, v20  }
0x2df: {  	v22 =	vshrl.u32 v19, $0x3;
	v21 =	vand.u32 $0x1C00, v21;
	v20 =	vadd.s32 v16, v20  }
0x2e0: {  	vm0 =	vnez.u8 v63;
	v62 =	vand.u32 $0x380, v22;
	v20 =	vor.u32 v21, v20  }
0x2e1: {  	vm3 =	vmand vm2, vm0;
	v19 =	vand.u32 $0x7F, v19;
	v20 =	vor.u32 v62, v20  }
0x2e2: {  	vm4 =	vmand vm2, vm10;
	v19 =	vor.u32 v19, v20  }
0x2e3: {  	vm5 =	vmand vm2, vm11  }
0x2e4: {  	vm6 =	vmand vm2, vm9  }
0x2e5: {  	vm7 =	vmand vm2, vm14  }
0x2e6: {  	vm8 =	vmand vm2, vm13  }
0x2e7: {  	[tilespmem:v19+s21+$0x0] =	vst.idx.add.f32.msk vm3, v15;
	vm3 =	vmand vm2, vm15  }
0x2e8: {  	[tilespmem:v19+s21+$0x0] =	vst.idx.add.f32.msk vm4, v15;
	vm4 =	vmand vm2, vm1;
	vm1 =	vcmask $0x2320  }
0x2e9: {  	vm9 =	vcmask $0x2724;
	[tilespmem:v19+s21+$0x0] =	vst.idx.add.f32.msk vm5, v15;
	vm5 =	vmand vm2, vm1  }
0x2ea: {  	[tilespmem:v19+s21+$0x0] =	vst.idx.add.f32.msk vm6, v15;
	vm6 =	vmand vm2, vm9  }
0x2eb: {  	vm13 =	vcmask $0x2F2C;
	[tilespmem:v19+s21+$0x0] =	vst.idx.add.f32.msk vm7, v15;
	vm7 =	vmand vm2, vm12  }
0x2ec: {  	[tilespmem:v19+s21+$0x0] =	vst.idx.add.f32.msk vm8, v15;
	vm8 =	vmand vm2, vm13;
	vm13 =	vmmov vm15;
	vm15 =	vcmask $0x3330  }
0x2ed: {  	vm9 =	vmmov vm14;
	vm14 =	vcmask $0x3734;
	[tilespmem:v19+s21+$0x0] =	vst.idx.add.f32.msk vm3, v15;
	vm3 =	vmand vm2, vm15  }
0x2ee: {  	vm0 =	vcmask $0x3B38;
	[tilespmem:v19+s21+$0x0] =	vst.idx.add.f32.msk vm4, v15;
	vm4 =	vmand vm2, vm14  }
0x2ef: {  	[tilespmem:v19+s21+$0x0] =	vst.idx.add.f32.msk vm5, v15;
	vm5 =	vmand vm2, vm0  }
0x2f0: {  	p1 =	sne.s32 s24, $0x2;
	[tilespmem:v19+s21+$0x0] =	vst.idx.add.f32.msk vm6, v15  }
.Ltmp34:
0x2f1: {  	[tilespmem:v19+s21+$0x0] =	vst.idx.add.f32.msk vm7, v15;
	(pc) =	sbr.rel @!p1 .LBB2_39-.Ltmp34, $4  }
0x2f2: {  	[tilespmem:v19+s21+$0x0] =	vst.idx.add.f32.msk vm8, v15  }
0x2f3: {  	[tilespmem:v19+s21+$0x0] =	vst.idx.add.f32.msk vm3, v15  }
0x2f4: {  	s6 =	simm.s32 $0x10;
	s11 =	sadd.s32 $0x10, s31;
	p0 =	por $0x1, $0x1;
	vm1 =	vcmask $0x3F3C;
	[tilespmem:v19+s21+$0x0] =	vst.idx.add.f32.msk vm4, v15  }
0x2f5: {  	s7 =	simm.s32 $0x2;
	s11 =	sand.u32 $0xFFFFFF80, s11;
	s28 =	sand.u32 $0x70, s6;
	vm2 =	vmand vm2, vm1;
	[tilespmem:v19+s21+$0x0] =	vst.idx.add.f32.msk vm5, v15  }
.LBB2_40:
0x2f6: {  	_ =	sdelay $0x4  }
0x2f7: {  	s11 =	sor.u32 s28, s11;
	[tilespmem:v19+s21+$0x0] =	vst.idx.add.f32.msk vm2, v15  }
0x2f8: {  	v19 =	vld [tilespmem:s11+$0x12000];
	_ =	sdelay $0x2  }
0x2f9: {  	v63 =	vld [tilespmem:$0x1FFF0];
	_ =	sdelay $0x1  }
0x2fa: {  	v23 =	vmov s25;
	v20 =	vsub.s32 v19, v17  }
0x2fb: {  	vm2 =	vlt.s32 v23, v18;
	v21 =	vshll.u32 v19, $0x3;
	v20 =	vand.u32 $0xFFFFE000, v20  }
0x2fc: {  	v22 =	vshrl.u32 v19, $0x3;
	v21 =	vand.u32 $0x1C00, v21;
	v20 =	vadd.s32 v16, v20  }
0x2fd: {  	vm3 =	vnez.u8 v63;
	v62 =	vand.u32 $0x380, v22;
	v20 =	vor.u32 v21, v20  }
0x2fe: {  	vm3 =	vmand vm2, vm3;
	v19 =	vand.u32 $0x7F, v19;
	v20 =	vor.u32 v62, v20  }
0x2ff: {  	vm4 =	vmand vm2, vm10;
	v19 =	vor.u32 v19, v20  }
0x300: {  	vm6 =	vcmask $0xF0C;
	vm5 =	vmand vm2, vm11  }
0x301: {  	vm6 =	vmand vm2, vm6  }
0x302: {  	vm8 =	vcmask $0x1714;
	vm7 =	vmand vm2, vm9  }
0x303: {  	vm8 =	vmand vm2, vm8  }
0x304: {  	[tilespmem:v19+s21+$0x0] =	vst.idx.add.f32.msk vm3, v15  }
0x305: {  	vm3 =	vmand vm2, vm13;
	[tilespmem:v19+s21+$0x0] =	vst.idx.add.f32.msk vm4, v15;
	vm4 =	vcmask $0x1F1C  }
0x306: {  	vm4 =	vmand vm2, vm4;
	[tilespmem:v19+s21+$0x0] =	vst.idx.add.f32.msk vm5, v15;
	vm5 =	vcmask $0x2320  }
0x307: {  	vm5 =	vmand vm2, vm5;
	[tilespmem:v19+s21+$0x0] =	vst.idx.add.f32.msk vm6, v15;
	vm6 =	vcmask $0x2724  }
0x308: {  	vm6 =	vmand vm2, vm6;
	[tilespmem:v19+s21+$0x0] =	vst.idx.add.f32.msk vm7, v15  }
0x309: {  	vm7 =	vmand vm2, vm12;
	[tilespmem:v19+s21+$0x0] =	vst.idx.add.f32.msk vm8, v15;
	vm8 =	vcmask $0x2F2C  }
0x30a: {  	vm8 =	vmand vm2, vm8  }
0x30b: {  	[tilespmem:v19+s21+$0x0] =	vst.idx.add.f32.msk vm3, v15;
	vm3 =	vmand vm2, vm15  }
0x30c: {  	[tilespmem:v19+s21+$0x0] =	vst.idx.add.f32.msk vm4, v15;
	vm4 =	vmand vm2, vm14  }
0x30d: {  	s28 =	smov.u32 s7;
	s7 =	sadd.s32 $0x1, s7;
	[tilespmem:v19+s21+$0x0] =	vst.idx.add.f32.msk vm5, v15;
	vm5 =	vmand vm2, vm0  }
0x30e: {  	p1 =	sne.s32 s24, s7;
	[tilespmem:v19+s21+$0x0] =	vst.idx.add.f32.msk vm6, v15  }
.Ltmp35:
0x30f: {  	[tilespmem:v19+s21+$0x0] =	vst.idx.add.f32.msk vm7, v15;
	(pc) =	sbr.rel @p1 .LBB2_40-.Ltmp35, $4  }
0x310: {  	[tilespmem:v19+s21+$0x0] =	vst.idx.add.f32.msk vm8, v15  }
0x311: {  	s6 =	sadd.s32 $0x10, s6;
	[tilespmem:v19+s21+$0x0] =	vst.idx.add.f32.msk vm3, v15  }
0x312: {  	s11 =	sadd.s32 s6, s31;
	[tilespmem:v19+s21+$0x0] =	vst.idx.add.f32.msk vm4, v15  }
0x313: {  	s25 =	smov.u32 s28;
	s28 =	sand.u32 $0x70, s6;
	s11 =	sand.u32 $0xFFFFFF80, s11;
	vm2 =	vmand vm2, vm1;
	[tilespmem:v19+s21+$0x0] =	vst.idx.add.f32.msk vm5, v15  }
0x314: {  	v20 =	vld [tilespmem:$0x1FFF0];
	_ =	sdelay $0x3  }
0x315: {  	vm14 =	vmmov vm9;
	vm15 =	vmmov vm13;
	vm9 =	vcmask $0xF0C  }
0x316: {  	s6 =	smov.u32 s25;
	vm13 =	vcmask $0x1714;
	vm1 =	vcmask $0x1F1C;
	vm0 =	vnez.u8 v20  }
.LBB2_42:
0x317: {  	_ =	sdelay $0x4  }
0x318: {  	s7 =	sor.u32 s28, s11;
	[tilespmem:v19+s21+$0x0] =	vst.idx.add.f32.msk @p0 vm2, v15  }
0x319: {  	v19 =	vld [tilespmem:s7+$0x12000];
	_ =	sdelay $0x4  }
0x31a: {  	v20 =	vsub.s32 v19, v17  }
0x31b: {  	v23 =	vmov s6;
	v21 =	vshll.u32 v19, $0x3;
	v20 =	vand.u32 $0xFFFFE000, v20  }
0x31c: {  	v22 =	vshrl.u32 v19, $0x3;
	v21 =	vand.u32 $0x1C00, v21;
	v20 =	vadd.s32 v16, v20  }
0x31d: {  	vm2 =	vlt.s32 v23, v18;
	v63 =	vand.u32 $0x380, v22;
	v18 =	vor.u32 v21, v20  }
0x31e: {  	vm3 =	vmand vm2, vm0;
	v19 =	vand.u32 $0x7F, v19;
	v18 =	vor.u32 v63, v18  }
0x31f: {  	vm4 =	vmand vm2, vm10;
	v18 =	vor.u32 v19, v18  }
0x320: {  	vm5 =	vmand vm2, vm11  }
0x321: {  	vm6 =	vmand vm2, vm9  }
0x322: {  	vm7 =	vmand vm2, vm14  }
0x323: {  	vm8 =	vmand vm2, vm13  }
0x324: {  	[tilespmem:v18+s21+$0x0] =	vst.idx.add.f32.msk vm3, v15;
	vm3 =	vmand vm2, vm15  }
0x325: {  	[tilespmem:v18+s21+$0x0] =	vst.idx.add.f32.msk vm4, v15;
	vm4 =	vmand vm2, vm1;
	vm1 =	vcmask $0x2320  }
0x326: {  	[tilespmem:v18+s21+$0x0] =	vst.idx.add.f32.msk vm5, v15;
	vm5 =	vmand vm2, vm1;
	vm1 =	vcmask $0x2724  }
0x327: {  	[tilespmem:v18+s21+$0x0] =	vst.idx.add.f32.msk vm6, v15;
	vm6 =	vmand vm2, vm1  }
0x328: {  	[tilespmem:v18+s21+$0x0] =	vst.idx.add.f32.msk vm7, v15  }
0x329: {  	vm1 =	vcmask $0x2F2C;
	vm7 =	vmand vm2, vm12;
	[tilespmem:v18+s21+$0x0] =	vst.idx.add.f32.msk vm8, v15  }
0x32a: {  	vm8 =	vmand vm2, vm1;
	vm1 =	vcmask $0x3330;
	[tilespmem:v18+s21+$0x0] =	vst.idx.add.f32.msk vm3, v15  }
0x32b: {  	vm3 =	vmand vm2, vm1;
	vm1 =	vcmask $0x3734;
	[tilespmem:v18+s21+$0x0] =	vst.idx.add.f32.msk vm4, v15  }
0x32c: {  	vm0 =	vcmask $0x3B38;
	vm4 =	vmand vm2, vm1;
	[tilespmem:v18+s21+$0x0] =	vst.idx.add.f32.msk vm5, v15  }
0x32d: {  	vm5 =	vmand vm2, vm0;
	[tilespmem:v18+s21+$0x0] =	vst.idx.add.f32.msk vm6, v15;
	vm6 =	vcmask $0x3F3C  }
0x32e: {  	vm2 =	vmand vm2, vm6  }
0x32f: {  	[tilespmem:v18+s21+$0x0] =	vst.idx.add.f32.msk vm7, v15  }
0x330: {  	[tilespmem:v18+s21+$0x0] =	vst.idx.add.f32.msk vm8, v15  }
0x331: {  	[tilespmem:v18+s21+$0x0] =	vst.idx.add.f32.msk vm3, v15  }
0x332: {  	[tilespmem:v18+s21+$0x0] =	vst.idx.add.f32.msk vm4, v15  }
0x333: {  	[tilespmem:v18+s21+$0x0] =	vst.idx.add.f32.msk vm5, v15  }
0x334: {  	vm1 =	vcmask $0x1F1C;
	[tilespmem:v18+s21+$0x0] =	vst.idx.add.f32.msk vm2, v15  }
.LBB2_43:
0x335: {  	s6 =	sadd.s32 $0x1880, s23  }
0x336: {  	s6 =	sshra.s32 s6, $0x2  }
0x337: {  	v18 =	vld [tilespmem:s6+$0x1E400];
	_ =	sdelay $0x4  }
0x338: {  	v19 =	vxor.u32 $0x80000000, v18  }
0x339: {  	(xrf0) =	vmax.scan.msk.u32 $0xffff, v19;
	_ =	sdelay $0x5  }
0x33a: {  	v19, _, _ =	vpop (xrf0)  }
0x33b: {  	(v2sf) =	vpush v19, $0xF;
	_ =	sdelay $0xe  }
0x33c: {  	s28 =	spop (v2sf)  }
0x33d: {  	s23 =	sxor.u32 $0x80000000, s28  }
0x33e: {  	p0 =	slt.s32 s23, $0x1  }
.Ltmp36:
0x33f: {  	_ = 	snop;
	(pc) =	sbr.rel @p0 .LBB2_51-.Ltmp36, $1  }
0x340: {  	_ =	sdelay $0x3  }
0x341: {  	p1 =	sne.s32 s23, $0x1  }
.Ltmp37:
0x342: {  	_ = 	snop;
	(pc) =	sbr.rel @!p1 .LBB2_45-.Ltmp37, $3  }
0x343: {  	_ =	sdelay $0x1  }
0x344: {  	s6 =	simm.s32 $0x0;
	s24 =	simm.s32 $0x1;
	s7 =	sadd.s32 $0x0, s1  }
0x345: {  	p0 =	por $0x0, $0x0;
	s11 =	sand.u32 $0xFFFFFF80, s7;
	s25 =	sand.u32 $0x70, s6  }
0x346: {  	s7 =	sor.u32 s25, s11  }
0x347: {  	v19 =	vld [tilespmem:s7+$0x12000];
	_ =	sdelay $0x2  }
0x348: {  	v63 =	vld [tilespmem:$0x1FFF0];
	_ =	sdelay $0x1  }
0x349: {  	v23 =	vmov s6;
	v20 =	vsub.s32 v19, v17  }
0x34a: {  	vm2 =	vlt.s32 v23, v18;
	v21 =	vshll.u32 v19, $0x3;
	v20 =	vand.u32 $0xFFFFE000, v20  }
0x34b: {  	v22 =	vshrl.u32 v19, $0x3;
	v21 =	vand.u32 $0x1C00, v21;
	v20 =	vadd.s32 v16, v20  }
0x34c: {  	vm0 =	vnez.u8 v63;
	v62 =	vand.u32 $0x380, v22;
	v20 =	vor.u32 v21, v20  }
0x34d: {  	vm3 =	vmand vm2, vm0;
	v19 =	vand.u32 $0x7F, v19;
	v20 =	vor.u32 v62, v20  }
0x34e: {  	vm4 =	vmand vm2, vm10;
	v19 =	vor.u32 v19, v20  }
0x34f: {  	vm5 =	vmand vm2, vm11  }
0x350: {  	vm6 =	vmand vm2, vm9  }
0x351: {  	vm7 =	vmand vm2, vm14  }
0x352: {  	vm8 =	vmand vm2, vm13  }
0x353: {  	[tilespmem:v19+s21+$0x0] =	vst.idx.add.f32.msk vm3, v15;
	vm3 =	vmand vm2, vm15  }
0x354: {  	[tilespmem:v19+s21+$0x0] =	vst.idx.add.f32.msk vm4, v15;
	vm4 =	vmand vm2, vm1;
	vm1 =	vcmask $0x2320  }
0x355: {  	vm9 =	vcmask $0x2724;
	[tilespmem:v19+s21+$0x0] =	vst.idx.add.f32.msk vm5, v15;
	vm5 =	vmand vm2, vm1  }
0x356: {  	[tilespmem:v19+s21+$0x0] =	vst.idx.add.f32.msk vm6, v15;
	vm6 =	vmand vm2, vm9  }
0x357: {  	vm13 =	vcmask $0x2F2C;
	[tilespmem:v19+s21+$0x0] =	vst.idx.add.f32.msk vm7, v15;
	vm7 =	vmand vm2, vm12  }
0x358: {  	[tilespmem:v19+s21+$0x0] =	vst.idx.add.f32.msk vm8, v15;
	vm8 =	vmand vm2, vm13;
	vm13 =	vmmov vm15;
	vm15 =	vcmask $0x3330  }
0x359: {  	vm9 =	vmmov vm14;
	vm14 =	vcmask $0x3734;
	[tilespmem:v19+s21+$0x0] =	vst.idx.add.f32.msk vm3, v15;
	vm3 =	vmand vm2, vm15  }
0x35a: {  	vm0 =	vcmask $0x3B38;
	[tilespmem:v19+s21+$0x0] =	vst.idx.add.f32.msk vm4, v15;
	vm4 =	vmand vm2, vm14  }
0x35b: {  	[tilespmem:v19+s21+$0x0] =	vst.idx.add.f32.msk vm5, v15;
	vm5 =	vmand vm2, vm0  }
0x35c: {  	p1 =	sne.s32 s23, $0x2;
	[tilespmem:v19+s21+$0x0] =	vst.idx.add.f32.msk vm6, v15  }
.Ltmp38:
0x35d: {  	[tilespmem:v19+s21+$0x0] =	vst.idx.add.f32.msk vm7, v15;
	(pc) =	sbr.rel @!p1 .LBB2_47-.Ltmp38, $4  }
0x35e: {  	[tilespmem:v19+s21+$0x0] =	vst.idx.add.f32.msk vm8, v15  }
0x35f: {  	[tilespmem:v19+s21+$0x0] =	vst.idx.add.f32.msk vm3, v15  }
0x360: {  	s6 =	simm.s32 $0x10;
	s28 =	sadd.s32 $0x10, s1;
	p0 =	por $0x1, $0x1;
	vm1 =	vcmask $0x3F3C;
	[tilespmem:v19+s21+$0x0] =	vst.idx.add.f32.msk vm4, v15  }
0x361: {  	s7 =	simm.s32 $0x2;
	s11 =	sand.u32 $0xFFFFFF80, s28;
	s25 =	sand.u32 $0x70, s6;
	vm2 =	vmand vm2, vm1;
	[tilespmem:v19+s21+$0x0] =	vst.idx.add.f32.msk vm5, v15  }
.LBB2_48:
0x362: {  	_ =	sdelay $0x4  }
0x363: {  	s11 =	sor.u32 s25, s11;
	[tilespmem:v19+s21+$0x0] =	vst.idx.add.f32.msk vm2, v15  }
0x364: {  	v19 =	vld [tilespmem:s11+$0x12000];
	_ =	sdelay $0x2  }
0x365: {  	v63 =	vld [tilespmem:$0x1FFF0];
	_ =	sdelay $0x1  }
0x366: {  	v23 =	vmov s24;
	v20 =	vsub.s32 v19, v17  }
0x367: {  	vm2 =	vlt.s32 v23, v18;
	v21 =	vshll.u32 v19, $0x3;
	v20 =	vand.u32 $0xFFFFE000, v20  }
0x368: {  	v22 =	vshrl.u32 v19, $0x3;
	v21 =	vand.u32 $0x1C00, v21;
	v20 =	vadd.s32 v16, v20  }
0x369: {  	vm3 =	vnez.u8 v63;
	v62 =	vand.u32 $0x380, v22;
	v20 =	vor.u32 v21, v20  }
0x36a: {  	vm3 =	vmand vm2, vm3;
	v19 =	vand.u32 $0x7F, v19;
	v20 =	vor.u32 v62, v20  }
0x36b: {  	vm4 =	vmand vm2, vm10;
	v19 =	vor.u32 v19, v20  }
0x36c: {  	vm6 =	vcmask $0xF0C;
	vm5 =	vmand vm2, vm11  }
0x36d: {  	vm6 =	vmand vm2, vm6  }
0x36e: {  	vm8 =	vcmask $0x1714;
	vm7 =	vmand vm2, vm9  }
0x36f: {  	vm8 =	vmand vm2, vm8  }
0x370: {  	[tilespmem:v19+s21+$0x0] =	vst.idx.add.f32.msk vm3, v15  }
0x371: {  	vm3 =	vmand vm2, vm13;
	[tilespmem:v19+s21+$0x0] =	vst.idx.add.f32.msk vm4, v15;
	vm4 =	vcmask $0x1F1C  }
0x372: {  	vm4 =	vmand vm2, vm4;
	[tilespmem:v19+s21+$0x0] =	vst.idx.add.f32.msk vm5, v15;
	vm5 =	vcmask $0x2320  }
0x373: {  	vm5 =	vmand vm2, vm5;
	[tilespmem:v19+s21+$0x0] =	vst.idx.add.f32.msk vm6, v15;
	vm6 =	vcmask $0x2724  }
0x374: {  	vm6 =	vmand vm2, vm6;
	[tilespmem:v19+s21+$0x0] =	vst.idx.add.f32.msk vm7, v15  }
0x375: {  	vm7 =	vmand vm2, vm12;
	[tilespmem:v19+s21+$0x0] =	vst.idx.add.f32.msk vm8, v15;
	vm8 =	vcmask $0x2F2C  }
0x376: {  	vm8 =	vmand vm2, vm8  }
0x377: {  	[tilespmem:v19+s21+$0x0] =	vst.idx.add.f32.msk vm3, v15;
	vm3 =	vmand vm2, vm15  }
0x378: {  	[tilespmem:v19+s21+$0x0] =	vst.idx.add.f32.msk vm4, v15;
	vm4 =	vmand vm2, vm14  }
0x379: {  	s28 =	smov.u32 s7;
	s7 =	sadd.s32 $0x1, s7;
	[tilespmem:v19+s21+$0x0] =	vst.idx.add.f32.msk vm5, v15;
	vm5 =	vmand vm2, vm0  }
0x37a: {  	p1 =	sne.s32 s23, s7;
	[tilespmem:v19+s21+$0x0] =	vst.idx.add.f32.msk vm6, v15  }
.Ltmp39:
0x37b: {  	[tilespmem:v19+s21+$0x0] =	vst.idx.add.f32.msk vm7, v15;
	(pc) =	sbr.rel @p1 .LBB2_48-.Ltmp39, $4  }
0x37c: {  	[tilespmem:v19+s21+$0x0] =	vst.idx.add.f32.msk vm8, v15  }
0x37d: {  	s6 =	sadd.s32 $0x10, s6;
	[tilespmem:v19+s21+$0x0] =	vst.idx.add.f32.msk vm3, v15  }
0x37e: {  	s24 =	smov.u32 s28;
	s28 =	sadd.s32 s6, s1;
	[tilespmem:v19+s21+$0x0] =	vst.idx.add.f32.msk vm4, v15  }
0x37f: {  	s25 =	sand.u32 $0x70, s6;
	s11 =	sand.u32 $0xFFFFFF80, s28;
	vm2 =	vmand vm2, vm1;
	[tilespmem:v19+s21+$0x0] =	vst.idx.add.f32.msk vm5, v15  }
0x380: {  	v20 =	vld [tilespmem:$0x1FFF0]  }
.Ltmp40:
0x381: {  	_ = 	snop;
	(pc) =	sbr.rel .LBB2_50-.Ltmp40, $3  }
0x382: {  	_ =	sdelay $0x1  }
0x383: {  	vm14 =	vmmov vm9;
	vm15 =	vmmov vm13;
	vm9 =	vcmask $0xF0C  }
0x384: {  	s6 =	smov.u32 s24;
	vm13 =	vcmask $0x1714;
	vm1 =	vcmask $0x1F1C;
	vm0 =	vnez.u8 v20  }
.LBB2_37:
0x385: {  	v20 =	vld [tilespmem:$0x1FFF0]  }
.Ltmp41:
0x386: {  	_ = 	snop;
	(pc) =	sbr.rel .LBB2_42-.Ltmp41, $2  }
0x387: {  	_ =	sdelay $0x2  }
0x388: {  	vm0 =	vnez.u8 v20  }
.LBB2_39:
0x389: {  	v20 =	vld [tilespmem:$0x1FFF0]  }
.Ltmp42:
0x38a: {  	_ = 	snop;
	(pc) =	sbr.rel .LBB2_42-.Ltmp42, $3  }
0x38b: {  	_ =	sdelay $0x1  }
0x38c: {  	vm14 =	vmmov vm9;
	vm15 =	vmmov vm13;
	vm9 =	vcmask $0xF0C  }
0x38d: {  	s6 =	simm.s32 $0x1;
	vm13 =	vcmask $0x1714;
	vm1 =	vcmask $0x1F1C;
	vm0 =	vnez.u8 v20  }
.LBB2_47:
0x38e: {  	v20 =	vld [tilespmem:$0x1FFF0]  }
.Ltmp43:
0x38f: {  	_ = 	snop;
	(pc) =	sbr.rel .LBB2_50-.Ltmp43, $3  }
0x390: {  	_ =	sdelay $0x1  }
0x391: {  	vm14 =	vmmov vm9;
	vm15 =	vmmov vm13;
	vm9 =	vcmask $0xF0C  }
0x392: {  	s6 =	simm.s32 $0x1;
	vm13 =	vcmask $0x1714;
	vm1 =	vcmask $0x1F1C;
	vm0 =	vnez.u8 v20  }
.LBB2_21:
0x393: {  	v21 =	vld [tilespmem:$0x1FFF0]  }
.Ltmp44:
0x394: {  	_ = 	snop;
	(pc) =	sbr.rel .LBB2_26-.Ltmp44, $2  }
0x395: {  	_ =	sdelay $0x2  }
0x396: {  	vm0 =	vnez.u8 v21  }
.LBB2_29:
0x397: {  	v21 =	vld [tilespmem:$0x1FFF0]  }
.Ltmp45:
0x398: {  	_ = 	snop;
	(pc) =	sbr.rel .LBB2_34-.Ltmp45, $2  }
0x399: {  	_ =	sdelay $0x2  }
0x39a: {  	vm0 =	vnez.u8 v21  }
.LBB2_23:
0x39b: {  	v21 =	vld [tilespmem:$0x1FFF0]  }
.Ltmp46:
0x39c: {  	_ = 	snop;
	(pc) =	sbr.rel .LBB2_26-.Ltmp46, $3  }
0x39d: {  	_ =	sdelay $0x1  }
0x39e: {  	vm14 =	vmmov vm1;
	vm15 =	vmmov vm9;
	vm9 =	vcmask $0xF0C  }
0x39f: {  	s6 =	simm.s32 $0x1;
	vm13 =	vcmask $0x1714;
	vm1 =	vcmask $0x1F1C;
	vm0 =	vnez.u8 v21  }
.LBB2_31:
0x3a0: {  	v21 =	vld [tilespmem:$0x1FFF0]  }
.Ltmp47:
0x3a1: {  	_ = 	snop;
	(pc) =	sbr.rel .LBB2_34-.Ltmp47, $3  }
0x3a2: {  	_ =	sdelay $0x1  }
0x3a3: {  	vm14 =	vmmov vm9;
	vm15 =	vmmov vm13;
	vm9 =	vcmask $0xF0C  }
0x3a4: {  	s6 =	simm.s32 $0x1;
	vm13 =	vcmask $0x1714;
	vm1 =	vcmask $0x1F1C;
	vm0 =	vnez.u8 v21  }
.LBB2_52:
0x3a5: {  	_ =	swait.ge [sflag:s20], $0x8000  }
0x3a6: {  	[sflag:s20] =	ssyncset.done $0x0  }
0x3a7: {  	s0 =	rddreg [dreg:$0x7];
	[sflag:s20] =	ssyncadd.s32 $0xFFFF8000  }
0x3a8: {  	v16 =	vld [tilespmem:s0+$0x1E400];
	_ =	sdelay $0x4  }
0x3a9: {  	v17 =	vxor.u32 $0x80000000, v16  }
0x3aa: {  	(xrf0) =	vmax.scan.msk.u32 $0xffff, v17;
	_ =	sdelay $0x5  }
0x3ab: {  	v17, _, _ =	vpop (xrf0)  }
0x3ac: {  	(v2sf) =	vpush v17, $0xF;
	_ =	sdelay $0xe  }
0x3ad: {  	s31 =	spop (v2sf)  }
0x3ae: {  	s0 =	sxor.u32 $0x80000000, s31  }
0x3af: {  	p0 =	slt.s32 s0, $0x1  }
.Ltmp48:
0x3b0: {  	_ = 	snop;
	(pc) =	sbr.rel @p0 .LBB2_60-.Ltmp48, $4  }
0x3b1: {  	_ = 	snop  }
0x3b2: {  	s25 =	rddreg [dreg:$0x3]  }
0x3b3: {  	s28 =	rddreg [dreg:$0x6]  }
0x3b4: {  	s6 =	simm.s32 $0x0;
	s29 =	rddreg [dreg:$0xb]  }
0x3b5: {  	p1 =	sne.s32 s0, $0x1  }
.Ltmp49:
0x3b6: {  	_ = 	snop;
	(pc) =	sbr.rel @!p1 .LBB2_54-.Ltmp49, $3  }
0x3b7: {  	_ =	sdelay $0x1  }
0x3b8: {  	s1 =	simm.s32 $0x1;
	s7 =	sadd.s32 $0x0, s12  }
0x3b9: {  	s11 =	sand.u32 $0x70, s6;
	p0 =	por $0x0, $0x0;
	s10 =	sand.u32 $0xFFFFFF80, s7  }
0x3ba: {  	s7 =	sor.u32 s11, s10  }
0x3bb: {  	v17 =	vld [tilespmem:s7+$0x12000];
	_ =	sdelay $0x2  }
0x3bc: {  	v63 =	vld [tilespmem:$0x1FFF0];
	_ =	sdelay $0x1  }
0x3bd: {  	v21 =	vmov s6;
	v18 =	vsub.s32 v17, v5  }
0x3be: {  	vm2 =	vlt.s32 v21, v16;
	v19 =	vshll.u32 v17, $0x3;
	v18 =	vand.u32 $0xFFFFE000, v18  }
0x3bf: {  	v20 =	vshrl.u32 v17, $0x3;
	v19 =	vand.u32 $0x1C00, v19;
	v18 =	vadd.s32 v6, v18  }
0x3c0: {  	vm0 =	vnez.u8 v63;
	v18 =	vor.u32 v19, v18;
	v19 =	vand.u32 $0x380, v20  }
0x3c1: {  	vm3 =	vmand vm2, vm0;
	v17 =	vand.u32 $0x7F, v17;
	v18 =	vor.u32 v19, v18  }
0x3c2: {  	vm4 =	vmand vm2, vm10;
	v17 =	vor.u32 v17, v18  }
0x3c3: {  	vm5 =	vmand vm2, vm11  }
0x3c4: {  	vm6 =	vmand vm2, vm9  }
0x3c5: {  	vm7 =	vmand vm2, vm14  }
0x3c6: {  	vm8 =	vmand vm2, vm13  }
0x3c7: {  	[tilespmem:v17+s21+$0x0] =	vst.idx.add.f32.msk vm3, v14;
	vm3 =	vmand vm2, vm15  }
0x3c8: {  	[tilespmem:v17+s21+$0x0] =	vst.idx.add.f32.msk vm4, v14;
	vm4 =	vmand vm2, vm1;
	vm1 =	vcmask $0x2320  }
0x3c9: {  	vm9 =	vcmask $0x2724;
	[tilespmem:v17+s21+$0x0] =	vst.idx.add.f32.msk vm5, v14;
	vm5 =	vmand vm2, vm1  }
0x3ca: {  	[tilespmem:v17+s21+$0x0] =	vst.idx.add.f32.msk vm6, v14;
	vm6 =	vmand vm2, vm9  }
0x3cb: {  	vm13 =	vcmask $0x2F2C;
	[tilespmem:v17+s21+$0x0] =	vst.idx.add.f32.msk vm7, v14;
	vm7 =	vmand vm2, vm12  }
0x3cc: {  	[tilespmem:v17+s21+$0x0] =	vst.idx.add.f32.msk vm8, v14;
	vm8 =	vmand vm2, vm13;
	vm13 =	vmmov vm15;
	vm15 =	vcmask $0x3330  }
0x3cd: {  	vm9 =	vmmov vm14;
	vm14 =	vcmask $0x3734;
	[tilespmem:v17+s21+$0x0] =	vst.idx.add.f32.msk vm3, v14;
	vm3 =	vmand vm2, vm15  }
0x3ce: {  	vm0 =	vcmask $0x3B38;
	[tilespmem:v17+s21+$0x0] =	vst.idx.add.f32.msk vm4, v14;
	vm4 =	vmand vm2, vm14  }
0x3cf: {  	[tilespmem:v17+s21+$0x0] =	vst.idx.add.f32.msk vm5, v14;
	vm5 =	vmand vm2, vm0  }
0x3d0: {  	p1 =	sne.s32 s0, $0x2;
	[tilespmem:v17+s21+$0x0] =	vst.idx.add.f32.msk vm6, v14  }
.Ltmp50:
0x3d1: {  	[tilespmem:v17+s21+$0x0] =	vst.idx.add.f32.msk vm7, v14;
	(pc) =	sbr.rel @!p1 .LBB2_56-.Ltmp50, $4  }
0x3d2: {  	[tilespmem:v17+s21+$0x0] =	vst.idx.add.f32.msk vm8, v14  }
0x3d3: {  	[tilespmem:v17+s21+$0x0] =	vst.idx.add.f32.msk vm3, v14  }
0x3d4: {  	s6 =	simm.s32 $0x10;
	s31 =	sadd.s32 $0x10, s12;
	p0 =	por $0x1, $0x1;
	vm1 =	vcmask $0x3F3C;
	[tilespmem:v17+s21+$0x0] =	vst.idx.add.f32.msk vm4, v14  }
0x3d5: {  	s7 =	simm.s32 $0x2;
	s10 =	sand.u32 $0xFFFFFF80, s31;
	s11 =	sand.u32 $0x70, s6;
	vm2 =	vmand vm2, vm1;
	[tilespmem:v17+s21+$0x0] =	vst.idx.add.f32.msk vm5, v14  }
.LBB2_57:
0x3d6: {  	_ =	sdelay $0x4  }
0x3d7: {  	s10 =	sor.u32 s11, s10;
	[tilespmem:v17+s21+$0x0] =	vst.idx.add.f32.msk vm2, v14  }
0x3d8: {  	v17 =	vld [tilespmem:s10+$0x12000];
	_ =	sdelay $0x2  }
0x3d9: {  	v63 =	vld [tilespmem:$0x1FFF0];
	_ =	sdelay $0x1  }
0x3da: {  	v21 =	vmov s1;
	v18 =	vsub.s32 v17, v5  }
0x3db: {  	vm2 =	vlt.s32 v21, v16;
	v19 =	vshll.u32 v17, $0x3;
	v18 =	vand.u32 $0xFFFFE000, v18  }
0x3dc: {  	v20 =	vshrl.u32 v17, $0x3;
	v19 =	vand.u32 $0x1C00, v19;
	v18 =	vadd.s32 v6, v18  }
0x3dd: {  	vm3 =	vnez.u8 v63;
	v18 =	vor.u32 v19, v18;
	v19 =	vand.u32 $0x380, v20  }
0x3de: {  	vm3 =	vmand vm2, vm3;
	v17 =	vand.u32 $0x7F, v17;
	v18 =	vor.u32 v19, v18  }
0x3df: {  	vm4 =	vmand vm2, vm10;
	v17 =	vor.u32 v17, v18  }
0x3e0: {  	vm6 =	vcmask $0xF0C;
	vm5 =	vmand vm2, vm11  }
0x3e1: {  	vm6 =	vmand vm2, vm6  }
0x3e2: {  	vm8 =	vcmask $0x1714;
	vm7 =	vmand vm2, vm9  }
0x3e3: {  	vm8 =	vmand vm2, vm8  }
0x3e4: {  	[tilespmem:v17+s21+$0x0] =	vst.idx.add.f32.msk vm3, v14  }
0x3e5: {  	vm3 =	vmand vm2, vm13;
	[tilespmem:v17+s21+$0x0] =	vst.idx.add.f32.msk vm4, v14;
	vm4 =	vcmask $0x1F1C  }
0x3e6: {  	vm4 =	vmand vm2, vm4;
	[tilespmem:v17+s21+$0x0] =	vst.idx.add.f32.msk vm5, v14;
	vm5 =	vcmask $0x2320  }
0x3e7: {  	vm5 =	vmand vm2, vm5;
	[tilespmem:v17+s21+$0x0] =	vst.idx.add.f32.msk vm6, v14;
	vm6 =	vcmask $0x2724  }
0x3e8: {  	vm6 =	vmand vm2, vm6;
	[tilespmem:v17+s21+$0x0] =	vst.idx.add.f32.msk vm7, v14  }
0x3e9: {  	vm7 =	vmand vm2, vm12;
	[tilespmem:v17+s21+$0x0] =	vst.idx.add.f32.msk vm8, v14;
	vm8 =	vcmask $0x2F2C  }
0x3ea: {  	vm8 =	vmand vm2, vm8  }
0x3eb: {  	[tilespmem:v17+s21+$0x0] =	vst.idx.add.f32.msk vm3, v14;
	vm3 =	vmand vm2, vm15  }
0x3ec: {  	[tilespmem:v17+s21+$0x0] =	vst.idx.add.f32.msk vm4, v14;
	vm4 =	vmand vm2, vm14  }
0x3ed: {  	s30 =	smov.u32 s7;
	s7 =	sadd.s32 $0x1, s7;
	[tilespmem:v17+s21+$0x0] =	vst.idx.add.f32.msk vm5, v14;
	vm5 =	vmand vm2, vm0  }
0x3ee: {  	p1 =	sne.s32 s0, s7;
	[tilespmem:v17+s21+$0x0] =	vst.idx.add.f32.msk vm6, v14  }
.Ltmp51:
0x3ef: {  	[tilespmem:v17+s21+$0x0] =	vst.idx.add.f32.msk vm7, v14;
	(pc) =	sbr.rel @p1 .LBB2_57-.Ltmp51, $4  }
0x3f0: {  	[tilespmem:v17+s21+$0x0] =	vst.idx.add.f32.msk vm8, v14  }
0x3f1: {  	s6 =	sadd.s32 $0x10, s6;
	[tilespmem:v17+s21+$0x0] =	vst.idx.add.f32.msk vm3, v14  }
0x3f2: {  	s31 =	sadd.s32 s6, s12;
	[tilespmem:v17+s21+$0x0] =	vst.idx.add.f32.msk vm4, v14  }
0x3f3: {  	s1 =	smov.u32 s30;
	s11 =	sand.u32 $0x70, s6;
	s10 =	sand.u32 $0xFFFFFF80, s31;
	vm2 =	vmand vm2, vm1;
	[tilespmem:v17+s21+$0x0] =	vst.idx.add.f32.msk vm5, v14  }
0x3f4: {  	v18 =	vld [tilespmem:$0x1FFF0];
	_ =	sdelay $0x3  }
0x3f5: {  	vm14 =	vmmov vm9;
	vm15 =	vmmov vm13;
	vm9 =	vcmask $0xF0C  }
0x3f6: {  	s6 =	smov.u32 s1;
	vm13 =	vcmask $0x1714;
	vm1 =	vcmask $0x1F1C;
	vm0 =	vnez.u8 v18  }
.LBB2_59:
0x3f7: {  	_ =	sdelay $0x4  }
0x3f8: {  	s0 =	sor.u32 s11, s10;
	[tilespmem:v17+s21+$0x0] =	vst.idx.add.f32.msk @p0 vm2, v14  }
0x3f9: {  	v17 =	vld [tilespmem:s0+$0x12000];
	_ =	sdelay $0x4  }
0x3fa: {  	v18 =	vsub.s32 v17, v5  }
0x3fb: {  	v21 =	vmov s6;
	v19 =	vshll.u32 v17, $0x3;
	v18 =	vand.u32 $0xFFFFE000, v18  }
0x3fc: {  	v20 =	vshrl.u32 v17, $0x3;
	v19 =	vand.u32 $0x1C00, v19;
	v18 =	vadd.s32 v6, v18  }
0x3fd: {  	vm2 =	vlt.s32 v21, v16;
	v63 =	vand.u32 $0x380, v20;
	v16 =	vor.u32 v19, v18  }
0x3fe: {  	vm3 =	vmand vm2, vm0;
	v17 =	vand.u32 $0x7F, v17;
	v16 =	vor.u32 v63, v16  }
0x3ff: {  	vm4 =	vmand vm2, vm10;
	v16 =	vor.u32 v17, v16  }
0x400: {  	vm5 =	vmand vm2, vm11  }
0x401: {  	vm6 =	vmand vm2, vm9  }
0x402: {  	vm7 =	vmand vm2, vm14  }
0x403: {  	vm8 =	vmand vm2, vm13  }
0x404: {  	[tilespmem:v16+s21+$0x0] =	vst.idx.add.f32.msk vm3, v14;
	vm3 =	vmand vm2, vm15  }
0x405: {  	[tilespmem:v16+s21+$0x0] =	vst.idx.add.f32.msk vm4, v14;
	vm4 =	vmand vm2, vm1;
	vm1 =	vcmask $0x2320  }
0x406: {  	[tilespmem:v16+s21+$0x0] =	vst.idx.add.f32.msk vm5, v14;
	vm5 =	vmand vm2, vm1;
	vm1 =	vcmask $0x2724  }
0x407: {  	[tilespmem:v16+s21+$0x0] =	vst.idx.add.f32.msk vm6, v14;
	vm6 =	vmand vm2, vm1  }
0x408: {  	[tilespmem:v16+s21+$0x0] =	vst.idx.add.f32.msk vm7, v14  }
0x409: {  	vm1 =	vcmask $0x2F2C;
	vm7 =	vmand vm2, vm12;
	[tilespmem:v16+s21+$0x0] =	vst.idx.add.f32.msk vm8, v14  }
0x40a: {  	vm8 =	vmand vm2, vm1;
	vm1 =	vcmask $0x3330;
	[tilespmem:v16+s21+$0x0] =	vst.idx.add.f32.msk vm3, v14  }
0x40b: {  	vm3 =	vmand vm2, vm1;
	vm1 =	vcmask $0x3734;
	[tilespmem:v16+s21+$0x0] =	vst.idx.add.f32.msk vm4, v14  }
0x40c: {  	vm0 =	vcmask $0x3B38;
	vm4 =	vmand vm2, vm1;
	[tilespmem:v16+s21+$0x0] =	vst.idx.add.f32.msk vm5, v14  }
0x40d: {  	vm5 =	vmand vm2, vm0;
	[tilespmem:v16+s21+$0x0] =	vst.idx.add.f32.msk vm6, v14;
	vm6 =	vcmask $0x3F3C  }
0x40e: {  	vm2 =	vmand vm2, vm6  }
0x40f: {  	[tilespmem:v16+s21+$0x0] =	vst.idx.add.f32.msk vm7, v14  }
0x410: {  	[tilespmem:v16+s21+$0x0] =	vst.idx.add.f32.msk vm8, v14  }
0x411: {  	[tilespmem:v16+s21+$0x0] =	vst.idx.add.f32.msk vm3, v14  }
0x412: {  	[tilespmem:v16+s21+$0x0] =	vst.idx.add.f32.msk vm4, v14  }
0x413: {  	[tilespmem:v16+s21+$0x0] =	vst.idx.add.f32.msk vm5, v14  }
0x414: {  	vm1 =	vcmask $0x1F1C;
	[tilespmem:v16+s21+$0x0] =	vst.idx.add.f32.msk vm2, v14  }
.LBB2_60:
0x415: {  	s0 =	rddreg [dreg:$0x8]  }
0x416: {  	v16 =	vld [tilespmem:s0+$0x1E400];
	_ =	sdelay $0x4  }
0x417: {  	v17 =	vxor.u32 $0x80000000, v16  }
0x418: {  	(xrf0) =	vmax.scan.msk.u32 $0xffff, v17;
	_ =	sdelay $0x5  }
0x419: {  	v17, _, _ =	vpop (xrf0)  }
0x41a: {  	(v2sf) =	vpush v17, $0xF;
	_ =	sdelay $0xe  }
0x41b: {  	s31 =	spop (v2sf)  }
0x41c: {  	s0 =	sxor.u32 $0x80000000, s31  }
0x41d: {  	p0 =	slt.s32 s0, $0x1  }
.Ltmp52:
0x41e: {  	_ = 	snop;
	(pc) =	sbr.rel @p0 .LBB2_68-.Ltmp52, $2  }
0x41f: {  	_ =	sdelay $0x2  }
0x420: {  	s6 =	simm.s32 $0x0  }
0x421: {  	p1 =	sne.s32 s0, $0x1  }
.Ltmp53:
0x422: {  	_ = 	snop;
	(pc) =	sbr.rel @!p1 .LBB2_62-.Ltmp53, $3  }
0x423: {  	_ =	sdelay $0x1  }
0x424: {  	s1 =	simm.s32 $0x1;
	s7 =	sadd.s32 $0x0, s13  }
0x425: {  	s11 =	sand.u32 $0x70, s6;
	p0 =	por $0x0, $0x0;
	s10 =	sand.u32 $0xFFFFFF80, s7  }
0x426: {  	s7 =	sor.u32 s11, s10  }
0x427: {  	v17 =	vld [tilespmem:s7+$0x12000];
	_ =	sdelay $0x2  }
0x428: {  	v63 =	vld [tilespmem:$0x1FFF0];
	_ =	sdelay $0x1  }
0x429: {  	v21 =	vmov s6;
	v18 =	vsub.s32 v17, v5  }
0x42a: {  	vm2 =	vlt.s32 v21, v16;
	v19 =	vshll.u32 v17, $0x3;
	v18 =	vand.u32 $0xFFFFE000, v18  }
0x42b: {  	v20 =	vshrl.u32 v17, $0x3;
	v19 =	vand.u32 $0x1C00, v19;
	v18 =	vadd.s32 v6, v18  }
0x42c: {  	vm0 =	vnez.u8 v63;
	v18 =	vor.u32 v19, v18;
	v19 =	vand.u32 $0x380, v20  }
0x42d: {  	vm3 =	vmand vm2, vm0;
	v17 =	vand.u32 $0x7F, v17;
	v18 =	vor.u32 v19, v18  }
0x42e: {  	vm4 =	vmand vm2, vm10;
	v17 =	vor.u32 v17, v18  }
0x42f: {  	vm5 =	vmand vm2, vm11  }
0x430: {  	vm6 =	vmand vm2, vm9  }
0x431: {  	vm7 =	vmand vm2, vm14  }
0x432: {  	vm8 =	vmand vm2, vm13  }
0x433: {  	[tilespmem:v17+s21+$0x0] =	vst.idx.add.f32.msk vm3, v14;
	vm3 =	vmand vm2, vm15  }
0x434: {  	[tilespmem:v17+s21+$0x0] =	vst.idx.add.f32.msk vm4, v14;
	vm4 =	vmand vm2, vm1;
	vm1 =	vcmask $0x2320  }
0x435: {  	vm9 =	vcmask $0x2724;
	[tilespmem:v17+s21+$0x0] =	vst.idx.add.f32.msk vm5, v14;
	vm5 =	vmand vm2, vm1  }
0x436: {  	[tilespmem:v17+s21+$0x0] =	vst.idx.add.f32.msk vm6, v14;
	vm6 =	vmand vm2, vm9  }
0x437: {  	vm13 =	vcmask $0x2F2C;
	[tilespmem:v17+s21+$0x0] =	vst.idx.add.f32.msk vm7, v14;
	vm7 =	vmand vm2, vm12  }
0x438: {  	[tilespmem:v17+s21+$0x0] =	vst.idx.add.f32.msk vm8, v14;
	vm8 =	vmand vm2, vm13;
	vm13 =	vmmov vm15;
	vm15 =	vcmask $0x3330  }
0x439: {  	vm9 =	vmmov vm14;
	vm14 =	vcmask $0x3734;
	[tilespmem:v17+s21+$0x0] =	vst.idx.add.f32.msk vm3, v14;
	vm3 =	vmand vm2, vm15  }
0x43a: {  	vm0 =	vcmask $0x3B38;
	[tilespmem:v17+s21+$0x0] =	vst.idx.add.f32.msk vm4, v14;
	vm4 =	vmand vm2, vm14  }
0x43b: {  	[tilespmem:v17+s21+$0x0] =	vst.idx.add.f32.msk vm5, v14;
	vm5 =	vmand vm2, vm0  }
0x43c: {  	p1 =	sne.s32 s0, $0x2;
	[tilespmem:v17+s21+$0x0] =	vst.idx.add.f32.msk vm6, v14  }
.Ltmp54:
0x43d: {  	[tilespmem:v17+s21+$0x0] =	vst.idx.add.f32.msk vm7, v14;
	(pc) =	sbr.rel @!p1 .LBB2_64-.Ltmp54, $4  }
0x43e: {  	[tilespmem:v17+s21+$0x0] =	vst.idx.add.f32.msk vm8, v14  }
0x43f: {  	[tilespmem:v17+s21+$0x0] =	vst.idx.add.f32.msk vm3, v14  }
0x440: {  	s6 =	simm.s32 $0x10;
	s31 =	sadd.s32 $0x10, s13;
	p0 =	por $0x1, $0x1;
	vm1 =	vcmask $0x3F3C;
	[tilespmem:v17+s21+$0x0] =	vst.idx.add.f32.msk vm4, v14  }
0x441: {  	s7 =	simm.s32 $0x2;
	s10 =	sand.u32 $0xFFFFFF80, s31;
	s11 =	sand.u32 $0x70, s6;
	vm2 =	vmand vm2, vm1;
	[tilespmem:v17+s21+$0x0] =	vst.idx.add.f32.msk vm5, v14  }
.LBB2_65:
0x442: {  	_ =	sdelay $0x4  }
0x443: {  	s10 =	sor.u32 s11, s10;
	[tilespmem:v17+s21+$0x0] =	vst.idx.add.f32.msk vm2, v14  }
0x444: {  	v17 =	vld [tilespmem:s10+$0x12000];
	_ =	sdelay $0x2  }
0x445: {  	v63 =	vld [tilespmem:$0x1FFF0];
	_ =	sdelay $0x1  }
0x446: {  	v21 =	vmov s1;
	v18 =	vsub.s32 v17, v5  }
0x447: {  	vm2 =	vlt.s32 v21, v16;
	v19 =	vshll.u32 v17, $0x3;
	v18 =	vand.u32 $0xFFFFE000, v18  }
0x448: {  	v20 =	vshrl.u32 v17, $0x3;
	v19 =	vand.u32 $0x1C00, v19;
	v18 =	vadd.s32 v6, v18  }
0x449: {  	vm3 =	vnez.u8 v63;
	v18 =	vor.u32 v19, v18;
	v19 =	vand.u32 $0x380, v20  }
0x44a: {  	vm3 =	vmand vm2, vm3;
	v17 =	vand.u32 $0x7F, v17;
	v18 =	vor.u32 v19, v18  }
0x44b: {  	vm4 =	vmand vm2, vm10;
	v17 =	vor.u32 v17, v18  }
0x44c: {  	vm6 =	vcmask $0xF0C;
	vm5 =	vmand vm2, vm11  }
0x44d: {  	vm6 =	vmand vm2, vm6  }
0x44e: {  	vm8 =	vcmask $0x1714;
	vm7 =	vmand vm2, vm9  }
0x44f: {  	vm8 =	vmand vm2, vm8  }
0x450: {  	[tilespmem:v17+s21+$0x0] =	vst.idx.add.f32.msk vm3, v14  }
0x451: {  	vm3 =	vmand vm2, vm13;
	[tilespmem:v17+s21+$0x0] =	vst.idx.add.f32.msk vm4, v14;
	vm4 =	vcmask $0x1F1C  }
0x452: {  	vm4 =	vmand vm2, vm4;
	[tilespmem:v17+s21+$0x0] =	vst.idx.add.f32.msk vm5, v14;
	vm5 =	vcmask $0x2320  }
0x453: {  	vm5 =	vmand vm2, vm5;
	[tilespmem:v17+s21+$0x0] =	vst.idx.add.f32.msk vm6, v14;
	vm6 =	vcmask $0x2724  }
0x454: {  	vm6 =	vmand vm2, vm6;
	[tilespmem:v17+s21+$0x0] =	vst.idx.add.f32.msk vm7, v14  }
0x455: {  	vm7 =	vmand vm2, vm12;
	[tilespmem:v17+s21+$0x0] =	vst.idx.add.f32.msk vm8, v14;
	vm8 =	vcmask $0x2F2C  }
0x456: {  	vm8 =	vmand vm2, vm8  }
0x457: {  	[tilespmem:v17+s21+$0x0] =	vst.idx.add.f32.msk vm3, v14;
	vm3 =	vmand vm2, vm15  }
0x458: {  	[tilespmem:v17+s21+$0x0] =	vst.idx.add.f32.msk vm4, v14;
	vm4 =	vmand vm2, vm14  }
0x459: {  	s30 =	smov.u32 s7;
	s7 =	sadd.s32 $0x1, s7;
	[tilespmem:v17+s21+$0x0] =	vst.idx.add.f32.msk vm5, v14;
	vm5 =	vmand vm2, vm0  }
0x45a: {  	p1 =	sne.s32 s0, s7;
	[tilespmem:v17+s21+$0x0] =	vst.idx.add.f32.msk vm6, v14  }
.Ltmp55:
0x45b: {  	[tilespmem:v17+s21+$0x0] =	vst.idx.add.f32.msk vm7, v14;
	(pc) =	sbr.rel @p1 .LBB2_65-.Ltmp55, $4  }
0x45c: {  	[tilespmem:v17+s21+$0x0] =	vst.idx.add.f32.msk vm8, v14  }
0x45d: {  	s6 =	sadd.s32 $0x10, s6;
	[tilespmem:v17+s21+$0x0] =	vst.idx.add.f32.msk vm3, v14  }
0x45e: {  	s31 =	sadd.s32 s6, s13;
	[tilespmem:v17+s21+$0x0] =	vst.idx.add.f32.msk vm4, v14  }
0x45f: {  	s1 =	smov.u32 s30;
	s11 =	sand.u32 $0x70, s6;
	s10 =	sand.u32 $0xFFFFFF80, s31;
	vm2 =	vmand vm2, vm1;
	[tilespmem:v17+s21+$0x0] =	vst.idx.add.f32.msk vm5, v14  }
0x460: {  	v18 =	vld [tilespmem:$0x1FFF0];
	_ =	sdelay $0x3  }
0x461: {  	vm14 =	vmmov vm9;
	vm15 =	vmmov vm13;
	vm9 =	vcmask $0xF0C  }
0x462: {  	s6 =	smov.u32 s1;
	vm13 =	vcmask $0x1714;
	vm1 =	vcmask $0x1F1C;
	vm0 =	vnez.u8 v18  }
.LBB2_67:
0x463: {  	_ =	sdelay $0x4  }
0x464: {  	s0 =	sor.u32 s11, s10;
	[tilespmem:v17+s21+$0x0] =	vst.idx.add.f32.msk @p0 vm2, v14  }
0x465: {  	v17 =	vld [tilespmem:s0+$0x12000];
	_ =	sdelay $0x4  }
0x466: {  	v18 =	vsub.s32 v17, v5  }
0x467: {  	v21 =	vmov s6;
	v19 =	vshll.u32 v17, $0x3;
	v18 =	vand.u32 $0xFFFFE000, v18  }
0x468: {  	v20 =	vshrl.u32 v17, $0x3;
	v19 =	vand.u32 $0x1C00, v19;
	v18 =	vadd.s32 v6, v18  }
0x469: {  	vm2 =	vlt.s32 v21, v16;
	v63 =	vand.u32 $0x380, v20;
	v16 =	vor.u32 v19, v18  }
0x46a: {  	vm3 =	vmand vm2, vm0;
	v17 =	vand.u32 $0x7F, v17;
	v16 =	vor.u32 v63, v16  }
0x46b: {  	vm4 =	vmand vm2, vm10;
	v16 =	vor.u32 v17, v16  }
0x46c: {  	vm5 =	vmand vm2, vm11  }
0x46d: {  	vm6 =	vmand vm2, vm9  }
0x46e: {  	vm7 =	vmand vm2, vm14  }
0x46f: {  	vm8 =	vmand vm2, vm13  }
0x470: {  	[tilespmem:v16+s21+$0x0] =	vst.idx.add.f32.msk vm3, v14;
	vm3 =	vmand vm2, vm15  }
0x471: {  	[tilespmem:v16+s21+$0x0] =	vst.idx.add.f32.msk vm4, v14;
	vm4 =	vmand vm2, vm1;
	vm1 =	vcmask $0x2320  }
0x472: {  	[tilespmem:v16+s21+$0x0] =	vst.idx.add.f32.msk vm5, v14;
	vm5 =	vmand vm2, vm1;
	vm1 =	vcmask $0x2724  }
0x473: {  	[tilespmem:v16+s21+$0x0] =	vst.idx.add.f32.msk vm6, v14;
	vm6 =	vmand vm2, vm1  }
0x474: {  	[tilespmem:v16+s21+$0x0] =	vst.idx.add.f32.msk vm7, v14  }
0x475: {  	vm1 =	vcmask $0x2F2C;
	vm7 =	vmand vm2, vm12;
	[tilespmem:v16+s21+$0x0] =	vst.idx.add.f32.msk vm8, v14  }
0x476: {  	vm8 =	vmand vm2, vm1;
	vm1 =	vcmask $0x3330;
	[tilespmem:v16+s21+$0x0] =	vst.idx.add.f32.msk vm3, v14  }
0x477: {  	vm3 =	vmand vm2, vm1;
	vm1 =	vcmask $0x3734;
	[tilespmem:v16+s21+$0x0] =	vst.idx.add.f32.msk vm4, v14  }
0x478: {  	vm0 =	vcmask $0x3B38;
	vm4 =	vmand vm2, vm1;
	[tilespmem:v16+s21+$0x0] =	vst.idx.add.f32.msk vm5, v14  }
0x479: {  	vm5 =	vmand vm2, vm0;
	[tilespmem:v16+s21+$0x0] =	vst.idx.add.f32.msk vm6, v14;
	vm6 =	vcmask $0x3F3C  }
0x47a: {  	vm2 =	vmand vm2, vm6  }
0x47b: {  	[tilespmem:v16+s21+$0x0] =	vst.idx.add.f32.msk vm7, v14  }
0x47c: {  	[tilespmem:v16+s21+$0x0] =	vst.idx.add.f32.msk vm8, v14  }
0x47d: {  	[tilespmem:v16+s21+$0x0] =	vst.idx.add.f32.msk vm3, v14  }
0x47e: {  	[tilespmem:v16+s21+$0x0] =	vst.idx.add.f32.msk vm4, v14  }
0x47f: {  	[tilespmem:v16+s21+$0x0] =	vst.idx.add.f32.msk vm5, v14  }
0x480: {  	vm1 =	vcmask $0x1F1C;
	[tilespmem:v16+s21+$0x0] =	vst.idx.add.f32.msk vm2, v14  }
.LBB2_68:
0x481: {  	_ =	swait.ge [sflag:s20], $0x8000  }
0x482: {  	[sflag:s20] =	ssyncset.done $0x0  }
0x483: {  	s0 =	rddreg [dreg:$0x9];
	[sflag:s20] =	ssyncadd.s32 $0xFFFF8000  }
0x484: {  	v16 =	vld [tilespmem:s0+$0x1E400];
	_ =	sdelay $0x4  }
0x485: {  	v17 =	vxor.u32 $0x80000000, v16  }
0x486: {  	(xrf0) =	vmax.scan.msk.u32 $0xffff, v17;
	_ =	sdelay $0x5  }
0x487: {  	v17, _, _ =	vpop (xrf0)  }
0x488: {  	(v2sf) =	vpush v17, $0xF;
	_ =	sdelay $0xe  }
0x489: {  	s31 =	spop (v2sf)  }
0x48a: {  	s0 =	sxor.u32 $0x80000000, s31  }
0x48b: {  	p0 =	slt.s32 s0, $0x1  }
.Ltmp56:
0x48c: {  	_ = 	snop;
	(pc) =	sbr.rel @p0 .LBB2_76-.Ltmp56, $2  }
0x48d: {  	_ =	sdelay $0x2  }
0x48e: {  	s6 =	simm.s32 $0x0  }
0x48f: {  	p1 =	sne.s32 s0, $0x1  }
.Ltmp57:
0x490: {  	_ = 	snop;
	(pc) =	sbr.rel @!p1 .LBB2_70-.Ltmp57, $3  }
0x491: {  	_ =	sdelay $0x1  }
0x492: {  	s1 =	simm.s32 $0x1;
	s7 =	sadd.s32 $0x0, s14  }
0x493: {  	s11 =	sand.u32 $0x70, s6;
	p0 =	por $0x0, $0x0;
	s10 =	sand.u32 $0xFFFFFF80, s7  }
0x494: {  	s7 =	sor.u32 s11, s10  }
0x495: {  	v17 =	vld [tilespmem:s7+$0x12000];
	_ =	sdelay $0x2  }
0x496: {  	v63 =	vld [tilespmem:$0x1FFF0];
	_ =	sdelay $0x1  }
0x497: {  	v21 =	vmov s6;
	v18 =	vsub.s32 v17, v7  }
0x498: {  	vm2 =	vlt.s32 v21, v16;
	v19 =	vshll.u32 v17, $0x3;
	v18 =	vand.u32 $0xFFFFE000, v18  }
0x499: {  	v20 =	vshrl.u32 v17, $0x3;
	v19 =	vand.u32 $0x1C00, v19;
	v18 =	vadd.s32 v8, v18  }
0x49a: {  	vm0 =	vnez.u8 v63;
	v18 =	vor.u32 v19, v18;
	v19 =	vand.u32 $0x380, v20  }
0x49b: {  	vm3 =	vmand vm2, vm0;
	v17 =	vand.u32 $0x7F, v17;
	v18 =	vor.u32 v19, v18  }
0x49c: {  	vm4 =	vmand vm2, vm10;
	v17 =	vor.u32 v17, v18  }
0x49d: {  	vm5 =	vmand vm2, vm11  }
0x49e: {  	vm6 =	vmand vm2, vm9  }
0x49f: {  	vm7 =	vmand vm2, vm14  }
0x4a0: {  	vm8 =	vmand vm2, vm13  }
0x4a1: {  	[tilespmem:v17+s21+$0x0] =	vst.idx.add.f32.msk vm3, v14;
	vm3 =	vmand vm2, vm15  }
0x4a2: {  	[tilespmem:v17+s21+$0x0] =	vst.idx.add.f32.msk vm4, v14;
	vm4 =	vmand vm2, vm1;
	vm1 =	vcmask $0x2320  }
0x4a3: {  	vm9 =	vcmask $0x2724;
	[tilespmem:v17+s21+$0x0] =	vst.idx.add.f32.msk vm5, v14;
	vm5 =	vmand vm2, vm1  }
0x4a4: {  	[tilespmem:v17+s21+$0x0] =	vst.idx.add.f32.msk vm6, v14;
	vm6 =	vmand vm2, vm9  }
0x4a5: {  	vm13 =	vcmask $0x2F2C;
	[tilespmem:v17+s21+$0x0] =	vst.idx.add.f32.msk vm7, v14;
	vm7 =	vmand vm2, vm12  }
0x4a6: {  	[tilespmem:v17+s21+$0x0] =	vst.idx.add.f32.msk vm8, v14;
	vm8 =	vmand vm2, vm13;
	vm13 =	vmmov vm15;
	vm15 =	vcmask $0x3330  }
0x4a7: {  	vm9 =	vmmov vm14;
	vm14 =	vcmask $0x3734;
	[tilespmem:v17+s21+$0x0] =	vst.idx.add.f32.msk vm3, v14;
	vm3 =	vmand vm2, vm15  }
0x4a8: {  	vm0 =	vcmask $0x3B38;
	[tilespmem:v17+s21+$0x0] =	vst.idx.add.f32.msk vm4, v14;
	vm4 =	vmand vm2, vm14  }
0x4a9: {  	[tilespmem:v17+s21+$0x0] =	vst.idx.add.f32.msk vm5, v14;
	vm5 =	vmand vm2, vm0  }
0x4aa: {  	p1 =	sne.s32 s0, $0x2;
	[tilespmem:v17+s21+$0x0] =	vst.idx.add.f32.msk vm6, v14  }
.Ltmp58:
0x4ab: {  	[tilespmem:v17+s21+$0x0] =	vst.idx.add.f32.msk vm7, v14;
	(pc) =	sbr.rel @!p1 .LBB2_72-.Ltmp58, $4  }
0x4ac: {  	[tilespmem:v17+s21+$0x0] =	vst.idx.add.f32.msk vm8, v14  }
0x4ad: {  	[tilespmem:v17+s21+$0x0] =	vst.idx.add.f32.msk vm3, v14  }
0x4ae: {  	s6 =	simm.s32 $0x10;
	s31 =	sadd.s32 $0x10, s14;
	p0 =	por $0x1, $0x1;
	vm1 =	vcmask $0x3F3C;
	[tilespmem:v17+s21+$0x0] =	vst.idx.add.f32.msk vm4, v14  }
0x4af: {  	s7 =	simm.s32 $0x2;
	s10 =	sand.u32 $0xFFFFFF80, s31;
	s11 =	sand.u32 $0x70, s6;
	vm2 =	vmand vm2, vm1;
	[tilespmem:v17+s21+$0x0] =	vst.idx.add.f32.msk vm5, v14  }
.LBB2_73:
0x4b0: {  	_ =	sdelay $0x4  }
0x4b1: {  	s10 =	sor.u32 s11, s10;
	[tilespmem:v17+s21+$0x0] =	vst.idx.add.f32.msk vm2, v14  }
0x4b2: {  	v17 =	vld [tilespmem:s10+$0x12000];
	_ =	sdelay $0x2  }
0x4b3: {  	v63 =	vld [tilespmem:$0x1FFF0];
	_ =	sdelay $0x1  }
0x4b4: {  	v21 =	vmov s1;
	v18 =	vsub.s32 v17, v7  }
0x4b5: {  	vm2 =	vlt.s32 v21, v16;
	v19 =	vshll.u32 v17, $0x3;
	v18 =	vand.u32 $0xFFFFE000, v18  }
0x4b6: {  	v20 =	vshrl.u32 v17, $0x3;
	v19 =	vand.u32 $0x1C00, v19;
	v18 =	vadd.s32 v8, v18  }
0x4b7: {  	vm3 =	vnez.u8 v63;
	v18 =	vor.u32 v19, v18;
	v19 =	vand.u32 $0x380, v20  }
0x4b8: {  	vm3 =	vmand vm2, vm3;
	v17 =	vand.u32 $0x7F, v17;
	v18 =	vor.u32 v19, v18  }
0x4b9: {  	vm4 =	vmand vm2, vm10;
	v17 =	vor.u32 v17, v18  }
0x4ba: {  	vm6 =	vcmask $0xF0C;
	vm5 =	vmand vm2, vm11  }
0x4bb: {  	vm6 =	vmand vm2, vm6  }
0x4bc: {  	vm8 =	vcmask $0x1714;
	vm7 =	vmand vm2, vm9  }
0x4bd: {  	vm8 =	vmand vm2, vm8  }
0x4be: {  	[tilespmem:v17+s21+$0x0] =	vst.idx.add.f32.msk vm3, v14  }
0x4bf: {  	vm3 =	vmand vm2, vm13;
	[tilespmem:v17+s21+$0x0] =	vst.idx.add.f32.msk vm4, v14;
	vm4 =	vcmask $0x1F1C  }
0x4c0: {  	vm4 =	vmand vm2, vm4;
	[tilespmem:v17+s21+$0x0] =	vst.idx.add.f32.msk vm5, v14;
	vm5 =	vcmask $0x2320  }
0x4c1: {  	vm5 =	vmand vm2, vm5;
	[tilespmem:v17+s21+$0x0] =	vst.idx.add.f32.msk vm6, v14;
	vm6 =	vcmask $0x2724  }
0x4c2: {  	vm6 =	vmand vm2, vm6;
	[tilespmem:v17+s21+$0x0] =	vst.idx.add.f32.msk vm7, v14  }
0x4c3: {  	vm7 =	vmand vm2, vm12;
	[tilespmem:v17+s21+$0x0] =	vst.idx.add.f32.msk vm8, v14;
	vm8 =	vcmask $0x2F2C  }
0x4c4: {  	vm8 =	vmand vm2, vm8  }
0x4c5: {  	[tilespmem:v17+s21+$0x0] =	vst.idx.add.f32.msk vm3, v14;
	vm3 =	vmand vm2, vm15  }
0x4c6: {  	[tilespmem:v17+s21+$0x0] =	vst.idx.add.f32.msk vm4, v14;
	vm4 =	vmand vm2, vm14  }
0x4c7: {  	s30 =	smov.u32 s7;
	s7 =	sadd.s32 $0x1, s7;
	[tilespmem:v17+s21+$0x0] =	vst.idx.add.f32.msk vm5, v14;
	vm5 =	vmand vm2, vm0  }
0x4c8: {  	p1 =	sne.s32 s0, s7;
	[tilespmem:v17+s21+$0x0] =	vst.idx.add.f32.msk vm6, v14  }
.Ltmp59:
0x4c9: {  	[tilespmem:v17+s21+$0x0] =	vst.idx.add.f32.msk vm7, v14;
	(pc) =	sbr.rel @p1 .LBB2_73-.Ltmp59, $4  }
0x4ca: {  	[tilespmem:v17+s21+$0x0] =	vst.idx.add.f32.msk vm8, v14  }
0x4cb: {  	s6 =	sadd.s32 $0x10, s6;
	[tilespmem:v17+s21+$0x0] =	vst.idx.add.f32.msk vm3, v14  }
0x4cc: {  	s31 =	sadd.s32 s6, s14;
	[tilespmem:v17+s21+$0x0] =	vst.idx.add.f32.msk vm4, v14  }
0x4cd: {  	s1 =	smov.u32 s30;
	s11 =	sand.u32 $0x70, s6;
	s10 =	sand.u32 $0xFFFFFF80, s31;
	vm2 =	vmand vm2, vm1;
	[tilespmem:v17+s21+$0x0] =	vst.idx.add.f32.msk vm5, v14  }
0x4ce: {  	v18 =	vld [tilespmem:$0x1FFF0];
	_ =	sdelay $0x3  }
0x4cf: {  	vm14 =	vmmov vm9;
	vm15 =	vmmov vm13;
	vm9 =	vcmask $0xF0C  }
0x4d0: {  	s6 =	smov.u32 s1;
	vm13 =	vcmask $0x1714;
	vm1 =	vcmask $0x1F1C;
	vm0 =	vnez.u8 v18  }
.LBB2_75:
0x4d1: {  	_ =	sdelay $0x4  }
0x4d2: {  	s0 =	sor.u32 s11, s10;
	[tilespmem:v17+s21+$0x0] =	vst.idx.add.f32.msk @p0 vm2, v14  }
0x4d3: {  	v17 =	vld [tilespmem:s0+$0x12000];
	_ =	sdelay $0x4  }
0x4d4: {  	v18 =	vsub.s32 v17, v7  }
0x4d5: {  	v21 =	vmov s6;
	v19 =	vshll.u32 v17, $0x3;
	v18 =	vand.u32 $0xFFFFE000, v18  }
0x4d6: {  	v20 =	vshrl.u32 v17, $0x3;
	v19 =	vand.u32 $0x1C00, v19;
	v18 =	vadd.s32 v8, v18  }
0x4d7: {  	vm2 =	vlt.s32 v21, v16;
	v63 =	vand.u32 $0x380, v20;
	v16 =	vor.u32 v19, v18  }
0x4d8: {  	vm3 =	vmand vm2, vm0;
	v17 =	vand.u32 $0x7F, v17;
	v16 =	vor.u32 v63, v16  }
0x4d9: {  	vm4 =	vmand vm2, vm10;
	v16 =	vor.u32 v17, v16  }
0x4da: {  	vm5 =	vmand vm2, vm11  }
0x4db: {  	vm6 =	vmand vm2, vm9  }
0x4dc: {  	vm7 =	vmand vm2, vm14  }
0x4dd: {  	vm8 =	vmand vm2, vm13  }
0x4de: {  	[tilespmem:v16+s21+$0x0] =	vst.idx.add.f32.msk vm3, v14;
	vm3 =	vmand vm2, vm15  }
0x4df: {  	[tilespmem:v16+s21+$0x0] =	vst.idx.add.f32.msk vm4, v14;
	vm4 =	vmand vm2, vm1;
	vm1 =	vcmask $0x2320  }
0x4e0: {  	[tilespmem:v16+s21+$0x0] =	vst.idx.add.f32.msk vm5, v14;
	vm5 =	vmand vm2, vm1;
	vm1 =	vcmask $0x2724  }
0x4e1: {  	[tilespmem:v16+s21+$0x0] =	vst.idx.add.f32.msk vm6, v14;
	vm6 =	vmand vm2, vm1  }
0x4e2: {  	[tilespmem:v16+s21+$0x0] =	vst.idx.add.f32.msk vm7, v14  }
0x4e3: {  	vm1 =	vcmask $0x2F2C;
	vm7 =	vmand vm2, vm12;
	[tilespmem:v16+s21+$0x0] =	vst.idx.add.f32.msk vm8, v14  }
0x4e4: {  	vm8 =	vmand vm2, vm1;
	vm1 =	vcmask $0x3330;
	[tilespmem:v16+s21+$0x0] =	vst.idx.add.f32.msk vm3, v14  }
0x4e5: {  	vm3 =	vmand vm2, vm1;
	vm1 =	vcmask $0x3734;
	[tilespmem:v16+s21+$0x0] =	vst.idx.add.f32.msk vm4, v14  }
0x4e6: {  	vm0 =	vcmask $0x3B38;
	vm4 =	vmand vm2, vm1;
	[tilespmem:v16+s21+$0x0] =	vst.idx.add.f32.msk vm5, v14  }
0x4e7: {  	vm5 =	vmand vm2, vm0;
	[tilespmem:v16+s21+$0x0] =	vst.idx.add.f32.msk vm6, v14;
	vm6 =	vcmask $0x3F3C  }
0x4e8: {  	vm2 =	vmand vm2, vm6  }
0x4e9: {  	[tilespmem:v16+s21+$0x0] =	vst.idx.add.f32.msk vm7, v14  }
0x4ea: {  	[tilespmem:v16+s21+$0x0] =	vst.idx.add.f32.msk vm8, v14  }
0x4eb: {  	[tilespmem:v16+s21+$0x0] =	vst.idx.add.f32.msk vm3, v14  }
0x4ec: {  	[tilespmem:v16+s21+$0x0] =	vst.idx.add.f32.msk vm4, v14  }
0x4ed: {  	[tilespmem:v16+s21+$0x0] =	vst.idx.add.f32.msk vm5, v14  }
0x4ee: {  	vm1 =	vcmask $0x1F1C;
	[tilespmem:v16+s21+$0x0] =	vst.idx.add.f32.msk vm2, v14  }
.LBB2_76:
0x4ef: {  	s0 =	rddreg [dreg:$0xa]  }
0x4f0: {  	v16 =	vld [tilespmem:s0+$0x1E400];
	_ =	sdelay $0x4  }
0x4f1: {  	v17 =	vxor.u32 $0x80000000, v16  }
0x4f2: {  	(xrf0) =	vmax.scan.msk.u32 $0xffff, v17;
	_ =	sdelay $0x5  }
0x4f3: {  	v17, _, _ =	vpop (xrf0)  }
0x4f4: {  	(v2sf) =	vpush v17, $0xF;
	_ =	sdelay $0xe  }
0x4f5: {  	s31 =	spop (v2sf)  }
0x4f6: {  	s0 =	sxor.u32 $0x80000000, s31  }
0x4f7: {  	p0 =	slt.s32 s0, $0x1  }
.Ltmp60:
0x4f8: {  	_ = 	snop;
	(pc) =	sbr.rel @p0 .LBB2_84-.Ltmp60, $2  }
0x4f9: {  	_ =	sdelay $0x2  }
0x4fa: {  	s6 =	simm.s32 $0x0  }
0x4fb: {  	p1 =	sne.s32 s0, $0x1  }
.Ltmp61:
0x4fc: {  	_ = 	snop;
	(pc) =	sbr.rel @!p1 .LBB2_78-.Ltmp61, $3  }
0x4fd: {  	_ =	sdelay $0x1  }
0x4fe: {  	s1 =	simm.s32 $0x1;
	s7 =	sadd.s32 $0x0, s15  }
0x4ff: {  	s11 =	sand.u32 $0x70, s6;
	p0 =	por $0x0, $0x0;
	s10 =	sand.u32 $0xFFFFFF80, s7  }
0x500: {  	s7 =	sor.u32 s11, s10  }
0x501: {  	v17 =	vld [tilespmem:s7+$0x12000];
	_ =	sdelay $0x2  }
0x502: {  	v63 =	vld [tilespmem:$0x1FFF0];
	_ =	sdelay $0x1  }
0x503: {  	v21 =	vmov s6;
	v18 =	vsub.s32 v17, v7  }
0x504: {  	vm2 =	vlt.s32 v21, v16;
	v19 =	vshll.u32 v17, $0x3;
	v18 =	vand.u32 $0xFFFFE000, v18  }
0x505: {  	v20 =	vshrl.u32 v17, $0x3;
	v19 =	vand.u32 $0x1C00, v19;
	v18 =	vadd.s32 v8, v18  }
0x506: {  	vm0 =	vnez.u8 v63;
	v18 =	vor.u32 v19, v18;
	v19 =	vand.u32 $0x380, v20  }
0x507: {  	vm3 =	vmand vm2, vm0;
	v17 =	vand.u32 $0x7F, v17;
	v18 =	vor.u32 v19, v18  }
0x508: {  	vm4 =	vmand vm2, vm10;
	v17 =	vor.u32 v17, v18  }
0x509: {  	vm5 =	vmand vm2, vm11  }
0x50a: {  	vm6 =	vmand vm2, vm9  }
0x50b: {  	vm7 =	vmand vm2, vm14  }
0x50c: {  	vm8 =	vmand vm2, vm13  }
0x50d: {  	[tilespmem:v17+s21+$0x0] =	vst.idx.add.f32.msk vm3, v14;
	vm3 =	vmand vm2, vm15  }
0x50e: {  	[tilespmem:v17+s21+$0x0] =	vst.idx.add.f32.msk vm4, v14;
	vm4 =	vmand vm2, vm1;
	vm1 =	vcmask $0x2320  }
0x50f: {  	vm9 =	vcmask $0x2724;
	[tilespmem:v17+s21+$0x0] =	vst.idx.add.f32.msk vm5, v14;
	vm5 =	vmand vm2, vm1  }
0x510: {  	[tilespmem:v17+s21+$0x0] =	vst.idx.add.f32.msk vm6, v14;
	vm6 =	vmand vm2, vm9  }
0x511: {  	vm13 =	vcmask $0x2F2C;
	[tilespmem:v17+s21+$0x0] =	vst.idx.add.f32.msk vm7, v14;
	vm7 =	vmand vm2, vm12  }
0x512: {  	[tilespmem:v17+s21+$0x0] =	vst.idx.add.f32.msk vm8, v14;
	vm8 =	vmand vm2, vm13;
	vm13 =	vmmov vm15;
	vm15 =	vcmask $0x3330  }
0x513: {  	vm9 =	vmmov vm14;
	vm14 =	vcmask $0x3734;
	[tilespmem:v17+s21+$0x0] =	vst.idx.add.f32.msk vm3, v14;
	vm3 =	vmand vm2, vm15  }
0x514: {  	vm0 =	vcmask $0x3B38;
	[tilespmem:v17+s21+$0x0] =	vst.idx.add.f32.msk vm4, v14;
	vm4 =	vmand vm2, vm14  }
0x515: {  	[tilespmem:v17+s21+$0x0] =	vst.idx.add.f32.msk vm5, v14;
	vm5 =	vmand vm2, vm0  }
0x516: {  	p1 =	sne.s32 s0, $0x2;
	[tilespmem:v17+s21+$0x0] =	vst.idx.add.f32.msk vm6, v14  }
.Ltmp62:
0x517: {  	[tilespmem:v17+s21+$0x0] =	vst.idx.add.f32.msk vm7, v14;
	(pc) =	sbr.rel @!p1 .LBB2_80-.Ltmp62, $4  }
0x518: {  	[tilespmem:v17+s21+$0x0] =	vst.idx.add.f32.msk vm8, v14  }
0x519: {  	[tilespmem:v17+s21+$0x0] =	vst.idx.add.f32.msk vm3, v14  }
0x51a: {  	s6 =	simm.s32 $0x10;
	s31 =	sadd.s32 $0x10, s15;
	p0 =	por $0x1, $0x1;
	vm1 =	vcmask $0x3F3C;
	[tilespmem:v17+s21+$0x0] =	vst.idx.add.f32.msk vm4, v14  }
0x51b: {  	s7 =	simm.s32 $0x2;
	s10 =	sand.u32 $0xFFFFFF80, s31;
	s11 =	sand.u32 $0x70, s6;
	vm2 =	vmand vm2, vm1;
	[tilespmem:v17+s21+$0x0] =	vst.idx.add.f32.msk vm5, v14  }
.LBB2_81:
0x51c: {  	_ =	sdelay $0x4  }
0x51d: {  	s10 =	sor.u32 s11, s10;
	[tilespmem:v17+s21+$0x0] =	vst.idx.add.f32.msk vm2, v14  }
0x51e: {  	v17 =	vld [tilespmem:s10+$0x12000];
	_ =	sdelay $0x2  }
0x51f: {  	v63 =	vld [tilespmem:$0x1FFF0];
	_ =	sdelay $0x1  }
0x520: {  	v21 =	vmov s1;
	v18 =	vsub.s32 v17, v7  }
0x521: {  	vm2 =	vlt.s32 v21, v16;
	v19 =	vshll.u32 v17, $0x3;
	v18 =	vand.u32 $0xFFFFE000, v18  }
0x522: {  	v20 =	vshrl.u32 v17, $0x3;
	v19 =	vand.u32 $0x1C00, v19;
	v18 =	vadd.s32 v8, v18  }
0x523: {  	vm3 =	vnez.u8 v63;
	v18 =	vor.u32 v19, v18;
	v19 =	vand.u32 $0x380, v20  }
0x524: {  	vm3 =	vmand vm2, vm3;
	v17 =	vand.u32 $0x7F, v17;
	v18 =	vor.u32 v19, v18  }
0x525: {  	vm4 =	vmand vm2, vm10;
	v17 =	vor.u32 v17, v18  }
0x526: {  	vm6 =	vcmask $0xF0C;
	vm5 =	vmand vm2, vm11  }
0x527: {  	vm6 =	vmand vm2, vm6  }
0x528: {  	vm8 =	vcmask $0x1714;
	vm7 =	vmand vm2, vm9  }
0x529: {  	vm8 =	vmand vm2, vm8  }
0x52a: {  	[tilespmem:v17+s21+$0x0] =	vst.idx.add.f32.msk vm3, v14  }
0x52b: {  	vm3 =	vmand vm2, vm13;
	[tilespmem:v17+s21+$0x0] =	vst.idx.add.f32.msk vm4, v14;
	vm4 =	vcmask $0x1F1C  }
0x52c: {  	vm4 =	vmand vm2, vm4;
	[tilespmem:v17+s21+$0x0] =	vst.idx.add.f32.msk vm5, v14;
	vm5 =	vcmask $0x2320  }
0x52d: {  	vm5 =	vmand vm2, vm5;
	[tilespmem:v17+s21+$0x0] =	vst.idx.add.f32.msk vm6, v14;
	vm6 =	vcmask $0x2724  }
0x52e: {  	vm6 =	vmand vm2, vm6;
	[tilespmem:v17+s21+$0x0] =	vst.idx.add.f32.msk vm7, v14  }
0x52f: {  	vm7 =	vmand vm2, vm12;
	[tilespmem:v17+s21+$0x0] =	vst.idx.add.f32.msk vm8, v14;
	vm8 =	vcmask $0x2F2C  }
0x530: {  	vm8 =	vmand vm2, vm8  }
0x531: {  	[tilespmem:v17+s21+$0x0] =	vst.idx.add.f32.msk vm3, v14;
	vm3 =	vmand vm2, vm15  }
0x532: {  	[tilespmem:v17+s21+$0x0] =	vst.idx.add.f32.msk vm4, v14;
	vm4 =	vmand vm2, vm14  }
0x533: {  	s30 =	smov.u32 s7;
	s7 =	sadd.s32 $0x1, s7;
	[tilespmem:v17+s21+$0x0] =	vst.idx.add.f32.msk vm5, v14;
	vm5 =	vmand vm2, vm0  }
0x534: {  	p1 =	sne.s32 s0, s7;
	[tilespmem:v17+s21+$0x0] =	vst.idx.add.f32.msk vm6, v14  }
.Ltmp63:
0x535: {  	[tilespmem:v17+s21+$0x0] =	vst.idx.add.f32.msk vm7, v14;
	(pc) =	sbr.rel @p1 .LBB2_81-.Ltmp63, $4  }
0x536: {  	[tilespmem:v17+s21+$0x0] =	vst.idx.add.f32.msk vm8, v14  }
0x537: {  	s6 =	sadd.s32 $0x10, s6;
	[tilespmem:v17+s21+$0x0] =	vst.idx.add.f32.msk vm3, v14  }
0x538: {  	s31 =	sadd.s32 s6, s15;
	[tilespmem:v17+s21+$0x0] =	vst.idx.add.f32.msk vm4, v14  }
0x539: {  	s1 =	smov.u32 s30;
	s11 =	sand.u32 $0x70, s6;
	s10 =	sand.u32 $0xFFFFFF80, s31;
	vm2 =	vmand vm2, vm1;
	[tilespmem:v17+s21+$0x0] =	vst.idx.add.f32.msk vm5, v14  }
0x53a: {  	v18 =	vld [tilespmem:$0x1FFF0];
	_ =	sdelay $0x3  }
0x53b: {  	vm14 =	vmmov vm9;
	vm15 =	vmmov vm13;
	vm9 =	vcmask $0xF0C  }
0x53c: {  	s6 =	smov.u32 s1;
	vm13 =	vcmask $0x1714;
	vm1 =	vcmask $0x1F1C;
	vm0 =	vnez.u8 v18  }
.LBB2_83:
0x53d: {  	_ =	sdelay $0x4  }
0x53e: {  	s0 =	sor.u32 s11, s10;
	[tilespmem:v17+s21+$0x0] =	vst.idx.add.f32.msk @p0 vm2, v14  }
0x53f: {  	v17 =	vld [tilespmem:s0+$0x12000];
	_ =	sdelay $0x4  }
0x540: {  	v18 =	vsub.s32 v17, v7  }
0x541: {  	v21 =	vmov s6;
	v19 =	vshll.u32 v17, $0x3;
	v18 =	vand.u32 $0xFFFFE000, v18  }
0x542: {  	v20 =	vshrl.u32 v17, $0x3;
	v19 =	vand.u32 $0x1C00, v19;
	v18 =	vadd.s32 v8, v18  }
0x543: {  	vm2 =	vlt.s32 v21, v16;
	v63 =	vand.u32 $0x380, v20;
	v16 =	vor.u32 v19, v18  }
0x544: {  	vm3 =	vmand vm2, vm0;
	v17 =	vand.u32 $0x7F, v17;
	v16 =	vor.u32 v63, v16  }
0x545: {  	vm4 =	vmand vm2, vm10;
	v16 =	vor.u32 v17, v16  }
0x546: {  	vm5 =	vmand vm2, vm11  }
0x547: {  	vm6 =	vmand vm2, vm9  }
0x548: {  	vm7 =	vmand vm2, vm14  }
0x549: {  	vm8 =	vmand vm2, vm13  }
0x54a: {  	[tilespmem:v16+s21+$0x0] =	vst.idx.add.f32.msk vm3, v14;
	vm3 =	vmand vm2, vm15  }
0x54b: {  	[tilespmem:v16+s21+$0x0] =	vst.idx.add.f32.msk vm4, v14;
	vm4 =	vmand vm2, vm1;
	vm1 =	vcmask $0x2320  }
0x54c: {  	[tilespmem:v16+s21+$0x0] =	vst.idx.add.f32.msk vm5, v14;
	vm5 =	vmand vm2, vm1;
	vm1 =	vcmask $0x2724  }
0x54d: {  	[tilespmem:v16+s21+$0x0] =	vst.idx.add.f32.msk vm6, v14;
	vm6 =	vmand vm2, vm1  }
0x54e: {  	[tilespmem:v16+s21+$0x0] =	vst.idx.add.f32.msk vm7, v14  }
0x54f: {  	vm1 =	vcmask $0x2F2C;
	vm7 =	vmand vm2, vm12;
	[tilespmem:v16+s21+$0x0] =	vst.idx.add.f32.msk vm8, v14  }
0x550: {  	vm8 =	vmand vm2, vm1;
	vm1 =	vcmask $0x3330;
	[tilespmem:v16+s21+$0x0] =	vst.idx.add.f32.msk vm3, v14  }
0x551: {  	vm3 =	vmand vm2, vm1;
	vm1 =	vcmask $0x3734;
	[tilespmem:v16+s21+$0x0] =	vst.idx.add.f32.msk vm4, v14  }
0x552: {  	vm0 =	vcmask $0x3B38;
	vm4 =	vmand vm2, vm1;
	[tilespmem:v16+s21+$0x0] =	vst.idx.add.f32.msk vm5, v14  }
0x553: {  	vm5 =	vmand vm2, vm0;
	[tilespmem:v16+s21+$0x0] =	vst.idx.add.f32.msk vm6, v14;
	vm6 =	vcmask $0x3F3C  }
0x554: {  	vm2 =	vmand vm2, vm6  }
0x555: {  	[tilespmem:v16+s21+$0x0] =	vst.idx.add.f32.msk vm7, v14  }
0x556: {  	[tilespmem:v16+s21+$0x0] =	vst.idx.add.f32.msk vm8, v14  }
0x557: {  	[tilespmem:v16+s21+$0x0] =	vst.idx.add.f32.msk vm3, v14  }
0x558: {  	[tilespmem:v16+s21+$0x0] =	vst.idx.add.f32.msk vm4, v14  }
0x559: {  	[tilespmem:v16+s21+$0x0] =	vst.idx.add.f32.msk vm5, v14  }
0x55a: {  	vm1 =	vcmask $0x1F1C;
	[tilespmem:v16+s21+$0x0] =	vst.idx.add.f32.msk vm2, v14  }
.LBB2_84:
0x55b: {  	s0 =	rddreg [dreg:$0x4]  }
0x55c: {  	s0 =	sshrl.u32 s0, $0x2  }
0x55d: {  	v16 =	vld [tilespmem:s0+$0x1E400];
	_ =	sdelay $0x4  }
0x55e: {  	v17 =	vxor.u32 $0x80000000, v16  }
0x55f: {  	(xrf0) =	vmax.scan.msk.u32 $0xffff, v17;
	_ =	sdelay $0x5  }
0x560: {  	v17, _, _ =	vpop (xrf0)  }
0x561: {  	(v2sf) =	vpush v17, $0xF;
	_ =	sdelay $0xe  }
0x562: {  	s1 =	spop (v2sf)  }
0x563: {  	s1 =	sxor.u32 $0x80000000, s1  }
0x564: {  	p0 =	slt.s32 s1, $0x1  }
.Ltmp64:
0x565: {  	_ = 	snop;
	(pc) =	sbr.rel @p0 .LBB2_92-.Ltmp64, $2  }
0x566: {  	_ =	sdelay $0x2  }
0x567: {  	s6 =	simm.s32 $0x0  }
0x568: {  	p1 =	sne.s32 s1, $0x1  }
.Ltmp65:
0x569: {  	_ = 	snop;
	(pc) =	sbr.rel @!p1 .LBB2_86-.Ltmp65, $3  }
0x56a: {  	_ =	sdelay $0x1  }
0x56b: {  	s10 =	simm.s32 $0x1;
	s7 =	sadd.s32 $0x0, s9  }
0x56c: {  	s22 =	sand.u32 $0x70, s6;
	p0 =	por $0x0, $0x0;
	s11 =	sand.u32 $0xFFFFFF80, s7  }
0x56d: {  	s7 =	sor.u32 s22, s11  }
0x56e: {  	v17 =	vld [tilespmem:s7+$0x12000];
	_ =	sdelay $0x4  }
0x56f: {  	v18 =	vsub.s32 v17, v9;
	v19 =	vshll.u32 v17, $0x3  }
0x570: {  	v20 =	vshrl.u32 v17, $0x3;
	v17 =	vand.u32 $0x7F, v17;
	v19 =	vand.u32 $0x1C00, v19  }
0x571: {  	v17 =	vor.u32 v17, v19;
	v19 =	vld [tilespmem:$0x1FFF0];
	_ =	sdelay $0x3  }
0x572: {  	v21 =	vmov s6  }
0x573: {  	vm2 =	vlt.s32 v21, v16;
	v18 =	vand.u32 $0xFFFFE000, v18;
	vm0 =	vnez.u8 v19  }
0x574: {  	v17 =	vor.u32 v18, v17;
	v19 =	vand.u32 $0x380, v20;
	vm3 =	vmand vm2, vm0  }
0x575: {  	vm4 =	vmand vm2, vm10;
	v17 =	vor.u32 v19, v17  }
0x576: {  	vm5 =	vmand vm2, vm11  }
0x577: {  	vm6 =	vmand vm2, vm9  }
0x578: {  	vm7 =	vmand vm2, vm14  }
0x579: {  	vm8 =	vmand vm2, vm13  }
0x57a: {  	[tilespmem:v17+s21+$0x0] =	vst.idx.add.f32.msk vm3, v15;
	vm3 =	vmand vm2, vm15  }
0x57b: {  	[tilespmem:v17+s21+$0x0] =	vst.idx.add.f32.msk vm4, v15;
	vm4 =	vmand vm2, vm1;
	vm1 =	vcmask $0x2320  }
0x57c: {  	vm9 =	vcmask $0x2724;
	[tilespmem:v17+s21+$0x0] =	vst.idx.add.f32.msk vm5, v15;
	vm5 =	vmand vm2, vm1  }
0x57d: {  	[tilespmem:v17+s21+$0x0] =	vst.idx.add.f32.msk vm6, v15;
	vm6 =	vmand vm2, vm9  }
0x57e: {  	vm13 =	vcmask $0x2F2C;
	[tilespmem:v17+s21+$0x0] =	vst.idx.add.f32.msk vm7, v15;
	vm7 =	vmand vm2, vm12  }
0x57f: {  	[tilespmem:v17+s21+$0x0] =	vst.idx.add.f32.msk vm8, v15;
	vm8 =	vmand vm2, vm13;
	vm13 =	vmmov vm15;
	vm15 =	vcmask $0x3330  }
0x580: {  	vm9 =	vmmov vm14;
	vm14 =	vcmask $0x3734;
	[tilespmem:v17+s21+$0x0] =	vst.idx.add.f32.msk vm3, v15;
	vm3 =	vmand vm2, vm15  }
0x581: {  	vm0 =	vcmask $0x3B38;
	[tilespmem:v17+s21+$0x0] =	vst.idx.add.f32.msk vm4, v15;
	vm4 =	vmand vm2, vm14  }
0x582: {  	[tilespmem:v17+s21+$0x0] =	vst.idx.add.f32.msk vm5, v15;
	vm5 =	vmand vm2, vm0  }
0x583: {  	p1 =	sne.s32 s1, $0x2;
	[tilespmem:v17+s21+$0x0] =	vst.idx.add.f32.msk vm6, v15  }
.Ltmp66:
0x584: {  	[tilespmem:v17+s21+$0x0] =	vst.idx.add.f32.msk vm7, v15;
	(pc) =	sbr.rel @!p1 .LBB2_88-.Ltmp66, $4  }
0x585: {  	[tilespmem:v17+s21+$0x0] =	vst.idx.add.f32.msk vm8, v15  }
0x586: {  	[tilespmem:v17+s21+$0x0] =	vst.idx.add.f32.msk vm3, v15  }
0x587: {  	s6 =	simm.s32 $0x10;
	s31 =	sadd.s32 $0x10, s9;
	p0 =	por $0x1, $0x1;
	vm1 =	vcmask $0x3F3C;
	[tilespmem:v17+s21+$0x0] =	vst.idx.add.f32.msk vm4, v15  }
0x588: {  	s7 =	simm.s32 $0x2;
	s11 =	sand.u32 $0xFFFFFF80, s31;
	s22 =	sand.u32 $0x70, s6;
	vm2 =	vmand vm2, vm1;
	[tilespmem:v17+s21+$0x0] =	vst.idx.add.f32.msk vm5, v15  }
.LBB2_89:
0x589: {  	_ =	sdelay $0x4  }
0x58a: {  	s11 =	sor.u32 s22, s11;
	[tilespmem:v17+s21+$0x0] =	vst.idx.add.f32.msk vm2, v15  }
0x58b: {  	v17 =	vld [tilespmem:s11+$0x12000];
	_ =	sdelay $0x4  }
0x58c: {  	v18 =	vsub.s32 v17, v9;
	v19 =	vshll.u32 v17, $0x3  }
0x58d: {  	v20 =	vshrl.u32 v17, $0x3;
	v17 =	vand.u32 $0x7F, v17;
	v19 =	vand.u32 $0x1C00, v19  }
0x58e: {  	v17 =	vor.u32 v17, v19;
	v19 =	vld [tilespmem:$0x1FFF0];
	_ =	sdelay $0x3  }
0x58f: {  	v21 =	vmov s10  }
0x590: {  	vm2 =	vlt.s32 v21, v16;
	v18 =	vand.u32 $0xFFFFE000, v18;
	vm3 =	vnez.u8 v19  }
0x591: {  	v17 =	vor.u32 v18, v17;
	v19 =	vand.u32 $0x380, v20;
	vm3 =	vmand vm2, vm3  }
0x592: {  	vm4 =	vmand vm2, vm10;
	v17 =	vor.u32 v19, v17  }
0x593: {  	vm6 =	vcmask $0xF0C;
	vm5 =	vmand vm2, vm11  }
0x594: {  	vm6 =	vmand vm2, vm6  }
0x595: {  	vm8 =	vcmask $0x1714;
	vm7 =	vmand vm2, vm9  }
0x596: {  	vm8 =	vmand vm2, vm8  }
0x597: {  	[tilespmem:v17+s21+$0x0] =	vst.idx.add.f32.msk vm3, v15  }
0x598: {  	vm3 =	vmand vm2, vm13;
	[tilespmem:v17+s21+$0x0] =	vst.idx.add.f32.msk vm4, v15;
	vm4 =	vcmask $0x1F1C  }
0x599: {  	vm4 =	vmand vm2, vm4;
	[tilespmem:v17+s21+$0x0] =	vst.idx.add.f32.msk vm5, v15;
	vm5 =	vcmask $0x2320  }
0x59a: {  	vm5 =	vmand vm2, vm5;
	[tilespmem:v17+s21+$0x0] =	vst.idx.add.f32.msk vm6, v15;
	vm6 =	vcmask $0x2724  }
0x59b: {  	vm6 =	vmand vm2, vm6;
	[tilespmem:v17+s21+$0x0] =	vst.idx.add.f32.msk vm7, v15  }
0x59c: {  	vm7 =	vmand vm2, vm12;
	[tilespmem:v17+s21+$0x0] =	vst.idx.add.f32.msk vm8, v15;
	vm8 =	vcmask $0x2F2C  }
0x59d: {  	vm8 =	vmand vm2, vm8  }
0x59e: {  	[tilespmem:v17+s21+$0x0] =	vst.idx.add.f32.msk vm3, v15;
	vm3 =	vmand vm2, vm15  }
0x59f: {  	[tilespmem:v17+s21+$0x0] =	vst.idx.add.f32.msk vm4, v15;
	vm4 =	vmand vm2, vm14  }
0x5a0: {  	s30 =	smov.u32 s7;
	s7 =	sadd.s32 $0x1, s7;
	[tilespmem:v17+s21+$0x0] =	vst.idx.add.f32.msk vm5, v15;
	vm5 =	vmand vm2, vm0  }
0x5a1: {  	p1 =	sne.s32 s1, s7;
	[tilespmem:v17+s21+$0x0] =	vst.idx.add.f32.msk vm6, v15  }
.Ltmp67:
0x5a2: {  	[tilespmem:v17+s21+$0x0] =	vst.idx.add.f32.msk vm7, v15;
	(pc) =	sbr.rel @p1 .LBB2_89-.Ltmp67, $4  }
0x5a3: {  	[tilespmem:v17+s21+$0x0] =	vst.idx.add.f32.msk vm8, v15  }
0x5a4: {  	s6 =	sadd.s32 $0x10, s6;
	[tilespmem:v17+s21+$0x0] =	vst.idx.add.f32.msk vm3, v15  }
0x5a5: {  	s31 =	sadd.s32 s6, s9;
	[tilespmem:v17+s21+$0x0] =	vst.idx.add.f32.msk vm4, v15  }
0x5a6: {  	s10 =	smov.u32 s30;
	s22 =	sand.u32 $0x70, s6;
	s11 =	sand.u32 $0xFFFFFF80, s31;
	vm2 =	vmand vm2, vm1;
	[tilespmem:v17+s21+$0x0] =	vst.idx.add.f32.msk vm5, v15  }
0x5a7: {  	v18 =	vld [tilespmem:$0x1FFF0];
	_ =	sdelay $0x3  }
0x5a8: {  	vm14 =	vmmov vm9;
	vm15 =	vmmov vm13;
	vm9 =	vcmask $0xF0C  }
0x5a9: {  	s6 =	smov.u32 s10;
	vm13 =	vcmask $0x1714;
	vm1 =	vcmask $0x1F1C;
	vm0 =	vnez.u8 v18  }
.LBB2_91:
0x5aa: {  	_ =	sdelay $0x4  }
0x5ab: {  	s1 =	sor.u32 s22, s11;
	[tilespmem:v17+s21+$0x0] =	vst.idx.add.f32.msk @p0 vm2, v15  }
0x5ac: {  	v17 =	vld [tilespmem:s1+$0x12000];
	_ =	sdelay $0x4  }
0x5ad: {  	v21 =	vmov s6;
	v18 =	vsub.s32 v17, v9;
	v19 =	vshll.u32 v17, $0x3  }
0x5ae: {  	v20 =	vshrl.u32 v17, $0x3;
	v17 =	vand.u32 $0x7F, v17;
	v19 =	vand.u32 $0x1C00, v19  }
0x5af: {  	vm2 =	vlt.s32 v21, v16;
	v16 =	vand.u32 $0xFFFFE000, v18;
	v17 =	vor.u32 v17, v19  }
0x5b0: {  	vm3 =	vmand vm2, vm0;
	v63 =	vand.u32 $0x380, v20;
	v16 =	vor.u32 v16, v17  }
0x5b1: {  	vm4 =	vmand vm2, vm10;
	v16 =	vor.u32 v63, v16  }
0x5b2: {  	vm5 =	vmand vm2, vm11  }
0x5b3: {  	vm6 =	vmand vm2, vm9  }
0x5b4: {  	vm7 =	vmand vm2, vm14  }
0x5b5: {  	vm8 =	vmand vm2, vm13  }
0x5b6: {  	[tilespmem:v16+s21+$0x0] =	vst.idx.add.f32.msk vm3, v15;
	vm3 =	vmand vm2, vm15  }
0x5b7: {  	[tilespmem:v16+s21+$0x0] =	vst.idx.add.f32.msk vm4, v15;
	vm4 =	vmand vm2, vm1;
	vm1 =	vcmask $0x2320  }
0x5b8: {  	[tilespmem:v16+s21+$0x0] =	vst.idx.add.f32.msk vm5, v15;
	vm5 =	vmand vm2, vm1;
	vm1 =	vcmask $0x2724  }
0x5b9: {  	[tilespmem:v16+s21+$0x0] =	vst.idx.add.f32.msk vm6, v15;
	vm6 =	vmand vm2, vm1  }
0x5ba: {  	[tilespmem:v16+s21+$0x0] =	vst.idx.add.f32.msk vm7, v15  }
0x5bb: {  	vm1 =	vcmask $0x2F2C;
	vm7 =	vmand vm2, vm12;
	[tilespmem:v16+s21+$0x0] =	vst.idx.add.f32.msk vm8, v15  }
0x5bc: {  	vm8 =	vmand vm2, vm1;
	vm1 =	vcmask $0x3330;
	[tilespmem:v16+s21+$0x0] =	vst.idx.add.f32.msk vm3, v15  }
0x5bd: {  	vm3 =	vmand vm2, vm1;
	vm1 =	vcmask $0x3734;
	[tilespmem:v16+s21+$0x0] =	vst.idx.add.f32.msk vm4, v15  }
0x5be: {  	vm0 =	vcmask $0x3B38;
	vm4 =	vmand vm2, vm1;
	[tilespmem:v16+s21+$0x0] =	vst.idx.add.f32.msk vm5, v15  }
0x5bf: {  	vm5 =	vmand vm2, vm0;
	[tilespmem:v16+s21+$0x0] =	vst.idx.add.f32.msk vm6, v15;
	vm6 =	vcmask $0x3F3C  }
0x5c0: {  	vm2 =	vmand vm2, vm6  }
0x5c1: {  	[tilespmem:v16+s21+$0x0] =	vst.idx.add.f32.msk vm7, v15  }
0x5c2: {  	[tilespmem:v16+s21+$0x0] =	vst.idx.add.f32.msk vm8, v15  }
0x5c3: {  	[tilespmem:v16+s21+$0x0] =	vst.idx.add.f32.msk vm3, v15  }
0x5c4: {  	[tilespmem:v16+s21+$0x0] =	vst.idx.add.f32.msk vm4, v15  }
0x5c5: {  	[tilespmem:v16+s21+$0x0] =	vst.idx.add.f32.msk vm5, v15  }
0x5c6: {  	vm1 =	vcmask $0x1F1C;
	[tilespmem:v16+s21+$0x0] =	vst.idx.add.f32.msk vm2, v15  }
.LBB2_92:
0x5c7: {  	s1 =	rddreg [dreg:$0x5]  }
0x5c8: {  	s1 =	sshrl.u32 s1, $0x2  }
0x5c9: {  	v16 =	vld [tilespmem:s1+$0x1E400];
	_ =	sdelay $0x4  }
0x5ca: {  	v17 =	vxor.u32 $0x80000000, v16  }
0x5cb: {  	(xrf0) =	vmax.scan.msk.u32 $0xffff, v17;
	_ =	sdelay $0x5  }
0x5cc: {  	v17, _, _ =	vpop (xrf0)  }
0x5cd: {  	(v2sf) =	vpush v17, $0xF;
	_ =	sdelay $0xe  }
0x5ce: {  	s6 =	spop (v2sf)  }
0x5cf: {  	s10 =	sxor.u32 $0x80000000, s6  }
0x5d0: {  	p0 =	slt.s32 s10, $0x1  }
.Ltmp68:
0x5d1: {  	_ = 	snop;
	(pc) =	sbr.rel @p0 .LBB2_100-.Ltmp68, $2  }
0x5d2: {  	_ =	sdelay $0x2  }
0x5d3: {  	s6 =	simm.s32 $0x0  }
0x5d4: {  	p1 =	sne.s32 s10, $0x1  }
.Ltmp69:
0x5d5: {  	_ = 	snop;
	(pc) =	sbr.rel @!p1 .LBB2_94-.Ltmp69, $3  }
0x5d6: {  	_ =	sdelay $0x1  }
0x5d7: {  	s22 =	simm.s32 $0x1;
	s7 =	sadd.s32 $0x0, s16  }
0x5d8: {  	s23 =	sand.u32 $0x70, s6;
	p0 =	por $0x0, $0x0;
	s11 =	sand.u32 $0xFFFFFF80, s7  }
0x5d9: {  	s7 =	sor.u32 s23, s11  }
0x5da: {  	v17 =	vld [tilespmem:s7+$0x12000];
	_ =	sdelay $0x4  }
0x5db: {  	v18 =	vsub.s32 v17, v9;
	v19 =	vshll.u32 v17, $0x3  }
0x5dc: {  	v20 =	vshrl.u32 v17, $0x3;
	v17 =	vand.u32 $0x7F, v17;
	v19 =	vand.u32 $0x1C00, v19  }
0x5dd: {  	v17 =	vor.u32 v17, v19;
	v19 =	vld [tilespmem:$0x1FFF0];
	_ =	sdelay $0x3  }
0x5de: {  	v21 =	vmov s6  }
0x5df: {  	vm2 =	vlt.s32 v21, v16;
	v18 =	vand.u32 $0xFFFFE000, v18;
	vm0 =	vnez.u8 v19  }
0x5e0: {  	v17 =	vor.u32 v18, v17;
	v19 =	vand.u32 $0x380, v20;
	vm3 =	vmand vm2, vm0  }
0x5e1: {  	vm4 =	vmand vm2, vm10;
	v17 =	vor.u32 v19, v17  }
0x5e2: {  	vm5 =	vmand vm2, vm11  }
0x5e3: {  	vm6 =	vmand vm2, vm9  }
0x5e4: {  	vm7 =	vmand vm2, vm14  }
0x5e5: {  	vm8 =	vmand vm2, vm13  }
0x5e6: {  	[tilespmem:v17+s21+$0x0] =	vst.idx.add.f32.msk vm3, v15;
	vm3 =	vmand vm2, vm15  }
0x5e7: {  	[tilespmem:v17+s21+$0x0] =	vst.idx.add.f32.msk vm4, v15;
	vm4 =	vmand vm2, vm1;
	vm1 =	vcmask $0x2320  }
0x5e8: {  	vm9 =	vcmask $0x2724;
	[tilespmem:v17+s21+$0x0] =	vst.idx.add.f32.msk vm5, v15;
	vm5 =	vmand vm2, vm1  }
0x5e9: {  	[tilespmem:v17+s21+$0x0] =	vst.idx.add.f32.msk vm6, v15;
	vm6 =	vmand vm2, vm9  }
0x5ea: {  	vm13 =	vcmask $0x2F2C;
	[tilespmem:v17+s21+$0x0] =	vst.idx.add.f32.msk vm7, v15;
	vm7 =	vmand vm2, vm12  }
0x5eb: {  	[tilespmem:v17+s21+$0x0] =	vst.idx.add.f32.msk vm8, v15;
	vm8 =	vmand vm2, vm13;
	vm13 =	vmmov vm15;
	vm15 =	vcmask $0x3330  }
0x5ec: {  	vm9 =	vmmov vm14;
	vm14 =	vcmask $0x3734;
	[tilespmem:v17+s21+$0x0] =	vst.idx.add.f32.msk vm3, v15;
	vm3 =	vmand vm2, vm15  }
0x5ed: {  	vm0 =	vcmask $0x3B38;
	[tilespmem:v17+s21+$0x0] =	vst.idx.add.f32.msk vm4, v15;
	vm4 =	vmand vm2, vm14  }
0x5ee: {  	[tilespmem:v17+s21+$0x0] =	vst.idx.add.f32.msk vm5, v15;
	vm5 =	vmand vm2, vm0  }
0x5ef: {  	p1 =	sne.s32 s10, $0x2;
	[tilespmem:v17+s21+$0x0] =	vst.idx.add.f32.msk vm6, v15  }
.Ltmp70:
0x5f0: {  	[tilespmem:v17+s21+$0x0] =	vst.idx.add.f32.msk vm7, v15;
	(pc) =	sbr.rel @!p1 .LBB2_96-.Ltmp70, $4  }
0x5f1: {  	[tilespmem:v17+s21+$0x0] =	vst.idx.add.f32.msk vm8, v15  }
0x5f2: {  	[tilespmem:v17+s21+$0x0] =	vst.idx.add.f32.msk vm3, v15  }
0x5f3: {  	s6 =	simm.s32 $0x10;
	s31 =	sadd.s32 $0x10, s16;
	p0 =	por $0x1, $0x1;
	vm1 =	vcmask $0x3F3C;
	[tilespmem:v17+s21+$0x0] =	vst.idx.add.f32.msk vm4, v15  }
0x5f4: {  	s7 =	simm.s32 $0x2;
	s11 =	sand.u32 $0xFFFFFF80, s31;
	s23 =	sand.u32 $0x70, s6;
	vm2 =	vmand vm2, vm1;
	[tilespmem:v17+s21+$0x0] =	vst.idx.add.f32.msk vm5, v15  }
.LBB2_97:
0x5f5: {  	_ =	sdelay $0x4  }
0x5f6: {  	s11 =	sor.u32 s23, s11;
	[tilespmem:v17+s21+$0x0] =	vst.idx.add.f32.msk vm2, v15  }
0x5f7: {  	v17 =	vld [tilespmem:s11+$0x12000];
	_ =	sdelay $0x4  }
0x5f8: {  	v18 =	vsub.s32 v17, v9;
	v19 =	vshll.u32 v17, $0x3  }
0x5f9: {  	v20 =	vshrl.u32 v17, $0x3;
	v17 =	vand.u32 $0x7F, v17;
	v19 =	vand.u32 $0x1C00, v19  }
0x5fa: {  	v17 =	vor.u32 v17, v19;
	v19 =	vld [tilespmem:$0x1FFF0];
	_ =	sdelay $0x3  }
0x5fb: {  	v21 =	vmov s22  }
0x5fc: {  	vm2 =	vlt.s32 v21, v16;
	v18 =	vand.u32 $0xFFFFE000, v18;
	vm3 =	vnez.u8 v19  }
0x5fd: {  	v17 =	vor.u32 v18, v17;
	v19 =	vand.u32 $0x380, v20;
	vm3 =	vmand vm2, vm3  }
0x5fe: {  	vm4 =	vmand vm2, vm10;
	v17 =	vor.u32 v19, v17  }
0x5ff: {  	vm6 =	vcmask $0xF0C;
	vm5 =	vmand vm2, vm11  }
0x600: {  	vm6 =	vmand vm2, vm6  }
0x601: {  	vm8 =	vcmask $0x1714;
	vm7 =	vmand vm2, vm9  }
0x602: {  	vm8 =	vmand vm2, vm8  }
0x603: {  	[tilespmem:v17+s21+$0x0] =	vst.idx.add.f32.msk vm3, v15  }
0x604: {  	vm3 =	vmand vm2, vm13;
	[tilespmem:v17+s21+$0x0] =	vst.idx.add.f32.msk vm4, v15;
	vm4 =	vcmask $0x1F1C  }
0x605: {  	vm4 =	vmand vm2, vm4;
	[tilespmem:v17+s21+$0x0] =	vst.idx.add.f32.msk vm5, v15;
	vm5 =	vcmask $0x2320  }
0x606: {  	vm5 =	vmand vm2, vm5;
	[tilespmem:v17+s21+$0x0] =	vst.idx.add.f32.msk vm6, v15;
	vm6 =	vcmask $0x2724  }
0x607: {  	vm6 =	vmand vm2, vm6;
	[tilespmem:v17+s21+$0x0] =	vst.idx.add.f32.msk vm7, v15  }
0x608: {  	vm7 =	vmand vm2, vm12;
	[tilespmem:v17+s21+$0x0] =	vst.idx.add.f32.msk vm8, v15;
	vm8 =	vcmask $0x2F2C  }
0x609: {  	vm8 =	vmand vm2, vm8  }
0x60a: {  	[tilespmem:v17+s21+$0x0] =	vst.idx.add.f32.msk vm3, v15;
	vm3 =	vmand vm2, vm15  }
0x60b: {  	[tilespmem:v17+s21+$0x0] =	vst.idx.add.f32.msk vm4, v15;
	vm4 =	vmand vm2, vm14  }
0x60c: {  	s30 =	smov.u32 s7;
	s7 =	sadd.s32 $0x1, s7;
	[tilespmem:v17+s21+$0x0] =	vst.idx.add.f32.msk vm5, v15;
	vm5 =	vmand vm2, vm0  }
0x60d: {  	p1 =	sne.s32 s10, s7;
	[tilespmem:v17+s21+$0x0] =	vst.idx.add.f32.msk vm6, v15  }
.Ltmp71:
0x60e: {  	[tilespmem:v17+s21+$0x0] =	vst.idx.add.f32.msk vm7, v15;
	(pc) =	sbr.rel @p1 .LBB2_97-.Ltmp71, $4  }
0x60f: {  	[tilespmem:v17+s21+$0x0] =	vst.idx.add.f32.msk vm8, v15  }
0x610: {  	s6 =	sadd.s32 $0x10, s6;
	[tilespmem:v17+s21+$0x0] =	vst.idx.add.f32.msk vm3, v15  }
0x611: {  	s31 =	sadd.s32 s6, s16;
	[tilespmem:v17+s21+$0x0] =	vst.idx.add.f32.msk vm4, v15  }
0x612: {  	s22 =	smov.u32 s30;
	s23 =	sand.u32 $0x70, s6;
	s11 =	sand.u32 $0xFFFFFF80, s31;
	vm2 =	vmand vm2, vm1;
	[tilespmem:v17+s21+$0x0] =	vst.idx.add.f32.msk vm5, v15  }
0x613: {  	v18 =	vld [tilespmem:$0x1FFF0];
	_ =	sdelay $0x3  }
0x614: {  	vm14 =	vmmov vm9;
	vm15 =	vmmov vm13;
	vm9 =	vcmask $0xF0C  }
0x615: {  	s6 =	smov.u32 s22;
	vm13 =	vcmask $0x1714;
	vm1 =	vcmask $0x1F1C;
	vm0 =	vnez.u8 v18  }
.LBB2_99:
0x616: {  	_ =	sdelay $0x4  }
0x617: {  	s7 =	sor.u32 s23, s11;
	[tilespmem:v17+s21+$0x0] =	vst.idx.add.f32.msk @p0 vm2, v15  }
0x618: {  	v17 =	vld [tilespmem:s7+$0x12000];
	_ =	sdelay $0x4  }
0x619: {  	v21 =	vmov s6;
	v18 =	vsub.s32 v17, v9;
	v19 =	vshll.u32 v17, $0x3  }
0x61a: {  	v20 =	vshrl.u32 v17, $0x3;
	v17 =	vand.u32 $0x7F, v17;
	v19 =	vand.u32 $0x1C00, v19  }
0x61b: {  	vm2 =	vlt.s32 v21, v16;
	v16 =	vand.u32 $0xFFFFE000, v18;
	v17 =	vor.u32 v17, v19  }
0x61c: {  	vm3 =	vmand vm2, vm0;
	v63 =	vand.u32 $0x380, v20;
	v16 =	vor.u32 v16, v17  }
0x61d: {  	vm4 =	vmand vm2, vm10;
	v16 =	vor.u32 v63, v16  }
0x61e: {  	vm5 =	vmand vm2, vm11  }
0x61f: {  	vm6 =	vmand vm2, vm9  }
0x620: {  	vm7 =	vmand vm2, vm14  }
0x621: {  	vm8 =	vmand vm2, vm13  }
0x622: {  	[tilespmem:v16+s21+$0x0] =	vst.idx.add.f32.msk vm3, v15;
	vm3 =	vmand vm2, vm15  }
0x623: {  	[tilespmem:v16+s21+$0x0] =	vst.idx.add.f32.msk vm4, v15;
	vm4 =	vmand vm2, vm1;
	vm1 =	vcmask $0x2320  }
0x624: {  	[tilespmem:v16+s21+$0x0] =	vst.idx.add.f32.msk vm5, v15;
	vm5 =	vmand vm2, vm1;
	vm1 =	vcmask $0x2724  }
0x625: {  	[tilespmem:v16+s21+$0x0] =	vst.idx.add.f32.msk vm6, v15;
	vm6 =	vmand vm2, vm1  }
0x626: {  	[tilespmem:v16+s21+$0x0] =	vst.idx.add.f32.msk vm7, v15  }
0x627: {  	vm1 =	vcmask $0x2F2C;
	vm7 =	vmand vm2, vm12;
	[tilespmem:v16+s21+$0x0] =	vst.idx.add.f32.msk vm8, v15  }
0x628: {  	vm8 =	vmand vm2, vm1;
	vm1 =	vcmask $0x3330;
	[tilespmem:v16+s21+$0x0] =	vst.idx.add.f32.msk vm3, v15  }
0x629: {  	vm3 =	vmand vm2, vm1;
	vm1 =	vcmask $0x3734;
	[tilespmem:v16+s21+$0x0] =	vst.idx.add.f32.msk vm4, v15  }
0x62a: {  	vm0 =	vcmask $0x3B38;
	vm4 =	vmand vm2, vm1;
	[tilespmem:v16+s21+$0x0] =	vst.idx.add.f32.msk vm5, v15  }
0x62b: {  	vm5 =	vmand vm2, vm0;
	[tilespmem:v16+s21+$0x0] =	vst.idx.add.f32.msk vm6, v15;
	vm6 =	vcmask $0x3F3C  }
0x62c: {  	vm2 =	vmand vm2, vm6  }
0x62d: {  	[tilespmem:v16+s21+$0x0] =	vst.idx.add.f32.msk vm7, v15  }
0x62e: {  	[tilespmem:v16+s21+$0x0] =	vst.idx.add.f32.msk vm8, v15  }
0x62f: {  	[tilespmem:v16+s21+$0x0] =	vst.idx.add.f32.msk vm3, v15  }
0x630: {  	[tilespmem:v16+s21+$0x0] =	vst.idx.add.f32.msk vm4, v15  }
0x631: {  	[tilespmem:v16+s21+$0x0] =	vst.idx.add.f32.msk vm5, v15  }
0x632: {  	vm1 =	vcmask $0x1F1C;
	[tilespmem:v16+s21+$0x0] =	vst.idx.add.f32.msk vm2, v15  }
.LBB2_100:
0x633: {  	s6 =	simm.s32 $0x0  }
0x634: {  	[hbm4b:s25+s6] =	stream.linear.scatter [tilespmem:s21], [sflag:$0x3], $0x6000, $0x38;
	[tilespmem:$0x1F080] =	vst v63  }
0x635: {  	_ =	swait.ge [sflag:s26], $0x6000  }
0x636: {  	[sflag:s26] =	ssyncset.done $0x0  }
0x637: {  	[sflag:s26] =	ssyncadd.s32 $0xFFFFA000  }
0x638: {  	v16 =	vld [tilespmem:s0+$0x1E400];
	_ =	sdelay $0x4  }
0x639: {  	v17 =	vxor.u32 $0x80000000, v16  }
0x63a: {  	(xrf0) =	vmax.scan.msk.u32 $0xffff, v17;
	_ =	sdelay $0x5  }
0x63b: {  	v17, _, _ =	vpop (xrf0)  }
0x63c: {  	(v2sf) =	vpush v17, $0xF;
	_ =	sdelay $0xe  }
0x63d: {  	s31 =	spop (v2sf)  }
0x63e: {  	s0 =	sxor.u32 $0x80000000, s31  }
0x63f: {  	p0 =	slt.s32 s0, $0x1  }
.Ltmp72:
0x640: {  	_ = 	snop;
	(pc) =	sbr.rel @p0 .LBB2_108-.Ltmp72, $1  }
0x641: {  	_ =	sdelay $0x3  }
0x642: {  	p1 =	sne.s32 s0, $0x1  }
.Ltmp73:
0x643: {  	_ = 	snop;
	(pc) =	sbr.rel @!p1 .LBB2_102-.Ltmp73, $3  }
0x644: {  	_ =	sdelay $0x1  }
0x645: {  	s10 =	simm.s32 $0x1;
	s7 =	sadd.s32 $0x0, s9  }
0x646: {  	s22 =	sand.u32 $0x70, s6;
	p0 =	por $0x0, $0x0;
	s11 =	sand.u32 $0xFFFFFF80, s7  }
0x647: {  	s7 =	sor.u32 s22, s11  }
0x648: {  	v17 =	vld [tilespmem:s7+$0x12000];
	_ =	sdelay $0x4  }
0x649: {  	v18 =	vsub.s32 v17, v9;
	v19 =	vshll.u32 v17, $0x3  }
0x64a: {  	v20 =	vshrl.u32 v17, $0x3;
	v17 =	vand.u32 $0x7F, v17;
	v19 =	vand.u32 $0x1C00, v19  }
0x64b: {  	v17 =	vor.u32 v17, v19;
	v19 =	vld [tilespmem:$0x1FFF0];
	_ =	sdelay $0x3  }
0x64c: {  	v21 =	vmov s6  }
0x64d: {  	vm2 =	vlt.s32 v21, v16;
	v18 =	vand.u32 $0xFFFFE000, v18;
	vm0 =	vnez.u8 v19  }
0x64e: {  	v17 =	vor.u32 v18, v17;
	v19 =	vand.u32 $0x380, v20;
	vm3 =	vmand vm2, vm0  }
0x64f: {  	vm4 =	vmand vm2, vm10;
	v17 =	vor.u32 v19, v17  }
0x650: {  	vm5 =	vmand vm2, vm11  }
0x651: {  	vm6 =	vmand vm2, vm9  }
0x652: {  	vm7 =	vmand vm2, vm14  }
0x653: {  	vm8 =	vmand vm2, vm13  }
0x654: {  	[tilespmem:v17+s21+$0x0] =	vst.idx.add.f32.msk vm3, v14;
	vm3 =	vmand vm2, vm15  }
0x655: {  	[tilespmem:v17+s21+$0x0] =	vst.idx.add.f32.msk vm4, v14;
	vm4 =	vmand vm2, vm1;
	vm1 =	vcmask $0x2320  }
0x656: {  	vm9 =	vcmask $0x2724;
	[tilespmem:v17+s21+$0x0] =	vst.idx.add.f32.msk vm5, v14;
	vm5 =	vmand vm2, vm1  }
0x657: {  	[tilespmem:v17+s21+$0x0] =	vst.idx.add.f32.msk vm6, v14;
	vm6 =	vmand vm2, vm9  }
0x658: {  	vm13 =	vcmask $0x2F2C;
	[tilespmem:v17+s21+$0x0] =	vst.idx.add.f32.msk vm7, v14;
	vm7 =	vmand vm2, vm12  }
0x659: {  	[tilespmem:v17+s21+$0x0] =	vst.idx.add.f32.msk vm8, v14;
	vm8 =	vmand vm2, vm13;
	vm13 =	vmmov vm15;
	vm15 =	vcmask $0x3330  }
0x65a: {  	vm9 =	vmmov vm14;
	vm14 =	vcmask $0x3734;
	[tilespmem:v17+s21+$0x0] =	vst.idx.add.f32.msk vm3, v14;
	vm3 =	vmand vm2, vm15  }
0x65b: {  	vm0 =	vcmask $0x3B38;
	[tilespmem:v17+s21+$0x0] =	vst.idx.add.f32.msk vm4, v14;
	vm4 =	vmand vm2, vm14  }
0x65c: {  	[tilespmem:v17+s21+$0x0] =	vst.idx.add.f32.msk vm5, v14;
	vm5 =	vmand vm2, vm0  }
0x65d: {  	p1 =	sne.s32 s0, $0x2;
	[tilespmem:v17+s21+$0x0] =	vst.idx.add.f32.msk vm6, v14  }
.Ltmp74:
0x65e: {  	[tilespmem:v17+s21+$0x0] =	vst.idx.add.f32.msk vm7, v14;
	(pc) =	sbr.rel @!p1 .LBB2_104-.Ltmp74, $4  }
0x65f: {  	[tilespmem:v17+s21+$0x0] =	vst.idx.add.f32.msk vm8, v14  }
0x660: {  	[tilespmem:v17+s21+$0x0] =	vst.idx.add.f32.msk vm3, v14  }
0x661: {  	s6 =	simm.s32 $0x10;
	s31 =	sadd.s32 $0x10, s9;
	p0 =	por $0x1, $0x1;
	vm1 =	vcmask $0x3F3C;
	[tilespmem:v17+s21+$0x0] =	vst.idx.add.f32.msk vm4, v14  }
0x662: {  	s7 =	simm.s32 $0x2;
	s11 =	sand.u32 $0xFFFFFF80, s31;
	s22 =	sand.u32 $0x70, s6;
	vm2 =	vmand vm2, vm1;
	[tilespmem:v17+s21+$0x0] =	vst.idx.add.f32.msk vm5, v14  }
.LBB2_105:
0x663: {  	_ =	sdelay $0x4  }
0x664: {  	s11 =	sor.u32 s22, s11;
	[tilespmem:v17+s21+$0x0] =	vst.idx.add.f32.msk vm2, v14  }
0x665: {  	v17 =	vld [tilespmem:s11+$0x12000];
	_ =	sdelay $0x4  }
0x666: {  	v18 =	vsub.s32 v17, v9;
	v19 =	vshll.u32 v17, $0x3  }
0x667: {  	v20 =	vshrl.u32 v17, $0x3;
	v17 =	vand.u32 $0x7F, v17;
	v19 =	vand.u32 $0x1C00, v19  }
0x668: {  	v17 =	vor.u32 v17, v19;
	v19 =	vld [tilespmem:$0x1FFF0];
	_ =	sdelay $0x3  }
0x669: {  	v21 =	vmov s10  }
0x66a: {  	vm2 =	vlt.s32 v21, v16;
	v18 =	vand.u32 $0xFFFFE000, v18;
	vm3 =	vnez.u8 v19  }
0x66b: {  	v17 =	vor.u32 v18, v17;
	v19 =	vand.u32 $0x380, v20;
	vm3 =	vmand vm2, vm3  }
0x66c: {  	vm4 =	vmand vm2, vm10;
	v17 =	vor.u32 v19, v17  }
0x66d: {  	vm6 =	vcmask $0xF0C;
	vm5 =	vmand vm2, vm11  }
0x66e: {  	vm6 =	vmand vm2, vm6  }
0x66f: {  	vm8 =	vcmask $0x1714;
	vm7 =	vmand vm2, vm9  }
0x670: {  	vm8 =	vmand vm2, vm8  }
0x671: {  	[tilespmem:v17+s21+$0x0] =	vst.idx.add.f32.msk vm3, v14  }
0x672: {  	vm3 =	vmand vm2, vm13;
	[tilespmem:v17+s21+$0x0] =	vst.idx.add.f32.msk vm4, v14;
	vm4 =	vcmask $0x1F1C  }
0x673: {  	vm4 =	vmand vm2, vm4;
	[tilespmem:v17+s21+$0x0] =	vst.idx.add.f32.msk vm5, v14;
	vm5 =	vcmask $0x2320  }
0x674: {  	vm5 =	vmand vm2, vm5;
	[tilespmem:v17+s21+$0x0] =	vst.idx.add.f32.msk vm6, v14;
	vm6 =	vcmask $0x2724  }
0x675: {  	vm6 =	vmand vm2, vm6;
	[tilespmem:v17+s21+$0x0] =	vst.idx.add.f32.msk vm7, v14  }
0x676: {  	vm7 =	vmand vm2, vm12;
	[tilespmem:v17+s21+$0x0] =	vst.idx.add.f32.msk vm8, v14;
	vm8 =	vcmask $0x2F2C  }
0x677: {  	vm8 =	vmand vm2, vm8  }
0x678: {  	[tilespmem:v17+s21+$0x0] =	vst.idx.add.f32.msk vm3, v14;
	vm3 =	vmand vm2, vm15  }
0x679: {  	[tilespmem:v17+s21+$0x0] =	vst.idx.add.f32.msk vm4, v14;
	vm4 =	vmand vm2, vm14  }
0x67a: {  	s30 =	smov.u32 s7;
	s7 =	sadd.s32 $0x1, s7;
	[tilespmem:v17+s21+$0x0] =	vst.idx.add.f32.msk vm5, v14;
	vm5 =	vmand vm2, vm0  }
0x67b: {  	p1 =	sne.s32 s0, s7;
	[tilespmem:v17+s21+$0x0] =	vst.idx.add.f32.msk vm6, v14  }
.Ltmp75:
0x67c: {  	[tilespmem:v17+s21+$0x0] =	vst.idx.add.f32.msk vm7, v14;
	(pc) =	sbr.rel @p1 .LBB2_105-.Ltmp75, $4  }
0x67d: {  	[tilespmem:v17+s21+$0x0] =	vst.idx.add.f32.msk vm8, v14  }
0x67e: {  	s6 =	sadd.s32 $0x10, s6;
	[tilespmem:v17+s21+$0x0] =	vst.idx.add.f32.msk vm3, v14  }
0x67f: {  	s31 =	sadd.s32 s6, s9;
	[tilespmem:v17+s21+$0x0] =	vst.idx.add.f32.msk vm4, v14  }
0x680: {  	s10 =	smov.u32 s30;
	s22 =	sand.u32 $0x70, s6;
	s11 =	sand.u32 $0xFFFFFF80, s31;
	vm2 =	vmand vm2, vm1;
	[tilespmem:v17+s21+$0x0] =	vst.idx.add.f32.msk vm5, v14  }
0x681: {  	v18 =	vld [tilespmem:$0x1FFF0];
	_ =	sdelay $0x3  }
0x682: {  	vm14 =	vmmov vm9;
	vm15 =	vmmov vm13;
	vm9 =	vcmask $0xF0C  }
0x683: {  	s6 =	smov.u32 s10;
	vm13 =	vcmask $0x1714;
	vm1 =	vcmask $0x1F1C;
	vm0 =	vnez.u8 v18  }
.LBB2_107:
0x684: {  	_ =	sdelay $0x4  }
0x685: {  	s0 =	sor.u32 s22, s11;
	[tilespmem:v17+s21+$0x0] =	vst.idx.add.f32.msk @p0 vm2, v14  }
0x686: {  	v17 =	vld [tilespmem:s0+$0x12000];
	_ =	sdelay $0x4  }
0x687: {  	v21 =	vmov s6;
	v18 =	vsub.s32 v17, v9;
	v19 =	vshll.u32 v17, $0x3  }
0x688: {  	v20 =	vshrl.u32 v17, $0x3;
	v17 =	vand.u32 $0x7F, v17;
	v19 =	vand.u32 $0x1C00, v19  }
0x689: {  	vm2 =	vlt.s32 v21, v16;
	v16 =	vand.u32 $0xFFFFE000, v18;
	v17 =	vor.u32 v17, v19  }
0x68a: {  	vm3 =	vmand vm2, vm0;
	v63 =	vand.u32 $0x380, v20;
	v16 =	vor.u32 v16, v17  }
0x68b: {  	vm4 =	vmand vm2, vm10;
	v16 =	vor.u32 v63, v16  }
0x68c: {  	vm5 =	vmand vm2, vm11  }
0x68d: {  	vm6 =	vmand vm2, vm9  }
0x68e: {  	vm7 =	vmand vm2, vm14  }
0x68f: {  	vm8 =	vmand vm2, vm13  }
0x690: {  	[tilespmem:v16+s21+$0x0] =	vst.idx.add.f32.msk vm3, v14;
	vm3 =	vmand vm2, vm15  }
0x691: {  	[tilespmem:v16+s21+$0x0] =	vst.idx.add.f32.msk vm4, v14;
	vm4 =	vmand vm2, vm1;
	vm1 =	vcmask $0x2320  }
0x692: {  	[tilespmem:v16+s21+$0x0] =	vst.idx.add.f32.msk vm5, v14;
	vm5 =	vmand vm2, vm1;
	vm1 =	vcmask $0x2724  }
0x693: {  	[tilespmem:v16+s21+$0x0] =	vst.idx.add.f32.msk vm6, v14;
	vm6 =	vmand vm2, vm1  }
0x694: {  	[tilespmem:v16+s21+$0x0] =	vst.idx.add.f32.msk vm7, v14  }
0x695: {  	vm1 =	vcmask $0x2F2C;
	vm7 =	vmand vm2, vm12;
	[tilespmem:v16+s21+$0x0] =	vst.idx.add.f32.msk vm8, v14  }
0x696: {  	vm8 =	vmand vm2, vm1;
	vm1 =	vcmask $0x3330;
	[tilespmem:v16+s21+$0x0] =	vst.idx.add.f32.msk vm3, v14  }
0x697: {  	vm3 =	vmand vm2, vm1;
	vm1 =	vcmask $0x3734;
	[tilespmem:v16+s21+$0x0] =	vst.idx.add.f32.msk vm4, v14  }
0x698: {  	vm0 =	vcmask $0x3B38;
	vm4 =	vmand vm2, vm1;
	[tilespmem:v16+s21+$0x0] =	vst.idx.add.f32.msk vm5, v14  }
0x699: {  	vm5 =	vmand vm2, vm0;
	[tilespmem:v16+s21+$0x0] =	vst.idx.add.f32.msk vm6, v14;
	vm6 =	vcmask $0x3F3C  }
0x69a: {  	vm2 =	vmand vm2, vm6  }
0x69b: {  	[tilespmem:v16+s21+$0x0] =	vst.idx.add.f32.msk vm7, v14  }
0x69c: {  	[tilespmem:v16+s21+$0x0] =	vst.idx.add.f32.msk vm8, v14  }
0x69d: {  	[tilespmem:v16+s21+$0x0] =	vst.idx.add.f32.msk vm3, v14  }
0x69e: {  	[tilespmem:v16+s21+$0x0] =	vst.idx.add.f32.msk vm4, v14  }
0x69f: {  	[tilespmem:v16+s21+$0x0] =	vst.idx.add.f32.msk vm5, v14  }
0x6a0: {  	vm1 =	vcmask $0x1F1C;
	[tilespmem:v16+s21+$0x0] =	vst.idx.add.f32.msk vm2, v14  }
.LBB2_108:
0x6a1: {  	v16 =	vld [tilespmem:s1+$0x1E400];
	_ =	sdelay $0x4  }
0x6a2: {  	v17 =	vxor.u32 $0x80000000, v16  }
0x6a3: {  	(xrf0) =	vmax.scan.msk.u32 $0xffff, v17;
	_ =	sdelay $0x5  }
0x6a4: {  	v17, _, _ =	vpop (xrf0)  }
0x6a5: {  	(v2sf) =	vpush v17, $0xF;
	_ =	sdelay $0xe  }
0x6a6: {  	s0 =	spop (v2sf)  }
0x6a7: {  	s0 =	sxor.u32 $0x80000000, s0  }
0x6a8: {  	p0 =	slt.s32 s0, $0x1  }
.Ltmp76:
0x6a9: {  	_ = 	snop;
	(pc) =	sbr.rel @p0 .LBB2_134-.Ltmp76, $2  }
0x6aa: {  	_ =	sdelay $0x2  }
0x6ab: {  	s6 =	simm.s32 $0x0  }
0x6ac: {  	p1 =	seq.s32 s0, $0x1  }
.Ltmp77:
0x6ad: {  	_ = 	snop;
	(pc) =	sbr.rel @p1 .LBB2_110-.Ltmp77, $3  }
0x6ae: {  	_ =	sdelay $0x1  }
0x6af: {  	s1 =	simm.s32 $0x1;
	s7 =	sadd.s32 $0x0, s16  }
0x6b0: {  	s11 =	sand.u32 $0x70, s6;
	p0 =	por $0x0, $0x0;
	s10 =	sand.u32 $0xFFFFFF80, s7  }
0x6b1: {  	s7 =	sor.u32 s11, s10  }
0x6b2: {  	v17 =	vld [tilespmem:s7+$0x12000];
	_ =	sdelay $0x4  }
0x6b3: {  	v18 =	vsub.s32 v17, v9;
	v19 =	vshll.u32 v17, $0x3  }
0x6b4: {  	v20 =	vshrl.u32 v17, $0x3;
	v17 =	vand.u32 $0x7F, v17;
	v19 =	vand.u32 $0x1C00, v19  }
0x6b5: {  	v17 =	vor.u32 v17, v19;
	v19 =	vld [tilespmem:$0x1FFF0];
	_ =	sdelay $0x3  }
0x6b6: {  	v21 =	vmov s6  }
0x6b7: {  	vm2 =	vlt.s32 v21, v16;
	v18 =	vand.u32 $0xFFFFE000, v18;
	vm0 =	vnez.u8 v19  }
0x6b8: {  	v17 =	vor.u32 v18, v17;
	v19 =	vand.u32 $0x380, v20;
	vm3 =	vmand vm2, vm0  }
0x6b9: {  	vm4 =	vmand vm2, vm10;
	v17 =	vor.u32 v19, v17  }
0x6ba: {  	vm5 =	vmand vm2, vm11  }
0x6bb: {  	vm6 =	vmand vm2, vm9  }
0x6bc: {  	vm7 =	vmand vm2, vm14  }
0x6bd: {  	vm8 =	vmand vm2, vm13  }
0x6be: {  	[tilespmem:v17+s21+$0x0] =	vst.idx.add.f32.msk vm3, v14;
	vm3 =	vmand vm2, vm15  }
0x6bf: {  	[tilespmem:v17+s21+$0x0] =	vst.idx.add.f32.msk vm4, v14;
	vm4 =	vmand vm2, vm1;
	vm1 =	vcmask $0x2320  }
0x6c0: {  	vm9 =	vcmask $0x2724;
	[tilespmem:v17+s21+$0x0] =	vst.idx.add.f32.msk vm5, v14;
	vm5 =	vmand vm2, vm1  }
0x6c1: {  	[tilespmem:v17+s21+$0x0] =	vst.idx.add.f32.msk vm6, v14;
	vm6 =	vmand vm2, vm9  }
0x6c2: {  	vm13 =	vcmask $0x2F2C;
	[tilespmem:v17+s21+$0x0] =	vst.idx.add.f32.msk vm7, v14;
	vm7 =	vmand vm2, vm12  }
0x6c3: {  	[tilespmem:v17+s21+$0x0] =	vst.idx.add.f32.msk vm8, v14;
	vm8 =	vmand vm2, vm13;
	vm13 =	vmmov vm15;
	vm15 =	vcmask $0x3330  }
0x6c4: {  	vm9 =	vmmov vm14;
	vm14 =	vcmask $0x3734;
	[tilespmem:v17+s21+$0x0] =	vst.idx.add.f32.msk vm3, v14;
	vm3 =	vmand vm2, vm15  }
0x6c5: {  	vm0 =	vcmask $0x3B38;
	[tilespmem:v17+s21+$0x0] =	vst.idx.add.f32.msk vm4, v14;
	vm4 =	vmand vm2, vm14  }
0x6c6: {  	[tilespmem:v17+s21+$0x0] =	vst.idx.add.f32.msk vm5, v14;
	vm5 =	vmand vm2, vm0  }
0x6c7: {  	p1 =	seq.s32 s0, $0x2;
	[tilespmem:v17+s21+$0x0] =	vst.idx.add.f32.msk vm6, v14  }
.Ltmp78:
0x6c8: {  	[tilespmem:v17+s21+$0x0] =	vst.idx.add.f32.msk vm7, v14;
	(pc) =	sbr.rel @p1 .LBB2_112-.Ltmp78, $4  }
0x6c9: {  	[tilespmem:v17+s21+$0x0] =	vst.idx.add.f32.msk vm8, v14  }
0x6ca: {  	[tilespmem:v17+s21+$0x0] =	vst.idx.add.f32.msk vm3, v14  }
0x6cb: {  	s6 =	simm.s32 $0x10;
	s31 =	sadd.s32 $0x10, s16;
	p0 =	por $0x1, $0x1;
	vm1 =	vcmask $0x3F3C;
	[tilespmem:v17+s21+$0x0] =	vst.idx.add.f32.msk vm4, v14  }
0x6cc: {  	s7 =	simm.s32 $0x2;
	s10 =	sand.u32 $0xFFFFFF80, s31;
	s11 =	sand.u32 $0x70, s6;
	vm2 =	vmand vm2, vm1;
	[tilespmem:v17+s21+$0x0] =	vst.idx.add.f32.msk vm5, v14  }
.LBB2_113:
0x6cd: {  	_ =	sdelay $0x4  }
0x6ce: {  	s10 =	sor.u32 s11, s10;
	[tilespmem:v17+s21+$0x0] =	vst.idx.add.f32.msk vm2, v14  }
0x6cf: {  	v17 =	vld [tilespmem:s10+$0x12000];
	_ =	sdelay $0x4  }
0x6d0: {  	v18 =	vsub.s32 v17, v9;
	v19 =	vshll.u32 v17, $0x3  }
0x6d1: {  	v20 =	vshrl.u32 v17, $0x3;
	v17 =	vand.u32 $0x7F, v17;
	v19 =	vand.u32 $0x1C00, v19  }
0x6d2: {  	v17 =	vor.u32 v17, v19;
	v19 =	vld [tilespmem:$0x1FFF0];
	_ =	sdelay $0x3  }
0x6d3: {  	v21 =	vmov s1  }
0x6d4: {  	vm2 =	vlt.s32 v21, v16;
	v18 =	vand.u32 $0xFFFFE000, v18;
	vm3 =	vnez.u8 v19  }
0x6d5: {  	v17 =	vor.u32 v18, v17;
	v19 =	vand.u32 $0x380, v20;
	vm3 =	vmand vm2, vm3  }
0x6d6: {  	vm4 =	vmand vm2, vm10;
	v17 =	vor.u32 v19, v17  }
0x6d7: {  	vm6 =	vcmask $0xF0C;
	vm5 =	vmand vm2, vm11  }
0x6d8: {  	vm6 =	vmand vm2, vm6  }
0x6d9: {  	vm8 =	vcmask $0x1714;
	vm7 =	vmand vm2, vm9  }
0x6da: {  	vm8 =	vmand vm2, vm8  }
0x6db: {  	[tilespmem:v17+s21+$0x0] =	vst.idx.add.f32.msk vm3, v14  }
0x6dc: {  	vm3 =	vmand vm2, vm13;
	[tilespmem:v17+s21+$0x0] =	vst.idx.add.f32.msk vm4, v14;
	vm4 =	vcmask $0x1F1C  }
0x6dd: {  	vm4 =	vmand vm2, vm4;
	[tilespmem:v17+s21+$0x0] =	vst.idx.add.f32.msk vm5, v14;
	vm5 =	vcmask $0x2320  }
0x6de: {  	vm5 =	vmand vm2, vm5;
	[tilespmem:v17+s21+$0x0] =	vst.idx.add.f32.msk vm6, v14;
	vm6 =	vcmask $0x2724  }
0x6df: {  	vm6 =	vmand vm2, vm6;
	[tilespmem:v17+s21+$0x0] =	vst.idx.add.f32.msk vm7, v14  }
0x6e0: {  	vm7 =	vmand vm2, vm12;
	[tilespmem:v17+s21+$0x0] =	vst.idx.add.f32.msk vm8, v14;
	vm8 =	vcmask $0x2F2C  }
0x6e1: {  	vm8 =	vmand vm2, vm8  }
0x6e2: {  	[tilespmem:v17+s21+$0x0] =	vst.idx.add.f32.msk vm3, v14;
	vm3 =	vmand vm2, vm15  }
0x6e3: {  	[tilespmem:v17+s21+$0x0] =	vst.idx.add.f32.msk vm4, v14;
	vm4 =	vmand vm2, vm14  }
0x6e4: {  	s30 =	smov.u32 s7;
	s7 =	sadd.s32 $0x1, s7;
	[tilespmem:v17+s21+$0x0] =	vst.idx.add.f32.msk vm5, v14;
	vm5 =	vmand vm2, vm0  }
0x6e5: {  	p1 =	seq.s32 s0, s7;
	[tilespmem:v17+s21+$0x0] =	vst.idx.add.f32.msk vm6, v14  }
.Ltmp79:
0x6e6: {  	[tilespmem:v17+s21+$0x0] =	vst.idx.add.f32.msk vm7, v14;
	(pc) =	sbr.rel @!p1 .LBB2_113-.Ltmp79, $4  }
0x6e7: {  	[tilespmem:v17+s21+$0x0] =	vst.idx.add.f32.msk vm8, v14  }
0x6e8: {  	s6 =	sadd.s32 $0x10, s6;
	[tilespmem:v17+s21+$0x0] =	vst.idx.add.f32.msk vm3, v14  }
0x6e9: {  	s31 =	sadd.s32 s6, s16;
	[tilespmem:v17+s21+$0x0] =	vst.idx.add.f32.msk vm4, v14  }
0x6ea: {  	s1 =	smov.u32 s30;
	s11 =	sand.u32 $0x70, s6;
	s10 =	sand.u32 $0xFFFFFF80, s31;
	vm2 =	vmand vm2, vm1;
	[tilespmem:v17+s21+$0x0] =	vst.idx.add.f32.msk vm5, v14  }
0x6eb: {  	v18 =	vld [tilespmem:$0x1FFF0]  }
.Ltmp80:
0x6ec: {  	_ = 	snop;
	(pc) =	sbr.rel .LBB2_115-.Ltmp80, $3  }
0x6ed: {  	_ =	sdelay $0x1  }
0x6ee: {  	vm14 =	vmmov vm9;
	vm15 =	vmmov vm13;
	vm9 =	vcmask $0xF0C  }
0x6ef: {  	s6 =	smov.u32 s1;
	vm13 =	vcmask $0x1714;
	vm1 =	vcmask $0x1F1C;
	vm0 =	vnez.u8 v18  }
.LBB2_54:
0x6f0: {  	v18 =	vld [tilespmem:$0x1FFF0]  }
.Ltmp81:
0x6f1: {  	_ = 	snop;
	(pc) =	sbr.rel .LBB2_59-.Ltmp81, $2  }
0x6f2: {  	_ =	sdelay $0x2  }
0x6f3: {  	vm0 =	vnez.u8 v18  }
.LBB2_62:
0x6f4: {  	v18 =	vld [tilespmem:$0x1FFF0]  }
.Ltmp82:
0x6f5: {  	_ = 	snop;
	(pc) =	sbr.rel .LBB2_67-.Ltmp82, $2  }
0x6f6: {  	_ =	sdelay $0x2  }
0x6f7: {  	vm0 =	vnez.u8 v18  }
.LBB2_70:
0x6f8: {  	v18 =	vld [tilespmem:$0x1FFF0]  }
.Ltmp83:
0x6f9: {  	_ = 	snop;
	(pc) =	sbr.rel .LBB2_75-.Ltmp83, $2  }
0x6fa: {  	_ =	sdelay $0x2  }
0x6fb: {  	vm0 =	vnez.u8 v18  }
.LBB2_78:
0x6fc: {  	v18 =	vld [tilespmem:$0x1FFF0]  }
.Ltmp84:
0x6fd: {  	_ = 	snop;
	(pc) =	sbr.rel .LBB2_83-.Ltmp84, $2  }
0x6fe: {  	_ =	sdelay $0x2  }
0x6ff: {  	vm0 =	vnez.u8 v18  }
.LBB2_86:
0x700: {  	v18 =	vld [tilespmem:$0x1FFF0]  }
.Ltmp85:
0x701: {  	_ = 	snop;
	(pc) =	sbr.rel .LBB2_91-.Ltmp85, $2  }
0x702: {  	_ =	sdelay $0x2  }
0x703: {  	vm0 =	vnez.u8 v18  }
.LBB2_94:
0x704: {  	v18 =	vld [tilespmem:$0x1FFF0]  }
.Ltmp86:
0x705: {  	_ = 	snop;
	(pc) =	sbr.rel .LBB2_99-.Ltmp86, $2  }
0x706: {  	_ =	sdelay $0x2  }
0x707: {  	vm0 =	vnez.u8 v18  }
.LBB2_102:
0x708: {  	v18 =	vld [tilespmem:$0x1FFF0]  }
.Ltmp87:
0x709: {  	_ = 	snop;
	(pc) =	sbr.rel .LBB2_107-.Ltmp87, $2  }
0x70a: {  	_ =	sdelay $0x2  }
0x70b: {  	vm0 =	vnez.u8 v18  }
.LBB2_56:
0x70c: {  	v18 =	vld [tilespmem:$0x1FFF0]  }
.Ltmp88:
0x70d: {  	_ = 	snop;
	(pc) =	sbr.rel .LBB2_59-.Ltmp88, $3  }
0x70e: {  	_ =	sdelay $0x1  }
0x70f: {  	vm14 =	vmmov vm9;
	vm15 =	vmmov vm13;
	vm9 =	vcmask $0xF0C  }
0x710: {  	s6 =	simm.s32 $0x1;
	vm13 =	vcmask $0x1714;
	vm1 =	vcmask $0x1F1C;
	vm0 =	vnez.u8 v18  }
.LBB2_64:
0x711: {  	v18 =	vld [tilespmem:$0x1FFF0]  }
.Ltmp89:
0x712: {  	_ = 	snop;
	(pc) =	sbr.rel .LBB2_67-.Ltmp89, $3  }
0x713: {  	_ =	sdelay $0x1  }
0x714: {  	vm14 =	vmmov vm9;
	vm15 =	vmmov vm13;
	vm9 =	vcmask $0xF0C  }
0x715: {  	s6 =	simm.s32 $0x1;
	vm13 =	vcmask $0x1714;
	vm1 =	vcmask $0x1F1C;
	vm0 =	vnez.u8 v18  }
.LBB2_72:
0x716: {  	v18 =	vld [tilespmem:$0x1FFF0]  }
.Ltmp90:
0x717: {  	_ = 	snop;
	(pc) =	sbr.rel .LBB2_75-.Ltmp90, $3  }
0x718: {  	_ =	sdelay $0x1  }
0x719: {  	vm14 =	vmmov vm9;
	vm15 =	vmmov vm13;
	vm9 =	vcmask $0xF0C  }
0x71a: {  	s6 =	simm.s32 $0x1;
	vm13 =	vcmask $0x1714;
	vm1 =	vcmask $0x1F1C;
	vm0 =	vnez.u8 v18  }
.LBB2_80:
0x71b: {  	v18 =	vld [tilespmem:$0x1FFF0]  }
.Ltmp91:
0x71c: {  	_ = 	snop;
	(pc) =	sbr.rel .LBB2_83-.Ltmp91, $3  }
0x71d: {  	_ =	sdelay $0x1  }
0x71e: {  	vm14 =	vmmov vm9;
	vm15 =	vmmov vm13;
	vm9 =	vcmask $0xF0C  }
0x71f: {  	s6 =	simm.s32 $0x1;
	vm13 =	vcmask $0x1714;
	vm1 =	vcmask $0x1F1C;
	vm0 =	vnez.u8 v18  }
.LBB2_88:
0x720: {  	v18 =	vld [tilespmem:$0x1FFF0]  }
.Ltmp92:
0x721: {  	_ = 	snop;
	(pc) =	sbr.rel .LBB2_91-.Ltmp92, $3  }
0x722: {  	_ =	sdelay $0x1  }
0x723: {  	vm14 =	vmmov vm9;
	vm15 =	vmmov vm13;
	vm9 =	vcmask $0xF0C  }
0x724: {  	s6 =	simm.s32 $0x1;
	vm13 =	vcmask $0x1714;
	vm1 =	vcmask $0x1F1C;
	vm0 =	vnez.u8 v18  }
.LBB2_96:
0x725: {  	v18 =	vld [tilespmem:$0x1FFF0]  }
.Ltmp93:
0x726: {  	_ = 	snop;
	(pc) =	sbr.rel .LBB2_99-.Ltmp93, $3  }
0x727: {  	_ =	sdelay $0x1  }
0x728: {  	vm14 =	vmmov vm9;
	vm15 =	vmmov vm13;
	vm9 =	vcmask $0xF0C  }
0x729: {  	s6 =	simm.s32 $0x1;
	vm13 =	vcmask $0x1714;
	vm1 =	vcmask $0x1F1C;
	vm0 =	vnez.u8 v18  }
.LBB2_104:
0x72a: {  	v18 =	vld [tilespmem:$0x1FFF0]  }
.Ltmp94:
0x72b: {  	_ = 	snop;
	(pc) =	sbr.rel .LBB2_107-.Ltmp94, $3  }
0x72c: {  	_ =	sdelay $0x1  }
0x72d: {  	vm14 =	vmmov vm9;
	vm15 =	vmmov vm13;
	vm9 =	vcmask $0xF0C  }
0x72e: {  	s6 =	simm.s32 $0x1;
	vm13 =	vcmask $0x1714;
	vm1 =	vcmask $0x1F1C;
	vm0 =	vnez.u8 v18  }
.LBB2_112:
0x72f: {  	v18 =	vld [tilespmem:$0x1FFF0]  }
.Ltmp95:
0x730: {  	_ = 	snop;
	(pc) =	sbr.rel .LBB2_115-.Ltmp95, $3  }
0x731: {  	_ =	sdelay $0x1  }
0x732: {  	vm14 =	vmmov vm9;
	vm15 =	vmmov vm13;
	vm9 =	vcmask $0xF0C  }
0x733: {  	s6 =	simm.s32 $0x1;
	vm13 =	vcmask $0x1714;
	vm1 =	vcmask $0x1F1C;
	vm0 =	vnez.u8 v18  }
.LBB2_135:
0x734: {  	_ =	sfence.sel $0x180000  }
0x735: {  	[bflag:$0x0] =	sbarrier.arrive $0xFFFF  }
0x736: {  	_ =	strace $0x90000047  }
0x737: {  	s0 =	stileid.u32;
	[bflag:$0x2] =	sbarrier.arrive $0xFFFF  }
0x738: {  	p0 =	sne.s32 s0, $0x0;
	s0 =	rddreg [dreg:$0x2]  }
0x739: {  	s0 =	sadd.s32 @!p0 $0x100000, s0  }
0x73a: {  	[sflag:s0] =	ssyncadd.tile.s32 @!p0 $0x1;
	_ =	shalt  }
.Lfunc_end2:
_tile_overlayer_lowered:
.L_overlay_start_2:
0x73b: {  	(tag) =	ssettag $0x2  }
0x73c: {  	s0 =	rddreg [dreg:$0x0];
	s2 =	stileid.u32  }
0x73d: {  	s1 =	rddreg [dreg:$0x1];
	p0 =	sne.s32 s2, $0x0  }
0x73e: {  	s3 =	rddreg [dreg:$0x2];
	[bflag:$0x3] =	sbarrier.arrive $0xFFFF;
	s2 =	simm.s32 @!p0 $0x1C03  }
0x73f: {  	[timem:s3], [sflag:s2] =	dma.local @!p0 [hbm:s0], s1  }
0x740: {  	s0 =	simm.s32 @!p0 $0x3  }
0x741: {  	_ =	swait.ge @!p0 [sflag:s0], s1  }
0x742: {  	s1 =	ssub.s32 @!p0 $0x0, s1;
	[sflag:s0] =	ssyncset.done @!p0 $0x0  }
0x743: {  	[sflag:s0] =	ssyncadd.s32 @!p0 s1  }
0x744: {  	[bflag:$0x3] =	sbarrier.arrive $0xFFFF  }
0x745: {  	_ =	shalt  }

</sc_bundles>
